<compile_context>
chip_gen: v7x
topology: tpu7x:2x2x1
jax: 0.10.2.dev20260603
libtpu: 0.0.44.dev20260713+nightly
codegen_flags: <defaults>
</compile_context>

<pallas_src>
import functools

import jax
import jax.numpy as jnp
from jax import lax
from jax.experimental import pallas as pl
from jax.experimental.pallas import tpu as pltpu
from jax.experimental.pallas import tpu_sc as plsc

NC = 2
NS = 16
NW = NC * NS
SUB = 128
NPHASE = 2


def _silu(x):
    return x * jax.nn.sigmoid(x)


def _ln(y, g, b, eps=1e-5):
    mu = jnp.mean(y, axis=-1, keepdims=True)
    yc = y - mu
    var = jnp.mean(yc * yc, axis=-1, keepdims=True)
    return yc * lax.rsqrt(var + eps) * g + b


def _worker_span(wid, nrows):
    q, r = nrows // NW, nrows % NW
    ncw = q + jnp.where(wid < r, 1, 0)
    base = wid * q + jnp.minimum(wid, r)
    ab = pl.multiple_of((base // 8) * 8, 8)
    off = base - ab
    return ncw, base, ab, off


def _nload(nrows):
    return (nrows // NW + 8 + 7) // 8 * 8


def _proj_body(xs, xd, wms, wmd, ps, pd):
    ps[...] = jnp.dot(xs[...], wms[...], preferred_element_type=jnp.float32)
    pd[...] = jnp.dot(xd[...], wmd[...], preferred_element_type=jnp.float32)


def _proj_call(x_src, x_dst, wms, wmd):
    n, d = x_src.shape
    h = wms.shape[1]
    bn = 2000
    grid = (n // bn,)
    row = pl.BlockSpec((bn, d), lambda i: (i, 0))
    full = lambda a: pl.BlockSpec(a.shape, lambda i: (0, 0))
    return pl.pallas_call(
        _proj_body,
        grid=grid,
        in_specs=[row, row, full(wms), full(wmd)],
        out_specs=[pl.BlockSpec((bn, h), lambda i: (i, 0))] * 2,
        out_shape=[jax.ShapeDtypeStruct((n, h), jnp.float32)] * 2,
    )(x_src, x_dst, wms, wmd)


def _gather_body(psrc, pdst, srcix, dstix, h0, isrc_v, idst_v, a0, b0, a1,
                 b1, sa0, sb0, sa1, sb1, so0, so1):
    c = lax.axis_index("c")
    s = lax.axis_index("s")
    wid = s * NC + c
    h = a0.shape[1]
    nrows = h0.shape[0] // SUB
    ncw, base, ab, off = _worker_span(wid, nrows)
    nload = isrc_v.shape[0]
    pltpu.sync_copy(srcix.at[pl.ds(ab, nload)], isrc_v)
    pltpu.sync_copy(dstix.at[pl.ds(ab, nload)], idst_v)

    def fire(j, av, bv, sa, sb):
        pltpu.async_copy(psrc.at[isrc_v.at[off + j]], av, sa)
        pltpu.async_copy(pdst.at[idst_v.at[off + j]], bv, sb)

    def wait(j, av, bv, sa, sb):
        pltpu.make_async_copy(psrc.at[isrc_v.at[off + j]], av, sa).wait()
        pltpu.make_async_copy(pdst.at[idst_v.at[off + j]], bv, sb).wait()

    def store(j, av, bv, so):
        @plsc.parallel_loop(0, SUB, 1, unroll=2)
        def row(rr):
            for k in range(h // 16):
                sl = pl.ds(k * 16, 16)
                av[rr, sl] = av[rr, sl] + bv[rr, sl]

        row0 = pl.multiple_of((base + j) * SUB, SUB)
        pltpu.async_copy(av, h0.at[pl.ds(row0, SUB)], so)

    def store_wait(av, so):
        row0 = pl.multiple_of(base * SUB, SUB)
        pltpu.make_async_copy(av, h0.at[pl.ds(row0, SUB)], so).wait()

    fire(0, a0, b0, sa0, sb0)

    def body(jj, carry):
        j0 = 2 * jj
        j1 = j0 + 1

        @pl.when(jj > 0)
        def _():
            store_wait(a1, so1)

        fire(j1, a1, b1, sa1, sb1)
        wait(j0, a0, b0, sa0, sb0)
        store(j0, a0, b0, so0)

        @pl.when(j1 + 1 < ncw)
        def _():
            store_wait(a0, so0)
            fire(j1 + 1, a0, b0, sa0, sb0)

        wait(j1, a1, b1, sa1, sb1)
        store(j1, a1, b1, so1)
        return carry

    lax.fori_loop(0, ncw // 2, body, 0)

    @pl.when(ncw % 2 == 1)
    def _():
        j = ncw - 1
        wait(j, a0, b0, sa0, sb0)
        store(j, a0, b0, so0)

    store_wait(a0, so0)

    @pl.when(ncw >= 2)
    def _():
        store_wait(a1, so1)


def _gather_call(psrc, pdst, srcix, dstix, e):
    h = psrc.shape[1]
    nload = _nload(e // SUB)
    mesh = plsc.VectorSubcoreMesh(
        core_axis_name="c", subcore_axis_name="s", num_cores=NC, num_subcores=NS)
    kfn = functools.partial(
        pl.kernel,
        mesh=mesh,
        out_type=jax.ShapeDtypeStruct((e, h), jnp.float32),
        scratch_types=[
            pltpu.VMEM((nload, SUB), jnp.int32),
            pltpu.VMEM((nload, SUB), jnp.int32),
            pltpu.VMEM((SUB, h), jnp.float32),
            pltpu.VMEM((SUB, h), jnp.float32),
            pltpu.VMEM((SUB, h), jnp.float32),
            pltpu.VMEM((SUB, h), jnp.float32),
            pltpu.SemaphoreType.DMA,
            pltpu.SemaphoreType.DMA,
            pltpu.SemaphoreType.DMA,
            pltpu.SemaphoreType.DMA,
            pltpu.SemaphoreType.DMA,
            pltpu.SemaphoreType.DMA,
        ],
    )(_gather_body)
    return kfn(psrc, pdst, srcix, dstix)


def _edge_body(ea, h0, we1, be1, we2, be2, lge, lbe, wme, bm1, wm2, bm2, lgm,
               lbm, out):
    bf = jnp.bfloat16
    y = _silu(jnp.dot(ea[...], we1[...], preferred_element_type=jnp.float32) + be1[...])
    y = jnp.dot(y.astype(bf), we2[...].astype(bf),
                preferred_element_type=jnp.float32) + be2[...]
    e = _ln(y, lge[...], lbe[...])
    pre = (h0[...] +
           jnp.dot(e.astype(bf), wme[...].astype(bf),
                   preferred_element_type=jnp.float32) + bm1[...])
    s = _silu(pre)
    mm = jnp.dot(s.astype(bf), wm2[...].astype(bf),
                 preferred_element_type=jnp.float32) + bm2[...]
    out[...] = _ln(mm, lgm[...], lbm[...])


def _edge_call(ea, h0, we1, be1, we2, be2, lge, lbe, wme, bm1, wm2, bm2, lgm, lbm):
    ep, de = ea.shape
    h = h0.shape[1]
    te = 8000
    grid = (ep // te,)
    full = lambda a: pl.BlockSpec(a.shape, lambda i: (0, 0))
    return pl.pallas_call(
        _edge_body,
        grid=grid,
        in_specs=[
            pl.BlockSpec((te, de), lambda i: (i, 0)),
            pl.BlockSpec((te, h), lambda i: (i, 0)),
            full(we1), full(be1), full(we2), full(be2), full(lge), full(lbe),
            full(wme), full(bm1), full(wm2), full(bm2), full(lgm), full(lbm),
        ],
        out_specs=pl.BlockSpec((te, h), lambda i: (i, 0)),
        out_shape=jax.ShapeDtypeStruct((ep, h), jnp.float32),
    )(ea, h0, we1, be1, we2, be2, lge, lbe, wme, bm1, wm2, bm2, lgm, lbm)


def _scatter_body(m, dstix, zrows, out, idx_v, m0, m1, agg_sh, sm0, sm1):
    c = lax.axis_index("c")
    s = lax.axis_index("s")
    wid = s * NC + c
    nrows = m.shape[0] // SUB
    ncw, base, ab, off = _worker_span(wid, nrows)
    nload = idx_v.shape[0]
    nagg = agg_sh.shape[0]

    zsl = nagg // NS
    pltpu.sync_copy(zrows.at[pl.ds(s * zsl, zsl)], agg_sh.at[pl.ds(s * zsl, zsl)])
    pltpu.sync_copy(dstix.at[pl.ds(ab, nload)], idx_v)
    plsc.subcore_barrier()

    def fire(j, mv, sm):
        row0 = pl.multiple_of((base + j) * SUB, SUB)
        pltpu.async_copy(m.at[pl.ds(row0, SUB)], mv, sm)

    def wait(j, mv, sm):
        row0 = pl.multiple_of((base + j) * SUB, SUB)
        pltpu.make_async_copy(m.at[pl.ds(row0, SUB)], mv, sm).wait()

    def scat(j, mv):
        pltpu.sync_copy(mv, agg_sh.at[idx_v.at[off + j]], add=True)

    fire(0, m0, sm0)

    def body(jj, carry):
        j0 = 2 * jj
        j1 = j0 + 1
        fire(j1, m1, sm1)
        wait(j0, m0, sm0)
        scat(j0, m0)

        @pl.when(j1 + 1 < ncw)
        def _():
            fire(j1 + 1, m0, sm0)

        wait(j1, m1, sm1)
        scat(j1, m1)
        return carry

    lax.fori_loop(0, ncw // 2, body, 0)

    @pl.when(ncw % 2 == 1)
    def _():
        j = ncw - 1
        wait(j, m0, sm0)
        scat(j, m0)

    plsc.subcore_barrier()
    pltpu.sync_copy(agg_sh.at[pl.ds(s * zsl, zsl)], out.at[c, pl.ds(s * zsl, zsl)])


def _scatter_call(m, dstix, nagg):
    e, h = m.shape
    nload = _nload(e // SUB)
    zrows = jnp.zeros((nagg, h), jnp.float32)
    mesh = plsc.VectorSubcoreMesh(
        core_axis_name="c", subcore_axis_name="s", num_cores=NC, num_subcores=NS)
    kfn = functools.partial(
        pl.kernel,
        mesh=mesh,
        out_type=jax.ShapeDtypeStruct((NC, nagg, h), jnp.float32),
        scratch_types=[
            pltpu.VMEM((nload, SUB), jnp.int32),
            pltpu.VMEM((SUB, h), jnp.float32),
            pltpu.VMEM((SUB, h), jnp.float32),
            pltpu.VMEM_SHARED((nagg, h), jnp.float32),
            pltpu.SemaphoreType.DMA,
            pltpu.SemaphoreType.DMA,
        ],
    )(_scatter_body)
    return kfn(m, dstix, zrows)


def _node_body(*refs):
    xd = refs[0]
    a_refs = refs[1:-6]
    wua, bu1, wub, wu2, bu2, out = refs[-6:]
    a = a_refs[0][...]
    for ar in a_refs[1:]:
        a = a + ar[...]
    u = _silu(jnp.dot(xd[...], wua[...], preferred_element_type=jnp.float32) +
              bu1[...] +
              jnp.dot(a, wub[...], preferred_element_type=jnp.float32))
    out[...] = xd[...] + jnp.dot(u, wu2[...], preferred_element_type=jnp.float32) + bu2[...]


def _node_call(x_dst, aggs, wua, bu1, wub, wu2, bu2):
    n, d = x_dst.shape
    h = wub.shape[0]
    bn = 2000
    grid = (n // bn,)
    row = lambda w: pl.BlockSpec((bn, w), lambda i: (i, 0))
    full = lambda a: pl.BlockSpec(a.shape, lambda i: (0, 0))
    return pl.pallas_call(
        _node_body,
        grid=grid,
        in_specs=[row(d)] + [row(h)] * len(aggs) +
                 [full(wua), full(bu1), full(wub), full(wu2), full(bu2)],
        out_specs=row(d),
        out_shape=jax.ShapeDtypeStruct((n, d), jnp.float32),
    )(x_dst, *aggs, wua, bu1, wub, wu2, bu2)


def kernel(x_src, x_dst, batch_size, edge_index, edge_attr_base, trainable,
           W_e1, b_e1, W_e2, b_e2, ln_ge, ln_be,
           W_m1, b_m1, W_m2, b_m2, ln_gm, ln_bm,
           W_u1, b_u1, W_u2, b_u2):
    n_src, d_src = x_src.shape
    n_dst, d_dst = x_dst.shape
    e = edge_index.shape[1]
    assert e % SUB == 0

    edge_inc = jnp.array([[n_src], [n_dst]], dtype=edge_index.dtype)
    ei = edge_index + (batch_size - 1) * edge_inc
    src, dst = ei[0], ei[1]

    ea = jnp.concatenate([edge_attr_base, trainable], axis=1)

    wms = W_m1[:d_src]
    wmd = W_m1[d_src:d_src + d_dst]
    wme = W_m1[d_src + d_dst:]
    wua = W_u1[:d_dst]
    wub = W_u1[d_dst:]
    r2 = lambda v: v.reshape(1, -1)

    psrc, pdst = _proj_call(x_src, x_dst, wms, wmd)
    nagg = ((n_dst + NS * 8 - 1) // (NS * 8)) * (NS * 8)

    nphase = NPHASE
    eh = e // nphase
    assert eh % SUB == 0
    phases = []
    for p in range(nphase):
        sl = slice(p * eh, (p + 1) * eh)
        nrows = eh // SUB
        nload = _nload(nrows)
        prow = ((NW - 1) * (nrows // NW) + nrows % NW) // 8 * 8 + nload
        prow = max((prow + 7) // 8 * 8, nrows)
        padr = prow * SUB - eh
        six = jnp.concatenate([src[sl], jnp.zeros((padr,), src.dtype)]).reshape(prow, SUB)
        dix = jnp.concatenate([dst[sl], jnp.zeros((padr,), dst.dtype)]).reshape(prow, SUB)
        phases.append((six, dix, ea[sl]))

    edge = lambda p, h0: _edge_call(
        phases[p][2], h0, W_e1, r2(b_e1), W_e2, r2(b_e2), r2(ln_ge),
        r2(ln_be), wme, r2(b_m1), W_m2, r2(b_m2), r2(ln_gm), r2(ln_bm))

    h0s = [None] * nphase
    ms = [None] * nphase
    aggp = [None] * nphase
    h0s[0] = _gather_call(psrc, pdst, phases[0][0], phases[0][1], eh)
    for p in range(nphase):
        ms[p] = edge(p, h0s[p])
        if p + 1 < nphase:
            h0s[p + 1] = _gather_call(psrc, pdst, phases[p + 1][0],
                                      phases[p + 1][1], eh)
        aggp[p] = _scatter_call(ms[p], phases[p][1], nagg)
    aggs = [a[i, :n_dst] for a in aggp for i in range(NC)]
    x_dst_out = _node_call(x_dst, aggs, wua, r2(b_u1), wub, W_u2, r2(b_u2))
    return (x_src, x_dst_out)

# --- scband reference (transcript-rebuilt; emitter-appended) ---
"""Pipeline reference for scband-gnnbase-mapper-27358941676253 (READ-ONLY COPY).

The authoritative reference and input builder live on the scoring server;
editing this copy changes nothing except your own understanding.
"""

import jax, jax.numpy as jnp
import numpy as np

N_SRC = 10000
N_DST = 10000
E = 160000
D_SRC = 128
D_DST = 128
H = 128
D_EDGE = 4
T = 8
OUT_DST = 128


def _layernorm(x, g, b):
    mu = jnp.mean(x, axis=-1, keepdims=True)
    var = jnp.var(x, axis=-1, keepdims=True)
    return (x - mu) / jnp.sqrt(var + 1e-5) * g + b


def setup_inputs(seed: int = 0) -> dict:
    key = jax.random.key(seed)
    ks = jax.random.split(key, 24)

    def w(k, shape, fan):
        return jax.random.normal(k, shape, dtype=jnp.float32) / np.sqrt(fan)

    inp = {}
    inp["x_src"] = jax.random.normal(ks[0], (N_SRC, D_SRC), dtype=jnp.float32)
    inp["x_dst"] = jax.random.normal(ks[1], (N_DST, D_DST), dtype=jnp.float32)
    inp["batch_size"] = 1
    src = jax.random.randint(ks[2], (E,), 0, N_SRC, dtype=jnp.int32)
    dst = jax.random.randint(ks[3], (E,), 0, N_DST, dtype=jnp.int32)
    inp["edge_index"] = jnp.stack([src, dst], axis=0)
    # registered buffer: concatenated sub_graph edge attributes (edge_length + edge_dirs -> 4 dims)
    inp["edge_attr_base"] = jax.random.normal(ks[4], (E, D_EDGE), dtype=jnp.float32)
    # TrainableTensor: learnable per-edge embedding of size trainable_size
    inp["trainable"] = 0.05 * jax.random.normal(ks[5], (E, T), dtype=jnp.float32)
    # emb_edges MLP: Linear(edge_dim -> H), SiLU, Linear(H -> H), LayerNorm
    inp["W_e1"] = w(ks[6], (D_EDGE + T, H), D_EDGE + T)
    inp["b_e1"] = jnp.zeros((H,), jnp.float32)
    inp["W_e2"] = w(ks[7], (H, H), H)
    inp["b_e2"] = jnp.zeros((H,), jnp.float32)
    inp["ln_ge"] = jnp.ones((H,), jnp.float32)
    inp["ln_be"] = jnp.zeros((H,), jnp.float32)
    # proc (GraphConv mapper block) message MLP: cat(x_i, x_j, e) -> H -> H, LayerNorm
    inp["W_m1"] = w(ks[8], (D_SRC + D_DST + H, H), D_SRC + D_DST + H)
    inp["b_m1"] = jnp.zeros((H,), jnp.float32)
    inp["W_m2"] = w(ks[9], (H, H), H)
    inp["b_m2"] = jnp.zeros((H,), jnp.float32)
    inp["ln_gm"] = jnp.ones((H,), jnp.float32)
    inp["ln_bm"] = jnp.zeros((H,), jnp.float32)
    # node update MLP: cat(x_dst, agg) -> H -> out_channels_dst, residual
    inp["W_u1"] = w(ks[10], (D_DST + H, H), D_DST + H)
    inp["b_u1"] = jnp.zeros((H,), jnp.float32)
    inp["W_u2"] = w(ks[11], (H, OUT_DST), H)
    inp["b_u2"] = jnp.zeros((OUT_DST,), jnp.float32)
    return inp


def reference(x_src, x_dst, batch_size, edge_index, edge_attr_base, trainable,
              W_e1, b_e1, W_e2, b_e2, ln_ge, ln_be,
              W_m1, b_m1, W_m2, b_m2, ln_gm, ln_bm,
              W_u1, b_u1, W_u2, b_u2):
    # TrainableTensor: concat buffer edge attrs with trainable tensor, repeat over batch
    edge_attr = jnp.concatenate([edge_attr_base, trainable], axis=1)
    edge_attr = jnp.concatenate([edge_attr] * 1, axis=0)
    # _expand_edges with edge_inc = [[src_size],[dst_size]]
    edge_inc = jnp.array([[N_SRC], [N_DST]], dtype=edge_index.dtype)
    ei = jnp.concatenate([edge_index + (batch_size - 1) * edge_inc], axis=1)
    # emb_edges MLP
    e = jax.nn.silu(edge_attr @ W_e1 + b_e1)
    e = e @ W_e2 + b_e2
    e = _layernorm(e, ln_ge, ln_be)
    # message passing proc (GraphConv block)
    src, dst = ei[0], ei[1]
    xs = jnp.take(x_src, src, axis=0)
    xd = jnp.take(x_dst, dst, axis=0)
    m = jnp.concatenate([xs, xd, e], axis=1)
    m = jax.nn.silu(m @ W_m1 + b_m1)
    m = m @ W_m2 + b_m2
    m = _layernorm(m, ln_gm, ln_bm)
    agg = jax.ops.segment_sum(m, dst, num_segments=N_DST * 1)
    u = jnp.concatenate([x_dst, agg], axis=1)
    u = jax.nn.silu(u @ W_u1 + b_u1)
    x_dst_out = x_dst + (u @ W_u2 + b_u2)
    return (x_src, x_dst_out)

if __name__ == "__main__":
    import jax
    _d = setup_inputs()
    print(jax.jit(kernel)(*tuple(_d.values())))

</pallas_src>

<mosaic_0001>
#map = affine_map<(d0, d1) -> (0, 0)>
#map1 = affine_map<(d0, d1) -> (0, 0, 0)>
module attributes {stable_mosaic.version = 14 : i64} {
  func.func @_scatter_body(%arg0: i32, %arg1: i32, %arg2: memref<80000x128xf32, #tpu.memory_space<hbm>>, %arg3: memref<632x128xi32, #tpu.memory_space<hbm>>, %arg4: memref<10112x128xf32, #tpu.memory_space<hbm>>, %arg5: memref<2x10112x128xf32, #tpu.memory_space<hbm>>, %arg6: memref<32x128xi32, #tpu.memory_space<vmem>>, %arg7: memref<128x128xf32, #tpu.memory_space<vmem>>, %arg8: memref<128x128xf32, #tpu.memory_space<vmem>>, %arg9: memref<10112x128xf32, #tpu.memory_space<vmem_shared>>, %arg10: memref<!tpu.dma_semaphore, #tpu.memory_space<semaphore_mem>>, %arg11: memref<!tpu.dma_semaphore, #tpu.memory_space<semaphore_mem>>) attributes {dimension_semantics = [#tpu.dimension_semantics<core_parallel>, #tpu.dimension_semantics<subcore_parallel>], iteration_bounds = array<i64: 2, 16>, scalar_prefetch = 0 : i64, scratch_operands = 6 : i64, tpu.core_type = #tpu.core_type<sc_vector_subcore>, window_params = [{transform_indices = #map}, {transform_indices = #map}, {transform_indices = #map}, {transform_indices = #map1}]} {
    %mul3A = arith.constant 2 : i32
    %mul3A_0 = arith.muli %arg1, %mul3A : i32
    %add3A = arith.addi %mul3A_0, %arg0 : i32
    %lt3A = arith.constant 17 : i32
    %lt3A_1 = arith.cmpi slt, %add3A, %lt3A : i32
    %jit3A = arith.constant 1 : i32
    %jit3A_2 = arith.constant 0 : i32
    %select_n3A = arith.select %lt3A_1, %jit3A, %jit3A_2 : i32
    %add3A_3 = arith.constant 19 : i32
    %add3A_4 = arith.addi %add3A_3, %select_n3A : i32
    %mul3A_5 = arith.constant 19 : i32
    %mul3A_6 = arith.muli %add3A, %mul3A_5 : i32
    %min3A = arith.constant 17 : i32
    %min3A_7 = arith.minsi %add3A, %min3A : i32
    %add3A_8 = arith.addi %mul3A_6, %min3A_7 : i32
    %jit3A_9 = arith.constant 8 : i32
    %div3A = arith.divsi %add3A_8, %jit3A_9 : i32
    %sign3A = arith.constant 0 : i32
    %sign3A_10 = arith.cmpi sgt, %add3A_8, %sign3A : i32
    %sign3A_11 = arith.extui %sign3A_10 : i1 to i32
    %sign3A_12 = arith.constant 0 : i32
    %sign3A_13 = arith.cmpi slt, %add3A_8, %sign3A_12 : i32
    %sign3A_14 = arith.extui %sign3A_13 : i1 to i32
    %sign3A_15 = arith.subi %sign3A_11, %sign3A_14 : i32
    %sign3A_16 = arith.constant 0 : i32
    %sign3A_17 = arith.cmpi sgt, %jit3A_9, %sign3A_16 : i32
    %sign3A_18 = arith.extui %sign3A_17 : i1 to i32
    %sign3A_19 = arith.constant 0 : i32
    %sign3A_20 = arith.cmpi slt, %jit3A_9, %sign3A_19 : i32
    %sign3A_21 = arith.extui %sign3A_20 : i1 to i32
    %sign3A_22 = arith.subi %sign3A_18, %sign3A_21 : i32
    %ne3A = arith.cmpi ne, %sign3A_15, %sign3A_22 : i32
    %rem3A = arith.remsi %add3A_8, %jit3A_9 : i32
    %ne3A_23 = arith.constant 0 : i32
    %ne3A_24 = arith.cmpi ne, %rem3A, %ne3A_23 : i32
    %and3A = arith.andi %ne3A, %ne3A_24 : i1
    %sub3A = arith.constant 1 : i32
    %sub3A_25 = arith.subi %div3A, %sub3A : i32
    %select_n3A_26 = arith.select %and3A, %sub3A_25, %div3A : i32
    %mul3A_27 = arith.constant 8 : i32
    %mul3A_28 = arith.muli %select_n3A_26, %mul3A_27 : i32
    %multiple_of3A = tpu.assume_multiple %mul3A_28, 8 : i32
    %sub3A_29 = arith.subi %add3A_8, %multiple_of3A : i32
    %mul3A_30 = arith.constant 632 : i32
    %mul3A_31 = arith.muli %arg1, %mul3A_30 : i32
    %mul3A_32 = arith.constant 632 : i32
    %mul3A_33 = arith.muli %arg1, %mul3A_32 : i32
    "tpu.region"() ({
      %run_scoped3A = tpu.sem_alloc : memref<!tpu.dma_semaphore, #tpu.memory_space<semaphore_mem>>
      %dma_start3A_98 = arith.constant 0 : i32
      %dma_start3A_99 = tpu.memref_slice %arg9[%mul3A_33, %dma_start3A_98] : memref<10112x128xf32, #tpu.memory_space<vmem_shared>> -> memref<632x128xf32, #tpu.memory_space<vmem_shared>>
      %dma_start3A_100 = arith.constant 0 : i32
      %dma_start3A_101 = tpu.memref_slice %arg4[%mul3A_31, %dma_start3A_100] : memref<10112x128xf32, #tpu.memory_space<hbm>> -> memref<632x128xf32, #tpu.memory_space<hbm>>
      tpu.enqueue_dma source(%dma_start3A_101 : memref<632x128xf32, #tpu.memory_space<hbm>>) target(%dma_start3A_99 : memref<632x128xf32, #tpu.memory_space<vmem_shared>>) target_semaphore(%run_scoped3A : memref<!tpu.dma_semaphore, #tpu.memory_space<semaphore_mem>>)
      %dma_wait3A = arith.constant 0 : i32
      %dma_wait3A_102 = tpu.memref_slice %arg9[%mul3A_33, %dma_wait3A] : memref<10112x128xf32, #tpu.memory_space<vmem_shared>> -> memref<632x128xf32, #tpu.memory_space<vmem_shared>>
      %dma_wait3A_103 = arith.constant 0 : i32
      %dma_wait3A_104 = tpu.memref_slice %arg4[%mul3A_31, %dma_wait3A_103] : memref<10112x128xf32, #tpu.memory_space<hbm>> -> memref<632x128xf32, #tpu.memory_space<hbm>>
      tpu.wait_dma2 semaphore(%run_scoped3A : memref<!tpu.dma_semaphore, #tpu.memory_space<semaphore_mem>>) src(%dma_wait3A_104 : memref<632x128xf32, #tpu.memory_space<hbm>>) dst(%dma_wait3A_102 : memref<632x128xf32, #tpu.memory_space<vmem_shared>>)
      tpu.yield
    }) : () -> ()
    "tpu.region"() ({
      %run_scoped3A = tpu.sem_alloc : memref<!tpu.dma_semaphore, #tpu.memory_space<semaphore_mem>>
      %dma_start3A_98 = arith.constant 0 : i32
      %dma_start3A_99 = tpu.memref_slice %arg3[%multiple_of3A, %dma_start3A_98] : memref<632x128xi32, #tpu.memory_space<hbm>> -> memref<32x128xi32, #tpu.memory_space<hbm>>
      %dma_start3A_100 = arith.constant 0 : i32
      %dma_start3A_101 = tpu.memref_slice %arg3[%multiple_of3A, %dma_start3A_100] : memref<632x128xi32, #tpu.memory_space<hbm>> -> memref<32x128xi32, #tpu.memory_space<hbm>>
      tpu.enqueue_dma source(%dma_start3A_101 : memref<32x128xi32, #tpu.memory_space<hbm>>) target(%arg6 : memref<32x128xi32, #tpu.memory_space<vmem>>) target_semaphore(%run_scoped3A : memref<!tpu.dma_semaphore, #tpu.memory_space<semaphore_mem>>)
      %dma_wait3A = arith.constant 0 : i32
      %dma_wait3A_102 = tpu.memref_slice %arg3[%multiple_of3A, %dma_wait3A] : memref<632x128xi32, #tpu.memory_space<hbm>> -> memref<32x128xi32, #tpu.memory_space<hbm>>
      %dma_wait3A_103 = arith.constant 0 : i32
      %dma_wait3A_104 = tpu.memref_slice %arg3[%multiple_of3A, %dma_wait3A_103] : memref<632x128xi32, #tpu.memory_space<hbm>> -> memref<32x128xi32, #tpu.memory_space<hbm>>
      tpu.wait_dma2 semaphore(%run_scoped3A : memref<!tpu.dma_semaphore, #tpu.memory_space<semaphore_mem>>) src(%dma_wait3A_104 : memref<32x128xi32, #tpu.memory_space<hbm>>) dst(%arg6 : memref<32x128xi32, #tpu.memory_space<vmem>>)
      tpu.yield
    }) : () -> ()
    %barrier3A = arith.constant 0 : index
    tpu.barrier barrier_id(%barrier3A)
    %add3A_34 = arith.constant 0 : i32
    %add3A_35 = arith.addi %add3A_8, %add3A_34 : i32
    %mul3A_36 = arith.constant 128 : i32
    %mul3A_37 = arith.muli %add3A_35, %mul3A_36 : i32
    %multiple_of3A_38 = tpu.assume_multiple %mul3A_37, 128 : i32
    %dma_start3A = arith.constant 0 : i32
    %dma_start3A_39 = tpu.memref_slice %arg2[%multiple_of3A_38, %dma_start3A] : memref<80000x128xf32, #tpu.memory_space<hbm>> -> memref<128x128xf32, #tpu.memory_space<hbm>>
    %dma_start3A_40 = arith.constant 0 : i32
    %dma_start3A_41 = tpu.memref_slice %arg2[%multiple_of3A_38, %dma_start3A_40] : memref<80000x128xf32, #tpu.memory_space<hbm>> -> memref<128x128xf32, #tpu.memory_space<hbm>>
    tpu.enqueue_dma source(%dma_start3A_41 : memref<128x128xf32, #tpu.memory_space<hbm>>) target(%arg7 : memref<128x128xf32, #tpu.memory_space<vmem>>) target_semaphore(%arg10 : memref<!tpu.dma_semaphore, #tpu.memory_space<semaphore_mem>>)
    %jit3A_42 = arith.constant 2 : i32
    %div3A_43 = arith.divsi %add3A_4, %jit3A_42 : i32
    %sign3A_44 = arith.constant 0 : i32
    %sign3A_45 = arith.cmpi sgt, %add3A_4, %sign3A_44 : i32
    %sign3A_46 = arith.extui %sign3A_45 : i1 to i32
    %sign3A_47 = arith.constant 0 : i32
    %sign3A_48 = arith.cmpi slt, %add3A_4, %sign3A_47 : i32
    %sign3A_49 = arith.extui %sign3A_48 : i1 to i32
    %sign3A_50 = arith.subi %sign3A_46, %sign3A_49 : i32
    %sign3A_51 = arith.constant 0 : i32
    %sign3A_52 = arith.cmpi sgt, %jit3A_42, %sign3A_51 : i32
    %sign3A_53 = arith.extui %sign3A_52 : i1 to i32
    %sign3A_54 = arith.constant 0 : i32
    %sign3A_55 = arith.cmpi slt, %jit3A_42, %sign3A_54 : i32
    %sign3A_56 = arith.extui %sign3A_55 : i1 to i32
    %sign3A_57 = arith.subi %sign3A_53, %sign3A_56 : i32
    %ne3A_58 = arith.cmpi ne, %sign3A_50, %sign3A_57 : i32
    %rem3A_59 = arith.remsi %add3A_4, %jit3A_42 : i32
    %ne3A_60 = arith.constant 0 : i32
    %ne3A_61 = arith.cmpi ne, %rem3A_59, %ne3A_60 : i32
    %and3A_62 = arith.andi %ne3A_58, %ne3A_61 : i1
    %sub3A_63 = arith.constant 1 : i32
    %sub3A_64 = arith.subi %div3A_43, %sub3A_63 : i32
    %select_n3A_65 = arith.select %and3A_62, %sub3A_64, %div3A_43 : i32
    %while3A = arith.constant 0 : i32
    %while3A_66 = arith.constant 0 : i32
    %while3A_67 = arith.subi %select_n3A_65, %while3A_66 : i32
    %while3A_68 = arith.addi %while3A_66, %while3A_67 : i32
    %while3A_69 = arith.constant 1 : i32
    %while3A_70 = arith.divsi %while3A_67, %while3A_69 : i32
    %while3A_71 = arith.muli %while3A_70, %while3A_69 : i32
    %while3A_72 = arith.addi %while3A_66, %while3A_71 : i32
    %while3A_73 = arith.constant 1 : i32
    scf.for %while3A_98 = %while3A_66 to %while3A_72 step %while3A_73  : i32 {
      %mul3A_99 = arith.constant 2 : i32
      %mul3A_100 = arith.muli %mul3A_99, %while3A_98 : i32
      %add3A_101 = arith.constant 1 : i32
      %add3A_102 = arith.addi %mul3A_100, %add3A_101 : i32
      %add3A_103 = arith.addi %add3A_8, %add3A_102 : i32
      %mul3A_104 = arith.constant 128 : i32
      %mul3A_105 = arith.muli %add3A_103, %mul3A_104 : i32
      %multiple_of3A_106 = tpu.assume_multiple %mul3A_105, 128 : i32
      %dma_start3A_107 = arith.constant 0 : i32
      %dma_start3A_108 = tpu.memref_slice %arg2[%multiple_of3A_106, %dma_start3A_107] : memref<80000x128xf32, #tpu.memory_space<hbm>> -> memref<128x128xf32, #tpu.memory_space<hbm>>
      %dma_start3A_109 = arith.constant 0 : i32
      %dma_start3A_110 = tpu.memref_slice %arg2[%multiple_of3A_106, %dma_start3A_109] : memref<80000x128xf32, #tpu.memory_space<hbm>> -> memref<128x128xf32, #tpu.memory_space<hbm>>
      tpu.enqueue_dma source(%dma_start3A_110 : memref<128x128xf32, #tpu.memory_space<hbm>>) target(%arg8 : memref<128x128xf32, #tpu.memory_space<vmem>>) target_semaphore(%arg11 : memref<!tpu.dma_semaphore, #tpu.memory_space<semaphore_mem>>)
      %add3A_111 = arith.addi %add3A_8, %mul3A_100 : i32
      %mul3A_112 = arith.constant 128 : i32
      %mul3A_113 = arith.muli %add3A_111, %mul3A_112 : i32
      %multiple_of3A_114 = tpu.assume_multiple %mul3A_113, 128 : i32
      %dma_wait3A = arith.constant 0 : i32
      %dma_wait3A_115 = tpu.memref_slice %arg2[%multiple_of3A_114, %dma_wait3A] : memref<80000x128xf32, #tpu.memory_space<hbm>> -> memref<128x128xf32, #tpu.memory_space<hbm>>
      %dma_wait3A_116 = arith.constant 0 : i32
      %dma_wait3A_117 = tpu.memref_slice %arg2[%multiple_of3A_114, %dma_wait3A_116] : memref<80000x128xf32, #tpu.memory_space<hbm>> -> memref<128x128xf32, #tpu.memory_space<hbm>>
      tpu.wait_dma2 semaphore(%arg10 : memref<!tpu.dma_semaphore, #tpu.memory_space<semaphore_mem>>) src(%dma_wait3A_117 : memref<128x128xf32, #tpu.memory_space<hbm>>) dst(%arg7 : memref<128x128xf32, #tpu.memory_space<vmem>>)
      %add3A_118 = arith.addi %sub3A_29, %mul3A_100 : i32
      "tpu.region"() ({
        %run_scoped3A = tpu.sem_alloc : memref<!tpu.dma_semaphore, #tpu.memory_space<semaphore_mem>>
        %dma_start3A_134 = arith.constant 0 : i32
        %dma_start3A_135 = tpu.memref_slice %arg6[%add3A_118, %dma_start3A_134] : memref<32x128xi32, #tpu.memory_space<vmem>> -> memref<1x128xi32, #tpu.memory_space<vmem>>
        %dma_start3A_136 = tpu.memref_squeeze %dma_start3A_135 : memref<1x128xi32, #tpu.memory_space<vmem>> -> memref<128xi32, #tpu.memory_space<vmem>>
        %dma_start3A_137 = arith.constant 0 : i32
        %dma_start3A_138 = arith.constant 0 : i32
        %dma_start3A_139 = tpu.memref_slice %arg9[%dma_start3A_137, %dma_start3A_138] : memref<10112x128xf32, #tpu.memory_space<vmem_shared>> -> memref<10112x128xf32, #tpu.memory_space<vmem_shared>>
        tpu.enqueue_indirect_dma source(%arg7 : memref<128x128xf32, #tpu.memory_space<vmem>>) target(%dma_start3A_139 : memref<10112x128xf32, #tpu.memory_space<vmem_shared>>) offsets(%dma_start3A_136 : memref<128xi32, #tpu.memory_space<vmem>>) semaphore(%run_scoped3A : memref<!tpu.dma_semaphore, #tpu.memory_space<semaphore_mem>>) {add = true}
        %dma_wait3A_140 = arith.constant 0 : i32
        %dma_wait3A_141 = tpu.memref_slice %arg6[%add3A_118, %dma_wait3A_140] : memref<32x128xi32, #tpu.memory_space<vmem>> -> memref<1x128xi32, #tpu.memory_space<vmem>>
        %dma_wait3A_142 = tpu.memref_squeeze %dma_wait3A_141 : memref<1x128xi32, #tpu.memory_space<vmem>> -> memref<128xi32, #tpu.memory_space<vmem>>
        %dma_wait3A_143 = arith.constant 0 : i32
        %dma_wait3A_144 = arith.constant 0 : i32
        %dma_wait3A_145 = tpu.memref_slice %arg9[%dma_wait3A_143, %dma_wait3A_144] : memref<10112x128xf32, #tpu.memory_space<vmem_shared>> -> memref<10112x128xf32, #tpu.memory_space<vmem_shared>>
        tpu.wait_indirect_dma semaphore(%run_scoped3A : memref<!tpu.dma_semaphore, #tpu.memory_space<semaphore_mem>>) src(%arg7 : memref<128x128xf32, #tpu.memory_space<vmem>>) dst(%dma_wait3A_145 : memref<10112x128xf32, #tpu.memory_space<vmem_shared>>)
        tpu.yield
      }) : () -> ()
      %add3A_119 = arith.constant 1 : i32
      %add3A_120 = arith.addi %add3A_102, %add3A_119 : i32
      %lt3A_121 = arith.cmpi slt, %add3A_120, %add3A_4 : i32
      %convert_element_type3A_122 = arith.extui %lt3A_121 : i1 to i32
      %cond3A_123 = arith.constant 0 : i32
      %cond3A_124 = arith.cmpi ne, %convert_element_type3A_122, %cond3A_123 : i32
      scf.if %cond3A_124 {
        %add3A_134 = arith.constant 1 : i32
        %add3A_135 = arith.addi %add3A_102, %add3A_134 : i32
        %add3A_136 = arith.addi %add3A_8, %add3A_135 : i32
        %mul3A_137 = arith.constant 128 : i32
        %mul3A_138 = arith.muli %add3A_136, %mul3A_137 : i32
        %multiple_of3A_139 = tpu.assume_multiple %mul3A_138, 128 : i32
        %dma_start3A_140 = arith.constant 0 : i32
        %dma_start3A_141 = tpu.memref_slice %arg2[%multiple_of3A_139, %dma_start3A_140] : memref<80000x128xf32, #tpu.memory_space<hbm>> -> memref<128x128xf32, #tpu.memory_space<hbm>>
        %dma_start3A_142 = arith.constant 0 : i32
        %dma_start3A_143 = tpu.memref_slice %arg2[%multiple_of3A_139, %dma_start3A_142] : memref<80000x128xf32, #tpu.memory_space<hbm>> -> memref<128x128xf32, #tpu.memory_space<hbm>>
        tpu.enqueue_dma source(%dma_start3A_143 : memref<128x128xf32, #tpu.memory_space<hbm>>) target(%arg7 : memref<128x128xf32, #tpu.memory_space<vmem>>) target_semaphore(%arg10 : memref<!tpu.dma_semaphore, #tpu.memory_space<semaphore_mem>>)
      } else {
      }
      %add3A_125 = arith.addi %add3A_8, %add3A_102 : i32
      %mul3A_126 = arith.constant 128 : i32
      %mul3A_127 = arith.muli %add3A_125, %mul3A_126 : i32
      %multiple_of3A_128 = tpu.assume_multiple %mul3A_127, 128 : i32
      %dma_wait3A_129 = arith.constant 0 : i32
      %dma_wait3A_130 = tpu.memref_slice %arg2[%multiple_of3A_128, %dma_wait3A_129] : memref<80000x128xf32, #tpu.memory_space<hbm>> -> memref<128x128xf32, #tpu.memory_space<hbm>>
      %dma_wait3A_131 = arith.constant 0 : i32
      %dma_wait3A_132 = tpu.memref_slice %arg2[%multiple_of3A_128, %dma_wait3A_131] : memref<80000x128xf32, #tpu.memory_space<hbm>> -> memref<128x128xf32, #tpu.memory_space<hbm>>
      tpu.wait_dma2 semaphore(%arg11 : memref<!tpu.dma_semaphore, #tpu.memory_space<semaphore_mem>>) src(%dma_wait3A_132 : memref<128x128xf32, #tpu.memory_space<hbm>>) dst(%arg8 : memref<128x128xf32, #tpu.memory_space<vmem>>)
      %add3A_133 = arith.addi %sub3A_29, %add3A_102 : i32
      "tpu.region"() ({
        %run_scoped3A = tpu.sem_alloc : memref<!tpu.dma_semaphore, #tpu.memory_space<semaphore_mem>>
        %dma_start3A_134 = arith.constant 0 : i32
        %dma_start3A_135 = tpu.memref_slice %arg6[%add3A_133, %dma_start3A_134] : memref<32x128xi32, #tpu.memory_space<vmem>> -> memref<1x128xi32, #tpu.memory_space<vmem>>
        %dma_start3A_136 = tpu.memref_squeeze %dma_start3A_135 : memref<1x128xi32, #tpu.memory_space<vmem>> -> memref<128xi32, #tpu.memory_space<vmem>>
        %dma_start3A_137 = arith.constant 0 : i32
        %dma_start3A_138 = arith.constant 0 : i32
        %dma_start3A_139 = tpu.memref_slice %arg9[%dma_start3A_137, %dma_start3A_138] : memref<10112x128xf32, #tpu.memory_space<vmem_shared>> -> memref<10112x128xf32, #tpu.memory_space<vmem_shared>>
        tpu.enqueue_indirect_dma source(%arg8 : memref<128x128xf32, #tpu.memory_space<vmem>>) target(%dma_start3A_139 : memref<10112x128xf32, #tpu.memory_space<vmem_shared>>) offsets(%dma_start3A_136 : memref<128xi32, #tpu.memory_space<vmem>>) semaphore(%run_scoped3A : memref<!tpu.dma_semaphore, #tpu.memory_space<semaphore_mem>>) {add = true}
        %dma_wait3A_140 = arith.constant 0 : i32
        %dma_wait3A_141 = tpu.memref_slice %arg6[%add3A_133, %dma_wait3A_140] : memref<32x128xi32, #tpu.memory_space<vmem>> -> memref<1x128xi32, #tpu.memory_space<vmem>>
        %dma_wait3A_142 = tpu.memref_squeeze %dma_wait3A_141 : memref<1x128xi32, #tpu.memory_space<vmem>> -> memref<128xi32, #tpu.memory_space<vmem>>
        %dma_wait3A_143 = arith.constant 0 : i32
        %dma_wait3A_144 = arith.constant 0 : i32
        %dma_wait3A_145 = tpu.memref_slice %arg9[%dma_wait3A_143, %dma_wait3A_144] : memref<10112x128xf32, #tpu.memory_space<vmem_shared>> -> memref<10112x128xf32, #tpu.memory_space<vmem_shared>>
        tpu.wait_indirect_dma semaphore(%run_scoped3A : memref<!tpu.dma_semaphore, #tpu.memory_space<semaphore_mem>>) src(%arg8 : memref<128x128xf32, #tpu.memory_space<vmem>>) dst(%dma_wait3A_145 : memref<10112x128xf32, #tpu.memory_space<vmem_shared>>)
        tpu.yield
      }) : () -> ()
    }
    %while3A_74 = arith.constant 1 : i32
    scf.for %while3A_98 = %while3A_72 to %while3A_68 step %while3A_74  : i32 {
      %mul3A_99 = arith.constant 2 : i32
      %mul3A_100 = arith.muli %mul3A_99, %while3A_98 : i32
      %add3A_101 = arith.constant 1 : i32
      %add3A_102 = arith.addi %mul3A_100, %add3A_101 : i32
      %add3A_103 = arith.addi %add3A_8, %add3A_102 : i32
      %mul3A_104 = arith.constant 128 : i32
      %mul3A_105 = arith.muli %add3A_103, %mul3A_104 : i32
      %multiple_of3A_106 = tpu.assume_multiple %mul3A_105, 128 : i32
      %dma_start3A_107 = arith.constant 0 : i32
      %dma_start3A_108 = tpu.memref_slice %arg2[%multiple_of3A_106, %dma_start3A_107] : memref<80000x128xf32, #tpu.memory_space<hbm>> -> memref<128x128xf32, #tpu.memory_space<hbm>>
      %dma_start3A_109 = arith.constant 0 : i32
      %dma_start3A_110 = tpu.memref_slice %arg2[%multiple_of3A_106, %dma_start3A_109] : memref<80000x128xf32, #tpu.memory_space<hbm>> -> memref<128x128xf32, #tpu.memory_space<hbm>>
      tpu.enqueue_dma source(%dma_start3A_110 : memref<128x128xf32, #tpu.memory_space<hbm>>) target(%arg8 : memref<128x128xf32, #tpu.memory_space<vmem>>) target_semaphore(%arg11 : memref<!tpu.dma_semaphore, #tpu.memory_space<semaphore_mem>>)
      %add3A_111 = arith.addi %add3A_8, %mul3A_100 : i32
      %mul3A_112 = arith.constant 128 : i32
      %mul3A_113 = arith.muli %add3A_111, %mul3A_112 : i32
      %multiple_of3A_114 = tpu.assume_multiple %mul3A_113, 128 : i32
      %dma_wait3A = arith.constant 0 : i32
      %dma_wait3A_115 = tpu.memref_slice %arg2[%multiple_of3A_114, %dma_wait3A] : memref<80000x128xf32, #tpu.memory_space<hbm>> -> memref<128x128xf32, #tpu.memory_space<hbm>>
      %dma_wait3A_116 = arith.constant 0 : i32
      %dma_wait3A_117 = tpu.memref_slice %arg2[%multiple_of3A_114, %dma_wait3A_116] : memref<80000x128xf32, #tpu.memory_space<hbm>> -> memref<128x128xf32, #tpu.memory_space<hbm>>
      tpu.wait_dma2 semaphore(%arg10 : memref<!tpu.dma_semaphore, #tpu.memory_space<semaphore_mem>>) src(%dma_wait3A_117 : memref<128x128xf32, #tpu.memory_space<hbm>>) dst(%arg7 : memref<128x128xf32, #tpu.memory_space<vmem>>)
      %add3A_118 = arith.addi %sub3A_29, %mul3A_100 : i32
      "tpu.region"() ({
        %run_scoped3A = tpu.sem_alloc : memref<!tpu.dma_semaphore, #tpu.memory_space<semaphore_mem>>
        %dma_start3A_134 = arith.constant 0 : i32
        %dma_start3A_135 = tpu.memref_slice %arg6[%add3A_118, %dma_start3A_134] : memref<32x128xi32, #tpu.memory_space<vmem>> -> memref<1x128xi32, #tpu.memory_space<vmem>>
        %dma_start3A_136 = tpu.memref_squeeze %dma_start3A_135 : memref<1x128xi32, #tpu.memory_space<vmem>> -> memref<128xi32, #tpu.memory_space<vmem>>
        %dma_start3A_137 = arith.constant 0 : i32
        %dma_start3A_138 = arith.constant 0 : i32
        %dma_start3A_139 = tpu.memref_slice %arg9[%dma_start3A_137, %dma_start3A_138] : memref<10112x128xf32, #tpu.memory_space<vmem_shared>> -> memref<10112x128xf32, #tpu.memory_space<vmem_shared>>
        tpu.enqueue_indirect_dma source(%arg7 : memref<128x128xf32, #tpu.memory_space<vmem>>) target(%dma_start3A_139 : memref<10112x128xf32, #tpu.memory_space<vmem_shared>>) offsets(%dma_start3A_136 : memref<128xi32, #tpu.memory_space<vmem>>) semaphore(%run_scoped3A : memref<!tpu.dma_semaphore, #tpu.memory_space<semaphore_mem>>) {add = true}
        %dma_wait3A_140 = arith.constant 0 : i32
        %dma_wait3A_141 = tpu.memref_slice %arg6[%add3A_118, %dma_wait3A_140] : memref<32x128xi32, #tpu.memory_space<vmem>> -> memref<1x128xi32, #tpu.memory_space<vmem>>
        %dma_wait3A_142 = tpu.memref_squeeze %dma_wait3A_141 : memref<1x128xi32, #tpu.memory_space<vmem>> -> memref<128xi32, #tpu.memory_space<vmem>>
        %dma_wait3A_143 = arith.constant 0 : i32
        %dma_wait3A_144 = arith.constant 0 : i32
        %dma_wait3A_145 = tpu.memref_slice %arg9[%dma_wait3A_143, %dma_wait3A_144] : memref<10112x128xf32, #tpu.memory_space<vmem_shared>> -> memref<10112x128xf32, #tpu.memory_space<vmem_shared>>
        tpu.wait_indirect_dma semaphore(%run_scoped3A : memref<!tpu.dma_semaphore, #tpu.memory_space<semaphore_mem>>) src(%arg7 : memref<128x128xf32, #tpu.memory_space<vmem>>) dst(%dma_wait3A_145 : memref<10112x128xf32, #tpu.memory_space<vmem_shared>>)
        tpu.yield
      }) : () -> ()
      %add3A_119 = arith.constant 1 : i32
      %add3A_120 = arith.addi %add3A_102, %add3A_119 : i32
      %lt3A_121 = arith.cmpi slt, %add3A_120, %add3A_4 : i32
      %convert_element_type3A_122 = arith.extui %lt3A_121 : i1 to i32
      %cond3A_123 = arith.constant 0 : i32
      %cond3A_124 = arith.cmpi ne, %convert_element_type3A_122, %cond3A_123 : i32
      scf.if %cond3A_124 {
        %add3A_134 = arith.constant 1 : i32
        %add3A_135 = arith.addi %add3A_102, %add3A_134 : i32
        %add3A_136 = arith.addi %add3A_8, %add3A_135 : i32
        %mul3A_137 = arith.constant 128 : i32
        %mul3A_138 = arith.muli %add3A_136, %mul3A_137 : i32
        %multiple_of3A_139 = tpu.assume_multiple %mul3A_138, 128 : i32
        %dma_start3A_140 = arith.constant 0 : i32
        %dma_start3A_141 = tpu.memref_slice %arg2[%multiple_of3A_139, %dma_start3A_140] : memref<80000x128xf32, #tpu.memory_space<hbm>> -> memref<128x128xf32, #tpu.memory_space<hbm>>
        %dma_start3A_142 = arith.constant 0 : i32
        %dma_start3A_143 = tpu.memref_slice %arg2[%multiple_of3A_139, %dma_start3A_142] : memref<80000x128xf32, #tpu.memory_space<hbm>> -> memref<128x128xf32, #tpu.memory_space<hbm>>
        tpu.enqueue_dma source(%dma_start3A_143 : memref<128x128xf32, #tpu.memory_space<hbm>>) target(%arg7 : memref<128x128xf32, #tpu.memory_space<vmem>>) target_semaphore(%arg10 : memref<!tpu.dma_semaphore, #tpu.memory_space<semaphore_mem>>)
      } else {
      }
      %add3A_125 = arith.addi %add3A_8, %add3A_102 : i32
      %mul3A_126 = arith.constant 128 : i32
      %mul3A_127 = arith.muli %add3A_125, %mul3A_126 : i32
      %multiple_of3A_128 = tpu.assume_multiple %mul3A_127, 128 : i32
      %dma_wait3A_129 = arith.constant 0 : i32
      %dma_wait3A_130 = tpu.memref_slice %arg2[%multiple_of3A_128, %dma_wait3A_129] : memref<80000x128xf32, #tpu.memory_space<hbm>> -> memref<128x128xf32, #tpu.memory_space<hbm>>
      %dma_wait3A_131 = arith.constant 0 : i32
      %dma_wait3A_132 = tpu.memref_slice %arg2[%multiple_of3A_128, %dma_wait3A_131] : memref<80000x128xf32, #tpu.memory_space<hbm>> -> memref<128x128xf32, #tpu.memory_space<hbm>>
      tpu.wait_dma2 semaphore(%arg11 : memref<!tpu.dma_semaphore, #tpu.memory_space<semaphore_mem>>) src(%dma_wait3A_132 : memref<128x128xf32, #tpu.memory_space<hbm>>) dst(%arg8 : memref<128x128xf32, #tpu.memory_space<vmem>>)
      %add3A_133 = arith.addi %sub3A_29, %add3A_102 : i32
      "tpu.region"() ({
        %run_scoped3A = tpu.sem_alloc : memref<!tpu.dma_semaphore, #tpu.memory_space<semaphore_mem>>
        %dma_start3A_134 = arith.constant 0 : i32
        %dma_start3A_135 = tpu.memref_slice %arg6[%add3A_133, %dma_start3A_134] : memref<32x128xi32, #tpu.memory_space<vmem>> -> memref<1x128xi32, #tpu.memory_space<vmem>>
        %dma_start3A_136 = tpu.memref_squeeze %dma_start3A_135 : memref<1x128xi32, #tpu.memory_space<vmem>> -> memref<128xi32, #tpu.memory_space<vmem>>
        %dma_start3A_137 = arith.constant 0 : i32
        %dma_start3A_138 = arith.constant 0 : i32
        %dma_start3A_139 = tpu.memref_slice %arg9[%dma_start3A_137, %dma_start3A_138] : memref<10112x128xf32, #tpu.memory_space<vmem_shared>> -> memref<10112x128xf32, #tpu.memory_space<vmem_shared>>
        tpu.enqueue_indirect_dma source(%arg8 : memref<128x128xf32, #tpu.memory_space<vmem>>) target(%dma_start3A_139 : memref<10112x128xf32, #tpu.memory_space<vmem_shared>>) offsets(%dma_start3A_136 : memref<128xi32, #tpu.memory_space<vmem>>) semaphore(%run_scoped3A : memref<!tpu.dma_semaphore, #tpu.memory_space<semaphore_mem>>) {add = true}
        %dma_wait3A_140 = arith.constant 0 : i32
        %dma_wait3A_141 = tpu.memref_slice %arg6[%add3A_133, %dma_wait3A_140] : memref<32x128xi32, #tpu.memory_space<vmem>> -> memref<1x128xi32, #tpu.memory_space<vmem>>
        %dma_wait3A_142 = tpu.memref_squeeze %dma_wait3A_141 : memref<1x128xi32, #tpu.memory_space<vmem>> -> memref<128xi32, #tpu.memory_space<vmem>>
        %dma_wait3A_143 = arith.constant 0 : i32
        %dma_wait3A_144 = arith.constant 0 : i32
        %dma_wait3A_145 = tpu.memref_slice %arg9[%dma_wait3A_143, %dma_wait3A_144] : memref<10112x128xf32, #tpu.memory_space<vmem_shared>> -> memref<10112x128xf32, #tpu.memory_space<vmem_shared>>
        tpu.wait_indirect_dma semaphore(%run_scoped3A : memref<!tpu.dma_semaphore, #tpu.memory_space<semaphore_mem>>) src(%arg8 : memref<128x128xf32, #tpu.memory_space<vmem>>) dst(%dma_wait3A_145 : memref<10112x128xf32, #tpu.memory_space<vmem_shared>>)
        tpu.yield
      }) : () -> ()
    }
    %jit3A_75 = arith.constant 2 : i32
    %eq3A = arith.constant 0 : i32
    %eq3A_76 = arith.cmpi eq, %jit3A_75, %eq3A : i32
    %jit3A_77 = arith.constant 1 : i32
    %select_n3A_78 = arith.select %eq3A_76, %jit3A_77, %jit3A_75 : i32
    %rem3A_79 = arith.remsi %add3A_4, %select_n3A_78 : i32
    %ne3A_80 = arith.constant 0 : i32
    %ne3A_81 = arith.cmpi ne, %rem3A_79, %ne3A_80 : i32
    %lt3A_82 = arith.constant 0 : i32
    %lt3A_83 = arith.cmpi slt, %rem3A_79, %lt3A_82 : i32
    %lt3A_84 = arith.constant 0 : i32
    %lt3A_85 = arith.cmpi slt, %select_n3A_78, %lt3A_84 : i32
    %ne3A_86 = arith.xori %lt3A_83, %lt3A_85 : i1
    %and3A_87 = arith.andi %ne3A_86, %ne3A_81 : i1
    %add3A_88 = arith.addi %rem3A_79, %select_n3A_78 : i32
    %select_n3A_89 = arith.select %and3A_87, %add3A_88, %rem3A_79 : i32
    %eq3A_90 = arith.constant 1 : i32
    %eq3A_91 = arith.cmpi eq, %select_n3A_89, %eq3A_90 : i32
    %convert_element_type3A = arith.extui %eq3A_91 : i1 to i32
    %cond3A = arith.constant 0 : i32
    %cond3A_92 = arith.cmpi ne, %convert_element_type3A, %cond3A : i32
    scf.if %cond3A_92 {
      %sub3A_98 = arith.constant 1 : i32
      %sub3A_99 = arith.subi %add3A_4, %sub3A_98 : i32
      %add3A_100 = arith.addi %add3A_8, %sub3A_99 : i32
      %mul3A_101 = arith.constant 128 : i32
      %mul3A_102 = arith.muli %add3A_100, %mul3A_101 : i32
      %multiple_of3A_103 = tpu.assume_multiple %mul3A_102, 128 : i32
      %dma_wait3A = arith.constant 0 : i32
      %dma_wait3A_104 = tpu.memref_slice %arg2[%multiple_of3A_103, %dma_wait3A] : memref<80000x128xf32, #tpu.memory_space<hbm>> -> memref<128x128xf32, #tpu.memory_space<hbm>>
      %dma_wait3A_105 = arith.constant 0 : i32
      %dma_wait3A_106 = tpu.memref_slice %arg2[%multiple_of3A_103, %dma_wait3A_105] : memref<80000x128xf32, #tpu.memory_space<hbm>> -> memref<128x128xf32, #tpu.memory_space<hbm>>
      tpu.wait_dma2 semaphore(%arg10 : memref<!tpu.dma_semaphore, #tpu.memory_space<semaphore_mem>>) src(%dma_wait3A_106 : memref<128x128xf32, #tpu.memory_space<hbm>>) dst(%arg7 : memref<128x128xf32, #tpu.memory_space<vmem>>)
      %add3A_107 = arith.addi %sub3A_29, %sub3A_99 : i32
      "tpu.region"() ({
        %run_scoped3A = tpu.sem_alloc : memref<!tpu.dma_semaphore, #tpu.memory_space<semaphore_mem>>
        %dma_start3A_108 = arith.constant 0 : i32
        %dma_start3A_109 = tpu.memref_slice %arg6[%add3A_107, %dma_start3A_108] : memref<32x128xi32, #tpu.memory_space<vmem>> -> memref<1x128xi32, #tpu.memory_space<vmem>>
        %dma_start3A_110 = tpu.memref_squeeze %dma_start3A_109 : memref<1x128xi32, #tpu.memory_space<vmem>> -> memref<128xi32, #tpu.memory_space<vmem>>
        %dma_start3A_111 = arith.constant 0 : i32
        %dma_start3A_112 = arith.constant 0 : i32
        %dma_start3A_113 = tpu.memref_slice %arg9[%dma_start3A_111, %dma_start3A_112] : memref<10112x128xf32, #tpu.memory_space<vmem_shared>> -> memref<10112x128xf32, #tpu.memory_space<vmem_shared>>
        tpu.enqueue_indirect_dma source(%arg7 : memref<128x128xf32, #tpu.memory_space<vmem>>) target(%dma_start3A_113 : memref<10112x128xf32, #tpu.memory_space<vmem_shared>>) offsets(%dma_start3A_110 : memref<128xi32, #tpu.memory_space<vmem>>) semaphore(%run_scoped3A : memref<!tpu.dma_semaphore, #tpu.memory_space<semaphore_mem>>) {add = true}
        %dma_wait3A_114 = arith.constant 0 : i32
        %dma_wait3A_115 = tpu.memref_slice %arg6[%add3A_107, %dma_wait3A_114] : memref<32x128xi32, #tpu.memory_space<vmem>> -> memref<1x128xi32, #tpu.memory_space<vmem>>
        %dma_wait3A_116 = tpu.memref_squeeze %dma_wait3A_115 : memref<1x128xi32, #tpu.memory_space<vmem>> -> memref<128xi32, #tpu.memory_space<vmem>>
        %dma_wait3A_117 = arith.constant 0 : i32
        %dma_wait3A_118 = arith.constant 0 : i32
        %dma_wait3A_119 = tpu.memref_slice %arg9[%dma_wait3A_117, %dma_wait3A_118] : memref<10112x128xf32, #tpu.memory_space<vmem_shared>> -> memref<10112x128xf32, #tpu.memory_space<vmem_shared>>
        tpu.wait_indirect_dma semaphore(%run_scoped3A : memref<!tpu.dma_semaphore, #tpu.memory_space<semaphore_mem>>) src(%arg7 : memref<128x128xf32, #tpu.memory_space<vmem>>) dst(%dma_wait3A_119 : memref<10112x128xf32, #tpu.memory_space<vmem_shared>>)
        tpu.yield
      }) : () -> ()
    } else {
    }
    %barrier3A_93 = arith.constant 0 : index
    tpu.barrier barrier_id(%barrier3A_93)
    %mul3A_94 = arith.constant 632 : i32
    %mul3A_95 = arith.muli %arg1, %mul3A_94 : i32
    %mul3A_96 = arith.constant 632 : i32
    %mul3A_97 = arith.muli %arg1, %mul3A_96 : i32
    "tpu.region"() ({
      %run_scoped3A = tpu.sem_alloc : memref<!tpu.dma_semaphore, #tpu.memory_space<semaphore_mem>>
      %dma_start3A_98 = arith.constant 0 : i32
      %dma_start3A_99 = tpu.memref_slice %arg5[%arg0, %mul3A_97, %dma_start3A_98] : memref<2x10112x128xf32, #tpu.memory_space<hbm>> -> memref<1x632x128xf32, #tpu.memory_space<hbm>>
      %dma_start3A_100 = tpu.memref_squeeze %dma_start3A_99 : memref<1x632x128xf32, #tpu.memory_space<hbm>> -> memref<632x128xf32, #tpu.memory_space<hbm>>
      %dma_start3A_101 = arith.constant 0 : i32
      %dma_start3A_102 = tpu.memref_slice %arg9[%mul3A_95, %dma_start3A_101] : memref<10112x128xf32, #tpu.memory_space<vmem_shared>> -> memref<632x128xf32, #tpu.memory_space<vmem_shared>>
      tpu.enqueue_dma source(%dma_start3A_102 : memref<632x128xf32, #tpu.memory_space<vmem_shared>>) target(%dma_start3A_100 : memref<632x128xf32, #tpu.memory_space<hbm>>) target_semaphore(%run_scoped3A : memref<!tpu.dma_semaphore, #tpu.memory_space<semaphore_mem>>)
      %dma_wait3A = arith.constant 0 : i32
      %dma_wait3A_103 = tpu.memref_slice %arg5[%arg0, %mul3A_97, %dma_wait3A] : memref<2x10112x128xf32, #tpu.memory_space<hbm>> -> memref<1x632x128xf32, #tpu.memory_space<hbm>>
      %dma_wait3A_104 = tpu.memref_squeeze %dma_wait3A_103 : memref<1x632x128xf32, #tpu.memory_space<hbm>> -> memref<632x128xf32, #tpu.memory_space<hbm>>
      %dma_wait3A_105 = arith.constant 0 : i32
      %dma_wait3A_106 = tpu.memref_slice %arg9[%mul3A_95, %dma_wait3A_105] : memref<10112x128xf32, #tpu.memory_space<vmem_shared>> -> memref<632x128xf32, #tpu.memory_space<vmem_shared>>
      tpu.wait_dma2 semaphore(%run_scoped3A : memref<!tpu.dma_semaphore, #tpu.memory_space<semaphore_mem>>) src(%dma_wait3A_106 : memref<632x128xf32, #tpu.memory_space<vmem_shared>>) dst(%dma_wait3A_104 : memref<632x128xf32, #tpu.memory_space<hbm>>)
      tpu.yield
    }) : () -> ()
    return
  }
}

#map = affine_map<(d0, d1) -> (0, 0)>
module attributes {stable_mosaic.version = 14 : i64} {
  func.func @_gather_body(%arg0: i32, %arg1: i32, %arg2: memref<10000x128xf32, #tpu.memory_space<hbm>>, %arg3: memref<10000x128xf32, #tpu.memory_space<hbm>>, %arg4: memref<632x128xi32, #tpu.memory_space<hbm>>, %arg5: memref<632x128xi32, #tpu.memory_space<hbm>>, %arg6: memref<80000x128xf32, #tpu.memory_space<hbm>>, %arg7: memref<32x128xi32, #tpu.memory_space<vmem>>, %arg8: memref<32x128xi32, #tpu.memory_space<vmem>>, %arg9: memref<128x128xf32, #tpu.memory_space<vmem>>, %arg10: memref<128x128xf32, #tpu.memory_space<vmem>>, %arg11: memref<128x128xf32, #tpu.memory_space<vmem>>, %arg12: memref<128x128xf32, #tpu.memory_space<vmem>>, %arg13: memref<!tpu.dma_semaphore, #tpu.memory_space<semaphore_mem>>, %arg14: memref<!tpu.dma_semaphore, #tpu.memory_space<semaphore_mem>>, %arg15: memref<!tpu.dma_semaphore, #tpu.memory_space<semaphore_mem>>, %arg16: memref<!tpu.dma_semaphore, #tpu.memory_space<semaphore_mem>>, %arg17: memref<!tpu.dma_semaphore, #tpu.memory_space<semaphore_mem>>, %arg18: memref<!tpu.dma_semaphore, #tpu.memory_space<semaphore_mem>>) attributes {dimension_semantics = [#tpu.dimension_semantics<core_parallel>, #tpu.dimension_semantics<subcore_parallel>], iteration_bounds = array<i64: 2, 16>, scalar_prefetch = 0 : i64, scratch_operands = 12 : i64, tpu.core_type = #tpu.core_type<sc_vector_subcore>, window_params = [{transform_indices = #map}, {transform_indices = #map}, {transform_indices = #map}, {transform_indices = #map}, {transform_indices = #map}]} {
    %mul3A = arith.constant 2 : i32
    %mul3A_0 = arith.muli %arg1, %mul3A : i32
    %add3A = arith.addi %mul3A_0, %arg0 : i32
    %lt3A = arith.constant 17 : i32
    %lt3A_1 = arith.cmpi slt, %add3A, %lt3A : i32
    %jit3A = arith.constant 1 : i32
    %jit3A_2 = arith.constant 0 : i32
    %select_n3A = arith.select %lt3A_1, %jit3A, %jit3A_2 : i32
    %add3A_3 = arith.constant 19 : i32
    %add3A_4 = arith.addi %add3A_3, %select_n3A : i32
    %mul3A_5 = arith.constant 19 : i32
    %mul3A_6 = arith.muli %add3A, %mul3A_5 : i32
    %min3A = arith.constant 17 : i32
    %min3A_7 = arith.minsi %add3A, %min3A : i32
    %add3A_8 = arith.addi %mul3A_6, %min3A_7 : i32
    %jit3A_9 = arith.constant 8 : i32
    %div3A = arith.divsi %add3A_8, %jit3A_9 : i32
    %sign3A = arith.constant 0 : i32
    %sign3A_10 = arith.cmpi sgt, %add3A_8, %sign3A : i32
    %sign3A_11 = arith.extui %sign3A_10 : i1 to i32
    %sign3A_12 = arith.constant 0 : i32
    %sign3A_13 = arith.cmpi slt, %add3A_8, %sign3A_12 : i32
    %sign3A_14 = arith.extui %sign3A_13 : i1 to i32
    %sign3A_15 = arith.subi %sign3A_11, %sign3A_14 : i32
    %sign3A_16 = arith.constant 0 : i32
    %sign3A_17 = arith.cmpi sgt, %jit3A_9, %sign3A_16 : i32
    %sign3A_18 = arith.extui %sign3A_17 : i1 to i32
    %sign3A_19 = arith.constant 0 : i32
    %sign3A_20 = arith.cmpi slt, %jit3A_9, %sign3A_19 : i32
    %sign3A_21 = arith.extui %sign3A_20 : i1 to i32
    %sign3A_22 = arith.subi %sign3A_18, %sign3A_21 : i32
    %ne3A = arith.cmpi ne, %sign3A_15, %sign3A_22 : i32
    %rem3A = arith.remsi %add3A_8, %jit3A_9 : i32
    %ne3A_23 = arith.constant 0 : i32
    %ne3A_24 = arith.cmpi ne, %rem3A, %ne3A_23 : i32
    %and3A = arith.andi %ne3A, %ne3A_24 : i1
    %sub3A = arith.constant 1 : i32
    %sub3A_25 = arith.subi %div3A, %sub3A : i32
    %select_n3A_26 = arith.select %and3A, %sub3A_25, %div3A : i32
    %mul3A_27 = arith.constant 8 : i32
    %mul3A_28 = arith.muli %select_n3A_26, %mul3A_27 : i32
    %multiple_of3A = tpu.assume_multiple %mul3A_28, 8 : i32
    %sub3A_29 = arith.subi %add3A_8, %multiple_of3A : i32
    "tpu.region"() ({
      %run_scoped3A = tpu.sem_alloc : memref<!tpu.dma_semaphore, #tpu.memory_space<semaphore_mem>>
      %dma_start3A_106 = arith.constant 0 : i32
      %dma_start3A_107 = tpu.memref_slice %arg4[%multiple_of3A, %dma_start3A_106] : memref<632x128xi32, #tpu.memory_space<hbm>> -> memref<32x128xi32, #tpu.memory_space<hbm>>
      %dma_start3A_108 = arith.constant 0 : i32
      %dma_start3A_109 = tpu.memref_slice %arg4[%multiple_of3A, %dma_start3A_108] : memref<632x128xi32, #tpu.memory_space<hbm>> -> memref<32x128xi32, #tpu.memory_space<hbm>>
      tpu.enqueue_dma source(%dma_start3A_109 : memref<32x128xi32, #tpu.memory_space<hbm>>) target(%arg7 : memref<32x128xi32, #tpu.memory_space<vmem>>) target_semaphore(%run_scoped3A : memref<!tpu.dma_semaphore, #tpu.memory_space<semaphore_mem>>)
      %dma_wait3A_110 = arith.constant 0 : i32
      %dma_wait3A_111 = tpu.memref_slice %arg4[%multiple_of3A, %dma_wait3A_110] : memref<632x128xi32, #tpu.memory_space<hbm>> -> memref<32x128xi32, #tpu.memory_space<hbm>>
      %dma_wait3A_112 = arith.constant 0 : i32
      %dma_wait3A_113 = tpu.memref_slice %arg4[%multiple_of3A, %dma_wait3A_112] : memref<632x128xi32, #tpu.memory_space<hbm>> -> memref<32x128xi32, #tpu.memory_space<hbm>>
      tpu.wait_dma2 semaphore(%run_scoped3A : memref<!tpu.dma_semaphore, #tpu.memory_space<semaphore_mem>>) src(%dma_wait3A_113 : memref<32x128xi32, #tpu.memory_space<hbm>>) dst(%arg7 : memref<32x128xi32, #tpu.memory_space<vmem>>)
      tpu.yield
    }) : () -> ()
    "tpu.region"() ({
      %run_scoped3A = tpu.sem_alloc : memref<!tpu.dma_semaphore, #tpu.memory_space<semaphore_mem>>
      %dma_start3A_106 = arith.constant 0 : i32
      %dma_start3A_107 = tpu.memref_slice %arg5[%multiple_of3A, %dma_start3A_106] : memref<632x128xi32, #tpu.memory_space<hbm>> -> memref<32x128xi32, #tpu.memory_space<hbm>>
      %dma_start3A_108 = arith.constant 0 : i32
      %dma_start3A_109 = tpu.memref_slice %arg5[%multiple_of3A, %dma_start3A_108] : memref<632x128xi32, #tpu.memory_space<hbm>> -> memref<32x128xi32, #tpu.memory_space<hbm>>
      tpu.enqueue_dma source(%dma_start3A_109 : memref<32x128xi32, #tpu.memory_space<hbm>>) target(%arg8 : memref<32x128xi32, #tpu.memory_space<vmem>>) target_semaphore(%run_scoped3A : memref<!tpu.dma_semaphore, #tpu.memory_space<semaphore_mem>>)
      %dma_wait3A_110 = arith.constant 0 : i32
      %dma_wait3A_111 = tpu.memref_slice %arg5[%multiple_of3A, %dma_wait3A_110] : memref<632x128xi32, #tpu.memory_space<hbm>> -> memref<32x128xi32, #tpu.memory_space<hbm>>
      %dma_wait3A_112 = arith.constant 0 : i32
      %dma_wait3A_113 = tpu.memref_slice %arg5[%multiple_of3A, %dma_wait3A_112] : memref<632x128xi32, #tpu.memory_space<hbm>> -> memref<32x128xi32, #tpu.memory_space<hbm>>
      tpu.wait_dma2 semaphore(%run_scoped3A : memref<!tpu.dma_semaphore, #tpu.memory_space<semaphore_mem>>) src(%dma_wait3A_113 : memref<32x128xi32, #tpu.memory_space<hbm>>) dst(%arg8 : memref<32x128xi32, #tpu.memory_space<vmem>>)
      tpu.yield
    }) : () -> ()
    %add3A_30 = arith.constant 0 : i32
    %add3A_31 = arith.addi %sub3A_29, %add3A_30 : i32
    %dma_start3A = arith.constant 0 : i32
    %dma_start3A_32 = tpu.memref_slice %arg7[%add3A_31, %dma_start3A] : memref<32x128xi32, #tpu.memory_space<vmem>> -> memref<1x128xi32, #tpu.memory_space<vmem>>
    %dma_start3A_33 = tpu.memref_squeeze %dma_start3A_32 : memref<1x128xi32, #tpu.memory_space<vmem>> -> memref<128xi32, #tpu.memory_space<vmem>>
    %dma_start3A_34 = arith.constant 0 : i32
    %dma_start3A_35 = arith.constant 0 : i32
    %dma_start3A_36 = tpu.memref_slice %arg2[%dma_start3A_34, %dma_start3A_35] : memref<10000x128xf32, #tpu.memory_space<hbm>> -> memref<10000x128xf32, #tpu.memory_space<hbm>>
    tpu.enqueue_indirect_dma source(%dma_start3A_36 : memref<10000x128xf32, #tpu.memory_space<hbm>>) target(%arg9 : memref<128x128xf32, #tpu.memory_space<vmem>>) offsets(%dma_start3A_33 : memref<128xi32, #tpu.memory_space<vmem>>) semaphore(%arg13 : memref<!tpu.dma_semaphore, #tpu.memory_space<semaphore_mem>>)
    %add3A_37 = arith.constant 0 : i32
    %add3A_38 = arith.addi %sub3A_29, %add3A_37 : i32
    %dma_start3A_39 = arith.constant 0 : i32
    %dma_start3A_40 = tpu.memref_slice %arg8[%add3A_38, %dma_start3A_39] : memref<32x128xi32, #tpu.memory_space<vmem>> -> memref<1x128xi32, #tpu.memory_space<vmem>>
    %dma_start3A_41 = tpu.memref_squeeze %dma_start3A_40 : memref<1x128xi32, #tpu.memory_space<vmem>> -> memref<128xi32, #tpu.memory_space<vmem>>
    %dma_start3A_42 = arith.constant 0 : i32
    %dma_start3A_43 = arith.constant 0 : i32
    %dma_start3A_44 = tpu.memref_slice %arg3[%dma_start3A_42, %dma_start3A_43] : memref<10000x128xf32, #tpu.memory_space<hbm>> -> memref<10000x128xf32, #tpu.memory_space<hbm>>
    tpu.enqueue_indirect_dma source(%dma_start3A_44 : memref<10000x128xf32, #tpu.memory_space<hbm>>) target(%arg10 : memref<128x128xf32, #tpu.memory_space<vmem>>) offsets(%dma_start3A_41 : memref<128xi32, #tpu.memory_space<vmem>>) semaphore(%arg14 : memref<!tpu.dma_semaphore, #tpu.memory_space<semaphore_mem>>)
    %jit3A_45 = arith.constant 2 : i32
    %div3A_46 = arith.divsi %add3A_4, %jit3A_45 : i32
    %sign3A_47 = arith.constant 0 : i32
    %sign3A_48 = arith.cmpi sgt, %add3A_4, %sign3A_47 : i32
    %sign3A_49 = arith.extui %sign3A_48 : i1 to i32
    %sign3A_50 = arith.constant 0 : i32
    %sign3A_51 = arith.cmpi slt, %add3A_4, %sign3A_50 : i32
    %sign3A_52 = arith.extui %sign3A_51 : i1 to i32
    %sign3A_53 = arith.subi %sign3A_49, %sign3A_52 : i32
    %sign3A_54 = arith.constant 0 : i32
    %sign3A_55 = arith.cmpi sgt, %jit3A_45, %sign3A_54 : i32
    %sign3A_56 = arith.extui %sign3A_55 : i1 to i32
    %sign3A_57 = arith.constant 0 : i32
    %sign3A_58 = arith.cmpi slt, %jit3A_45, %sign3A_57 : i32
    %sign3A_59 = arith.extui %sign3A_58 : i1 to i32
    %sign3A_60 = arith.subi %sign3A_56, %sign3A_59 : i32
    %ne3A_61 = arith.cmpi ne, %sign3A_53, %sign3A_60 : i32
    %rem3A_62 = arith.remsi %add3A_4, %jit3A_45 : i32
    %ne3A_63 = arith.constant 0 : i32
    %ne3A_64 = arith.cmpi ne, %rem3A_62, %ne3A_63 : i32
    %and3A_65 = arith.andi %ne3A_61, %ne3A_64 : i1
    %sub3A_66 = arith.constant 1 : i32
    %sub3A_67 = arith.subi %div3A_46, %sub3A_66 : i32
    %select_n3A_68 = arith.select %and3A_65, %sub3A_67, %div3A_46 : i32
    %while3A = arith.constant 0 : i32
    %while3A_69 = arith.constant 0 : i32
    %while3A_70 = arith.subi %select_n3A_68, %while3A_69 : i32
    %while3A_71 = arith.addi %while3A_69, %while3A_70 : i32
    %while3A_72 = arith.constant 1 : i32
    %while3A_73 = arith.divsi %while3A_70, %while3A_72 : i32
    %while3A_74 = arith.muli %while3A_73, %while3A_72 : i32
    %while3A_75 = arith.addi %while3A_69, %while3A_74 : i32
    %while3A_76 = arith.constant 1 : i32
    scf.for %while3A_106 = %while3A_69 to %while3A_75 step %while3A_76  : i32 {
      %mul3A_107 = arith.constant 2 : i32
      %mul3A_108 = arith.muli %mul3A_107, %while3A_106 : i32
      %add3A_109 = arith.constant 1 : i32
      %add3A_110 = arith.addi %mul3A_108, %add3A_109 : i32
      %gt3A = arith.constant 0 : i32
      %gt3A_111 = arith.cmpi sgt, %while3A_106, %gt3A : i32
      %convert_element_type3A_112 = arith.extui %gt3A_111 : i1 to i32
      %cond3A_113 = arith.constant 0 : i32
      %cond3A_114 = arith.cmpi ne, %convert_element_type3A_112, %cond3A_113 : i32
      scf.if %cond3A_114 {
        %mul3A_184 = arith.constant 128 : i32
        %mul3A_185 = arith.muli %add3A_8, %mul3A_184 : i32
        %multiple_of3A_186 = tpu.assume_multiple %mul3A_185, 128 : i32
        %dma_wait3A_187 = arith.constant 0 : i32
        %dma_wait3A_188 = tpu.memref_slice %arg6[%multiple_of3A_186, %dma_wait3A_187] : memref<80000x128xf32, #tpu.memory_space<hbm>> -> memref<128x128xf32, #tpu.memory_space<hbm>>
        %dma_wait3A_189 = arith.constant 0 : i32
        %dma_wait3A_190 = tpu.memref_slice %arg6[%multiple_of3A_186, %dma_wait3A_189] : memref<80000x128xf32, #tpu.memory_space<hbm>> -> memref<128x128xf32, #tpu.memory_space<hbm>>
        tpu.wait_dma2 semaphore(%arg18 : memref<!tpu.dma_semaphore, #tpu.memory_space<semaphore_mem>>) src(%arg11 : memref<128x128xf32, #tpu.memory_space<vmem>>) dst(%dma_wait3A_190 : memref<128x128xf32, #tpu.memory_space<hbm>>)
      } else {
      }
      %add3A_115 = arith.addi %sub3A_29, %add3A_110 : i32
      %dma_start3A_116 = arith.constant 0 : i32
      %dma_start3A_117 = tpu.memref_slice %arg7[%add3A_115, %dma_start3A_116] : memref<32x128xi32, #tpu.memory_space<vmem>> -> memref<1x128xi32, #tpu.memory_space<vmem>>
      %dma_start3A_118 = tpu.memref_squeeze %dma_start3A_117 : memref<1x128xi32, #tpu.memory_space<vmem>> -> memref<128xi32, #tpu.memory_space<vmem>>
      %dma_start3A_119 = arith.constant 0 : i32
      %dma_start3A_120 = arith.constant 0 : i32
      %dma_start3A_121 = tpu.memref_slice %arg2[%dma_start3A_119, %dma_start3A_120] : memref<10000x128xf32, #tpu.memory_space<hbm>> -> memref<10000x128xf32, #tpu.memory_space<hbm>>
      tpu.enqueue_indirect_dma source(%dma_start3A_121 : memref<10000x128xf32, #tpu.memory_space<hbm>>) target(%arg11 : memref<128x128xf32, #tpu.memory_space<vmem>>) offsets(%dma_start3A_118 : memref<128xi32, #tpu.memory_space<vmem>>) semaphore(%arg15 : memref<!tpu.dma_semaphore, #tpu.memory_space<semaphore_mem>>)
      %add3A_122 = arith.addi %sub3A_29, %add3A_110 : i32
      %dma_start3A_123 = arith.constant 0 : i32
      %dma_start3A_124 = tpu.memref_slice %arg8[%add3A_122, %dma_start3A_123] : memref<32x128xi32, #tpu.memory_space<vmem>> -> memref<1x128xi32, #tpu.memory_space<vmem>>
      %dma_start3A_125 = tpu.memref_squeeze %dma_start3A_124 : memref<1x128xi32, #tpu.memory_space<vmem>> -> memref<128xi32, #tpu.memory_space<vmem>>
      %dma_start3A_126 = arith.constant 0 : i32
      %dma_start3A_127 = arith.constant 0 : i32
      %dma_start3A_128 = tpu.memref_slice %arg3[%dma_start3A_126, %dma_start3A_127] : memref<10000x128xf32, #tpu.memory_space<hbm>> -> memref<10000x128xf32, #tpu.memory_space<hbm>>
      tpu.enqueue_indirect_dma source(%dma_start3A_128 : memref<10000x128xf32, #tpu.memory_space<hbm>>) target(%arg12 : memref<128x128xf32, #tpu.memory_space<vmem>>) offsets(%dma_start3A_125 : memref<128xi32, #tpu.memory_space<vmem>>) semaphore(%arg16 : memref<!tpu.dma_semaphore, #tpu.memory_space<semaphore_mem>>)
      %add3A_129 = arith.addi %sub3A_29, %mul3A_108 : i32
      %dma_wait3A_130 = arith.constant 0 : i32
      %dma_wait3A_131 = tpu.memref_slice %arg7[%add3A_129, %dma_wait3A_130] : memref<32x128xi32, #tpu.memory_space<vmem>> -> memref<1x128xi32, #tpu.memory_space<vmem>>
      %dma_wait3A_132 = tpu.memref_squeeze %dma_wait3A_131 : memref<1x128xi32, #tpu.memory_space<vmem>> -> memref<128xi32, #tpu.memory_space<vmem>>
      %dma_wait3A_133 = arith.constant 0 : i32
      %dma_wait3A_134 = arith.constant 0 : i32
      %dma_wait3A_135 = tpu.memref_slice %arg2[%dma_wait3A_133, %dma_wait3A_134] : memref<10000x128xf32, #tpu.memory_space<hbm>> -> memref<10000x128xf32, #tpu.memory_space<hbm>>
      tpu.wait_indirect_dma semaphore(%arg13 : memref<!tpu.dma_semaphore, #tpu.memory_space<semaphore_mem>>) src(%dma_wait3A_135 : memref<10000x128xf32, #tpu.memory_space<hbm>>) dst(%arg9 : memref<128x128xf32, #tpu.memory_space<vmem>>)
      %add3A_136 = arith.addi %sub3A_29, %mul3A_108 : i32
      %dma_wait3A_137 = arith.constant 0 : i32
      %dma_wait3A_138 = tpu.memref_slice %arg8[%add3A_136, %dma_wait3A_137] : memref<32x128xi32, #tpu.memory_space<vmem>> -> memref<1x128xi32, #tpu.memory_space<vmem>>
      %dma_wait3A_139 = tpu.memref_squeeze %dma_wait3A_138 : memref<1x128xi32, #tpu.memory_space<vmem>> -> memref<128xi32, #tpu.memory_space<vmem>>
      %dma_wait3A_140 = arith.constant 0 : i32
      %dma_wait3A_141 = arith.constant 0 : i32
      %dma_wait3A_142 = tpu.memref_slice %arg3[%dma_wait3A_140, %dma_wait3A_141] : memref<10000x128xf32, #tpu.memory_space<hbm>> -> memref<10000x128xf32, #tpu.memory_space<hbm>>
      tpu.wait_indirect_dma semaphore(%arg14 : memref<!tpu.dma_semaphore, #tpu.memory_space<semaphore_mem>>) src(%dma_wait3A_142 : memref<10000x128xf32, #tpu.memory_space<hbm>>) dst(%arg10 : memref<128x128xf32, #tpu.memory_space<vmem>>)
      %parallel_loop3A = arith.constant 0 : i32
      %parallel_loop3A_143 = arith.constant 128 : i32
      %parallel_loop3A_144 = arith.constant 1 : i32
      scf.for %parallel_loop3A_184 = %parallel_loop3A to %parallel_loop3A_143 step %parallel_loop3A_144  : i32 {
        %parallel_loop3A_185 = arith.index_cast %parallel_loop3A_184 : i32 to index
        %parallel_loop3A_186 = arith.constant 0 : index
        %parallel_loop3A_187 = tpu.vector_load %arg9[%parallel_loop3A_185, %parallel_loop3A_186] {strides = array<i32>} : memref<128x128xf32, #tpu.memory_space<vmem>>, vector<1x16xf32>,
        %parallel_loop3A_188 = vector.shape_cast %parallel_loop3A_187 : vector<1x16xf32> to vector<16xf32>
        %parallel_loop3A_189 = arith.index_cast %parallel_loop3A_184 : i32 to index
        %parallel_loop3A_190 = arith.constant 0 : index
        %parallel_loop3A_191 = tpu.vector_load %arg10[%parallel_loop3A_189, %parallel_loop3A_190] {strides = array<i32>} : memref<128x128xf32, #tpu.memory_space<vmem>>, vector<1x16xf32>,
        %parallel_loop3A_192 = vector.shape_cast %parallel_loop3A_191 : vector<1x16xf32> to vector<16xf32>
        %parallel_loop3A_193 = arith.addf %parallel_loop3A_188, %parallel_loop3A_192 : vector<16xf32>
        %parallel_loop3A_194 = arith.index_cast %parallel_loop3A_184 : i32 to index
        %parallel_loop3A_195 = arith.constant 0 : index
        %parallel_loop3A_196 = tpu.vector_load %arg9[%parallel_loop3A_194, %parallel_loop3A_195] {strides = array<i32>} : memref<128x128xf32, #tpu.memory_space<vmem>>, vector<1x16xf32>,
        %parallel_loop3A_197 = vector.shape_cast %parallel_loop3A_196 : vector<1x16xf32> to vector<16xf32>
        %parallel_loop3A_198 = vector.shape_cast %parallel_loop3A_193 : vector<16xf32> to vector<1x16xf32>
        tpu.vector_store %arg9[%parallel_loop3A_194, %parallel_loop3A_195], %parallel_loop3A_198 {strides = array<i32>} : memref<128x128xf32, #tpu.memory_space<vmem>>, vector<1x16xf32>,
        %parallel_loop3A_199 = arith.index_cast %parallel_loop3A_184 : i32 to index
        %parallel_loop3A_200 = arith.constant 16 : index
        %parallel_loop3A_201 = tpu.vector_load %arg9[%parallel_loop3A_199, %parallel_loop3A_200] {strides = array<i32>} : memref<128x128xf32, #tpu.memory_space<vmem>>, vector<1x16xf32>,
        %parallel_loop3A_202 = vector.shape_cast %parallel_loop3A_201 : vector<1x16xf32> to vector<16xf32>
        %parallel_loop3A_203 = arith.index_cast %parallel_loop3A_184 : i32 to index
        %parallel_loop3A_204 = arith.constant 16 : index
        %parallel_loop3A_205 = tpu.vector_load %arg10[%parallel_loop3A_203, %parallel_loop3A_204] {strides = array<i32>} : memref<128x128xf32, #tpu.memory_space<vmem>>, vector<1x16xf32>,
        %parallel_loop3A_206 = vector.shape_cast %parallel_loop3A_205 : vector<1x16xf32> to vector<16xf32>
        %parallel_loop3A_207 = arith.addf %parallel_loop3A_202, %parallel_loop3A_206 : vector<16xf32>
        %parallel_loop3A_208 = arith.index_cast %parallel_loop3A_184 : i32 to index
        %parallel_loop3A_209 = arith.constant 16 : index
        %parallel_loop3A_210 = tpu.vector_load %arg9[%parallel_loop3A_208, %parallel_loop3A_209] {strides = array<i32>} : memref<128x128xf32, #tpu.memory_space<vmem>>, vector<1x16xf32>,
        %parallel_loop3A_211 = vector.shape_cast %parallel_loop3A_210 : vector<1x16xf32> to vector<16xf32>
        %parallel_loop3A_212 = vector.shape_cast %parallel_loop3A_207 : vector<16xf32> to vector<1x16xf32>
        tpu.vector_store %arg9[%parallel_loop3A_208, %parallel_loop3A_209], %parallel_loop3A_212 {strides = array<i32>} : memref<128x128xf32, #tpu.memory_space<vmem>>, vector<1x16xf32>,
        %parallel_loop3A_213 = arith.index_cast %parallel_loop3A_184 : i32 to index
        %parallel_loop3A_214 = arith.constant 32 : index
        %parallel_loop3A_215 = tpu.vector_load %arg9[%parallel_loop3A_213, %parallel_loop3A_214] {strides = array<i32>} : memref<128x128xf32, #tpu.memory_space<vmem>>, vector<1x16xf32>,
        %parallel_loop3A_216 = vector.shape_cast %parallel_loop3A_215 : vector<1x16xf32> to vector<16xf32>
        %parallel_loop3A_217 = arith.index_cast %parallel_loop3A_184 : i32 to index
        %parallel_loop3A_218 = arith.constant 32 : index
        %parallel_loop3A_219 = tpu.vector_load %arg10[%parallel_loop3A_217, %parallel_loop3A_218] {strides = array<i32>} : memref<128x128xf32, #tpu.memory_space<vmem>>, vector<1x16xf32>,
        %parallel_loop3A_220 = vector.shape_cast %parallel_loop3A_219 : vector<1x16xf32> to vector<16xf32>
        %parallel_loop3A_221 = arith.addf %parallel_loop3A_216, %parallel_loop3A_220 : vector<16xf32>
        %parallel_loop3A_222 = arith.index_cast %parallel_loop3A_184 : i32 to index
        %parallel_loop3A_223 = arith.constant 32 : index
        %parallel_loop3A_224 = tpu.vector_load %arg9[%parallel_loop3A_222, %parallel_loop3A_223] {strides = array<i32>} : memref<128x128xf32, #tpu.memory_space<vmem>>, vector<1x16xf32>,
        %parallel_loop3A_225 = vector.shape_cast %parallel_loop3A_224 : vector<1x16xf32> to vector<16xf32>
        %parallel_loop3A_226 = vector.shape_cast %parallel_loop3A_221 : vector<16xf32> to vector<1x16xf32>
        tpu.vector_store %arg9[%parallel_loop3A_222, %parallel_loop3A_223], %parallel_loop3A_226 {strides = array<i32>} : memref<128x128xf32, #tpu.memory_space<vmem>>, vector<1x16xf32>,
        %parallel_loop3A_227 = arith.index_cast %parallel_loop3A_184 : i32 to index
        %parallel_loop3A_228 = arith.constant 48 : index
        %parallel_loop3A_229 = tpu.vector_load %arg9[%parallel_loop3A_227, %parallel_loop3A_228] {strides = array<i32>} : memref<128x128xf32, #tpu.memory_space<vmem>>, vector<1x16xf32>,
        %parallel_loop3A_230 = vector.shape_cast %parallel_loop3A_229 : vector<1x16xf32> to vector<16xf32>
        %parallel_loop3A_231 = arith.index_cast %parallel_loop3A_184 : i32 to index
        %parallel_loop3A_232 = arith.constant 48 : index
        %parallel_loop3A_233 = tpu.vector_load %arg10[%parallel_loop3A_231, %parallel_loop3A_232] {strides = array<i32>} : memref<128x128xf32, #tpu.memory_space<vmem>>, vector<1x16xf32>,
        %parallel_loop3A_234 = vector.shape_cast %parallel_loop3A_233 : vector<1x16xf32> to vector<16xf32>
        %parallel_loop3A_235 = arith.addf %parallel_loop3A_230, %parallel_loop3A_234 : vector<16xf32>
        %parallel_loop3A_236 = arith.index_cast %parallel_loop3A_184 : i32 to index
        %parallel_loop3A_237 = arith.constant 48 : index
        %parallel_loop3A_238 = tpu.vector_load %arg9[%parallel_loop3A_236, %parallel_loop3A_237] {strides = array<i32>} : memref<128x128xf32, #tpu.memory_space<vmem>>, vector<1x16xf32>,
        %parallel_loop3A_239 = vector.shape_cast %parallel_loop3A_238 : vector<1x16xf32> to vector<16xf32>
        %parallel_loop3A_240 = vector.shape_cast %parallel_loop3A_235 : vector<16xf32> to vector<1x16xf32>
        tpu.vector_store %arg9[%parallel_loop3A_236, %parallel_loop3A_237], %parallel_loop3A_240 {strides = array<i32>} : memref<128x128xf32, #tpu.memory_space<vmem>>, vector<1x16xf32>,
        %parallel_loop3A_241 = arith.index_cast %parallel_loop3A_184 : i32 to index
        %parallel_loop3A_242 = arith.constant 64 : index
        %parallel_loop3A_243 = tpu.vector_load %arg9[%parallel_loop3A_241, %parallel_loop3A_242] {strides = array<i32>} : memref<128x128xf32, #tpu.memory_space<vmem>>, vector<1x16xf32>,
        %parallel_loop3A_244 = vector.shape_cast %parallel_loop3A_243 : vector<1x16xf32> to vector<16xf32>
        %parallel_loop3A_245 = arith.index_cast %parallel_loop3A_184 : i32 to index
        %parallel_loop3A_246 = arith.constant 64 : index
        %parallel_loop3A_247 = tpu.vector_load %arg10[%parallel_loop3A_245, %parallel_loop3A_246] {strides = array<i32>} : memref<128x128xf32, #tpu.memory_space<vmem>>, vector<1x16xf32>,
        %parallel_loop3A_248 = vector.shape_cast %parallel_loop3A_247 : vector<1x16xf32> to vector<16xf32>
        %parallel_loop3A_249 = arith.addf %parallel_loop3A_244, %parallel_loop3A_248 : vector<16xf32>
        %parallel_loop3A_250 = arith.index_cast %parallel_loop3A_184 : i32 to index
        %parallel_loop3A_251 = arith.constant 64 : index
        %parallel_loop3A_252 = tpu.vector_load %arg9[%parallel_loop3A_250, %parallel_loop3A_251] {strides = array<i32>} : memref<128x128xf32, #tpu.memory_space<vmem>>, vector<1x16xf32>,
        %parallel_loop3A_253 = vector.shape_cast %parallel_loop3A_252 : vector<1x16xf32> to vector<16xf32>
        %parallel_loop3A_254 = vector.shape_cast %parallel_loop3A_249 : vector<16xf32> to vector<1x16xf32>
        tpu.vector_store %arg9[%parallel_loop3A_250, %parallel_loop3A_251], %parallel_loop3A_254 {strides = array<i32>} : memref<128x128xf32, #tpu.memory_space<vmem>>, vector<1x16xf32>,
        %parallel_loop3A_255 = arith.index_cast %parallel_loop3A_184 : i32 to index
        %parallel_loop3A_256 = arith.constant 80 : index
        %parallel_loop3A_257 = tpu.vector_load %arg9[%parallel_loop3A_255, %parallel_loop3A_256] {strides = array<i32>} : memref<128x128xf32, #tpu.memory_space<vmem>>, vector<1x16xf32>,
        %parallel_loop3A_258 = vector.shape_cast %parallel_loop3A_257 : vector<1x16xf32> to vector<16xf32>
        %parallel_loop3A_259 = arith.index_cast %parallel_loop3A_184 : i32 to index
        %parallel_loop3A_260 = arith.constant 80 : index
        %parallel_loop3A_261 = tpu.vector_load %arg10[%parallel_loop3A_259, %parallel_loop3A_260] {strides = array<i32>} : memref<128x128xf32, #tpu.memory_space<vmem>>, vector<1x16xf32>,
        %parallel_loop3A_262 = vector.shape_cast %parallel_loop3A_261 : vector<1x16xf32> to vector<16xf32>
        %parallel_loop3A_263 = arith.addf %parallel_loop3A_258, %parallel_loop3A_262 : vector<16xf32>
        %parallel_loop3A_264 = arith.index_cast %parallel_loop3A_184 : i32 to index
        %parallel_loop3A_265 = arith.constant 80 : index
        %parallel_loop3A_266 = tpu.vector_load %arg9[%parallel_loop3A_264, %parallel_loop3A_265] {strides = array<i32>} : memref<128x128xf32, #tpu.memory_space<vmem>>, vector<1x16xf32>,
        %parallel_loop3A_267 = vector.shape_cast %parallel_loop3A_266 : vector<1x16xf32> to vector<16xf32>
        %parallel_loop3A_268 = vector.shape_cast %parallel_loop3A_263 : vector<16xf32> to vector<1x16xf32>
        tpu.vector_store %arg9[%parallel_loop3A_264, %parallel_loop3A_265], %parallel_loop3A_268 {strides = array<i32>} : memref<128x128xf32, #tpu.memory_space<vmem>>, vector<1x16xf32>,
        %parallel_loop3A_269 = arith.index_cast %parallel_loop3A_184 : i32 to index
        %parallel_loop3A_270 = arith.constant 96 : index
        %parallel_loop3A_271 = tpu.vector_load %arg9[%parallel_loop3A_269, %parallel_loop3A_270] {strides = array<i32>} : memref<128x128xf32, #tpu.memory_space<vmem>>, vector<1x16xf32>,
        %parallel_loop3A_272 = vector.shape_cast %parallel_loop3A_271 : vector<1x16xf32> to vector<16xf32>
        %parallel_loop3A_273 = arith.index_cast %parallel_loop3A_184 : i32 to index
        %parallel_loop3A_274 = arith.constant 96 : index
        %parallel_loop3A_275 = tpu.vector_load %arg10[%parallel_loop3A_273, %parallel_loop3A_274] {strides = array<i32>} : memref<128x128xf32, #tpu.memory_space<vmem>>, vector<1x16xf32>,
        %parallel_loop3A_276 = vector.shape_cast %parallel_loop3A_275 : vector<1x16xf32> to vector<16xf32>
        %parallel_loop3A_277 = arith.addf %parallel_loop3A_272, %parallel_loop3A_276 : vector<16xf32>
        %parallel_loop3A_278 = arith.index_cast %parallel_loop3A_184 : i32 to index
        %parallel_loop3A_279 = arith.constant 96 : index
        %parallel_loop3A_280 = tpu.vector_load %arg9[%parallel_loop3A_278, %parallel_loop3A_279] {strides = array<i32>} : memref<128x128xf32, #tpu.memory_space<vmem>>, vector<1x16xf32>,
        %parallel_loop3A_281 = vector.shape_cast %parallel_loop3A_280 : vector<1x16xf32> to vector<16xf32>
        %parallel_loop3A_282 = vector.shape_cast %parallel_loop3A_277 : vector<16xf32> to vector<1x16xf32>
        tpu.vector_store %arg9[%parallel_loop3A_278, %parallel_loop3A_279], %parallel_loop3A_282 {strides = array<i32>} : memref<128x128xf32, #tpu.memory_space<vmem>>, vector<1x16xf32>,
        %parallel_loop3A_283 = arith.index_cast %parallel_loop3A_184 : i32 to index
        %parallel_loop3A_284 = arith.constant 112 : index
        %parallel_loop3A_285 = tpu.vector_load %arg9[%parallel_loop3A_283, %parallel_loop3A_284] {strides = array<i32>} : memref<128x128xf32, #tpu.memory_space<vmem>>, vector<1x16xf32>,
        %parallel_loop3A_286 = vector.shape_cast %parallel_loop3A_285 : vector<1x16xf32> to vector<16xf32>
        %parallel_loop3A_287 = arith.index_cast %parallel_loop3A_184 : i32 to index
        %parallel_loop3A_288 = arith.constant 112 : index
        %parallel_loop3A_289 = tpu.vector_load %arg10[%parallel_loop3A_287, %parallel_loop3A_288] {strides = array<i32>} : memref<128x128xf32, #tpu.memory_space<vmem>>, vector<1x16xf32>,
        %parallel_loop3A_290 = vector.shape_cast %parallel_loop3A_289 : vector<1x16xf32> to vector<16xf32>
        %parallel_loop3A_291 = arith.addf %parallel_loop3A_286, %parallel_loop3A_290 : vector<16xf32>
        %parallel_loop3A_292 = arith.index_cast %parallel_loop3A_184 : i32 to index
        %parallel_loop3A_293 = arith.constant 112 : index
        %parallel_loop3A_294 = tpu.vector_load %arg9[%parallel_loop3A_292, %parallel_loop3A_293] {strides = array<i32>} : memref<128x128xf32, #tpu.memory_space<vmem>>, vector<1x16xf32>,
        %parallel_loop3A_295 = vector.shape_cast %parallel_loop3A_294 : vector<1x16xf32> to vector<16xf32>
        %parallel_loop3A_296 = vector.shape_cast %parallel_loop3A_291 : vector<16xf32> to vector<1x16xf32>
        tpu.vector_store %arg9[%parallel_loop3A_292, %parallel_loop3A_293], %parallel_loop3A_296 {strides = array<i32>} : memref<128x128xf32, #tpu.memory_space<vmem>>, vector<1x16xf32>,
      } {sc.loop_unroll_factor = 2 : i64, sc.parallel_access}
      %add3A_145 = arith.addi %add3A_8, %mul3A_108 : i32
      %mul3A_146 = arith.constant 128 : i32
      %mul3A_147 = arith.muli %add3A_145, %mul3A_146 : i32
      %multiple_of3A_148 = tpu.assume_multiple %mul3A_147, 128 : i32
      %dma_start3A_149 = arith.constant 0 : i32
      %dma_start3A_150 = tpu.memref_slice %arg6[%multiple_of3A_148, %dma_start3A_149] : memref<80000x128xf32, #tpu.memory_space<hbm>> -> memref<128x128xf32, #tpu.memory_space<hbm>>
      %dma_start3A_151 = arith.constant 0 : i32
      %dma_start3A_152 = tpu.memref_slice %arg6[%multiple_of3A_148, %dma_start3A_151] : memref<80000x128xf32, #tpu.memory_space<hbm>> -> memref<128x128xf32, #tpu.memory_space<hbm>>
      tpu.enqueue_dma source(%arg9 : memref<128x128xf32, #tpu.memory_space<vmem>>) target(%dma_start3A_152 : memref<128x128xf32, #tpu.memory_space<hbm>>) target_semaphore(%arg17 : memref<!tpu.dma_semaphore, #tpu.memory_space<semaphore_mem>>)
      %add3A_153 = arith.constant 1 : i32
      %add3A_154 = arith.addi %add3A_110, %add3A_153 : i32
      %lt3A_155 = arith.cmpi slt, %add3A_154, %add3A_4 : i32
      %convert_element_type3A_156 = arith.extui %lt3A_155 : i1 to i32
      %cond3A_157 = arith.constant 0 : i32
      %cond3A_158 = arith.cmpi ne, %convert_element_type3A_156, %cond3A_157 : i32
      scf.if %cond3A_158 {
        %mul3A_184 = arith.constant 128 : i32
        %mul3A_185 = arith.muli %add3A_8, %mul3A_184 : i32
        %multiple_of3A_186 = tpu.assume_multiple %mul3A_185, 128 : i32
        %dma_wait3A_187 = arith.constant 0 : i32
        %dma_wait3A_188 = tpu.memref_slice %arg6[%multiple_of3A_186, %dma_wait3A_187] : memref<80000x128xf32, #tpu.memory_space<hbm>> -> memref<128x128xf32, #tpu.memory_space<hbm>>
        %dma_wait3A_189 = arith.constant 0 : i32
        %dma_wait3A_190 = tpu.memref_slice %arg6[%multiple_of3A_186, %dma_wait3A_189] : memref<80000x128xf32, #tpu.memory_space<hbm>> -> memref<128x128xf32, #tpu.memory_space<hbm>>
        tpu.wait_dma2 semaphore(%arg17 : memref<!tpu.dma_semaphore, #tpu.memory_space<semaphore_mem>>) src(%arg9 : memref<128x128xf32, #tpu.memory_space<vmem>>) dst(%dma_wait3A_190 : memref<128x128xf32, #tpu.memory_space<hbm>>)
        %add3A_191 = arith.constant 1 : i32
        %add3A_192 = arith.addi %add3A_110, %add3A_191 : i32
        %add3A_193 = arith.addi %sub3A_29, %add3A_192 : i32
        %dma_start3A_194 = arith.constant 0 : i32
        %dma_start3A_195 = tpu.memref_slice %arg7[%add3A_193, %dma_start3A_194] : memref<32x128xi32, #tpu.memory_space<vmem>> -> memref<1x128xi32, #tpu.memory_space<vmem>>
        %dma_start3A_196 = tpu.memref_squeeze %dma_start3A_195 : memref<1x128xi32, #tpu.memory_space<vmem>> -> memref<128xi32, #tpu.memory_space<vmem>>
        %dma_start3A_197 = arith.constant 0 : i32
        %dma_start3A_198 = arith.constant 0 : i32
        %dma_start3A_199 = tpu.memref_slice %arg2[%dma_start3A_197, %dma_start3A_198] : memref<10000x128xf32, #tpu.memory_space<hbm>> -> memref<10000x128xf32, #tpu.memory_space<hbm>>
        tpu.enqueue_indirect_dma source(%dma_start3A_199 : memref<10000x128xf32, #tpu.memory_space<hbm>>) target(%arg9 : memref<128x128xf32, #tpu.memory_space<vmem>>) offsets(%dma_start3A_196 : memref<128xi32, #tpu.memory_space<vmem>>) semaphore(%arg13 : memref<!tpu.dma_semaphore, #tpu.memory_space<semaphore_mem>>)
        %add3A_200 = arith.addi %sub3A_29, %add3A_192 : i32
        %dma_start3A_201 = arith.constant 0 : i32
        %dma_start3A_202 = tpu.memref_slice %arg8[%add3A_200, %dma_start3A_201] : memref<32x128xi32, #tpu.memory_space<vmem>> -> memref<1x128xi32, #tpu.memory_space<vmem>>
        %dma_start3A_203 = tpu.memref_squeeze %dma_start3A_202 : memref<1x128xi32, #tpu.memory_space<vmem>> -> memref<128xi32, #tpu.memory_space<vmem>>
        %dma_start3A_204 = arith.constant 0 : i32
        %dma_start3A_205 = arith.constant 0 : i32
        %dma_start3A_206 = tpu.memref_slice %arg3[%dma_start3A_204, %dma_start3A_205] : memref<10000x128xf32, #tpu.memory_space<hbm>> -> memref<10000x128xf32, #tpu.memory_space<hbm>>
        tpu.enqueue_indirect_dma source(%dma_start3A_206 : memref<10000x128xf32, #tpu.memory_space<hbm>>) target(%arg10 : memref<128x128xf32, #tpu.memory_space<vmem>>) offsets(%dma_start3A_203 : memref<128xi32, #tpu.memory_space<vmem>>) semaphore(%arg14 : memref<!tpu.dma_semaphore, #tpu.memory_space<semaphore_mem>>)
      } else {
      }
      %add3A_159 = arith.addi %sub3A_29, %add3A_110 : i32
      %dma_wait3A_160 = arith.constant 0 : i32
      %dma_wait3A_161 = tpu.memref_slice %arg7[%add3A_159, %dma_wait3A_160] : memref<32x128xi32, #tpu.memory_space<vmem>> -> memref<1x128xi32, #tpu.memory_space<vmem>>
      %dma_wait3A_162 = tpu.memref_squeeze %dma_wait3A_161 : memref<1x128xi32, #tpu.memory_space<vmem>> -> memref<128xi32, #tpu.memory_space<vmem>>
      %dma_wait3A_163 = arith.constant 0 : i32
      %dma_wait3A_164 = arith.constant 0 : i32
      %dma_wait3A_165 = tpu.memref_slice %arg2[%dma_wait3A_163, %dma_wait3A_164] : memref<10000x128xf32, #tpu.memory_space<hbm>> -> memref<10000x128xf32, #tpu.memory_space<hbm>>
      tpu.wait_indirect_dma semaphore(%arg15 : memref<!tpu.dma_semaphore, #tpu.memory_space<semaphore_mem>>) src(%dma_wait3A_165 : memref<10000x128xf32, #tpu.memory_space<hbm>>) dst(%arg11 : memref<128x128xf32, #tpu.memory_space<vmem>>)
      %add3A_166 = arith.addi %sub3A_29, %add3A_110 : i32
      %dma_wait3A_167 = arith.constant 0 : i32
      %dma_wait3A_168 = tpu.memref_slice %arg8[%add3A_166, %dma_wait3A_167] : memref<32x128xi32, #tpu.memory_space<vmem>> -> memref<1x128xi32, #tpu.memory_space<vmem>>
      %dma_wait3A_169 = tpu.memref_squeeze %dma_wait3A_168 : memref<1x128xi32, #tpu.memory_space<vmem>> -> memref<128xi32, #tpu.memory_space<vmem>>
      %dma_wait3A_170 = arith.constant 0 : i32
      %dma_wait3A_171 = arith.constant 0 : i32
      %dma_wait3A_172 = tpu.memref_slice %arg3[%dma_wait3A_170, %dma_wait3A_171] : memref<10000x128xf32, #tpu.memory_space<hbm>> -> memref<10000x128xf32, #tpu.memory_space<hbm>>
      tpu.wait_indirect_dma semaphore(%arg16 : memref<!tpu.dma_semaphore, #tpu.memory_space<semaphore_mem>>) src(%dma_wait3A_172 : memref<10000x128xf32, #tpu.memory_space<hbm>>) dst(%arg12 : memref<128x128xf32, #tpu.memory_space<vmem>>)
      %parallel_loop3A_173 = arith.constant 0 : i32
      %parallel_loop3A_174 = arith.constant 128 : i32
      %parallel_loop3A_175 = arith.constant 1 : i32
      scf.for %parallel_loop3A_184 = %parallel_loop3A_173 to %parallel_loop3A_174 step %parallel_loop3A_175  : i32 {
        %parallel_loop3A_185 = arith.index_cast %parallel_loop3A_184 : i32 to index
        %parallel_loop3A_186 = arith.constant 0 : index
        %parallel_loop3A_187 = tpu.vector_load %arg11[%parallel_loop3A_185, %parallel_loop3A_186] {strides = array<i32>} : memref<128x128xf32, #tpu.memory_space<vmem>>, vector<1x16xf32>,
        %parallel_loop3A_188 = vector.shape_cast %parallel_loop3A_187 : vector<1x16xf32> to vector<16xf32>
        %parallel_loop3A_189 = arith.index_cast %parallel_loop3A_184 : i32 to index
        %parallel_loop3A_190 = arith.constant 0 : index
        %parallel_loop3A_191 = tpu.vector_load %arg12[%parallel_loop3A_189, %parallel_loop3A_190] {strides = array<i32>} : memref<128x128xf32, #tpu.memory_space<vmem>>, vector<1x16xf32>,
        %parallel_loop3A_192 = vector.shape_cast %parallel_loop3A_191 : vector<1x16xf32> to vector<16xf32>
        %parallel_loop3A_193 = arith.addf %parallel_loop3A_188, %parallel_loop3A_192 : vector<16xf32>
        %parallel_loop3A_194 = arith.index_cast %parallel_loop3A_184 : i32 to index
        %parallel_loop3A_195 = arith.constant 0 : index
        %parallel_loop3A_196 = tpu.vector_load %arg11[%parallel_loop3A_194, %parallel_loop3A_195] {strides = array<i32>} : memref<128x128xf32, #tpu.memory_space<vmem>>, vector<1x16xf32>,
        %parallel_loop3A_197 = vector.shape_cast %parallel_loop3A_196 : vector<1x16xf32> to vector<16xf32>
        %parallel_loop3A_198 = vector.shape_cast %parallel_loop3A_193 : vector<16xf32> to vector<1x16xf32>
        tpu.vector_store %arg11[%parallel_loop3A_194, %parallel_loop3A_195], %parallel_loop3A_198 {strides = array<i32>} : memref<128x128xf32, #tpu.memory_space<vmem>>, vector<1x16xf32>,
        %parallel_loop3A_199 = arith.index_cast %parallel_loop3A_184 : i32 to index
        %parallel_loop3A_200 = arith.constant 16 : index
        %parallel_loop3A_201 = tpu.vector_load %arg11[%parallel_loop3A_199, %parallel_loop3A_200] {strides = array<i32>} : memref<128x128xf32, #tpu.memory_space<vmem>>, vector<1x16xf32>,
        %parallel_loop3A_202 = vector.shape_cast %parallel_loop3A_201 : vector<1x16xf32> to vector<16xf32>
        %parallel_loop3A_203 = arith.index_cast %parallel_loop3A_184 : i32 to index
        %parallel_loop3A_204 = arith.constant 16 : index
        %parallel_loop3A_205 = tpu.vector_load %arg12[%parallel_loop3A_203, %parallel_loop3A_204] {strides = array<i32>} : memref<128x128xf32, #tpu.memory_space<vmem>>, vector<1x16xf32>,
        %parallel_loop3A_206 = vector.shape_cast %parallel_loop3A_205 : vector<1x16xf32> to vector<16xf32>
        %parallel_loop3A_207 = arith.addf %parallel_loop3A_202, %parallel_loop3A_206 : vector<16xf32>
        %parallel_loop3A_208 = arith.index_cast %parallel_loop3A_184 : i32 to index
        %parallel_loop3A_209 = arith.constant 16 : index
        %parallel_loop3A_210 = tpu.vector_load %arg11[%parallel_loop3A_208, %parallel_loop3A_209] {strides = array<i32>} : memref<128x128xf32, #tpu.memory_space<vmem>>, vector<1x16xf32>,
        %parallel_loop3A_211 = vector.shape_cast %parallel_loop3A_210 : vector<1x16xf32> to vector<16xf32>
        %parallel_loop3A_212 = vector.shape_cast %parallel_loop3A_207 : vector<16xf32> to vector<1x16xf32>
        tpu.vector_store %arg11[%parallel_loop3A_208, %parallel_loop3A_209], %parallel_loop3A_212 {strides = array<i32>} : memref<128x128xf32, #tpu.memory_space<vmem>>, vector<1x16xf32>,
        %parallel_loop3A_213 = arith.index_cast %parallel_loop3A_184 : i32 to index
        %parallel_loop3A_214 = arith.constant 32 : index
        %parallel_loop3A_215 = tpu.vector_load %arg11[%parallel_loop3A_213, %parallel_loop3A_214] {strides = array<i32>} : memref<128x128xf32, #tpu.memory_space<vmem>>, vector<1x16xf32>,
        %parallel_loop3A_216 = vector.shape_cast %parallel_loop3A_215 : vector<1x16xf32> to vector<16xf32>
        %parallel_loop3A_217 = arith.index_cast %parallel_loop3A_184 : i32 to index
        %parallel_loop3A_218 = arith.constant 32 : index
        %parallel_loop3A_219 = tpu.vector_load %arg12[%parallel_loop3A_217, %parallel_loop3A_218] {strides = array<i32>} : memref<128x128xf32, #tpu.memory_space<vmem>>, vector<1x16xf32>,
        %parallel_loop3A_220 = vector.shape_cast %parallel_loop3A_219 : vector<1x16xf32> to vector<16xf32>
        %parallel_loop3A_221 = arith.addf %parallel_loop3A_216, %parallel_loop3A_220 : vector<16xf32>
        %parallel_loop3A_222 = arith.index_cast %parallel_loop3A_184 : i32 to index
        %parallel_loop3A_223 = arith.constant 32 : index
        %parallel_loop3A_224 = tpu.vector_load %arg11[%parallel_loop3A_222, %parallel_loop3A_223] {strides = array<i32>} : memref<128x128xf32, #tpu.memory_space<vmem>>, vector<1x16xf32>,
        %parallel_loop3A_225 = vector.shape_cast %parallel_loop3A_224 : vector<1x16xf32> to vector<16xf32>
        %parallel_loop3A_226 = vector.shape_cast %parallel_loop3A_221 : vector<16xf32> to vector<1x16xf32>
        tpu.vector_store %arg11[%parallel_loop3A_222, %parallel_loop3A_223], %parallel_loop3A_226 {strides = array<i32>} : memref<128x128xf32, #tpu.memory_space<vmem>>, vector<1x16xf32>,
        %parallel_loop3A_227 = arith.index_cast %parallel_loop3A_184 : i32 to index
        %parallel_loop3A_228 = arith.constant 48 : index
        %parallel_loop3A_229 = tpu.vector_load %arg11[%parallel_loop3A_227, %parallel_loop3A_228] {strides = array<i32>} : memref<128x128xf32, #tpu.memory_space<vmem>>, vector<1x16xf32>,
        %parallel_loop3A_230 = vector.shape_cast %parallel_loop3A_229 : vector<1x16xf32> to vector<16xf32>
        %parallel_loop3A_231 = arith.index_cast %parallel_loop3A_184 : i32 to index
        %parallel_loop3A_232 = arith.constant 48 : index
        %parallel_loop3A_233 = tpu.vector_load %arg12[%parallel_loop3A_231, %parallel_loop3A_232] {strides = array<i32>} : memref<128x128xf32, #tpu.memory_space<vmem>>, vector<1x16xf32>,
        %parallel_loop3A_234 = vector.shape_cast %parallel_loop3A_233 : vector<1x16xf32> to vector<16xf32>
        %parallel_loop3A_235 = arith.addf %parallel_loop3A_230, %parallel_loop3A_234 : vector<16xf32>
        %parallel_loop3A_236 = arith.index_cast %parallel_loop3A_184 : i32 to index
        %parallel_loop3A_237 = arith.constant 48 : index
        %parallel_loop3A_238 = tpu.vector_load %arg11[%parallel_loop3A_236, %parallel_loop3A_237] {strides = array<i32>} : memref<128x128xf32, #tpu.memory_space<vmem>>, vector<1x16xf32>,
        %parallel_loop3A_239 = vector.shape_cast %parallel_loop3A_238 : vector<1x16xf32> to vector<16xf32>
        %parallel_loop3A_240 = vector.shape_cast %parallel_loop3A_235 : vector<16xf32> to vector<1x16xf32>
        tpu.vector_store %arg11[%parallel_loop3A_236, %parallel_loop3A_237], %parallel_loop3A_240 {strides = array<i32>} : memref<128x128xf32, #tpu.memory_space<vmem>>, vector<1x16xf32>,
        %parallel_loop3A_241 = arith.index_cast %parallel_loop3A_184 : i32 to index
        %parallel_loop3A_242 = arith.constant 64 : index
        %parallel_loop3A_243 = tpu.vector_load %arg11[%parallel_loop3A_241, %parallel_loop3A_242] {strides = array<i32>} : memref<128x128xf32, #tpu.memory_space<vmem>>, vector<1x16xf32>,
        %parallel_loop3A_244 = vector.shape_cast %parallel_loop3A_243 : vector<1x16xf32> to vector<16xf32>
        %parallel_loop3A_245 = arith.index_cast %parallel_loop3A_184 : i32 to index
        %parallel_loop3A_246 = arith.constant 64 : index
        %parallel_loop3A_247 = tpu.vector_load %arg12[%parallel_loop3A_245, %parallel_loop3A_246] {strides = array<i32>} : memref<128x128xf32, #tpu.memory_space<vmem>>, vector<1x16xf32>,
        %parallel_loop3A_248 = vector.shape_cast %parallel_loop3A_247 : vector<1x16xf32> to vector<16xf32>
        %parallel_loop3A_249 = arith.addf %parallel_loop3A_244, %parallel_loop3A_248 : vector<16xf32>
        %parallel_loop3A_250 = arith.index_cast %parallel_loop3A_184 : i32 to index
        %parallel_loop3A_251 = arith.constant 64 : index
        %parallel_loop3A_252 = tpu.vector_load %arg11[%parallel_loop3A_250, %parallel_loop3A_251] {strides = array<i32>} : memref<128x128xf32, #tpu.memory_space<vmem>>, vector<1x16xf32>,
        %parallel_loop3A_253 = vector.shape_cast %parallel_loop3A_252 : vector<1x16xf32> to vector<16xf32>
        %parallel_loop3A_254 = vector.shape_cast %parallel_loop3A_249 : vector<16xf32> to vector<1x16xf32>
        tpu.vector_store %arg11[%parallel_loop3A_250, %parallel_loop3A_251], %parallel_loop3A_254 {strides = array<i32>} : memref<128x128xf32, #tpu.memory_space<vmem>>, vector<1x16xf32>,
        %parallel_loop3A_255 = arith.index_cast %parallel_loop3A_184 : i32 to index
        %parallel_loop3A_256 = arith.constant 80 : index
        %parallel_loop3A_257 = tpu.vector_load %arg11[%parallel_loop3A_255, %parallel_loop3A_256] {strides = array<i32>} : memref<128x128xf32, #tpu.memory_space<vmem>>, vector<1x16xf32>,
        %parallel_loop3A_258 = vector.shape_cast %parallel_loop3A_257 : vector<1x16xf32> to vector<16xf32>
        %parallel_loop3A_259 = arith.index_cast %parallel_loop3A_184 : i32 to index
        %parallel_loop3A_260 = arith.constant 80 : index
        %parallel_loop3A_261 = tpu.vector_load %arg12[%parallel_loop3A_259, %parallel_loop3A_260] {strides = array<i32>} : memref<128x128xf32, #tpu.memory_space<vmem>>, vector<1x16xf32>,
        %parallel_loop3A_262 = vector.shape_cast %parallel_loop3A_261 : vector<1x16xf32> to vector<16xf32>
        %parallel_loop3A_263 = arith.addf %parallel_loop3A_258, %parallel_loop3A_262 : vector<16xf32>
        %parallel_loop3A_264 = arith.index_cast %parallel_loop3A_184 : i32 to index
        %parallel_loop3A_265 = arith.constant 80 : index
        %parallel_loop3A_266 = tpu.vector_load %arg11[%parallel_loop3A_264, %parallel_loop3A_265] {strides = array<i32>} : memref<128x128xf32, #tpu.memory_space<vmem>>, vector<1x16xf32>,
        %parallel_loop3A_267 = vector.shape_cast %parallel_loop3A_266 : vector<1x16xf32> to vector<16xf32>
        %parallel_loop3A_268 = vector.shape_cast %parallel_loop3A_263 : vector<16xf32> to vector<1x16xf32>
        tpu.vector_store %arg11[%parallel_loop3A_264, %parallel_loop3A_265], %parallel_loop3A_268 {strides = array<i32>} : memref<128x128xf32, #tpu.memory_space<vmem>>, vector<1x16xf32>,
        %parallel_loop3A_269 = arith.index_cast %parallel_loop3A_184 : i32 to index
        %parallel_loop3A_270 = arith.constant 96 : index
        %parallel_loop3A_271 = tpu.vector_load %arg11[%parallel_loop3A_269, %parallel_loop3A_270] {strides = array<i32>} : memref<128x128xf32, #tpu.memory_space<vmem>>, vector<1x16xf32>,
        %parallel_loop3A_272 = vector.shape_cast %parallel_loop3A_271 : vector<1x16xf32> to vector<16xf32>
        %parallel_loop3A_273 = arith.index_cast %parallel_loop3A_184 : i32 to index
        %parallel_loop3A_274 = arith.constant 96 : index
        %parallel_loop3A_275 = tpu.vector_load %arg12[%parallel_loop3A_273, %parallel_loop3A_274] {strides = array<i32>} : memref<128x128xf32, #tpu.memory_space<vmem>>, vector<1x16xf32>,
        %parallel_loop3A_276 = vector.shape_cast %parallel_loop3A_275 : vector<1x16xf32> to vector<16xf32>
        %parallel_loop3A_277 = arith.addf %parallel_loop3A_272, %parallel_loop3A_276 : vector<16xf32>
        %parallel_loop3A_278 = arith.index_cast %parallel_loop3A_184 : i32 to index
        %parallel_loop3A_279 = arith.constant 96 : index
        %parallel_loop3A_280 = tpu.vector_load %arg11[%parallel_loop3A_278, %parallel_loop3A_279] {strides = array<i32>} : memref<128x128xf32, #tpu.memory_space<vmem>>, vector<1x16xf32>,
        %parallel_loop3A_281 = vector.shape_cast %parallel_loop3A_280 : vector<1x16xf32> to vector<16xf32>
        %parallel_loop3A_282 = vector.shape_cast %parallel_loop3A_277 : vector<16xf32> to vector<1x16xf32>
        tpu.vector_store %arg11[%parallel_loop3A_278, %parallel_loop3A_279], %parallel_loop3A_282 {strides = array<i32>} : memref<128x128xf32, #tpu.memory_space<vmem>>, vector<1x16xf32>,
        %parallel_loop3A_283 = arith.index_cast %parallel_loop3A_184 : i32 to index
        %parallel_loop3A_284 = arith.constant 112 : index
        %parallel_loop3A_285 = tpu.vector_load %arg11[%parallel_loop3A_283, %parallel_loop3A_284] {strides = array<i32>} : memref<128x128xf32, #tpu.memory_space<vmem>>, vector<1x16xf32>,
        %parallel_loop3A_286 = vector.shape_cast %parallel_loop3A_285 : vector<1x16xf32> to vector<16xf32>
        %parallel_loop3A_287 = arith.index_cast %parallel_loop3A_184 : i32 to index
        %parallel_loop3A_288 = arith.constant 112 : index
        %parallel_loop3A_289 = tpu.vector_load %arg12[%parallel_loop3A_287, %parallel_loop3A_288] {strides = array<i32>} : memref<128x128xf32, #tpu.memory_space<vmem>>, vector<1x16xf32>,
        %parallel_loop3A_290 = vector.shape_cast %parallel_loop3A_289 : vector<1x16xf32> to vector<16xf32>
        %parallel_loop3A_291 = arith.addf %parallel_loop3A_286, %parallel_loop3A_290 : vector<16xf32>
        %parallel_loop3A_292 = arith.index_cast %parallel_loop3A_184 : i32 to index
        %parallel_loop3A_293 = arith.constant 112 : index
        %parallel_loop3A_294 = tpu.vector_load %arg11[%parallel_loop3A_292, %parallel_loop3A_293] {strides = array<i32>} : memref<128x128xf32, #tpu.memory_space<vmem>>, vector<1x16xf32>,
        %parallel_loop3A_295 = vector.shape_cast %parallel_loop3A_294 : vector<1x16xf32> to vector<16xf32>
        %parallel_loop3A_296 = vector.shape_cast %parallel_loop3A_291 : vector<16xf32> to vector<1x16xf32>
        tpu.vector_store %arg11[%parallel_loop3A_292, %parallel_loop3A_293], %parallel_loop3A_296 {strides = array<i32>} : memref<128x128xf32, #tpu.memory_space<vmem>>, vector<1x16xf32>,
      } {sc.loop_unroll_factor = 2 : i64, sc.parallel_access}
      %add3A_176 = arith.addi %add3A_8, %add3A_110 : i32
      %mul3A_177 = arith.constant 128 : i32
      %mul3A_178 = arith.muli %add3A_176, %mul3A_177 : i32
      %multiple_of3A_179 = tpu.assume_multiple %mul3A_178, 128 : i32
      %dma_start3A_180 = arith.constant 0 : i32
      %dma_start3A_181 = tpu.memref_slice %arg6[%multiple_of3A_179, %dma_start3A_180] : memref<80000x128xf32, #tpu.memory_space<hbm>> -> memref<128x128xf32, #tpu.memory_space<hbm>>
      %dma_start3A_182 = arith.constant 0 : i32
      %dma_start3A_183 = tpu.memref_slice %arg6[%multiple_of3A_179, %dma_start3A_182] : memref<80000x128xf32, #tpu.memory_space<hbm>> -> memref<128x128xf32, #tpu.memory_space<hbm>>
      tpu.enqueue_dma source(%arg11 : memref<128x128xf32, #tpu.memory_space<vmem>>) target(%dma_start3A_183 : memref<128x128xf32, #tpu.memory_space<hbm>>) target_semaphore(%arg18 : memref<!tpu.dma_semaphore, #tpu.memory_space<semaphore_mem>>)
    }
    %while3A_77 = arith.constant 1 : i32
    scf.for %while3A_106 = %while3A_75 to %while3A_71 step %while3A_77  : i32 {
      %mul3A_107 = arith.constant 2 : i32
      %mul3A_108 = arith.muli %mul3A_107, %while3A_106 : i32
      %add3A_109 = arith.constant 1 : i32
      %add3A_110 = arith.addi %mul3A_108, %add3A_109 : i32
      %gt3A = arith.constant 0 : i32
      %gt3A_111 = arith.cmpi sgt, %while3A_106, %gt3A : i32
      %convert_element_type3A_112 = arith.extui %gt3A_111 : i1 to i32
      %cond3A_113 = arith.constant 0 : i32
      %cond3A_114 = arith.cmpi ne, %convert_element_type3A_112, %cond3A_113 : i32
      scf.if %cond3A_114 {
        %mul3A_184 = arith.constant 128 : i32
        %mul3A_185 = arith.muli %add3A_8, %mul3A_184 : i32
        %multiple_of3A_186 = tpu.assume_multiple %mul3A_185, 128 : i32
        %dma_wait3A_187 = arith.constant 0 : i32
        %dma_wait3A_188 = tpu.memref_slice %arg6[%multiple_of3A_186, %dma_wait3A_187] : memref<80000x128xf32, #tpu.memory_space<hbm>> -> memref<128x128xf32, #tpu.memory_space<hbm>>
        %dma_wait3A_189 = arith.constant 0 : i32
        %dma_wait3A_190 = tpu.memref_slice %arg6[%multiple_of3A_186, %dma_wait3A_189] : memref<80000x128xf32, #tpu.memory_space<hbm>> -> memref<128x128xf32, #tpu.memory_space<hbm>>
        tpu.wait_dma2 semaphore(%arg18 : memref<!tpu.dma_semaphore, #tpu.memory_space<semaphore_mem>>) src(%arg11 : memref<128x128xf32, #tpu.memory_space<vmem>>) dst(%dma_wait3A_190 : memref<128x128xf32, #tpu.memory_space<hbm>>)
      } else {
      }
      %add3A_115 = arith.addi %sub3A_29, %add3A_110 : i32
      %dma_start3A_116 = arith.constant 0 : i32
      %dma_start3A_117 = tpu.memref_slice %arg7[%add3A_115, %dma_start3A_116] : memref<32x128xi32, #tpu.memory_space<vmem>> -> memref<1x128xi32, #tpu.memory_space<vmem>>
      %dma_start3A_118 = tpu.memref_squeeze %dma_start3A_117 : memref<1x128xi32, #tpu.memory_space<vmem>> -> memref<128xi32, #tpu.memory_space<vmem>>
      %dma_start3A_119 = arith.constant 0 : i32
      %dma_start3A_120 = arith.constant 0 : i32
      %dma_start3A_121 = tpu.memref_slice %arg2[%dma_start3A_119, %dma_start3A_120] : memref<10000x128xf32, #tpu.memory_space<hbm>> -> memref<10000x128xf32, #tpu.memory_space<hbm>>
      tpu.enqueue_indirect_dma source(%dma_start3A_121 : memref<10000x128xf32, #tpu.memory_space<hbm>>) target(%arg11 : memref<128x128xf32, #tpu.memory_space<vmem>>) offsets(%dma_start3A_118 : memref<128xi32, #tpu.memory_space<vmem>>) semaphore(%arg15 : memref<!tpu.dma_semaphore, #tpu.memory_space<semaphore_mem>>)
      %add3A_122 = arith.addi %sub3A_29, %add3A_110 : i32
      %dma_start3A_123 = arith.constant 0 : i32
      %dma_start3A_124 = tpu.memref_slice %arg8[%add3A_122, %dma_start3A_123] : memref<32x128xi32, #tpu.memory_space<vmem>> -> memref<1x128xi32, #tpu.memory_space<vmem>>
      %dma_start3A_125 = tpu.memref_squeeze %dma_start3A_124 : memref<1x128xi32, #tpu.memory_space<vmem>> -> memref<128xi32, #tpu.memory_space<vmem>>
      %dma_start3A_126 = arith.constant 0 : i32
      %dma_start3A_127 = arith.constant 0 : i32
      %dma_start3A_128 = tpu.memref_slice %arg3[%dma_start3A_126, %dma_start3A_127] : memref<10000x128xf32, #tpu.memory_space<hbm>> -> memref<10000x128xf32, #tpu.memory_space<hbm>>
      tpu.enqueue_indirect_dma source(%dma_start3A_128 : memref<10000x128xf32, #tpu.memory_space<hbm>>) target(%arg12 : memref<128x128xf32, #tpu.memory_space<vmem>>) offsets(%dma_start3A_125 : memref<128xi32, #tpu.memory_space<vmem>>) semaphore(%arg16 : memref<!tpu.dma_semaphore, #tpu.memory_space<semaphore_mem>>)
      %add3A_129 = arith.addi %sub3A_29, %mul3A_108 : i32
      %dma_wait3A_130 = arith.constant 0 : i32
      %dma_wait3A_131 = tpu.memref_slice %arg7[%add3A_129, %dma_wait3A_130] : memref<32x128xi32, #tpu.memory_space<vmem>> -> memref<1x128xi32, #tpu.memory_space<vmem>>
      %dma_wait3A_132 = tpu.memref_squeeze %dma_wait3A_131 : memref<1x128xi32, #tpu.memory_space<vmem>> -> memref<128xi32, #tpu.memory_space<vmem>>
      %dma_wait3A_133 = arith.constant 0 : i32
      %dma_wait3A_134 = arith.constant 0 : i32
      %dma_wait3A_135 = tpu.memref_slice %arg2[%dma_wait3A_133, %dma_wait3A_134] : memref<10000x128xf32, #tpu.memory_space<hbm>> -> memref<10000x128xf32, #tpu.memory_space<hbm>>
      tpu.wait_indirect_dma semaphore(%arg13 : memref<!tpu.dma_semaphore, #tpu.memory_space<semaphore_mem>>) src(%dma_wait3A_135 : memref<10000x128xf32, #tpu.memory_space<hbm>>) dst(%arg9 : memref<128x128xf32, #tpu.memory_space<vmem>>)
      %add3A_136 = arith.addi %sub3A_29, %mul3A_108 : i32
      %dma_wait3A_137 = arith.constant 0 : i32
      %dma_wait3A_138 = tpu.memref_slice %arg8[%add3A_136, %dma_wait3A_137] : memref<32x128xi32, #tpu.memory_space<vmem>> -> memref<1x128xi32, #tpu.memory_space<vmem>>
      %dma_wait3A_139 = tpu.memref_squeeze %dma_wait3A_138 : memref<1x128xi32, #tpu.memory_space<vmem>> -> memref<128xi32, #tpu.memory_space<vmem>>
      %dma_wait3A_140 = arith.constant 0 : i32
      %dma_wait3A_141 = arith.constant 0 : i32
      %dma_wait3A_142 = tpu.memref_slice %arg3[%dma_wait3A_140, %dma_wait3A_141] : memref<10000x128xf32, #tpu.memory_space<hbm>> -> memref<10000x128xf32, #tpu.memory_space<hbm>>
      tpu.wait_indirect_dma semaphore(%arg14 : memref<!tpu.dma_semaphore, #tpu.memory_space<semaphore_mem>>) src(%dma_wait3A_142 : memref<10000x128xf32, #tpu.memory_space<hbm>>) dst(%arg10 : memref<128x128xf32, #tpu.memory_space<vmem>>)
      %parallel_loop3A = arith.constant 0 : i32
      %parallel_loop3A_143 = arith.constant 128 : i32
      %parallel_loop3A_144 = arith.constant 1 : i32
      scf.for %parallel_loop3A_184 = %parallel_loop3A to %parallel_loop3A_143 step %parallel_loop3A_144  : i32 {
        %parallel_loop3A_185 = arith.index_cast %parallel_loop3A_184 : i32 to index
        %parallel_loop3A_186 = arith.constant 0 : index
        %parallel_loop3A_187 = tpu.vector_load %arg9[%parallel_loop3A_185, %parallel_loop3A_186] {strides = array<i32>} : memref<128x128xf32, #tpu.memory_space<vmem>>, vector<1x16xf32>,
        %parallel_loop3A_188 = vector.shape_cast %parallel_loop3A_187 : vector<1x16xf32> to vector<16xf32>
        %parallel_loop3A_189 = arith.index_cast %parallel_loop3A_184 : i32 to index
        %parallel_loop3A_190 = arith.constant 0 : index
        %parallel_loop3A_191 = tpu.vector_load %arg10[%parallel_loop3A_189, %parallel_loop3A_190] {strides = array<i32>} : memref<128x128xf32, #tpu.memory_space<vmem>>, vector<1x16xf32>,
        %parallel_loop3A_192 = vector.shape_cast %parallel_loop3A_191 : vector<1x16xf32> to vector<16xf32>
        %parallel_loop3A_193 = arith.addf %parallel_loop3A_188, %parallel_loop3A_192 : vector<16xf32>
        %parallel_loop3A_194 = arith.index_cast %parallel_loop3A_184 : i32 to index
        %parallel_loop3A_195 = arith.constant 0 : index
        %parallel_loop3A_196 = tpu.vector_load %arg9[%parallel_loop3A_194, %parallel_loop3A_195] {strides = array<i32>} : memref<128x128xf32, #tpu.memory_space<vmem>>, vector<1x16xf32>,
        %parallel_loop3A_197 = vector.shape_cast %parallel_loop3A_196 : vector<1x16xf32> to vector<16xf32>
        %parallel_loop3A_198 = vector.shape_cast %parallel_loop3A_193 : vector<16xf32> to vector<1x16xf32>
        tpu.vector_store %arg9[%parallel_loop3A_194, %parallel_loop3A_195], %parallel_loop3A_198 {strides = array<i32>} : memref<128x128xf32, #tpu.memory_space<vmem>>, vector<1x16xf32>,
        %parallel_loop3A_199 = arith.index_cast %parallel_loop3A_184 : i32 to index
        %parallel_loop3A_200 = arith.constant 16 : index
        %parallel_loop3A_201 = tpu.vector_load %arg9[%parallel_loop3A_199, %parallel_loop3A_200] {strides = array<i32>} : memref<128x128xf32, #tpu.memory_space<vmem>>, vector<1x16xf32>,
        %parallel_loop3A_202 = vector.shape_cast %parallel_loop3A_201 : vector<1x16xf32> to vector<16xf32>
        %parallel_loop3A_203 = arith.index_cast %parallel_loop3A_184 : i32 to index
        %parallel_loop3A_204 = arith.constant 16 : index
        %parallel_loop3A_205 = tpu.vector_load %arg10[%parallel_loop3A_203, %parallel_loop3A_204] {strides = array<i32>} : memref<128x128xf32, #tpu.memory_space<vmem>>, vector<1x16xf32>,
        %parallel_loop3A_206 = vector.shape_cast %parallel_loop3A_205 : vector<1x16xf32> to vector<16xf32>
        %parallel_loop3A_207 = arith.addf %parallel_loop3A_202, %parallel_loop3A_206 : vector<16xf32>
        %parallel_loop3A_208 = arith.index_cast %parallel_loop3A_184 : i32 to index
        %parallel_loop3A_209 = arith.constant 16 : index
        %parallel_loop3A_210 = tpu.vector_load %arg9[%parallel_loop3A_208, %parallel_loop3A_209] {strides = array<i32>} : memref<128x128xf32, #tpu.memory_space<vmem>>, vector<1x16xf32>,
        %parallel_loop3A_211 = vector.shape_cast %parallel_loop3A_210 : vector<1x16xf32> to vector<16xf32>
        %parallel_loop3A_212 = vector.shape_cast %parallel_loop3A_207 : vector<16xf32> to vector<1x16xf32>
        tpu.vector_store %arg9[%parallel_loop3A_208, %parallel_loop3A_209], %parallel_loop3A_212 {strides = array<i32>} : memref<128x128xf32, #tpu.memory_space<vmem>>, vector<1x16xf32>,
        %parallel_loop3A_213 = arith.index_cast %parallel_loop3A_184 : i32 to index
        %parallel_loop3A_214 = arith.constant 32 : index
        %parallel_loop3A_215 = tpu.vector_load %arg9[%parallel_loop3A_213, %parallel_loop3A_214] {strides = array<i32>} : memref<128x128xf32, #tpu.memory_space<vmem>>, vector<1x16xf32>,
        %parallel_loop3A_216 = vector.shape_cast %parallel_loop3A_215 : vector<1x16xf32> to vector<16xf32>
        %parallel_loop3A_217 = arith.index_cast %parallel_loop3A_184 : i32 to index
        %parallel_loop3A_218 = arith.constant 32 : index
        %parallel_loop3A_219 = tpu.vector_load %arg10[%parallel_loop3A_217, %parallel_loop3A_218] {strides = array<i32>} : memref<128x128xf32, #tpu.memory_space<vmem>>, vector<1x16xf32>,
        %parallel_loop3A_220 = vector.shape_cast %parallel_loop3A_219 : vector<1x16xf32> to vector<16xf32>
        %parallel_loop3A_221 = arith.addf %parallel_loop3A_216, %parallel_loop3A_220 : vector<16xf32>
        %parallel_loop3A_222 = arith.index_cast %parallel_loop3A_184 : i32 to index
        %parallel_loop3A_223 = arith.constant 32 : index
        %parallel_loop3A_224 = tpu.vector_load %arg9[%parallel_loop3A_222, %parallel_loop3A_223] {strides = array<i32>} : memref<128x128xf32, #tpu.memory_space<vmem>>, vector<1x16xf32>,
        %parallel_loop3A_225 = vector.shape_cast %parallel_loop3A_224 : vector<1x16xf32> to vector<16xf32>
        %parallel_loop3A_226 = vector.shape_cast %parallel_loop3A_221 : vector<16xf32> to vector<1x16xf32>
        tpu.vector_store %arg9[%parallel_loop3A_222, %parallel_loop3A_223], %parallel_loop3A_226 {strides = array<i32>} : memref<128x128xf32, #tpu.memory_space<vmem>>, vector<1x16xf32>,
        %parallel_loop3A_227 = arith.index_cast %parallel_loop3A_184 : i32 to index
        %parallel_loop3A_228 = arith.constant 48 : index
        %parallel_loop3A_229 = tpu.vector_load %arg9[%parallel_loop3A_227, %parallel_loop3A_228] {strides = array<i32>} : memref<128x128xf32, #tpu.memory_space<vmem>>, vector<1x16xf32>,
        %parallel_loop3A_230 = vector.shape_cast %parallel_loop3A_229 : vector<1x16xf32> to vector<16xf32>
        %parallel_loop3A_231 = arith.index_cast %parallel_loop3A_184 : i32 to index
        %parallel_loop3A_232 = arith.constant 48 : index
        %parallel_loop3A_233 = tpu.vector_load %arg10[%parallel_loop3A_231, %parallel_loop3A_232] {strides = array<i32>} : memref<128x128xf32, #tpu.memory_space<vmem>>, vector<1x16xf32>,
        %parallel_loop3A_234 = vector.shape_cast %parallel_loop3A_233 : vector<1x16xf32> to vector<16xf32>
        %parallel_loop3A_235 = arith.addf %parallel_loop3A_230, %parallel_loop3A_234 : vector<16xf32>
        %parallel_loop3A_236 = arith.index_cast %parallel_loop3A_184 : i32 to index
        %parallel_loop3A_237 = arith.constant 48 : index
        %parallel_loop3A_238 = tpu.vector_load %arg9[%parallel_loop3A_236, %parallel_loop3A_237] {strides = array<i32>} : memref<128x128xf32, #tpu.memory_space<vmem>>, vector<1x16xf32>,
        %parallel_loop3A_239 = vector.shape_cast %parallel_loop3A_238 : vector<1x16xf32> to vector<16xf32>
        %parallel_loop3A_240 = vector.shape_cast %parallel_loop3A_235 : vector<16xf32> to vector<1x16xf32>
        tpu.vector_store %arg9[%parallel_loop3A_236, %parallel_loop3A_237], %parallel_loop3A_240 {strides = array<i32>} : memref<128x128xf32, #tpu.memory_space<vmem>>, vector<1x16xf32>,
        %parallel_loop3A_241 = arith.index_cast %parallel_loop3A_184 : i32 to index
        %parallel_loop3A_242 = arith.constant 64 : index
        %parallel_loop3A_243 = tpu.vector_load %arg9[%parallel_loop3A_241, %parallel_loop3A_242] {strides = array<i32>} : memref<128x128xf32, #tpu.memory_space<vmem>>, vector<1x16xf32>,
        %parallel_loop3A_244 = vector.shape_cast %parallel_loop3A_243 : vector<1x16xf32> to vector<16xf32>
        %parallel_loop3A_245 = arith.index_cast %parallel_loop3A_184 : i32 to index
        %parallel_loop3A_246 = arith.constant 64 : index
        %parallel_loop3A_247 = tpu.vector_load %arg10[%parallel_loop3A_245, %parallel_loop3A_246] {strides = array<i32>} : memref<128x128xf32, #tpu.memory_space<vmem>>, vector<1x16xf32>,
        %parallel_loop3A_248 = vector.shape_cast %parallel_loop3A_247 : vector<1x16xf32> to vector<16xf32>
        %parallel_loop3A_249 = arith.addf %parallel_loop3A_244, %parallel_loop3A_248 : vector<16xf32>
        %parallel_loop3A_250 = arith.index_cast %parallel_loop3A_184 : i32 to index
        %parallel_loop3A_251 = arith.constant 64 : index
        %parallel_loop3A_252 = tpu.vector_load %arg9[%parallel_loop3A_250, %parallel_loop3A_251] {strides = array<i32>} : memref<128x128xf32, #tpu.memory_space<vmem>>, vector<1x16xf32>,
        %parallel_loop3A_253 = vector.shape_cast %parallel_loop3A_252 : vector<1x16xf32> to vector<16xf32>
        %parallel_loop3A_254 = vector.shape_cast %parallel_loop3A_249 : vector<16xf32> to vector<1x16xf32>
        tpu.vector_store %arg9[%parallel_loop3A_250, %parallel_loop3A_251], %parallel_loop3A_254 {strides = array<i32>} : memref<128x128xf32, #tpu.memory_space<vmem>>, vector<1x16xf32>,
        %parallel_loop3A_255 = arith.index_cast %parallel_loop3A_184 : i32 to index
        %parallel_loop3A_256 = arith.constant 80 : index
        %parallel_loop3A_257 = tpu.vector_load %arg9[%parallel_loop3A_255, %parallel_loop3A_256] {strides = array<i32>} : memref<128x128xf32, #tpu.memory_space<vmem>>, vector<1x16xf32>,
        %parallel_loop3A_258 = vector.shape_cast %parallel_loop3A_257 : vector<1x16xf32> to vector<16xf32>
        %parallel_loop3A_259 = arith.index_cast %parallel_loop3A_184 : i32 to index
        %parallel_loop3A_260 = arith.constant 80 : index
        %parallel_loop3A_261 = tpu.vector_load %arg10[%parallel_loop3A_259, %parallel_loop3A_260] {strides = array<i32>} : memref<128x128xf32, #tpu.memory_space<vmem>>, vector<1x16xf32>,
        %parallel_loop3A_262 = vector.shape_cast %parallel_loop3A_261 : vector<1x16xf32> to vector<16xf32>
        %parallel_loop3A_263 = arith.addf %parallel_loop3A_258, %parallel_loop3A_262 : vector<16xf32>
        %parallel_loop3A_264 = arith.index_cast %parallel_loop3A_184 : i32 to index
        %parallel_loop3A_265 = arith.constant 80 : index
        %parallel_loop3A_266 = tpu.vector_load %arg9[%parallel_loop3A_264, %parallel_loop3A_265] {strides = array<i32>} : memref<128x128xf32, #tpu.memory_space<vmem>>, vector<1x16xf32>,
        %parallel_loop3A_267 = vector.shape_cast %parallel_loop3A_266 : vector<1x16xf32> to vector<16xf32>
        %parallel_loop3A_268 = vector.shape_cast %parallel_loop3A_263 : vector<16xf32> to vector<1x16xf32>
        tpu.vector_store %arg9[%parallel_loop3A_264, %parallel_loop3A_265], %parallel_loop3A_268 {strides = array<i32>} : memref<128x128xf32, #tpu.memory_space<vmem>>, vector<1x16xf32>,
        %parallel_loop3A_269 = arith.index_cast %parallel_loop3A_184 : i32 to index
        %parallel_loop3A_270 = arith.constant 96 : index
        %parallel_loop3A_271 = tpu.vector_load %arg9[%parallel_loop3A_269, %parallel_loop3A_270] {strides = array<i32>} : memref<128x128xf32, #tpu.memory_space<vmem>>, vector<1x16xf32>,
        %parallel_loop3A_272 = vector.shape_cast %parallel_loop3A_271 : vector<1x16xf32> to vector<16xf32>
        %parallel_loop3A_273 = arith.index_cast %parallel_loop3A_184 : i32 to index
        %parallel_loop3A_274 = arith.constant 96 : index
        %parallel_loop3A_275 = tpu.vector_load %arg10[%parallel_loop3A_273, %parallel_loop3A_274] {strides = array<i32>} : memref<128x128xf32, #tpu.memory_space<vmem>>, vector<1x16xf32>,
        %parallel_loop3A_276 = vector.shape_cast %parallel_loop3A_275 : vector<1x16xf32> to vector<16xf32>
        %parallel_loop3A_277 = arith.addf %parallel_loop3A_272, %parallel_loop3A_276 : vector<16xf32>
        %parallel_loop3A_278 = arith.index_cast %parallel_loop3A_184 : i32 to index
        %parallel_loop3A_279 = arith.constant 96 : index
        %parallel_loop3A_280 = tpu.vector_load %arg9[%parallel_loop3A_278, %parallel_loop3A_279] {strides = array<i32>} : memref<128x128xf32, #tpu.memory_space<vmem>>, vector<1x16xf32>,
        %parallel_loop3A_281 = vector.shape_cast %parallel_loop3A_280 : vector<1x16xf32> to vector<16xf32>
        %parallel_loop3A_282 = vector.shape_cast %parallel_loop3A_277 : vector<16xf32> to vector<1x16xf32>
        tpu.vector_store %arg9[%parallel_loop3A_278, %parallel_loop3A_279], %parallel_loop3A_282 {strides = array<i32>} : memref<128x128xf32, #tpu.memory_space<vmem>>, vector<1x16xf32>,
        %parallel_loop3A_283 = arith.index_cast %parallel_loop3A_184 : i32 to index
        %parallel_loop3A_284 = arith.constant 112 : index
        %parallel_loop3A_285 = tpu.vector_load %arg9[%parallel_loop3A_283, %parallel_loop3A_284] {strides = array<i32>} : memref<128x128xf32, #tpu.memory_space<vmem>>, vector<1x16xf32>,
        %parallel_loop3A_286 = vector.shape_cast %parallel_loop3A_285 : vector<1x16xf32> to vector<16xf32>
        %parallel_loop3A_287 = arith.index_cast %parallel_loop3A_184 : i32 to index
        %parallel_loop3A_288 = arith.constant 112 : index
        %parallel_loop3A_289 = tpu.vector_load %arg10[%parallel_loop3A_287, %parallel_loop3A_288] {strides = array<i32>} : memref<128x128xf32, #tpu.memory_space<vmem>>, vector<1x16xf32>,
        %parallel_loop3A_290 = vector.shape_cast %parallel_loop3A_289 : vector<1x16xf32> to vector<16xf32>
        %parallel_loop3A_291 = arith.addf %parallel_loop3A_286, %parallel_loop3A_290 : vector<16xf32>
        %parallel_loop3A_292 = arith.index_cast %parallel_loop3A_184 : i32 to index
        %parallel_loop3A_293 = arith.constant 112 : index
        %parallel_loop3A_294 = tpu.vector_load %arg9[%parallel_loop3A_292, %parallel_loop3A_293] {strides = array<i32>} : memref<128x128xf32, #tpu.memory_space<vmem>>, vector<1x16xf32>,
        %parallel_loop3A_295 = vector.shape_cast %parallel_loop3A_294 : vector<1x16xf32> to vector<16xf32>
        %parallel_loop3A_296 = vector.shape_cast %parallel_loop3A_291 : vector<16xf32> to vector<1x16xf32>
        tpu.vector_store %arg9[%parallel_loop3A_292, %parallel_loop3A_293], %parallel_loop3A_296 {strides = array<i32>} : memref<128x128xf32, #tpu.memory_space<vmem>>, vector<1x16xf32>,
      } {sc.loop_unroll_factor = 2 : i64, sc.parallel_access}
      %add3A_145 = arith.addi %add3A_8, %mul3A_108 : i32
      %mul3A_146 = arith.constant 128 : i32
      %mul3A_147 = arith.muli %add3A_145, %mul3A_146 : i32
      %multiple_of3A_148 = tpu.assume_multiple %mul3A_147, 128 : i32
      %dma_start3A_149 = arith.constant 0 : i32
      %dma_start3A_150 = tpu.memref_slice %arg6[%multiple_of3A_148, %dma_start3A_149] : memref<80000x128xf32, #tpu.memory_space<hbm>> -> memref<128x128xf32, #tpu.memory_space<hbm>>
      %dma_start3A_151 = arith.constant 0 : i32
      %dma_start3A_152 = tpu.memref_slice %arg6[%multiple_of3A_148, %dma_start3A_151] : memref<80000x128xf32, #tpu.memory_space<hbm>> -> memref<128x128xf32, #tpu.memory_space<hbm>>
      tpu.enqueue_dma source(%arg9 : memref<128x128xf32, #tpu.memory_space<vmem>>) target(%dma_start3A_152 : memref<128x128xf32, #tpu.memory_space<hbm>>) target_semaphore(%arg17 : memref<!tpu.dma_semaphore, #tpu.memory_space<semaphore_mem>>)
      %add3A_153 = arith.constant 1 : i32
      %add3A_154 = arith.addi %add3A_110, %add3A_153 : i32
      %lt3A_155 = arith.cmpi slt, %add3A_154, %add3A_4 : i32
      %convert_element_type3A_156 = arith.extui %lt3A_155 : i1 to i32
      %cond3A_157 = arith.constant 0 : i32
      %cond3A_158 = arith.cmpi ne, %convert_element_type3A_156, %cond3A_157 : i32
      scf.if %cond3A_158 {
        %mul3A_184 = arith.constant 128 : i32
        %mul3A_185 = arith.muli %add3A_8, %mul3A_184 : i32
        %multiple_of3A_186 = tpu.assume_multiple %mul3A_185, 128 : i32
        %dma_wait3A_187 = arith.constant 0 : i32
        %dma_wait3A_188 = tpu.memref_slice %arg6[%multiple_of3A_186, %dma_wait3A_187] : memref<80000x128xf32, #tpu.memory_space<hbm>> -> memref<128x128xf32, #tpu.memory_space<hbm>>
        %dma_wait3A_189 = arith.constant 0 : i32
        %dma_wait3A_190 = tpu.memref_slice %arg6[%multiple_of3A_186, %dma_wait3A_189] : memref<80000x128xf32, #tpu.memory_space<hbm>> -> memref<128x128xf32, #tpu.memory_space<hbm>>
        tpu.wait_dma2 semaphore(%arg17 : memref<!tpu.dma_semaphore, #tpu.memory_space<semaphore_mem>>) src(%arg9 : memref<128x128xf32, #tpu.memory_space<vmem>>) dst(%dma_wait3A_190 : memref<128x128xf32, #tpu.memory_space<hbm>>)
        %add3A_191 = arith.constant 1 : i32
        %add3A_192 = arith.addi %add3A_110, %add3A_191 : i32
        %add3A_193 = arith.addi %sub3A_29, %add3A_192 : i32
        %dma_start3A_194 = arith.constant 0 : i32
        %dma_start3A_195 = tpu.memref_slice %arg7[%add3A_193, %dma_start3A_194] : memref<32x128xi32, #tpu.memory_space<vmem>> -> memref<1x128xi32, #tpu.memory_space<vmem>>
        %dma_start3A_196 = tpu.memref_squeeze %dma_start3A_195 : memref<1x128xi32, #tpu.memory_space<vmem>> -> memref<128xi32, #tpu.memory_space<vmem>>
        %dma_start3A_197 = arith.constant 0 : i32
        %dma_start3A_198 = arith.constant 0 : i32
        %dma_start3A_199 = tpu.memref_slice %arg2[%dma_start3A_197, %dma_start3A_198] : memref<10000x128xf32, #tpu.memory_space<hbm>> -> memref<10000x128xf32, #tpu.memory_space<hbm>>
        tpu.enqueue_indirect_dma source(%dma_start3A_199 : memref<10000x128xf32, #tpu.memory_space<hbm>>) target(%arg9 : memref<128x128xf32, #tpu.memory_space<vmem>>) offsets(%dma_start3A_196 : memref<128xi32, #tpu.memory_space<vmem>>) semaphore(%arg13 : memref<!tpu.dma_semaphore, #tpu.memory_space<semaphore_mem>>)
        %add3A_200 = arith.addi %sub3A_29, %add3A_192 : i32
        %dma_start3A_201 = arith.constant 0 : i32
        %dma_start3A_202 = tpu.memref_slice %arg8[%add3A_200, %dma_start3A_201] : memref<32x128xi32, #tpu.memory_space<vmem>> -> memref<1x128xi32, #tpu.memory_space<vmem>>
        %dma_start3A_203 = tpu.memref_squeeze %dma_start3A_202 : memref<1x128xi32, #tpu.memory_space<vmem>> -> memref<128xi32, #tpu.memory_space<vmem>>
        %dma_start3A_204 = arith.constant 0 : i32
        %dma_start3A_205 = arith.constant 0 : i32
        %dma_start3A_206 = tpu.memref_slice %arg3[%dma_start3A_204, %dma_start3A_205] : memref<10000x128xf32, #tpu.memory_space<hbm>> -> memref<10000x128xf32, #tpu.memory_space<hbm>>
        tpu.enqueue_indirect_dma source(%dma_start3A_206 : memref<10000x128xf32, #tpu.memory_space<hbm>>) target(%arg10 : memref<128x128xf32, #tpu.memory_space<vmem>>) offsets(%dma_start3A_203 : memref<128xi32, #tpu.memory_space<vmem>>) semaphore(%arg14 : memref<!tpu.dma_semaphore, #tpu.memory_space<semaphore_mem>>)
      } else {
      }
      %add3A_159 = arith.addi %sub3A_29, %add3A_110 : i32
      %dma_wait3A_160 = arith.constant 0 : i32
      %dma_wait3A_161 = tpu.memref_slice %arg7[%add3A_159, %dma_wait3A_160] : memref<32x128xi32, #tpu.memory_space<vmem>> -> memref<1x128xi32, #tpu.memory_space<vmem>>
      %dma_wait3A_162 = tpu.memref_squeeze %dma_wait3A_161 : memref<1x128xi32, #tpu.memory_space<vmem>> -> memref<128xi32, #tpu.memory_space<vmem>>
      %dma_wait3A_163 = arith.constant 0 : i32
      %dma_wait3A_164 = arith.constant 0 : i32
      %dma_wait3A_165 = tpu.memref_slice %arg2[%dma_wait3A_163, %dma_wait3A_164] : memref<10000x128xf32, #tpu.memory_space<hbm>> -> memref<10000x128xf32, #tpu.memory_space<hbm>>
      tpu.wait_indirect_dma semaphore(%arg15 : memref<!tpu.dma_semaphore, #tpu.memory_space<semaphore_mem>>) src(%dma_wait3A_165 : memref<10000x128xf32, #tpu.memory_space<hbm>>) dst(%arg11 : memref<128x128xf32, #tpu.memory_space<vmem>>)
      %add3A_166 = arith.addi %sub3A_29, %add3A_110 : i32
      %dma_wait3A_167 = arith.constant 0 : i32
      %dma_wait3A_168 = tpu.memref_slice %arg8[%add3A_166, %dma_wait3A_167] : memref<32x128xi32, #tpu.memory_space<vmem>> -> memref<1x128xi32, #tpu.memory_space<vmem>>
      %dma_wait3A_169 = tpu.memref_squeeze %dma_wait3A_168 : memref<1x128xi32, #tpu.memory_space<vmem>> -> memref<128xi32, #tpu.memory_space<vmem>>
      %dma_wait3A_170 = arith.constant 0 : i32
      %dma_wait3A_171 = arith.constant 0 : i32
      %dma_wait3A_172 = tpu.memref_slice %arg3[%dma_wait3A_170, %dma_wait3A_171] : memref<10000x128xf32, #tpu.memory_space<hbm>> -> memref<10000x128xf32, #tpu.memory_space<hbm>>
      tpu.wait_indirect_dma semaphore(%arg16 : memref<!tpu.dma_semaphore, #tpu.memory_space<semaphore_mem>>) src(%dma_wait3A_172 : memref<10000x128xf32, #tpu.memory_space<hbm>>) dst(%arg12 : memref<128x128xf32, #tpu.memory_space<vmem>>)
      %parallel_loop3A_173 = arith.constant 0 : i32
      %parallel_loop3A_174 = arith.constant 128 : i32
      %parallel_loop3A_175 = arith.constant 1 : i32
      scf.for %parallel_loop3A_184 = %parallel_loop3A_173 to %parallel_loop3A_174 step %parallel_loop3A_175  : i32 {
        %parallel_loop3A_185 = arith.index_cast %parallel_loop3A_184 : i32 to index
        %parallel_loop3A_186 = arith.constant 0 : index
        %parallel_loop3A_187 = tpu.vector_load %arg11[%parallel_loop3A_185, %parallel_loop3A_186] {strides = array<i32>} : memref<128x128xf32, #tpu.memory_space<vmem>>, vector<1x16xf32>,
        %parallel_loop3A_188 = vector.shape_cast %parallel_loop3A_187 : vector<1x16xf32> to vector<16xf32>
        %parallel_loop3A_189 = arith.index_cast %parallel_loop3A_184 : i32 to index
        %parallel_loop3A_190 = arith.constant 0 : index
        %parallel_loop3A_191 = tpu.vector_load %arg12[%parallel_loop3A_189, %parallel_loop3A_190] {strides = array<i32>} : memref<128x128xf32, #tpu.memory_space<vmem>>, vector<1x16xf32>,
        %parallel_loop3A_192 = vector.shape_cast %parallel_loop3A_191 : vector<1x16xf32> to vector<16xf32>
        %parallel_loop3A_193 = arith.addf %parallel_loop3A_188, %parallel_loop3A_192 : vector<16xf32>
        %parallel_loop3A_194 = arith.index_cast %parallel_loop3A_184 : i32 to index
        %parallel_loop3A_195 = arith.constant 0 : index
        %parallel_loop3A_196 = tpu.vector_load %arg11[%parallel_loop3A_194, %parallel_loop3A_195] {strides = array<i32>} : memref<128x128xf32, #tpu.memory_space<vmem>>, vector<1x16xf32>,
        %parallel_loop3A_197 = vector.shape_cast %parallel_loop3A_196 : vector<1x16xf32> to vector<16xf32>
        %parallel_loop3A_198 = vector.shape_cast %parallel_loop3A_193 : vector<16xf32> to vector<1x16xf32>
        tpu.vector_store %arg11[%parallel_loop3A_194, %parallel_loop3A_195], %parallel_loop3A_198 {strides = array<i32>} : memref<128x128xf32, #tpu.memory_space<vmem>>, vector<1x16xf32>,
        %parallel_loop3A_199 = arith.index_cast %parallel_loop3A_184 : i32 to index
        %parallel_loop3A_200 = arith.constant 16 : index
        %parallel_loop3A_201 = tpu.vector_load %arg11[%parallel_loop3A_199, %parallel_loop3A_200] {strides = array<i32>} : memref<128x128xf32, #tpu.memory_space<vmem>>, vector<1x16xf32>,
        %parallel_loop3A_202 = vector.shape_cast %parallel_loop3A_201 : vector<1x16xf32> to vector<16xf32>
        %parallel_loop3A_203 = arith.index_cast %parallel_loop3A_184 : i32 to index
        %parallel_loop3A_204 = arith.constant 16 : index
        %parallel_loop3A_205 = tpu.vector_load %arg12[%parallel_loop3A_203, %parallel_loop3A_204] {strides = array<i32>} : memref<128x128xf32, #tpu.memory_space<vmem>>, vector<1x16xf32>,
        %parallel_loop3A_206 = vector.shape_cast %parallel_loop3A_205 : vector<1x16xf32> to vector<16xf32>
        %parallel_loop3A_207 = arith.addf %parallel_loop3A_202, %parallel_loop3A_206 : vector<16xf32>
        %parallel_loop3A_208 = arith.index_cast %parallel_loop3A_184 : i32 to index
        %parallel_loop3A_209 = arith.constant 16 : index
        %parallel_loop3A_210 = tpu.vector_load %arg11[%parallel_loop3A_208, %parallel_loop3A_209] {strides = array<i32>} : memref<128x128xf32, #tpu.memory_space<vmem>>, vector<1x16xf32>,
        %parallel_loop3A_211 = vector.shape_cast %parallel_loop3A_210 : vector<1x16xf32> to vector<16xf32>
        %parallel_loop3A_212 = vector.shape_cast %parallel_loop3A_207 : vector<16xf32> to vector<1x16xf32>
        tpu.vector_store %arg11[%parallel_loop3A_208, %parallel_loop3A_209], %parallel_loop3A_212 {strides = array<i32>} : memref<128x128xf32, #tpu.memory_space<vmem>>, vector<1x16xf32>,
        %parallel_loop3A_213 = arith.index_cast %parallel_loop3A_184 : i32 to index
        %parallel_loop3A_214 = arith.constant 32 : index
        %parallel_loop3A_215 = tpu.vector_load %arg11[%parallel_loop3A_213, %parallel_loop3A_214] {strides = array<i32>} : memref<128x128xf32, #tpu.memory_space<vmem>>, vector<1x16xf32>,
        %parallel_loop3A_216 = vector.shape_cast %parallel_loop3A_215 : vector<1x16xf32> to vector<16xf32>
        %parallel_loop3A_217 = arith.index_cast %parallel_loop3A_184 : i32 to index
        %parallel_loop3A_218 = arith.constant 32 : index
        %parallel_loop3A_219 = tpu.vector_load %arg12[%parallel_loop3A_217, %parallel_loop3A_218] {strides = array<i32>} : memref<128x128xf32, #tpu.memory_space<vmem>>, vector<1x16xf32>,
        %parallel_loop3A_220 = vector.shape_cast %parallel_loop3A_219 : vector<1x16xf32> to vector<16xf32>
        %parallel_loop3A_221 = arith.addf %parallel_loop3A_216, %parallel_loop3A_220 : vector<16xf32>
        %parallel_loop3A_222 = arith.index_cast %parallel_loop3A_184 : i32 to index
        %parallel_loop3A_223 = arith.constant 32 : index
        %parallel_loop3A_224 = tpu.vector_load %arg11[%parallel_loop3A_222, %parallel_loop3A_223] {strides = array<i32>} : memref<128x128xf32, #tpu.memory_space<vmem>>, vector<1x16xf32>,
        %parallel_loop3A_225 = vector.shape_cast %parallel_loop3A_224 : vector<1x16xf32> to vector<16xf32>
        %parallel_loop3A_226 = vector.shape_cast %parallel_loop3A_221 : vector<16xf32> to vector<1x16xf32>
        tpu.vector_store %arg11[%parallel_loop3A_222, %parallel_loop3A_223], %parallel_loop3A_226 {strides = array<i32>} : memref<128x128xf32, #tpu.memory_space<vmem>>, vector<1x16xf32>,
        %parallel_loop3A_227 = arith.index_cast %parallel_loop3A_184 : i32 to index
        %parallel_loop3A_228 = arith.constant 48 : index
        %parallel_loop3A_229 = tpu.vector_load %arg11[%parallel_loop3A_227, %parallel_loop3A_228] {strides = array<i32>} : memref<128x128xf32, #tpu.memory_space<vmem>>, vector<1x16xf32>,
        %parallel_loop3A_230 = vector.shape_cast %parallel_loop3A_229 : vector<1x16xf32> to vector<16xf32>
        %parallel_loop3A_231 = arith.index_cast %parallel_loop3A_184 : i32 to index
        %parallel_loop3A_232 = arith.constant 48 : index
        %parallel_loop3A_233 = tpu.vector_load %arg12[%parallel_loop3A_231, %parallel_loop3A_232] {strides = array<i32>} : memref<128x128xf32, #tpu.memory_space<vmem>>, vector<1x16xf32>,
        %parallel_loop3A_234 = vector.shape_cast %parallel_loop3A_233 : vector<1x16xf32> to vector<16xf32>
        %parallel_loop3A_235 = arith.addf %parallel_loop3A_230, %parallel_loop3A_234 : vector<16xf32>
        %parallel_loop3A_236 = arith.index_cast %parallel_loop3A_184 : i32 to index
        %parallel_loop3A_237 = arith.constant 48 : index
        %parallel_loop3A_238 = tpu.vector_load %arg11[%parallel_loop3A_236, %parallel_loop3A_237] {strides = array<i32>} : memref<128x128xf32, #tpu.memory_space<vmem>>, vector<1x16xf32>,
        %parallel_loop3A_239 = vector.shape_cast %parallel_loop3A_238 : vector<1x16xf32> to vector<16xf32>
        %parallel_loop3A_240 = vector.shape_cast %parallel_loop3A_235 : vector<16xf32> to vector<1x16xf32>
        tpu.vector_store %arg11[%parallel_loop3A_236, %parallel_loop3A_237], %parallel_loop3A_240 {strides = array<i32>} : memref<128x128xf32, #tpu.memory_space<vmem>>, vector<1x16xf32>,
        %parallel_loop3A_241 = arith.index_cast %parallel_loop3A_184 : i32 to index
        %parallel_loop3A_242 = arith.constant 64 : index
        %parallel_loop3A_243 = tpu.vector_load %arg11[%parallel_loop3A_241, %parallel_loop3A_242] {strides = array<i32>} : memref<128x128xf32, #tpu.memory_space<vmem>>, vector<1x16xf32>,
        %parallel_loop3A_244 = vector.shape_cast %parallel_loop3A_243 : vector<1x16xf32> to vector<16xf32>
        %parallel_loop3A_245 = arith.index_cast %parallel_loop3A_184 : i32 to index
        %parallel_loop3A_246 = arith.constant 64 : index
        %parallel_loop3A_247 = tpu.vector_load %arg12[%parallel_loop3A_245, %parallel_loop3A_246] {strides = array<i32>} : memref<128x128xf32, #tpu.memory_space<vmem>>, vector<1x16xf32>,
        %parallel_loop3A_248 = vector.shape_cast %parallel_loop3A_247 : vector<1x16xf32> to vector<16xf32>
        %parallel_loop3A_249 = arith.addf %parallel_loop3A_244, %parallel_loop3A_248 : vector<16xf32>
        %parallel_loop3A_250 = arith.index_cast %parallel_loop3A_184 : i32 to index
        %parallel_loop3A_251 = arith.constant 64 : index
        %parallel_loop3A_252 = tpu.vector_load %arg11[%parallel_loop3A_250, %parallel_loop3A_251] {strides = array<i32>} : memref<128x128xf32, #tpu.memory_space<vmem>>, vector<1x16xf32>,
        %parallel_loop3A_253 = vector.shape_cast %parallel_loop3A_252 : vector<1x16xf32> to vector<16xf32>
        %parallel_loop3A_254 = vector.shape_cast %parallel_loop3A_249 : vector<16xf32> to vector<1x16xf32>
        tpu.vector_store %arg11[%parallel_loop3A_250, %parallel_loop3A_251], %parallel_loop3A_254 {strides = array<i32>} : memref<128x128xf32, #tpu.memory_space<vmem>>, vector<1x16xf32>,
        %parallel_loop3A_255 = arith.index_cast %parallel_loop3A_184 : i32 to index
        %parallel_loop3A_256 = arith.constant 80 : index
        %parallel_loop3A_257 = tpu.vector_load %arg11[%parallel_loop3A_255, %parallel_loop3A_256] {strides = array<i32>} : memref<128x128xf32, #tpu.memory_space<vmem>>, vector<1x16xf32>,
        %parallel_loop3A_258 = vector.shape_cast %parallel_loop3A_257 : vector<1x16xf32> to vector<16xf32>
        %parallel_loop3A_259 = arith.index_cast %parallel_loop3A_184 : i32 to index
        %parallel_loop3A_260 = arith.constant 80 : index
        %parallel_loop3A_261 = tpu.vector_load %arg12[%parallel_loop3A_259, %parallel_loop3A_260] {strides = array<i32>} : memref<128x128xf32, #tpu.memory_space<vmem>>, vector<1x16xf32>,
        %parallel_loop3A_262 = vector.shape_cast %parallel_loop3A_261 : vector<1x16xf32> to vector<16xf32>
        %parallel_loop3A_263 = arith.addf %parallel_loop3A_258, %parallel_loop3A_262 : vector<16xf32>
        %parallel_loop3A_264 = arith.index_cast %parallel_loop3A_184 : i32 to index
        %parallel_loop3A_265 = arith.constant 80 : index
        %parallel_loop3A_266 = tpu.vector_load %arg11[%parallel_loop3A_264, %parallel_loop3A_265] {strides = array<i32>} : memref<128x128xf32, #tpu.memory_space<vmem>>, vector<1x16xf32>,
        %parallel_loop3A_267 = vector.shape_cast %parallel_loop3A_266 : vector<1x16xf32> to vector<16xf32>
        %parallel_loop3A_268 = vector.shape_cast %parallel_loop3A_263 : vector<16xf32> to vector<1x16xf32>
        tpu.vector_store %arg11[%parallel_loop3A_264, %parallel_loop3A_265], %parallel_loop3A_268 {strides = array<i32>} : memref<128x128xf32, #tpu.memory_space<vmem>>, vector<1x16xf32>,
        %parallel_loop3A_269 = arith.index_cast %parallel_loop3A_184 : i32 to index
        %parallel_loop3A_270 = arith.constant 96 : index
        %parallel_loop3A_271 = tpu.vector_load %arg11[%parallel_loop3A_269, %parallel_loop3A_270] {strides = array<i32>} : memref<128x128xf32, #tpu.memory_space<vmem>>, vector<1x16xf32>,
        %parallel_loop3A_272 = vector.shape_cast %parallel_loop3A_271 : vector<1x16xf32> to vector<16xf32>
        %parallel_loop3A_273 = arith.index_cast %parallel_loop3A_184 : i32 to index
        %parallel_loop3A_274 = arith.constant 96 : index
        %parallel_loop3A_275 = tpu.vector_load %arg12[%parallel_loop3A_273, %parallel_loop3A_274] {strides = array<i32>} : memref<128x128xf32, #tpu.memory_space<vmem>>, vector<1x16xf32>,
        %parallel_loop3A_276 = vector.shape_cast %parallel_loop3A_275 : vector<1x16xf32> to vector<16xf32>
        %parallel_loop3A_277 = arith.addf %parallel_loop3A_272, %parallel_loop3A_276 : vector<16xf32>
        %parallel_loop3A_278 = arith.index_cast %parallel_loop3A_184 : i32 to index
        %parallel_loop3A_279 = arith.constant 96 : index
        %parallel_loop3A_280 = tpu.vector_load %arg11[%parallel_loop3A_278, %parallel_loop3A_279] {strides = array<i32>} : memref<128x128xf32, #tpu.memory_space<vmem>>, vector<1x16xf32>,
        %parallel_loop3A_281 = vector.shape_cast %parallel_loop3A_280 : vector<1x16xf32> to vector<16xf32>
        %parallel_loop3A_282 = vector.shape_cast %parallel_loop3A_277 : vector<16xf32> to vector<1x16xf32>
        tpu.vector_store %arg11[%parallel_loop3A_278, %parallel_loop3A_279], %parallel_loop3A_282 {strides = array<i32>} : memref<128x128xf32, #tpu.memory_space<vmem>>, vector<1x16xf32>,
        %parallel_loop3A_283 = arith.index_cast %parallel_loop3A_184 : i32 to index
        %parallel_loop3A_284 = arith.constant 112 : index
        %parallel_loop3A_285 = tpu.vector_load %arg11[%parallel_loop3A_283, %parallel_loop3A_284] {strides = array<i32>} : memref<128x128xf32, #tpu.memory_space<vmem>>, vector<1x16xf32>,
        %parallel_loop3A_286 = vector.shape_cast %parallel_loop3A_285 : vector<1x16xf32> to vector<16xf32>
        %parallel_loop3A_287 = arith.index_cast %parallel_loop3A_184 : i32 to index
        %parallel_loop3A_288 = arith.constant 112 : index
        %parallel_loop3A_289 = tpu.vector_load %arg12[%parallel_loop3A_287, %parallel_loop3A_288] {strides = array<i32>} : memref<128x128xf32, #tpu.memory_space<vmem>>, vector<1x16xf32>,
        %parallel_loop3A_290 = vector.shape_cast %parallel_loop3A_289 : vector<1x16xf32> to vector<16xf32>
        %parallel_loop3A_291 = arith.addf %parallel_loop3A_286, %parallel_loop3A_290 : vector<16xf32>
        %parallel_loop3A_292 = arith.index_cast %parallel_loop3A_184 : i32 to index
        %parallel_loop3A_293 = arith.constant 112 : index
        %parallel_loop3A_294 = tpu.vector_load %arg11[%parallel_loop3A_292, %parallel_loop3A_293] {strides = array<i32>} : memref<128x128xf32, #tpu.memory_space<vmem>>, vector<1x16xf32>,
        %parallel_loop3A_295 = vector.shape_cast %parallel_loop3A_294 : vector<1x16xf32> to vector<16xf32>
        %parallel_loop3A_296 = vector.shape_cast %parallel_loop3A_291 : vector<16xf32> to vector<1x16xf32>
        tpu.vector_store %arg11[%parallel_loop3A_292, %parallel_loop3A_293], %parallel_loop3A_296 {strides = array<i32>} : memref<128x128xf32, #tpu.memory_space<vmem>>, vector<1x16xf32>,
      } {sc.loop_unroll_factor = 2 : i64, sc.parallel_access}
      %add3A_176 = arith.addi %add3A_8, %add3A_110 : i32
      %mul3A_177 = arith.constant 128 : i32
      %mul3A_178 = arith.muli %add3A_176, %mul3A_177 : i32
      %multiple_of3A_179 = tpu.assume_multiple %mul3A_178, 128 : i32
      %dma_start3A_180 = arith.constant 0 : i32
      %dma_start3A_181 = tpu.memref_slice %arg6[%multiple_of3A_179, %dma_start3A_180] : memref<80000x128xf32, #tpu.memory_space<hbm>> -> memref<128x128xf32, #tpu.memory_space<hbm>>
      %dma_start3A_182 = arith.constant 0 : i32
      %dma_start3A_183 = tpu.memref_slice %arg6[%multiple_of3A_179, %dma_start3A_182] : memref<80000x128xf32, #tpu.memory_space<hbm>> -> memref<128x128xf32, #tpu.memory_space<hbm>>
      tpu.enqueue_dma source(%arg11 : memref<128x128xf32, #tpu.memory_space<vmem>>) target(%dma_start3A_183 : memref<128x128xf32, #tpu.memory_space<hbm>>) target_semaphore(%arg18 : memref<!tpu.dma_semaphore, #tpu.memory_space<semaphore_mem>>)
    }
    %jit3A_78 = arith.constant 2 : i32
    %eq3A = arith.constant 0 : i32
    %eq3A_79 = arith.cmpi eq, %jit3A_78, %eq3A : i32
    %jit3A_80 = arith.constant 1 : i32
    %select_n3A_81 = arith.select %eq3A_79, %jit3A_80, %jit3A_78 : i32
    %rem3A_82 = arith.remsi %add3A_4, %select_n3A_81 : i32
    %ne3A_83 = arith.constant 0 : i32
    %ne3A_84 = arith.cmpi ne, %rem3A_82, %ne3A_83 : i32
    %lt3A_85 = arith.constant 0 : i32
    %lt3A_86 = arith.cmpi slt, %rem3A_82, %lt3A_85 : i32
    %lt3A_87 = arith.constant 0 : i32
    %lt3A_88 = arith.cmpi slt, %select_n3A_81, %lt3A_87 : i32
    %ne3A_89 = arith.xori %lt3A_86, %lt3A_88 : i1
    %and3A_90 = arith.andi %ne3A_89, %ne3A_84 : i1
    %add3A_91 = arith.addi %rem3A_82, %select_n3A_81 : i32
    %select_n3A_92 = arith.select %and3A_90, %add3A_91, %rem3A_82 : i32
    %eq3A_93 = arith.constant 1 : i32
    %eq3A_94 = arith.cmpi eq, %select_n3A_92, %eq3A_93 : i32
    %convert_element_type3A = arith.extui %eq3A_94 : i1 to i32
    %cond3A = arith.constant 0 : i32
    %cond3A_95 = arith.cmpi ne, %convert_element_type3A, %cond3A : i32
    scf.if %cond3A_95 {
      %sub3A_106 = arith.constant 1 : i32
      %sub3A_107 = arith.subi %add3A_4, %sub3A_106 : i32
      %add3A_108 = arith.addi %sub3A_29, %sub3A_107 : i32
      %dma_wait3A_109 = arith.constant 0 : i32
      %dma_wait3A_110 = tpu.memref_slice %arg7[%add3A_108, %dma_wait3A_109] : memref<32x128xi32, #tpu.memory_space<vmem>> -> memref<1x128xi32, #tpu.memory_space<vmem>>
      %dma_wait3A_111 = tpu.memref_squeeze %dma_wait3A_110 : memref<1x128xi32, #tpu.memory_space<vmem>> -> memref<128xi32, #tpu.memory_space<vmem>>
      %dma_wait3A_112 = arith.constant 0 : i32
      %dma_wait3A_113 = arith.constant 0 : i32
      %dma_wait3A_114 = tpu.memref_slice %arg2[%dma_wait3A_112, %dma_wait3A_113] : memref<10000x128xf32, #tpu.memory_space<hbm>> -> memref<10000x128xf32, #tpu.memory_space<hbm>>
      tpu.wait_indirect_dma semaphore(%arg13 : memref<!tpu.dma_semaphore, #tpu.memory_space<semaphore_mem>>) src(%dma_wait3A_114 : memref<10000x128xf32, #tpu.memory_space<hbm>>) dst(%arg9 : memref<128x128xf32, #tpu.memory_space<vmem>>)
      %add3A_115 = arith.addi %sub3A_29, %sub3A_107 : i32
      %dma_wait3A_116 = arith.constant 0 : i32
      %dma_wait3A_117 = tpu.memref_slice %arg8[%add3A_115, %dma_wait3A_116] : memref<32x128xi32, #tpu.memory_space<vmem>> -> memref<1x128xi32, #tpu.memory_space<vmem>>
      %dma_wait3A_118 = tpu.memref_squeeze %dma_wait3A_117 : memref<1x128xi32, #tpu.memory_space<vmem>> -> memref<128xi32, #tpu.memory_space<vmem>>
      %dma_wait3A_119 = arith.constant 0 : i32
      %dma_wait3A_120 = arith.constant 0 : i32
      %dma_wait3A_121 = tpu.memref_slice %arg3[%dma_wait3A_119, %dma_wait3A_120] : memref<10000x128xf32, #tpu.memory_space<hbm>> -> memref<10000x128xf32, #tpu.memory_space<hbm>>
      tpu.wait_indirect_dma semaphore(%arg14 : memref<!tpu.dma_semaphore, #tpu.memory_space<semaphore_mem>>) src(%dma_wait3A_121 : memref<10000x128xf32, #tpu.memory_space<hbm>>) dst(%arg10 : memref<128x128xf32, #tpu.memory_space<vmem>>)
      %parallel_loop3A = arith.constant 0 : i32
      %parallel_loop3A_122 = arith.constant 128 : i32
      %parallel_loop3A_123 = arith.constant 1 : i32
      scf.for %parallel_loop3A_132 = %parallel_loop3A to %parallel_loop3A_122 step %parallel_loop3A_123  : i32 {
        %parallel_loop3A_133 = arith.index_cast %parallel_loop3A_132 : i32 to index
        %parallel_loop3A_134 = arith.constant 0 : index
        %parallel_loop3A_135 = tpu.vector_load %arg9[%parallel_loop3A_133, %parallel_loop3A_134] {strides = array<i32>} : memref<128x128xf32, #tpu.memory_space<vmem>>, vector<1x16xf32>,
        %parallel_loop3A_136 = vector.shape_cast %parallel_loop3A_135 : vector<1x16xf32> to vector<16xf32>
        %parallel_loop3A_137 = arith.index_cast %parallel_loop3A_132 : i32 to index
        %parallel_loop3A_138 = arith.constant 0 : index
        %parallel_loop3A_139 = tpu.vector_load %arg10[%parallel_loop3A_137, %parallel_loop3A_138] {strides = array<i32>} : memref<128x128xf32, #tpu.memory_space<vmem>>, vector<1x16xf32>,
        %parallel_loop3A_140 = vector.shape_cast %parallel_loop3A_139 : vector<1x16xf32> to vector<16xf32>
        %parallel_loop3A_141 = arith.addf %parallel_loop3A_136, %parallel_loop3A_140 : vector<16xf32>
        %parallel_loop3A_142 = arith.index_cast %parallel_loop3A_132 : i32 to index
        %parallel_loop3A_143 = arith.constant 0 : index
        %parallel_loop3A_144 = tpu.vector_load %arg9[%parallel_loop3A_142, %parallel_loop3A_143] {strides = array<i32>} : memref<128x128xf32, #tpu.memory_space<vmem>>, vector<1x16xf32>,
        %parallel_loop3A_145 = vector.shape_cast %parallel_loop3A_144 : vector<1x16xf32> to vector<16xf32>
        %parallel_loop3A_146 = vector.shape_cast %parallel_loop3A_141 : vector<16xf32> to vector<1x16xf32>
        tpu.vector_store %arg9[%parallel_loop3A_142, %parallel_loop3A_143], %parallel_loop3A_146 {strides = array<i32>} : memref<128x128xf32, #tpu.memory_space<vmem>>, vector<1x16xf32>,
        %parallel_loop3A_147 = arith.index_cast %parallel_loop3A_132 : i32 to index
        %parallel_loop3A_148 = arith.constant 16 : index
        %parallel_loop3A_149 = tpu.vector_load %arg9[%parallel_loop3A_147, %parallel_loop3A_148] {strides = array<i32>} : memref<128x128xf32, #tpu.memory_space<vmem>>, vector<1x16xf32>,
        %parallel_loop3A_150 = vector.shape_cast %parallel_loop3A_149 : vector<1x16xf32> to vector<16xf32>
        %parallel_loop3A_151 = arith.index_cast %parallel_loop3A_132 : i32 to index
        %parallel_loop3A_152 = arith.constant 16 : index
        %parallel_loop3A_153 = tpu.vector_load %arg10[%parallel_loop3A_151, %parallel_loop3A_152] {strides = array<i32>} : memref<128x128xf32, #tpu.memory_space<vmem>>, vector<1x16xf32>,
        %parallel_loop3A_154 = vector.shape_cast %parallel_loop3A_153 : vector<1x16xf32> to vector<16xf32>
        %parallel_loop3A_155 = arith.addf %parallel_loop3A_150, %parallel_loop3A_154 : vector<16xf32>
        %parallel_loop3A_156 = arith.index_cast %parallel_loop3A_132 : i32 to index
        %parallel_loop3A_157 = arith.constant 16 : index
        %parallel_loop3A_158 = tpu.vector_load %arg9[%parallel_loop3A_156, %parallel_loop3A_157] {strides = array<i32>} : memref<128x128xf32, #tpu.memory_space<vmem>>, vector<1x16xf32>,
        %parallel_loop3A_159 = vector.shape_cast %parallel_loop3A_158 : vector<1x16xf32> to vector<16xf32>
        %parallel_loop3A_160 = vector.shape_cast %parallel_loop3A_155 : vector<16xf32> to vector<1x16xf32>
        tpu.vector_store %arg9[%parallel_loop3A_156, %parallel_loop3A_157], %parallel_loop3A_160 {strides = array<i32>} : memref<128x128xf32, #tpu.memory_space<vmem>>, vector<1x16xf32>,
        %parallel_loop3A_161 = arith.index_cast %parallel_loop3A_132 : i32 to index
        %parallel_loop3A_162 = arith.constant 32 : index
        %parallel_loop3A_163 = tpu.vector_load %arg9[%parallel_loop3A_161, %parallel_loop3A_162] {strides = array<i32>} : memref<128x128xf32, #tpu.memory_space<vmem>>, vector<1x16xf32>,
        %parallel_loop3A_164 = vector.shape_cast %parallel_loop3A_163 : vector<1x16xf32> to vector<16xf32>
        %parallel_loop3A_165 = arith.index_cast %parallel_loop3A_132 : i32 to index
        %parallel_loop3A_166 = arith.constant 32 : index
        %parallel_loop3A_167 = tpu.vector_load %arg10[%parallel_loop3A_165, %parallel_loop3A_166] {strides = array<i32>} : memref<128x128xf32, #tpu.memory_space<vmem>>, vector<1x16xf32>,
        %parallel_loop3A_168 = vector.shape_cast %parallel_loop3A_167 : vector<1x16xf32> to vector<16xf32>
        %parallel_loop3A_169 = arith.addf %parallel_loop3A_164, %parallel_loop3A_168 : vector<16xf32>
        %parallel_loop3A_170 = arith.index_cast %parallel_loop3A_132 : i32 to index
        %parallel_loop3A_171 = arith.constant 32 : index
        %parallel_loop3A_172 = tpu.vector_load %arg9[%parallel_loop3A_170, %parallel_loop3A_171] {strides = array<i32>} : memref<128x128xf32, #tpu.memory_space<vmem>>, vector<1x16xf32>,
        %parallel_loop3A_173 = vector.shape_cast %parallel_loop3A_172 : vector<1x16xf32> to vector<16xf32>
        %parallel_loop3A_174 = vector.shape_cast %parallel_loop3A_169 : vector<16xf32> to vector<1x16xf32>
        tpu.vector_store %arg9[%parallel_loop3A_170, %parallel_loop3A_171], %parallel_loop3A_174 {strides = array<i32>} : memref<128x128xf32, #tpu.memory_space<vmem>>, vector<1x16xf32>,
        %parallel_loop3A_175 = arith.index_cast %parallel_loop3A_132 : i32 to index
        %parallel_loop3A_176 = arith.constant 48 : index
        %parallel_loop3A_177 = tpu.vector_load %arg9[%parallel_loop3A_175, %parallel_loop3A_176] {strides = array<i32>} : memref<128x128xf32, #tpu.memory_space<vmem>>, vector<1x16xf32>,
        %parallel_loop3A_178 = vector.shape_cast %parallel_loop3A_177 : vector<1x16xf32> to vector<16xf32>
        %parallel_loop3A_179 = arith.index_cast %parallel_loop3A_132 : i32 to index
        %parallel_loop3A_180 = arith.constant 48 : index
        %parallel_loop3A_181 = tpu.vector_load %arg10[%parallel_loop3A_179, %parallel_loop3A_180] {strides = array<i32>} : memref<128x128xf32, #tpu.memory_space<vmem>>, vector<1x16xf32>,
        %parallel_loop3A_182 = vector.shape_cast %parallel_loop3A_181 : vector<1x16xf32> to vector<16xf32>
        %parallel_loop3A_183 = arith.addf %parallel_loop3A_178, %parallel_loop3A_182 : vector<16xf32>
        %parallel_loop3A_184 = arith.index_cast %parallel_loop3A_132 : i32 to index
        %parallel_loop3A_185 = arith.constant 48 : index
        %parallel_loop3A_186 = tpu.vector_load %arg9[%parallel_loop3A_184, %parallel_loop3A_185] {strides = array<i32>} : memref<128x128xf32, #tpu.memory_space<vmem>>, vector<1x16xf32>,
        %parallel_loop3A_187 = vector.shape_cast %parallel_loop3A_186 : vector<1x16xf32> to vector<16xf32>
        %parallel_loop3A_188 = vector.shape_cast %parallel_loop3A_183 : vector<16xf32> to vector<1x16xf32>
        tpu.vector_store %arg9[%parallel_loop3A_184, %parallel_loop3A_185], %parallel_loop3A_188 {strides = array<i32>} : memref<128x128xf32, #tpu.memory_space<vmem>>, vector<1x16xf32>,
        %parallel_loop3A_189 = arith.index_cast %parallel_loop3A_132 : i32 to index
        %parallel_loop3A_190 = arith.constant 64 : index
        %parallel_loop3A_191 = tpu.vector_load %arg9[%parallel_loop3A_189, %parallel_loop3A_190] {strides = array<i32>} : memref<128x128xf32, #tpu.memory_space<vmem>>, vector<1x16xf32>,
        %parallel_loop3A_192 = vector.shape_cast %parallel_loop3A_191 : vector<1x16xf32> to vector<16xf32>
        %parallel_loop3A_193 = arith.index_cast %parallel_loop3A_132 : i32 to index
        %parallel_loop3A_194 = arith.constant 64 : index
        %parallel_loop3A_195 = tpu.vector_load %arg10[%parallel_loop3A_193, %parallel_loop3A_194] {strides = array<i32>} : memref<128x128xf32, #tpu.memory_space<vmem>>, vector<1x16xf32>,
        %parallel_loop3A_196 = vector.shape_cast %parallel_loop3A_195 : vector<1x16xf32> to vector<16xf32>
        %parallel_loop3A_197 = arith.addf %parallel_loop3A_192, %parallel_loop3A_196 : vector<16xf32>
        %parallel_loop3A_198 = arith.index_cast %parallel_loop3A_132 : i32 to index
        %parallel_loop3A_199 = arith.constant 64 : index
        %parallel_loop3A_200 = tpu.vector_load %arg9[%parallel_loop3A_198, %parallel_loop3A_199] {strides = array<i32>} : memref<128x128xf32, #tpu.memory_space<vmem>>, vector<1x16xf32>,
        %parallel_loop3A_201 = vector.shape_cast %parallel_loop3A_200 : vector<1x16xf32> to vector<16xf32>
        %parallel_loop3A_202 = vector.shape_cast %parallel_loop3A_197 : vector<16xf32> to vector<1x16xf32>
        tpu.vector_store %arg9[%parallel_loop3A_198, %parallel_loop3A_199], %parallel_loop3A_202 {strides = array<i32>} : memref<128x128xf32, #tpu.memory_space<vmem>>, vector<1x16xf32>,
        %parallel_loop3A_203 = arith.index_cast %parallel_loop3A_132 : i32 to index
        %parallel_loop3A_204 = arith.constant 80 : index
        %parallel_loop3A_205 = tpu.vector_load %arg9[%parallel_loop3A_203, %parallel_loop3A_204] {strides = array<i32>} : memref<128x128xf32, #tpu.memory_space<vmem>>, vector<1x16xf32>,
        %parallel_loop3A_206 = vector.shape_cast %parallel_loop3A_205 : vector<1x16xf32> to vector<16xf32>
        %parallel_loop3A_207 = arith.index_cast %parallel_loop3A_132 : i32 to index
        %parallel_loop3A_208 = arith.constant 80 : index
        %parallel_loop3A_209 = tpu.vector_load %arg10[%parallel_loop3A_207, %parallel_loop3A_208] {strides = array<i32>} : memref<128x128xf32, #tpu.memory_space<vmem>>, vector<1x16xf32>,
        %parallel_loop3A_210 = vector.shape_cast %parallel_loop3A_209 : vector<1x16xf32> to vector<16xf32>
        %parallel_loop3A_211 = arith.addf %parallel_loop3A_206, %parallel_loop3A_210 : vector<16xf32>
        %parallel_loop3A_212 = arith.index_cast %parallel_loop3A_132 : i32 to index
        %parallel_loop3A_213 = arith.constant 80 : index
        %parallel_loop3A_214 = tpu.vector_load %arg9[%parallel_loop3A_212, %parallel_loop3A_213] {strides = array<i32>} : memref<128x128xf32, #tpu.memory_space<vmem>>, vector<1x16xf32>,
        %parallel_loop3A_215 = vector.shape_cast %parallel_loop3A_214 : vector<1x16xf32> to vector<16xf32>
        %parallel_loop3A_216 = vector.shape_cast %parallel_loop3A_211 : vector<16xf32> to vector<1x16xf32>
        tpu.vector_store %arg9[%parallel_loop3A_212, %parallel_loop3A_213], %parallel_loop3A_216 {strides = array<i32>} : memref<128x128xf32, #tpu.memory_space<vmem>>, vector<1x16xf32>,
        %parallel_loop3A_217 = arith.index_cast %parallel_loop3A_132 : i32 to index
        %parallel_loop3A_218 = arith.constant 96 : index
        %parallel_loop3A_219 = tpu.vector_load %arg9[%parallel_loop3A_217, %parallel_loop3A_218] {strides = array<i32>} : memref<128x128xf32, #tpu.memory_space<vmem>>, vector<1x16xf32>,
        %parallel_loop3A_220 = vector.shape_cast %parallel_loop3A_219 : vector<1x16xf32> to vector<16xf32>
        %parallel_loop3A_221 = arith.index_cast %parallel_loop3A_132 : i32 to index
        %parallel_loop3A_222 = arith.constant 96 : index
        %parallel_loop3A_223 = tpu.vector_load %arg10[%parallel_loop3A_221, %parallel_loop3A_222] {strides = array<i32>} : memref<128x128xf32, #tpu.memory_space<vmem>>, vector<1x16xf32>,
        %parallel_loop3A_224 = vector.shape_cast %parallel_loop3A_223 : vector<1x16xf32> to vector<16xf32>
        %parallel_loop3A_225 = arith.addf %parallel_loop3A_220, %parallel_loop3A_224 : vector<16xf32>
        %parallel_loop3A_226 = arith.index_cast %parallel_loop3A_132 : i32 to index
        %parallel_loop3A_227 = arith.constant 96 : index
        %parallel_loop3A_228 = tpu.vector_load %arg9[%parallel_loop3A_226, %parallel_loop3A_227] {strides = array<i32>} : memref<128x128xf32, #tpu.memory_space<vmem>>, vector<1x16xf32>,
        %parallel_loop3A_229 = vector.shape_cast %parallel_loop3A_228 : vector<1x16xf32> to vector<16xf32>
        %parallel_loop3A_230 = vector.shape_cast %parallel_loop3A_225 : vector<16xf32> to vector<1x16xf32>
        tpu.vector_store %arg9[%parallel_loop3A_226, %parallel_loop3A_227], %parallel_loop3A_230 {strides = array<i32>} : memref<128x128xf32, #tpu.memory_space<vmem>>, vector<1x16xf32>,
        %parallel_loop3A_231 = arith.index_cast %parallel_loop3A_132 : i32 to index
        %parallel_loop3A_232 = arith.constant 112 : index
        %parallel_loop3A_233 = tpu.vector_load %arg9[%parallel_loop3A_231, %parallel_loop3A_232] {strides = array<i32>} : memref<128x128xf32, #tpu.memory_space<vmem>>, vector<1x16xf32>,
        %parallel_loop3A_234 = vector.shape_cast %parallel_loop3A_233 : vector<1x16xf32> to vector<16xf32>
        %parallel_loop3A_235 = arith.index_cast %parallel_loop3A_132 : i32 to index
        %parallel_loop3A_236 = arith.constant 112 : index
        %parallel_loop3A_237 = tpu.vector_load %arg10[%parallel_loop3A_235, %parallel_loop3A_236] {strides = array<i32>} : memref<128x128xf32, #tpu.memory_space<vmem>>, vector<1x16xf32>,
        %parallel_loop3A_238 = vector.shape_cast %parallel_loop3A_237 : vector<1x16xf32> to vector<16xf32>
        %parallel_loop3A_239 = arith.addf %parallel_loop3A_234, %parallel_loop3A_238 : vector<16xf32>
        %parallel_loop3A_240 = arith.index_cast %parallel_loop3A_132 : i32 to index
        %parallel_loop3A_241 = arith.constant 112 : index
        %parallel_loop3A_242 = tpu.vector_load %arg9[%parallel_loop3A_240, %parallel_loop3A_241] {strides = array<i32>} : memref<128x128xf32, #tpu.memory_space<vmem>>, vector<1x16xf32>,
        %parallel_loop3A_243 = vector.shape_cast %parallel_loop3A_242 : vector<1x16xf32> to vector<16xf32>
        %parallel_loop3A_244 = vector.shape_cast %parallel_loop3A_239 : vector<16xf32> to vector<1x16xf32>
        tpu.vector_store %arg9[%parallel_loop3A_240, %parallel_loop3A_241], %parallel_loop3A_244 {strides = array<i32>} : memref<128x128xf32, #tpu.memory_space<vmem>>, vector<1x16xf32>,
      } {sc.loop_unroll_factor = 2 : i64, sc.parallel_access}
      %add3A_124 = arith.addi %add3A_8, %sub3A_107 : i32
      %mul3A_125 = arith.constant 128 : i32
      %mul3A_126 = arith.muli %add3A_124, %mul3A_125 : i32
      %multiple_of3A_127 = tpu.assume_multiple %mul3A_126, 128 : i32
      %dma_start3A_128 = arith.constant 0 : i32
      %dma_start3A_129 = tpu.memref_slice %arg6[%multiple_of3A_127, %dma_start3A_128] : memref<80000x128xf32, #tpu.memory_space<hbm>> -> memref<128x128xf32, #tpu.memory_space<hbm>>
      %dma_start3A_130 = arith.constant 0 : i32
      %dma_start3A_131 = tpu.memref_slice %arg6[%multiple_of3A_127, %dma_start3A_130] : memref<80000x128xf32, #tpu.memory_space<hbm>> -> memref<128x128xf32, #tpu.memory_space<hbm>>
      tpu.enqueue_dma source(%arg9 : memref<128x128xf32, #tpu.memory_space<vmem>>) target(%dma_start3A_131 : memref<128x128xf32, #tpu.memory_space<hbm>>) target_semaphore(%arg17 : memref<!tpu.dma_semaphore, #tpu.memory_space<semaphore_mem>>)
    } else {
    }
    %mul3A_96 = arith.constant 128 : i32
    %mul3A_97 = arith.muli %add3A_8, %mul3A_96 : i32
    %multiple_of3A_98 = tpu.assume_multiple %mul3A_97, 128 : i32
    %dma_wait3A = arith.constant 0 : i32
    %dma_wait3A_99 = tpu.memref_slice %arg6[%multiple_of3A_98, %dma_wait3A] : memref<80000x128xf32, #tpu.memory_space<hbm>> -> memref<128x128xf32, #tpu.memory_space<hbm>>
    %dma_wait3A_100 = arith.constant 0 : i32
    %dma_wait3A_101 = tpu.memref_slice %arg6[%multiple_of3A_98, %dma_wait3A_100] : memref<80000x128xf32, #tpu.memory_space<hbm>> -> memref<128x128xf32, #tpu.memory_space<hbm>>
    tpu.wait_dma2 semaphore(%arg17 : memref<!tpu.dma_semaphore, #tpu.memory_space<semaphore_mem>>) src(%arg9 : memref<128x128xf32, #tpu.memory_space<vmem>>) dst(%dma_wait3A_101 : memref<128x128xf32, #tpu.memory_space<hbm>>)
    %ge3A = arith.constant 2 : i32
    %ge3A_102 = arith.cmpi sge, %add3A_4, %ge3A : i32
    %convert_element_type3A_103 = arith.extui %ge3A_102 : i1 to i32
    %cond3A_104 = arith.constant 0 : i32
    %cond3A_105 = arith.cmpi ne, %convert_element_type3A_103, %cond3A_104 : i32
    scf.if %cond3A_105 {
      %mul3A_106 = arith.constant 128 : i32
      %mul3A_107 = arith.muli %add3A_8, %mul3A_106 : i32
      %multiple_of3A_108 = tpu.assume_multiple %mul3A_107, 128 : i32
      %dma_wait3A_109 = arith.constant 0 : i32
      %dma_wait3A_110 = tpu.memref_slice %arg6[%multiple_of3A_108, %dma_wait3A_109] : memref<80000x128xf32, #tpu.memory_space<hbm>> -> memref<128x128xf32, #tpu.memory_space<hbm>>
      %dma_wait3A_111 = arith.constant 0 : i32
      %dma_wait3A_112 = tpu.memref_slice %arg6[%multiple_of3A_108, %dma_wait3A_111] : memref<80000x128xf32, #tpu.memory_space<hbm>> -> memref<128x128xf32, #tpu.memory_space<hbm>>
      tpu.wait_dma2 semaphore(%arg18 : memref<!tpu.dma_semaphore, #tpu.memory_space<semaphore_mem>>) src(%arg11 : memref<128x128xf32, #tpu.memory_space<vmem>>) dst(%dma_wait3A_112 : memref<128x128xf32, #tpu.memory_space<hbm>>)
    } else {
    }
    return
  }
}

#map = affine_map<(d0, d1) -> (0, 0)>
#map1 = affine_map<(d0, d1) -> (0, 0, 0)>
module attributes {stable_mosaic.version = 14 : i64} {
  func.func @_scatter_body(%arg0: i32, %arg1: i32, %arg2: memref<80000x128xf32, #tpu.memory_space<hbm>>, %arg3: memref<632x128xi32, #tpu.memory_space<hbm>>, %arg4: memref<10112x128xf32, #tpu.memory_space<hbm>>, %arg5: memref<2x10112x128xf32, #tpu.memory_space<hbm>>, %arg6: memref<32x128xi32, #tpu.memory_space<vmem>>, %arg7: memref<128x128xf32, #tpu.memory_space<vmem>>, %arg8: memref<128x128xf32, #tpu.memory_space<vmem>>, %arg9: memref<10112x128xf32, #tpu.memory_space<vmem_shared>>, %arg10: memref<!tpu.dma_semaphore, #tpu.memory_space<semaphore_mem>>, %arg11: memref<!tpu.dma_semaphore, #tpu.memory_space<semaphore_mem>>) attributes {dimension_semantics = [#tpu.dimension_semantics<core_parallel>, #tpu.dimension_semantics<subcore_parallel>], iteration_bounds = array<i64: 2, 16>, scalar_prefetch = 0 : i64, scratch_operands = 6 : i64, tpu.core_type = #tpu.core_type<sc_vector_subcore>, window_params = [{transform_indices = #map}, {transform_indices = #map}, {transform_indices = #map}, {transform_indices = #map1}]} {
    %mul3A = arith.constant 2 : i32
    %mul3A_0 = arith.muli %arg1, %mul3A : i32
    %add3A = arith.addi %mul3A_0, %arg0 : i32
    %lt3A = arith.constant 17 : i32
    %lt3A_1 = arith.cmpi slt, %add3A, %lt3A : i32
    %jit3A = arith.constant 1 : i32
    %jit3A_2 = arith.constant 0 : i32
    %select_n3A = arith.select %lt3A_1, %jit3A, %jit3A_2 : i32
    %add3A_3 = arith.constant 19 : i32
    %add3A_4 = arith.addi %add3A_3, %select_n3A : i32
    %mul3A_5 = arith.constant 19 : i32
    %mul3A_6 = arith.muli %add3A, %mul3A_5 : i32
    %min3A = arith.constant 17 : i32
    %min3A_7 = arith.minsi %add3A, %min3A : i32
    %add3A_8 = arith.addi %mul3A_6, %min3A_7 : i32
    %jit3A_9 = arith.constant 8 : i32
    %div3A = arith.divsi %add3A_8, %jit3A_9 : i32
    %sign3A = arith.constant 0 : i32
    %sign3A_10 = arith.cmpi sgt, %add3A_8, %sign3A : i32
    %sign3A_11 = arith.extui %sign3A_10 : i1 to i32
    %sign3A_12 = arith.constant 0 : i32
    %sign3A_13 = arith.cmpi slt, %add3A_8, %sign3A_12 : i32
    %sign3A_14 = arith.extui %sign3A_13 : i1 to i32
    %sign3A_15 = arith.subi %sign3A_11, %sign3A_14 : i32
    %sign3A_16 = arith.constant 0 : i32
    %sign3A_17 = arith.cmpi sgt, %jit3A_9, %sign3A_16 : i32
    %sign3A_18 = arith.extui %sign3A_17 : i1 to i32
    %sign3A_19 = arith.constant 0 : i32
    %sign3A_20 = arith.cmpi slt, %jit3A_9, %sign3A_19 : i32
    %sign3A_21 = arith.extui %sign3A_20 : i1 to i32
    %sign3A_22 = arith.subi %sign3A_18, %sign3A_21 : i32
    %ne3A = arith.cmpi ne, %sign3A_15, %sign3A_22 : i32
    %rem3A = arith.remsi %add3A_8, %jit3A_9 : i32
    %ne3A_23 = arith.constant 0 : i32
    %ne3A_24 = arith.cmpi ne, %rem3A, %ne3A_23 : i32
    %and3A = arith.andi %ne3A, %ne3A_24 : i1
    %sub3A = arith.constant 1 : i32
    %sub3A_25 = arith.subi %div3A, %sub3A : i32
    %select_n3A_26 = arith.select %and3A, %sub3A_25, %div3A : i32
    %mul3A_27 = arith.constant 8 : i32
    %mul3A_28 = arith.muli %select_n3A_26, %mul3A_27 : i32
    %multiple_of3A = tpu.assume_multiple %mul3A_28, 8 : i32
    %sub3A_29 = arith.subi %add3A_8, %multiple_of3A : i32
    %mul3A_30 = arith.constant 632 : i32
    %mul3A_31 = arith.muli %arg1, %mul3A_30 : i32
    %mul3A_32 = arith.constant 632 : i32
    %mul3A_33 = arith.muli %arg1, %mul3A_32 : i32
    "tpu.region"() ({
      %run_scoped3A = tpu.sem_alloc : memref<!tpu.dma_semaphore, #tpu.memory_space<semaphore_mem>>
      %dma_start3A_98 = arith.constant 0 : i32
      %dma_start3A_99 = tpu.memref_slice %arg9[%mul3A_33, %dma_start3A_98] : memref<10112x128xf32, #tpu.memory_space<vmem_shared>> -> memref<632x128xf32, #tpu.memory_space<vmem_shared>>
      %dma_start3A_100 = arith.constant 0 : i32
      %dma_start3A_101 = tpu.memref_slice %arg4[%mul3A_31, %dma_start3A_100] : memref<10112x128xf32, #tpu.memory_space<hbm>> -> memref<632x128xf32, #tpu.memory_space<hbm>>
      tpu.enqueue_dma source(%dma_start3A_101 : memref<632x128xf32, #tpu.memory_space<hbm>>) target(%dma_start3A_99 : memref<632x128xf32, #tpu.memory_space<vmem_shared>>) target_semaphore(%run_scoped3A : memref<!tpu.dma_semaphore, #tpu.memory_space<semaphore_mem>>)
      %dma_wait3A = arith.constant 0 : i32
      %dma_wait3A_102 = tpu.memref_slice %arg9[%mul3A_33, %dma_wait3A] : memref<10112x128xf32, #tpu.memory_space<vmem_shared>> -> memref<632x128xf32, #tpu.memory_space<vmem_shared>>
      %dma_wait3A_103 = arith.constant 0 : i32
      %dma_wait3A_104 = tpu.memref_slice %arg4[%mul3A_31, %dma_wait3A_103] : memref<10112x128xf32, #tpu.memory_space<hbm>> -> memref<632x128xf32, #tpu.memory_space<hbm>>
      tpu.wait_dma2 semaphore(%run_scoped3A : memref<!tpu.dma_semaphore, #tpu.memory_space<semaphore_mem>>) src(%dma_wait3A_104 : memref<632x128xf32, #tpu.memory_space<hbm>>) dst(%dma_wait3A_102 : memref<632x128xf32, #tpu.memory_space<vmem_shared>>)
      tpu.yield
    }) : () -> ()
    "tpu.region"() ({
      %run_scoped3A = tpu.sem_alloc : memref<!tpu.dma_semaphore, #tpu.memory_space<semaphore_mem>>
      %dma_start3A_98 = arith.constant 0 : i32
      %dma_start3A_99 = tpu.memref_slice %arg3[%multiple_of3A, %dma_start3A_98] : memref<632x128xi32, #tpu.memory_space<hbm>> -> memref<32x128xi32, #tpu.memory_space<hbm>>
      %dma_start3A_100 = arith.constant 0 : i32
      %dma_start3A_101 = tpu.memref_slice %arg3[%multiple_of3A, %dma_start3A_100] : memref<632x128xi32, #tpu.memory_space<hbm>> -> memref<32x128xi32, #tpu.memory_space<hbm>>
      tpu.enqueue_dma source(%dma_start3A_101 : memref<32x128xi32, #tpu.memory_space<hbm>>) target(%arg6 : memref<32x128xi32, #tpu.memory_space<vmem>>) target_semaphore(%run_scoped3A : memref<!tpu.dma_semaphore, #tpu.memory_space<semaphore_mem>>)
      %dma_wait3A = arith.constant 0 : i32
      %dma_wait3A_102 = tpu.memref_slice %arg3[%multiple_of3A, %dma_wait3A] : memref<632x128xi32, #tpu.memory_space<hbm>> -> memref<32x128xi32, #tpu.memory_space<hbm>>
      %dma_wait3A_103 = arith.constant 0 : i32
      %dma_wait3A_104 = tpu.memref_slice %arg3[%multiple_of3A, %dma_wait3A_103] : memref<632x128xi32, #tpu.memory_space<hbm>> -> memref<32x128xi32, #tpu.memory_space<hbm>>
      tpu.wait_dma2 semaphore(%run_scoped3A : memref<!tpu.dma_semaphore, #tpu.memory_space<semaphore_mem>>) src(%dma_wait3A_104 : memref<32x128xi32, #tpu.memory_space<hbm>>) dst(%arg6 : memref<32x128xi32, #tpu.memory_space<vmem>>)
      tpu.yield
    }) : () -> ()
    %barrier3A = arith.constant 0 : index
    tpu.barrier barrier_id(%barrier3A)
    %add3A_34 = arith.constant 0 : i32
    %add3A_35 = arith.addi %add3A_8, %add3A_34 : i32
    %mul3A_36 = arith.constant 128 : i32
    %mul3A_37 = arith.muli %add3A_35, %mul3A_36 : i32
    %multiple_of3A_38 = tpu.assume_multiple %mul3A_37, 128 : i32
    %dma_start3A = arith.constant 0 : i32
    %dma_start3A_39 = tpu.memref_slice %arg2[%multiple_of3A_38, %dma_start3A] : memref<80000x128xf32, #tpu.memory_space<hbm>> -> memref<128x128xf32, #tpu.memory_space<hbm>>
    %dma_start3A_40 = arith.constant 0 : i32
    %dma_start3A_41 = tpu.memref_slice %arg2[%multiple_of3A_38, %dma_start3A_40] : memref<80000x128xf32, #tpu.memory_space<hbm>> -> memref<128x128xf32, #tpu.memory_space<hbm>>
    tpu.enqueue_dma source(%dma_start3A_41 : memref<128x128xf32, #tpu.memory_space<hbm>>) target(%arg7 : memref<128x128xf32, #tpu.memory_space<vmem>>) target_semaphore(%arg10 : memref<!tpu.dma_semaphore, #tpu.memory_space<semaphore_mem>>)
    %jit3A_42 = arith.constant 2 : i32
    %div3A_43 = arith.divsi %add3A_4, %jit3A_42 : i32
    %sign3A_44 = arith.constant 0 : i32
    %sign3A_45 = arith.cmpi sgt, %add3A_4, %sign3A_44 : i32
    %sign3A_46 = arith.extui %sign3A_45 : i1 to i32
    %sign3A_47 = arith.constant 0 : i32
    %sign3A_48 = arith.cmpi slt, %add3A_4, %sign3A_47 : i32
    %sign3A_49 = arith.extui %sign3A_48 : i1 to i32
    %sign3A_50 = arith.subi %sign3A_46, %sign3A_49 : i32
    %sign3A_51 = arith.constant 0 : i32
    %sign3A_52 = arith.cmpi sgt, %jit3A_42, %sign3A_51 : i32
    %sign3A_53 = arith.extui %sign3A_52 : i1 to i32
    %sign3A_54 = arith.constant 0 : i32
    %sign3A_55 = arith.cmpi slt, %jit3A_42, %sign3A_54 : i32
    %sign3A_56 = arith.extui %sign3A_55 : i1 to i32
    %sign3A_57 = arith.subi %sign3A_53, %sign3A_56 : i32
    %ne3A_58 = arith.cmpi ne, %sign3A_50, %sign3A_57 : i32
    %rem3A_59 = arith.remsi %add3A_4, %jit3A_42 : i32
    %ne3A_60 = arith.constant 0 : i32
    %ne3A_61 = arith.cmpi ne, %rem3A_59, %ne3A_60 : i32
    %and3A_62 = arith.andi %ne3A_58, %ne3A_61 : i1
    %sub3A_63 = arith.constant 1 : i32
    %sub3A_64 = arith.subi %div3A_43, %sub3A_63 : i32
    %select_n3A_65 = arith.select %and3A_62, %sub3A_64, %div3A_43 : i32
    %while3A = arith.constant 0 : i32
    %while3A_66 = arith.constant 0 : i32
    %while3A_67 = arith.subi %select_n3A_65, %while3A_66 : i32
    %while3A_68 = arith.addi %while3A_66, %while3A_67 : i32
    %while3A_69 = arith.constant 1 : i32
    %while3A_70 = arith.divsi %while3A_67, %while3A_69 : i32
    %while3A_71 = arith.muli %while3A_70, %while3A_69 : i32
    %while3A_72 = arith.addi %while3A_66, %while3A_71 : i32
    %while3A_73 = arith.constant 1 : i32
    scf.for %while3A_98 = %while3A_66 to %while3A_72 step %while3A_73  : i32 {
      %mul3A_99 = arith.constant 2 : i32
      %mul3A_100 = arith.muli %mul3A_99, %while3A_98 : i32
      %add3A_101 = arith.constant 1 : i32
      %add3A_102 = arith.addi %mul3A_100, %add3A_101 : i32
      %add3A_103 = arith.addi %add3A_8, %add3A_102 : i32
      %mul3A_104 = arith.constant 128 : i32
      %mul3A_105 = arith.muli %add3A_103, %mul3A_104 : i32
      %multiple_of3A_106 = tpu.assume_multiple %mul3A_105, 128 : i32
      %dma_start3A_107 = arith.constant 0 : i32
      %dma_start3A_108 = tpu.memref_slice %arg2[%multiple_of3A_106, %dma_start3A_107] : memref<80000x128xf32, #tpu.memory_space<hbm>> -> memref<128x128xf32, #tpu.memory_space<hbm>>
      %dma_start3A_109 = arith.constant 0 : i32
      %dma_start3A_110 = tpu.memref_slice %arg2[%multiple_of3A_106, %dma_start3A_109] : memref<80000x128xf32, #tpu.memory_space<hbm>> -> memref<128x128xf32, #tpu.memory_space<hbm>>
      tpu.enqueue_dma source(%dma_start3A_110 : memref<128x128xf32, #tpu.memory_space<hbm>>) target(%arg8 : memref<128x128xf32, #tpu.memory_space<vmem>>) target_semaphore(%arg11 : memref<!tpu.dma_semaphore, #tpu.memory_space<semaphore_mem>>)
      %add3A_111 = arith.addi %add3A_8, %mul3A_100 : i32
      %mul3A_112 = arith.constant 128 : i32
      %mul3A_113 = arith.muli %add3A_111, %mul3A_112 : i32
      %multiple_of3A_114 = tpu.assume_multiple %mul3A_113, 128 : i32
      %dma_wait3A = arith.constant 0 : i32
      %dma_wait3A_115 = tpu.memref_slice %arg2[%multiple_of3A_114, %dma_wait3A] : memref<80000x128xf32, #tpu.memory_space<hbm>> -> memref<128x128xf32, #tpu.memory_space<hbm>>
      %dma_wait3A_116 = arith.constant 0 : i32
      %dma_wait3A_117 = tpu.memref_slice %arg2[%multiple_of3A_114, %dma_wait3A_116] : memref<80000x128xf32, #tpu.memory_space<hbm>> -> memref<128x128xf32, #tpu.memory_space<hbm>>
      tpu.wait_dma2 semaphore(%arg10 : memref<!tpu.dma_semaphore, #tpu.memory_space<semaphore_mem>>) src(%dma_wait3A_117 : memref<128x128xf32, #tpu.memory_space<hbm>>) dst(%arg7 : memref<128x128xf32, #tpu.memory_space<vmem>>)
      %add3A_118 = arith.addi %sub3A_29, %mul3A_100 : i32
      "tpu.region"() ({
        %run_scoped3A = tpu.sem_alloc : memref<!tpu.dma_semaphore, #tpu.memory_space<semaphore_mem>>
        %dma_start3A_134 = arith.constant 0 : i32
        %dma_start3A_135 = tpu.memref_slice %arg6[%add3A_118, %dma_start3A_134] : memref<32x128xi32, #tpu.memory_space<vmem>> -> memref<1x128xi32, #tpu.memory_space<vmem>>
        %dma_start3A_136 = tpu.memref_squeeze %dma_start3A_135 : memref<1x128xi32, #tpu.memory_space<vmem>> -> memref<128xi32, #tpu.memory_space<vmem>>
        %dma_start3A_137 = arith.constant 0 : i32
        %dma_start3A_138 = arith.constant 0 : i32
        %dma_start3A_139 = tpu.memref_slice %arg9[%dma_start3A_137, %dma_start3A_138] : memref<10112x128xf32, #tpu.memory_space<vmem_shared>> -> memref<10112x128xf32, #tpu.memory_space<vmem_shared>>
        tpu.enqueue_indirect_dma source(%arg7 : memref<128x128xf32, #tpu.memory_space<vmem>>) target(%dma_start3A_139 : memref<10112x128xf32, #tpu.memory_space<vmem_shared>>) offsets(%dma_start3A_136 : memref<128xi32, #tpu.memory_space<vmem>>) semaphore(%run_scoped3A : memref<!tpu.dma_semaphore, #tpu.memory_space<semaphore_mem>>) {add = true}
        %dma_wait3A_140 = arith.constant 0 : i32
        %dma_wait3A_141 = tpu.memref_slice %arg6[%add3A_118, %dma_wait3A_140] : memref<32x128xi32, #tpu.memory_space<vmem>> -> memref<1x128xi32, #tpu.memory_space<vmem>>
        %dma_wait3A_142 = tpu.memref_squeeze %dma_wait3A_141 : memref<1x128xi32, #tpu.memory_space<vmem>> -> memref<128xi32, #tpu.memory_space<vmem>>
        %dma_wait3A_143 = arith.constant 0 : i32
        %dma_wait3A_144 = arith.constant 0 : i32
        %dma_wait3A_145 = tpu.memref_slice %arg9[%dma_wait3A_143, %dma_wait3A_144] : memref<10112x128xf32, #tpu.memory_space<vmem_shared>> -> memref<10112x128xf32, #tpu.memory_space<vmem_shared>>
        tpu.wait_indirect_dma semaphore(%run_scoped3A : memref<!tpu.dma_semaphore, #tpu.memory_space<semaphore_mem>>) src(%arg7 : memref<128x128xf32, #tpu.memory_space<vmem>>) dst(%dma_wait3A_145 : memref<10112x128xf32, #tpu.memory_space<vmem_shared>>)
        tpu.yield
      }) : () -> ()
      %add3A_119 = arith.constant 1 : i32
      %add3A_120 = arith.addi %add3A_102, %add3A_119 : i32
      %lt3A_121 = arith.cmpi slt, %add3A_120, %add3A_4 : i32
      %convert_element_type3A_122 = arith.extui %lt3A_121 : i1 to i32
      %cond3A_123 = arith.constant 0 : i32
      %cond3A_124 = arith.cmpi ne, %convert_element_type3A_122, %cond3A_123 : i32
      scf.if %cond3A_124 {
        %add3A_134 = arith.constant 1 : i32
        %add3A_135 = arith.addi %add3A_102, %add3A_134 : i32
        %add3A_136 = arith.addi %add3A_8, %add3A_135 : i32
        %mul3A_137 = arith.constant 128 : i32
        %mul3A_138 = arith.muli %add3A_136, %mul3A_137 : i32
        %multiple_of3A_139 = tpu.assume_multiple %mul3A_138, 128 : i32
        %dma_start3A_140 = arith.constant 0 : i32
        %dma_start3A_141 = tpu.memref_slice %arg2[%multiple_of3A_139, %dma_start3A_140] : memref<80000x128xf32, #tpu.memory_space<hbm>> -> memref<128x128xf32, #tpu.memory_space<hbm>>
        %dma_start3A_142 = arith.constant 0 : i32
        %dma_start3A_143 = tpu.memref_slice %arg2[%multiple_of3A_139, %dma_start3A_142] : memref<80000x128xf32, #tpu.memory_space<hbm>> -> memref<128x128xf32, #tpu.memory_space<hbm>>
        tpu.enqueue_dma source(%dma_start3A_143 : memref<128x128xf32, #tpu.memory_space<hbm>>) target(%arg7 : memref<128x128xf32, #tpu.memory_space<vmem>>) target_semaphore(%arg10 : memref<!tpu.dma_semaphore, #tpu.memory_space<semaphore_mem>>)
      } else {
      }
      %add3A_125 = arith.addi %add3A_8, %add3A_102 : i32
      %mul3A_126 = arith.constant 128 : i32
      %mul3A_127 = arith.muli %add3A_125, %mul3A_126 : i32
      %multiple_of3A_128 = tpu.assume_multiple %mul3A_127, 128 : i32
      %dma_wait3A_129 = arith.constant 0 : i32
      %dma_wait3A_130 = tpu.memref_slice %arg2[%multiple_of3A_128, %dma_wait3A_129] : memref<80000x128xf32, #tpu.memory_space<hbm>> -> memref<128x128xf32, #tpu.memory_space<hbm>>
      %dma_wait3A_131 = arith.constant 0 : i32
      %dma_wait3A_132 = tpu.memref_slice %arg2[%multiple_of3A_128, %dma_wait3A_131] : memref<80000x128xf32, #tpu.memory_space<hbm>> -> memref<128x128xf32, #tpu.memory_space<hbm>>
      tpu.wait_dma2 semaphore(%arg11 : memref<!tpu.dma_semaphore, #tpu.memory_space<semaphore_mem>>) src(%dma_wait3A_132 : memref<128x128xf32, #tpu.memory_space<hbm>>) dst(%arg8 : memref<128x128xf32, #tpu.memory_space<vmem>>)
      %add3A_133 = arith.addi %sub3A_29, %add3A_102 : i32
      "tpu.region"() ({
        %run_scoped3A = tpu.sem_alloc : memref<!tpu.dma_semaphore, #tpu.memory_space<semaphore_mem>>
        %dma_start3A_134 = arith.constant 0 : i32
        %dma_start3A_135 = tpu.memref_slice %arg6[%add3A_133, %dma_start3A_134] : memref<32x128xi32, #tpu.memory_space<vmem>> -> memref<1x128xi32, #tpu.memory_space<vmem>>
        %dma_start3A_136 = tpu.memref_squeeze %dma_start3A_135 : memref<1x128xi32, #tpu.memory_space<vmem>> -> memref<128xi32, #tpu.memory_space<vmem>>
        %dma_start3A_137 = arith.constant 0 : i32
        %dma_start3A_138 = arith.constant 0 : i32
        %dma_start3A_139 = tpu.memref_slice %arg9[%dma_start3A_137, %dma_start3A_138] : memref<10112x128xf32, #tpu.memory_space<vmem_shared>> -> memref<10112x128xf32, #tpu.memory_space<vmem_shared>>
        tpu.enqueue_indirect_dma source(%arg8 : memref<128x128xf32, #tpu.memory_space<vmem>>) target(%dma_start3A_139 : memref<10112x128xf32, #tpu.memory_space<vmem_shared>>) offsets(%dma_start3A_136 : memref<128xi32, #tpu.memory_space<vmem>>) semaphore(%run_scoped3A : memref<!tpu.dma_semaphore, #tpu.memory_space<semaphore_mem>>) {add = true}
        %dma_wait3A_140 = arith.constant 0 : i32
        %dma_wait3A_141 = tpu.memref_slice %arg6[%add3A_133, %dma_wait3A_140] : memref<32x128xi32, #tpu.memory_space<vmem>> -> memref<1x128xi32, #tpu.memory_space<vmem>>
        %dma_wait3A_142 = tpu.memref_squeeze %dma_wait3A_141 : memref<1x128xi32, #tpu.memory_space<vmem>> -> memref<128xi32, #tpu.memory_space<vmem>>
        %dma_wait3A_143 = arith.constant 0 : i32
        %dma_wait3A_144 = arith.constant 0 : i32
        %dma_wait3A_145 = tpu.memref_slice %arg9[%dma_wait3A_143, %dma_wait3A_144] : memref<10112x128xf32, #tpu.memory_space<vmem_shared>> -> memref<10112x128xf32, #tpu.memory_space<vmem_shared>>
        tpu.wait_indirect_dma semaphore(%run_scoped3A : memref<!tpu.dma_semaphore, #tpu.memory_space<semaphore_mem>>) src(%arg8 : memref<128x128xf32, #tpu.memory_space<vmem>>) dst(%dma_wait3A_145 : memref<10112x128xf32, #tpu.memory_space<vmem_shared>>)
        tpu.yield
      }) : () -> ()
    }
    %while3A_74 = arith.constant 1 : i32
    scf.for %while3A_98 = %while3A_72 to %while3A_68 step %while3A_74  : i32 {
      %mul3A_99 = arith.constant 2 : i32
      %mul3A_100 = arith.muli %mul3A_99, %while3A_98 : i32
      %add3A_101 = arith.constant 1 : i32
      %add3A_102 = arith.addi %mul3A_100, %add3A_101 : i32
      %add3A_103 = arith.addi %add3A_8, %add3A_102 : i32
      %mul3A_104 = arith.constant 128 : i32
      %mul3A_105 = arith.muli %add3A_103, %mul3A_104 : i32
      %multiple_of3A_106 = tpu.assume_multiple %mul3A_105, 128 : i32
      %dma_start3A_107 = arith.constant 0 : i32
      %dma_start3A_108 = tpu.memref_slice %arg2[%multiple_of3A_106, %dma_start3A_107] : memref<80000x128xf32, #tpu.memory_space<hbm>> -> memref<128x128xf32, #tpu.memory_space<hbm>>
      %dma_start3A_109 = arith.constant 0 : i32
      %dma_start3A_110 = tpu.memref_slice %arg2[%multiple_of3A_106, %dma_start3A_109] : memref<80000x128xf32, #tpu.memory_space<hbm>> -> memref<128x128xf32, #tpu.memory_space<hbm>>
      tpu.enqueue_dma source(%dma_start3A_110 : memref<128x128xf32, #tpu.memory_space<hbm>>) target(%arg8 : memref<128x128xf32, #tpu.memory_space<vmem>>) target_semaphore(%arg11 : memref<!tpu.dma_semaphore, #tpu.memory_space<semaphore_mem>>)
      %add3A_111 = arith.addi %add3A_8, %mul3A_100 : i32
      %mul3A_112 = arith.constant 128 : i32
      %mul3A_113 = arith.muli %add3A_111, %mul3A_112 : i32
      %multiple_of3A_114 = tpu.assume_multiple %mul3A_113, 128 : i32
      %dma_wait3A = arith.constant 0 : i32
      %dma_wait3A_115 = tpu.memref_slice %arg2[%multiple_of3A_114, %dma_wait3A] : memref<80000x128xf32, #tpu.memory_space<hbm>> -> memref<128x128xf32, #tpu.memory_space<hbm>>
      %dma_wait3A_116 = arith.constant 0 : i32
      %dma_wait3A_117 = tpu.memref_slice %arg2[%multiple_of3A_114, %dma_wait3A_116] : memref<80000x128xf32, #tpu.memory_space<hbm>> -> memref<128x128xf32, #tpu.memory_space<hbm>>
      tpu.wait_dma2 semaphore(%arg10 : memref<!tpu.dma_semaphore, #tpu.memory_space<semaphore_mem>>) src(%dma_wait3A_117 : memref<128x128xf32, #tpu.memory_space<hbm>>) dst(%arg7 : memref<128x128xf32, #tpu.memory_space<vmem>>)
      %add3A_118 = arith.addi %sub3A_29, %mul3A_100 : i32
      "tpu.region"() ({
        %run_scoped3A = tpu.sem_alloc : memref<!tpu.dma_semaphore, #tpu.memory_space<semaphore_mem>>
        %dma_start3A_134 = arith.constant 0 : i32
        %dma_start3A_135 = tpu.memref_slice %arg6[%add3A_118, %dma_start3A_134] : memref<32x128xi32, #tpu.memory_space<vmem>> -> memref<1x128xi32, #tpu.memory_space<vmem>>
        %dma_start3A_136 = tpu.memref_squeeze %dma_start3A_135 : memref<1x128xi32, #tpu.memory_space<vmem>> -> memref<128xi32, #tpu.memory_space<vmem>>
        %dma_start3A_137 = arith.constant 0 : i32
        %dma_start3A_138 = arith.constant 0 : i32
        %dma_start3A_139 = tpu.memref_slice %arg9[%dma_start3A_137, %dma_start3A_138] : memref<10112x128xf32, #tpu.memory_space<vmem_shared>> -> memref<10112x128xf32, #tpu.memory_space<vmem_shared>>
        tpu.enqueue_indirect_dma source(%arg7 : memref<128x128xf32, #tpu.memory_space<vmem>>) target(%dma_start3A_139 : memref<10112x128xf32, #tpu.memory_space<vmem_shared>>) offsets(%dma_start3A_136 : memref<128xi32, #tpu.memory_space<vmem>>) semaphore(%run_scoped3A : memref<!tpu.dma_semaphore, #tpu.memory_space<semaphore_mem>>) {add = true}
        %dma_wait3A_140 = arith.constant 0 : i32
        %dma_wait3A_141 = tpu.memref_slice %arg6[%add3A_118, %dma_wait3A_140] : memref<32x128xi32, #tpu.memory_space<vmem>> -> memref<1x128xi32, #tpu.memory_space<vmem>>
        %dma_wait3A_142 = tpu.memref_squeeze %dma_wait3A_141 : memref<1x128xi32, #tpu.memory_space<vmem>> -> memref<128xi32, #tpu.memory_space<vmem>>
        %dma_wait3A_143 = arith.constant 0 : i32
        %dma_wait3A_144 = arith.constant 0 : i32
        %dma_wait3A_145 = tpu.memref_slice %arg9[%dma_wait3A_143, %dma_wait3A_144] : memref<10112x128xf32, #tpu.memory_space<vmem_shared>> -> memref<10112x128xf32, #tpu.memory_space<vmem_shared>>
        tpu.wait_indirect_dma semaphore(%run_scoped3A : memref<!tpu.dma_semaphore, #tpu.memory_space<semaphore_mem>>) src(%arg7 : memref<128x128xf32, #tpu.memory_space<vmem>>) dst(%dma_wait3A_145 : memref<10112x128xf32, #tpu.memory_space<vmem_shared>>)
        tpu.yield
      }) : () -> ()
      %add3A_119 = arith.constant 1 : i32
      %add3A_120 = arith.addi %add3A_102, %add3A_119 : i32
      %lt3A_121 = arith.cmpi slt, %add3A_120, %add3A_4 : i32
      %convert_element_type3A_122 = arith.extui %lt3A_121 : i1 to i32
      %cond3A_123 = arith.constant 0 : i32
      %cond3A_124 = arith.cmpi ne, %convert_element_type3A_122, %cond3A_123 : i32
      scf.if %cond3A_124 {
        %add3A_134 = arith.constant 1 : i32
        %add3A_135 = arith.addi %add3A_102, %add3A_134 : i32
        %add3A_136 = arith.addi %add3A_8, %add3A_135 : i32
        %mul3A_137 = arith.constant 128 : i32
        %mul3A_138 = arith.muli %add3A_136, %mul3A_137 : i32
        %multiple_of3A_139 = tpu.assume_multiple %mul3A_138, 128 : i32
        %dma_start3A_140 = arith.constant 0 : i32
        %dma_start3A_141 = tpu.memref_slice %arg2[%multiple_of3A_139, %dma_start3A_140] : memref<80000x128xf32, #tpu.memory_space<hbm>> -> memref<128x128xf32, #tpu.memory_space<hbm>>
        %dma_start3A_142 = arith.constant 0 : i32
        %dma_start3A_143 = tpu.memref_slice %arg2[%multiple_of3A_139, %dma_start3A_142] : memref<80000x128xf32, #tpu.memory_space<hbm>> -> memref<128x128xf32, #tpu.memory_space<hbm>>
        tpu.enqueue_dma source(%dma_start3A_143 : memref<128x128xf32, #tpu.memory_space<hbm>>) target(%arg7 : memref<128x128xf32, #tpu.memory_space<vmem>>) target_semaphore(%arg10 : memref<!tpu.dma_semaphore, #tpu.memory_space<semaphore_mem>>)
      } else {
      }
      %add3A_125 = arith.addi %add3A_8, %add3A_102 : i32
      %mul3A_126 = arith.constant 128 : i32
      %mul3A_127 = arith.muli %add3A_125, %mul3A_126 : i32
      %multiple_of3A_128 = tpu.assume_multiple %mul3A_127, 128 : i32
      %dma_wait3A_129 = arith.constant 0 : i32
      %dma_wait3A_130 = tpu.memref_slice %arg2[%multiple_of3A_128, %dma_wait3A_129] : memref<80000x128xf32, #tpu.memory_space<hbm>> -> memref<128x128xf32, #tpu.memory_space<hbm>>
      %dma_wait3A_131 = arith.constant 0 : i32
      %dma_wait3A_132 = tpu.memref_slice %arg2[%multiple_of3A_128, %dma_wait3A_131] : memref<80000x128xf32, #tpu.memory_space<hbm>> -> memref<128x128xf32, #tpu.memory_space<hbm>>
      tpu.wait_dma2 semaphore(%arg11 : memref<!tpu.dma_semaphore, #tpu.memory_space<semaphore_mem>>) src(%dma_wait3A_132 : memref<128x128xf32, #tpu.memory_space<hbm>>) dst(%arg8 : memref<128x128xf32, #tpu.memory_space<vmem>>)
      %add3A_133 = arith.addi %sub3A_29, %add3A_102 : i32
      "tpu.region"() ({
        %run_scoped3A = tpu.sem_alloc : memref<!tpu.dma_semaphore, #tpu.memory_space<semaphore_mem>>
        %dma_start3A_134 = arith.constant 0 : i32
        %dma_start3A_135 = tpu.memref_slice %arg6[%add3A_133, %dma_start3A_134] : memref<32x128xi32, #tpu.memory_space<vmem>> -> memref<1x128xi32, #tpu.memory_space<vmem>>
        %dma_start3A_136 = tpu.memref_squeeze %dma_start3A_135 : memref<1x128xi32, #tpu.memory_space<vmem>> -> memref<128xi32, #tpu.memory_space<vmem>>
        %dma_start3A_137 = arith.constant 0 : i32
        %dma_start3A_138 = arith.constant 0 : i32
        %dma_start3A_139 = tpu.memref_slice %arg9[%dma_start3A_137, %dma_start3A_138] : memref<10112x128xf32, #tpu.memory_space<vmem_shared>> -> memref<10112x128xf32, #tpu.memory_space<vmem_shared>>
        tpu.enqueue_indirect_dma source(%arg8 : memref<128x128xf32, #tpu.memory_space<vmem>>) target(%dma_start3A_139 : memref<10112x128xf32, #tpu.memory_space<vmem_shared>>) offsets(%dma_start3A_136 : memref<128xi32, #tpu.memory_space<vmem>>) semaphore(%run_scoped3A : memref<!tpu.dma_semaphore, #tpu.memory_space<semaphore_mem>>) {add = true}
        %dma_wait3A_140 = arith.constant 0 : i32
        %dma_wait3A_141 = tpu.memref_slice %arg6[%add3A_133, %dma_wait3A_140] : memref<32x128xi32, #tpu.memory_space<vmem>> -> memref<1x128xi32, #tpu.memory_space<vmem>>
        %dma_wait3A_142 = tpu.memref_squeeze %dma_wait3A_141 : memref<1x128xi32, #tpu.memory_space<vmem>> -> memref<128xi32, #tpu.memory_space<vmem>>
        %dma_wait3A_143 = arith.constant 0 : i32
        %dma_wait3A_144 = arith.constant 0 : i32
        %dma_wait3A_145 = tpu.memref_slice %arg9[%dma_wait3A_143, %dma_wait3A_144] : memref<10112x128xf32, #tpu.memory_space<vmem_shared>> -> memref<10112x128xf32, #tpu.memory_space<vmem_shared>>
        tpu.wait_indirect_dma semaphore(%run_scoped3A : memref<!tpu.dma_semaphore, #tpu.memory_space<semaphore_mem>>) src(%arg8 : memref<128x128xf32, #tpu.memory_space<vmem>>) dst(%dma_wait3A_145 : memref<10112x128xf32, #tpu.memory_space<vmem_shared>>)
        tpu.yield
      }) : () -> ()
    }
    %jit3A_75 = arith.constant 2 : i32
    %eq3A = arith.constant 0 : i32
    %eq3A_76 = arith.cmpi eq, %jit3A_75, %eq3A : i32
    %jit3A_77 = arith.constant 1 : i32
    %select_n3A_78 = arith.select %eq3A_76, %jit3A_77, %jit3A_75 : i32
    %rem3A_79 = arith.remsi %add3A_4, %select_n3A_78 : i32
    %ne3A_80 = arith.constant 0 : i32
    %ne3A_81 = arith.cmpi ne, %rem3A_79, %ne3A_80 : i32
    %lt3A_82 = arith.constant 0 : i32
    %lt3A_83 = arith.cmpi slt, %rem3A_79, %lt3A_82 : i32
    %lt3A_84 = arith.constant 0 : i32
    %lt3A_85 = arith.cmpi slt, %select_n3A_78, %lt3A_84 : i32
    %ne3A_86 = arith.xori %lt3A_83, %lt3A_85 : i1
    %and3A_87 = arith.andi %ne3A_86, %ne3A_81 : i1
    %add3A_88 = arith.addi %rem3A_79, %select_n3A_78 : i32
    %select_n3A_89 = arith.select %and3A_87, %add3A_88, %rem3A_79 : i32
    %eq3A_90 = arith.constant 1 : i32
    %eq3A_91 = arith.cmpi eq, %select_n3A_89, %eq3A_90 : i32
    %convert_element_type3A = arith.extui %eq3A_91 : i1 to i32
    %cond3A = arith.constant 0 : i32
    %cond3A_92 = arith.cmpi ne, %convert_element_type3A, %cond3A : i32
    scf.if %cond3A_92 {
      %sub3A_98 = arith.constant 1 : i32
      %sub3A_99 = arith.subi %add3A_4, %sub3A_98 : i32
      %add3A_100 = arith.addi %add3A_8, %sub3A_99 : i32
      %mul3A_101 = arith.constant 128 : i32
      %mul3A_102 = arith.muli %add3A_100, %mul3A_101 : i32
      %multiple_of3A_103 = tpu.assume_multiple %mul3A_102, 128 : i32
      %dma_wait3A = arith.constant 0 : i32
      %dma_wait3A_104 = tpu.memref_slice %arg2[%multiple_of3A_103, %dma_wait3A] : memref<80000x128xf32, #tpu.memory_space<hbm>> -> memref<128x128xf32, #tpu.memory_space<hbm>>
      %dma_wait3A_105 = arith.constant 0 : i32
      %dma_wait3A_106 = tpu.memref_slice %arg2[%multiple_of3A_103, %dma_wait3A_105] : memref<80000x128xf32, #tpu.memory_space<hbm>> -> memref<128x128xf32, #tpu.memory_space<hbm>>
      tpu.wait_dma2 semaphore(%arg10 : memref<!tpu.dma_semaphore, #tpu.memory_space<semaphore_mem>>) src(%dma_wait3A_106 : memref<128x128xf32, #tpu.memory_space<hbm>>) dst(%arg7 : memref<128x128xf32, #tpu.memory_space<vmem>>)
      %add3A_107 = arith.addi %sub3A_29, %sub3A_99 : i32
      "tpu.region"() ({
        %run_scoped3A = tpu.sem_alloc : memref<!tpu.dma_semaphore, #tpu.memory_space<semaphore_mem>>
        %dma_start3A_108 = arith.constant 0 : i32
        %dma_start3A_109 = tpu.memref_slice %arg6[%add3A_107, %dma_start3A_108] : memref<32x128xi32, #tpu.memory_space<vmem>> -> memref<1x128xi32, #tpu.memory_space<vmem>>
        %dma_start3A_110 = tpu.memref_squeeze %dma_start3A_109 : memref<1x128xi32, #tpu.memory_space<vmem>> -> memref<128xi32, #tpu.memory_space<vmem>>
        %dma_start3A_111 = arith.constant 0 : i32
        %dma_start3A_112 = arith.constant 0 : i32
        %dma_start3A_113 = tpu.memref_slice %arg9[%dma_start3A_111, %dma_start3A_112] : memref<10112x128xf32, #tpu.memory_space<vmem_shared>> -> memref<10112x128xf32, #tpu.memory_space<vmem_shared>>
        tpu.enqueue_indirect_dma source(%arg7 : memref<128x128xf32, #tpu.memory_space<vmem>>) target(%dma_start3A_113 : memref<10112x128xf32, #tpu.memory_space<vmem_shared>>) offsets(%dma_start3A_110 : memref<128xi32, #tpu.memory_space<vmem>>) semaphore(%run_scoped3A : memref<!tpu.dma_semaphore, #tpu.memory_space<semaphore_mem>>) {add = true}
        %dma_wait3A_114 = arith.constant 0 : i32
        %dma_wait3A_115 = tpu.memref_slice %arg6[%add3A_107, %dma_wait3A_114] : memref<32x128xi32, #tpu.memory_space<vmem>> -> memref<1x128xi32, #tpu.memory_space<vmem>>
        %dma_wait3A_116 = tpu.memref_squeeze %dma_wait3A_115 : memref<1x128xi32, #tpu.memory_space<vmem>> -> memref<128xi32, #tpu.memory_space<vmem>>
        %dma_wait3A_117 = arith.constant 0 : i32
        %dma_wait3A_118 = arith.constant 0 : i32
        %dma_wait3A_119 = tpu.memref_slice %arg9[%dma_wait3A_117, %dma_wait3A_118] : memref<10112x128xf32, #tpu.memory_space<vmem_shared>> -> memref<10112x128xf32, #tpu.memory_space<vmem_shared>>
        tpu.wait_indirect_dma semaphore(%run_scoped3A : memref<!tpu.dma_semaphore, #tpu.memory_space<semaphore_mem>>) src(%arg7 : memref<128x128xf32, #tpu.memory_space<vmem>>) dst(%dma_wait3A_119 : memref<10112x128xf32, #tpu.memory_space<vmem_shared>>)
        tpu.yield
      }) : () -> ()
    } else {
    }
    %barrier3A_93 = arith.constant 0 : index
    tpu.barrier barrier_id(%barrier3A_93)
    %mul3A_94 = arith.constant 632 : i32
    %mul3A_95 = arith.muli %arg1, %mul3A_94 : i32
    %mul3A_96 = arith.constant 632 : i32
    %mul3A_97 = arith.muli %arg1, %mul3A_96 : i32
    "tpu.region"() ({
      %run_scoped3A = tpu.sem_alloc : memref<!tpu.dma_semaphore, #tpu.memory_space<semaphore_mem>>
      %dma_start3A_98 = arith.constant 0 : i32
      %dma_start3A_99 = tpu.memref_slice %arg5[%arg0, %mul3A_97, %dma_start3A_98] : memref<2x10112x128xf32, #tpu.memory_space<hbm>> -> memref<1x632x128xf32, #tpu.memory_space<hbm>>
      %dma_start3A_100 = tpu.memref_squeeze %dma_start3A_99 : memref<1x632x128xf32, #tpu.memory_space<hbm>> -> memref<632x128xf32, #tpu.memory_space<hbm>>
      %dma_start3A_101 = arith.constant 0 : i32
      %dma_start3A_102 = tpu.memref_slice %arg9[%mul3A_95, %dma_start3A_101] : memref<10112x128xf32, #tpu.memory_space<vmem_shared>> -> memref<632x128xf32, #tpu.memory_space<vmem_shared>>
      tpu.enqueue_dma source(%dma_start3A_102 : memref<632x128xf32, #tpu.memory_space<vmem_shared>>) target(%dma_start3A_100 : memref<632x128xf32, #tpu.memory_space<hbm>>) target_semaphore(%run_scoped3A : memref<!tpu.dma_semaphore, #tpu.memory_space<semaphore_mem>>)
      %dma_wait3A = arith.constant 0 : i32
      %dma_wait3A_103 = tpu.memref_slice %arg5[%arg0, %mul3A_97, %dma_wait3A] : memref<2x10112x128xf32, #tpu.memory_space<hbm>> -> memref<1x632x128xf32, #tpu.memory_space<hbm>>
      %dma_wait3A_104 = tpu.memref_squeeze %dma_wait3A_103 : memref<1x632x128xf32, #tpu.memory_space<hbm>> -> memref<632x128xf32, #tpu.memory_space<hbm>>
      %dma_wait3A_105 = arith.constant 0 : i32
      %dma_wait3A_106 = tpu.memref_slice %arg9[%mul3A_95, %dma_wait3A_105] : memref<10112x128xf32, #tpu.memory_space<vmem_shared>> -> memref<632x128xf32, #tpu.memory_space<vmem_shared>>
      tpu.wait_dma2 semaphore(%run_scoped3A : memref<!tpu.dma_semaphore, #tpu.memory_space<semaphore_mem>>) src(%dma_wait3A_106 : memref<632x128xf32, #tpu.memory_space<vmem_shared>>) dst(%dma_wait3A_104 : memref<632x128xf32, #tpu.memory_space<hbm>>)
      tpu.yield
    }) : () -> ()
    return
  }
}

#map = affine_map<(d0, d1) -> (0, 0)>
module attributes {stable_mosaic.version = 14 : i64} {
  func.func @_gather_body(%arg0: i32, %arg1: i32, %arg2: memref<10000x128xf32, #tpu.memory_space<hbm>>, %arg3: memref<10000x128xf32, #tpu.memory_space<hbm>>, %arg4: memref<632x128xi32, #tpu.memory_space<hbm>>, %arg5: memref<632x128xi32, #tpu.memory_space<hbm>>, %arg6: memref<80000x128xf32, #tpu.memory_space<hbm>>, %arg7: memref<32x128xi32, #tpu.memory_space<vmem>>, %arg8: memref<32x128xi32, #tpu.memory_space<vmem>>, %arg9: memref<128x128xf32, #tpu.memory_space<vmem>>, %arg10: memref<128x128xf32, #tpu.memory_space<vmem>>, %arg11: memref<128x128xf32, #tpu.memory_space<vmem>>, %arg12: memref<128x128xf32, #tpu.memory_space<vmem>>, %arg13: memref<!tpu.dma_semaphore, #tpu.memory_space<semaphore_mem>>, %arg14: memref<!tpu.dma_semaphore, #tpu.memory_space<semaphore_mem>>, %arg15: memref<!tpu.dma_semaphore, #tpu.memory_space<semaphore_mem>>, %arg16: memref<!tpu.dma_semaphore, #tpu.memory_space<semaphore_mem>>, %arg17: memref<!tpu.dma_semaphore, #tpu.memory_space<semaphore_mem>>, %arg18: memref<!tpu.dma_semaphore, #tpu.memory_space<semaphore_mem>>) attributes {dimension_semantics = [#tpu.dimension_semantics<core_parallel>, #tpu.dimension_semantics<subcore_parallel>], iteration_bounds = array<i64: 2, 16>, scalar_prefetch = 0 : i64, scratch_operands = 12 : i64, tpu.core_type = #tpu.core_type<sc_vector_subcore>, window_params = [{transform_indices = #map}, {transform_indices = #map}, {transform_indices = #map}, {transform_indices = #map}, {transform_indices = #map}]} {
    %mul3A = arith.constant 2 : i32
    %mul3A_0 = arith.muli %arg1, %mul3A : i32
    %add3A = arith.addi %mul3A_0, %arg0 : i32
    %lt3A = arith.constant 17 : i32
    %lt3A_1 = arith.cmpi slt, %add3A, %lt3A : i32
    %jit3A = arith.constant 1 : i32
    %jit3A_2 = arith.constant 0 : i32
    %select_n3A = arith.select %lt3A_1, %jit3A, %jit3A_2 : i32
    %add3A_3 = arith.constant 19 : i32
    %add3A_4 = arith.addi %add3A_3, %select_n3A : i32
    %mul3A_5 = arith.constant 19 : i32
    %mul3A_6 = arith.muli %add3A, %mul3A_5 : i32
    %min3A = arith.constant 17 : i32
    %min3A_7 = arith.minsi %add3A, %min3A : i32
    %add3A_8 = arith.addi %mul3A_6, %min3A_7 : i32
    %jit3A_9 = arith.constant 8 : i32
    %div3A = arith.divsi %add3A_8, %jit3A_9 : i32
    %sign3A = arith.constant 0 : i32
    %sign3A_10 = arith.cmpi sgt, %add3A_8, %sign3A : i32
    %sign3A_11 = arith.extui %sign3A_10 : i1 to i32
    %sign3A_12 = arith.constant 0 : i32
    %sign3A_13 = arith.cmpi slt, %add3A_8, %sign3A_12 : i32
    %sign3A_14 = arith.extui %sign3A_13 : i1 to i32
    %sign3A_15 = arith.subi %sign3A_11, %sign3A_14 : i32
    %sign3A_16 = arith.constant 0 : i32
    %sign3A_17 = arith.cmpi sgt, %jit3A_9, %sign3A_16 : i32
    %sign3A_18 = arith.extui %sign3A_17 : i1 to i32
    %sign3A_19 = arith.constant 0 : i32
    %sign3A_20 = arith.cmpi slt, %jit3A_9, %sign3A_19 : i32
    %sign3A_21 = arith.extui %sign3A_20 : i1 to i32
    %sign3A_22 = arith.subi %sign3A_18, %sign3A_21 : i32
    %ne3A = arith.cmpi ne, %sign3A_15, %sign3A_22 : i32
    %rem3A = arith.remsi %add3A_8, %jit3A_9 : i32
    %ne3A_23 = arith.constant 0 : i32
    %ne3A_24 = arith.cmpi ne, %rem3A, %ne3A_23 : i32
    %and3A = arith.andi %ne3A, %ne3A_24 : i1
    %sub3A = arith.constant 1 : i32
    %sub3A_25 = arith.subi %div3A, %sub3A : i32
    %select_n3A_26 = arith.select %and3A, %sub3A_25, %div3A : i32
    %mul3A_27 = arith.constant 8 : i32
    %mul3A_28 = arith.muli %select_n3A_26, %mul3A_27 : i32
    %multiple_of3A = tpu.assume_multiple %mul3A_28, 8 : i32
    %sub3A_29 = arith.subi %add3A_8, %multiple_of3A : i32
    "tpu.region"() ({
      %run_scoped3A = tpu.sem_alloc : memref<!tpu.dma_semaphore, #tpu.memory_space<semaphore_mem>>
      %dma_start3A_106 = arith.constant 0 : i32
      %dma_start3A_107 = tpu.memref_slice %arg4[%multiple_of3A, %dma_start3A_106] : memref<632x128xi32, #tpu.memory_space<hbm>> -> memref<32x128xi32, #tpu.memory_space<hbm>>
      %dma_start3A_108 = arith.constant 0 : i32
      %dma_start3A_109 = tpu.memref_slice %arg4[%multiple_of3A, %dma_start3A_108] : memref<632x128xi32, #tpu.memory_space<hbm>> -> memref<32x128xi32, #tpu.memory_space<hbm>>
      tpu.enqueue_dma source(%dma_start3A_109 : memref<32x128xi32, #tpu.memory_space<hbm>>) target(%arg7 : memref<32x128xi32, #tpu.memory_space<vmem>>) target_semaphore(%run_scoped3A : memref<!tpu.dma_semaphore, #tpu.memory_space<semaphore_mem>>)
      %dma_wait3A_110 = arith.constant 0 : i32
      %dma_wait3A_111 = tpu.memref_slice %arg4[%multiple_of3A, %dma_wait3A_110] : memref<632x128xi32, #tpu.memory_space<hbm>> -> memref<32x128xi32, #tpu.memory_space<hbm>>
      %dma_wait3A_112 = arith.constant 0 : i32
      %dma_wait3A_113 = tpu.memref_slice %arg4[%multiple_of3A, %dma_wait3A_112] : memref<632x128xi32, #tpu.memory_space<hbm>> -> memref<32x128xi32, #tpu.memory_space<hbm>>
      tpu.wait_dma2 semaphore(%run_scoped3A : memref<!tpu.dma_semaphore, #tpu.memory_space<semaphore_mem>>) src(%dma_wait3A_113 : memref<32x128xi32, #tpu.memory_space<hbm>>) dst(%arg7 : memref<32x128xi32, #tpu.memory_space<vmem>>)
      tpu.yield
    }) : () -> ()
    "tpu.region"() ({
      %run_scoped3A = tpu.sem_alloc : memref<!tpu.dma_semaphore, #tpu.memory_space<semaphore_mem>>
      %dma_start3A_106 = arith.constant 0 : i32
      %dma_start3A_107 = tpu.memref_slice %arg5[%multiple_of3A, %dma_start3A_106] : memref<632x128xi32, #tpu.memory_space<hbm>> -> memref<32x128xi32, #tpu.memory_space<hbm>>
      %dma_start3A_108 = arith.constant 0 : i32
      %dma_start3A_109 = tpu.memref_slice %arg5[%multiple_of3A, %dma_start3A_108] : memref<632x128xi32, #tpu.memory_space<hbm>> -> memref<32x128xi32, #tpu.memory_space<hbm>>
      tpu.enqueue_dma source(%dma_start3A_109 : memref<32x128xi32, #tpu.memory_space<hbm>>) target(%arg8 : memref<32x128xi32, #tpu.memory_space<vmem>>) target_semaphore(%run_scoped3A : memref<!tpu.dma_semaphore, #tpu.memory_space<semaphore_mem>>)
      %dma_wait3A_110 = arith.constant 0 : i32
      %dma_wait3A_111 = tpu.memref_slice %arg5[%multiple_of3A, %dma_wait3A_110] : memref<632x128xi32, #tpu.memory_space<hbm>> -> memref<32x128xi32, #tpu.memory_space<hbm>>
      %dma_wait3A_112 = arith.constant 0 : i32
      %dma_wait3A_113 = tpu.memref_slice %arg5[%multiple_of3A, %dma_wait3A_112] : memref<632x128xi32, #tpu.memory_space<hbm>> -> memref<32x128xi32, #tpu.memory_space<hbm>>
      tpu.wait_dma2 semaphore(%run_scoped3A : memref<!tpu.dma_semaphore, #tpu.memory_space<semaphore_mem>>) src(%dma_wait3A_113 : memref<32x128xi32, #tpu.memory_space<hbm>>) dst(%arg8 : memref<32x128xi32, #tpu.memory_space<vmem>>)
      tpu.yield
    }) : () -> ()
    %add3A_30 = arith.constant 0 : i32
    %add3A_31 = arith.addi %sub3A_29, %add3A_30 : i32
    %dma_start3A = arith.constant 0 : i32
    %dma_start3A_32 = tpu.memref_slice %arg7[%add3A_31, %dma_start3A] : memref<32x128xi32, #tpu.memory_space<vmem>> -> memref<1x128xi32, #tpu.memory_space<vmem>>
    %dma_start3A_33 = tpu.memref_squeeze %dma_start3A_32 : memref<1x128xi32, #tpu.memory_space<vmem>> -> memref<128xi32, #tpu.memory_space<vmem>>
    %dma_start3A_34 = arith.constant 0 : i32
    %dma_start3A_35 = arith.constant 0 : i32
    %dma_start3A_36 = tpu.memref_slice %arg2[%dma_start3A_34, %dma_start3A_35] : memref<10000x128xf32, #tpu.memory_space<hbm>> -> memref<10000x128xf32, #tpu.memory_space<hbm>>
    tpu.enqueue_indirect_dma source(%dma_start3A_36 : memref<10000x128xf32, #tpu.memory_space<hbm>>) target(%arg9 : memref<128x128xf32, #tpu.memory_space<vmem>>) offsets(%dma_start3A_33 : memref<128xi32, #tpu.memory_space<vmem>>) semaphore(%arg13 : memref<!tpu.dma_semaphore, #tpu.memory_space<semaphore_mem>>)
    %add3A_37 = arith.constant 0 : i32
    %add3A_38 = arith.addi %sub3A_29, %add3A_37 : i32
    %dma_start3A_39 = arith.constant 0 : i32
    %dma_start3A_40 = tpu.memref_slice %arg8[%add3A_38, %dma_start3A_39] : memref<32x128xi32, #tpu.memory_space<vmem>> -> memref<1x128xi32, #tpu.memory_space<vmem>>
    %dma_start3A_41 = tpu.memref_squeeze %dma_start3A_40 : memref<1x128xi32, #tpu.memory_space<vmem>> -> memref<128xi32, #tpu.memory_space<vmem>>
    %dma_start3A_42 = arith.constant 0 : i32
    %dma_start3A_43 = arith.constant 0 : i32
    %dma_start3A_44 = tpu.memref_slice %arg3[%dma_start3A_42, %dma_start3A_43] : memref<10000x128xf32, #tpu.memory_space<hbm>> -> memref<10000x128xf32, #tpu.memory_space<hbm>>
    tpu.enqueue_indirect_dma source(%dma_start3A_44 : memref<10000x128xf32, #tpu.memory_space<hbm>>) target(%arg10 : memref<128x128xf32, #tpu.memory_space<vmem>>) offsets(%dma_start3A_41 : memref<128xi32, #tpu.memory_space<vmem>>) semaphore(%arg14 : memref<!tpu.dma_semaphore, #tpu.memory_space<semaphore_mem>>)
    %jit3A_45 = arith.constant 2 : i32
    %div3A_46 = arith.divsi %add3A_4, %jit3A_45 : i32
    %sign3A_47 = arith.constant 0 : i32
    %sign3A_48 = arith.cmpi sgt, %add3A_4, %sign3A_47 : i32
    %sign3A_49 = arith.extui %sign3A_48 : i1 to i32
    %sign3A_50 = arith.constant 0 : i32
    %sign3A_51 = arith.cmpi slt, %add3A_4, %sign3A_50 : i32
    %sign3A_52 = arith.extui %sign3A_51 : i1 to i32
    %sign3A_53 = arith.subi %sign3A_49, %sign3A_52 : i32
    %sign3A_54 = arith.constant 0 : i32
    %sign3A_55 = arith.cmpi sgt, %jit3A_45, %sign3A_54 : i32
    %sign3A_56 = arith.extui %sign3A_55 : i1 to i32
    %sign3A_57 = arith.constant 0 : i32
    %sign3A_58 = arith.cmpi slt, %jit3A_45, %sign3A_57 : i32
    %sign3A_59 = arith.extui %sign3A_58 : i1 to i32
    %sign3A_60 = arith.subi %sign3A_56, %sign3A_59 : i32
    %ne3A_61 = arith.cmpi ne, %sign3A_53, %sign3A_60 : i32
    %rem3A_62 = arith.remsi %add3A_4, %jit3A_45 : i32
    %ne3A_63 = arith.constant 0 : i32
    %ne3A_64 = arith.cmpi ne, %rem3A_62, %ne3A_63 : i32
    %and3A_65 = arith.andi %ne3A_61, %ne3A_64 : i1
    %sub3A_66 = arith.constant 1 : i32
    %sub3A_67 = arith.subi %div3A_46, %sub3A_66 : i32
    %select_n3A_68 = arith.select %and3A_65, %sub3A_67, %div3A_46 : i32
    %while3A = arith.constant 0 : i32
    %while3A_69 = arith.constant 0 : i32
    %while3A_70 = arith.subi %select_n3A_68, %while3A_69 : i32
    %while3A_71 = arith.addi %while3A_69, %while3A_70 : i32
    %while3A_72 = arith.constant 1 : i32
    %while3A_73 = arith.divsi %while3A_70, %while3A_72 : i32
    %while3A_74 = arith.muli %while3A_73, %while3A_72 : i32
    %while3A_75 = arith.addi %while3A_69, %while3A_74 : i32
    %while3A_76 = arith.constant 1 : i32
    scf.for %while3A_106 = %while3A_69 to %while3A_75 step %while3A_76  : i32 {
      %mul3A_107 = arith.constant 2 : i32
      %mul3A_108 = arith.muli %mul3A_107, %while3A_106 : i32
      %add3A_109 = arith.constant 1 : i32
      %add3A_110 = arith.addi %mul3A_108, %add3A_109 : i32
      %gt3A = arith.constant 0 : i32
      %gt3A_111 = arith.cmpi sgt, %while3A_106, %gt3A : i32
      %convert_element_type3A_112 = arith.extui %gt3A_111 : i1 to i32
      %cond3A_113 = arith.constant 0 : i32
      %cond3A_114 = arith.cmpi ne, %convert_element_type3A_112, %cond3A_113 : i32
      scf.if %cond3A_114 {
        %mul3A_184 = arith.constant 128 : i32
        %mul3A_185 = arith.muli %add3A_8, %mul3A_184 : i32
        %multiple_of3A_186 = tpu.assume_multiple %mul3A_185, 128 : i32
        %dma_wait3A_187 = arith.constant 0 : i32
        %dma_wait3A_188 = tpu.memref_slice %arg6[%multiple_of3A_186, %dma_wait3A_187] : memref<80000x128xf32, #tpu.memory_space<hbm>> -> memref<128x128xf32, #tpu.memory_space<hbm>>
        %dma_wait3A_189 = arith.constant 0 : i32
        %dma_wait3A_190 = tpu.memref_slice %arg6[%multiple_of3A_186, %dma_wait3A_189] : memref<80000x128xf32, #tpu.memory_space<hbm>> -> memref<128x128xf32, #tpu.memory_space<hbm>>
        tpu.wait_dma2 semaphore(%arg18 : memref<!tpu.dma_semaphore, #tpu.memory_space<semaphore_mem>>) src(%arg11 : memref<128x128xf32, #tpu.memory_space<vmem>>) dst(%dma_wait3A_190 : memref<128x128xf32, #tpu.memory_space<hbm>>)
      } else {
      }
      %add3A_115 = arith.addi %sub3A_29, %add3A_110 : i32
      %dma_start3A_116 = arith.constant 0 : i32
      %dma_start3A_117 = tpu.memref_slice %arg7[%add3A_115, %dma_start3A_116] : memref<32x128xi32, #tpu.memory_space<vmem>> -> memref<1x128xi32, #tpu.memory_space<vmem>>
      %dma_start3A_118 = tpu.memref_squeeze %dma_start3A_117 : memref<1x128xi32, #tpu.memory_space<vmem>> -> memref<128xi32, #tpu.memory_space<vmem>>
      %dma_start3A_119 = arith.constant 0 : i32
      %dma_start3A_120 = arith.constant 0 : i32
      %dma_start3A_121 = tpu.memref_slice %arg2[%dma_start3A_119, %dma_start3A_120] : memref<10000x128xf32, #tpu.memory_space<hbm>> -> memref<10000x128xf32, #tpu.memory_space<hbm>>
      tpu.enqueue_indirect_dma source(%dma_start3A_121 : memref<10000x128xf32, #tpu.memory_space<hbm>>) target(%arg11 : memref<128x128xf32, #tpu.memory_space<vmem>>) offsets(%dma_start3A_118 : memref<128xi32, #tpu.memory_space<vmem>>) semaphore(%arg15 : memref<!tpu.dma_semaphore, #tpu.memory_space<semaphore_mem>>)
      %add3A_122 = arith.addi %sub3A_29, %add3A_110 : i32
      %dma_start3A_123 = arith.constant 0 : i32
      %dma_start3A_124 = tpu.memref_slice %arg8[%add3A_122, %dma_start3A_123] : memref<32x128xi32, #tpu.memory_space<vmem>> -> memref<1x128xi32, #tpu.memory_space<vmem>>
      %dma_start3A_125 = tpu.memref_squeeze %dma_start3A_124 : memref<1x128xi32, #tpu.memory_space<vmem>> -> memref<128xi32, #tpu.memory_space<vmem>>
      %dma_start3A_126 = arith.constant 0 : i32
      %dma_start3A_127 = arith.constant 0 : i32
      %dma_start3A_128 = tpu.memref_slice %arg3[%dma_start3A_126, %dma_start3A_127] : memref<10000x128xf32, #tpu.memory_space<hbm>> -> memref<10000x128xf32, #tpu.memory_space<hbm>>
      tpu.enqueue_indirect_dma source(%dma_start3A_128 : memref<10000x128xf32, #tpu.memory_space<hbm>>) target(%arg12 : memref<128x128xf32, #tpu.memory_space<vmem>>) offsets(%dma_start3A_125 : memref<128xi32, #tpu.memory_space<vmem>>) semaphore(%arg16 : memref<!tpu.dma_semaphore, #tpu.memory_space<semaphore_mem>>)
      %add3A_129 = arith.addi %sub3A_29, %mul3A_108 : i32
      %dma_wait3A_130 = arith.constant 0 : i32
      %dma_wait3A_131 = tpu.memref_slice %arg7[%add3A_129, %dma_wait3A_130] : memref<32x128xi32, #tpu.memory_space<vmem>> -> memref<1x128xi32, #tpu.memory_space<vmem>>
      %dma_wait3A_132 = tpu.memref_squeeze %dma_wait3A_131 : memref<1x128xi32, #tpu.memory_space<vmem>> -> memref<128xi32, #tpu.memory_space<vmem>>
      %dma_wait3A_133 = arith.constant 0 : i32
      %dma_wait3A_134 = arith.constant 0 : i32
      %dma_wait3A_135 = tpu.memref_slice %arg2[%dma_wait3A_133, %dma_wait3A_134] : memref<10000x128xf32, #tpu.memory_space<hbm>> -> memref<10000x128xf32, #tpu.memory_space<hbm>>
      tpu.wait_indirect_dma semaphore(%arg13 : memref<!tpu.dma_semaphore, #tpu.memory_space<semaphore_mem>>) src(%dma_wait3A_135 : memref<10000x128xf32, #tpu.memory_space<hbm>>) dst(%arg9 : memref<128x128xf32, #tpu.memory_space<vmem>>)
      %add3A_136 = arith.addi %sub3A_29, %mul3A_108 : i32
      %dma_wait3A_137 = arith.constant 0 : i32
      %dma_wait3A_138 = tpu.memref_slice %arg8[%add3A_136, %dma_wait3A_137] : memref<32x128xi32, #tpu.memory_space<vmem>> -> memref<1x128xi32, #tpu.memory_space<vmem>>
      %dma_wait3A_139 = tpu.memref_squeeze %dma_wait3A_138 : memref<1x128xi32, #tpu.memory_space<vmem>> -> memref<128xi32, #tpu.memory_space<vmem>>
      %dma_wait3A_140 = arith.constant 0 : i32
      %dma_wait3A_141 = arith.constant 0 : i32
      %dma_wait3A_142 = tpu.memref_slice %arg3[%dma_wait3A_140, %dma_wait3A_141] : memref<10000x128xf32, #tpu.memory_space<hbm>> -> memref<10000x128xf32, #tpu.memory_space<hbm>>
      tpu.wait_indirect_dma semaphore(%arg14 : memref<!tpu.dma_semaphore, #tpu.memory_space<semaphore_mem>>) src(%dma_wait3A_142 : memref<10000x128xf32, #tpu.memory_space<hbm>>) dst(%arg10 : memref<128x128xf32, #tpu.memory_space<vmem>>)
      %parallel_loop3A = arith.constant 0 : i32
      %parallel_loop3A_143 = arith.constant 128 : i32
      %parallel_loop3A_144 = arith.constant 1 : i32
      scf.for %parallel_loop3A_184 = %parallel_loop3A to %parallel_loop3A_143 step %parallel_loop3A_144  : i32 {
        %parallel_loop3A_185 = arith.index_cast %parallel_loop3A_184 : i32 to index
        %parallel_loop3A_186 = arith.constant 0 : index
        %parallel_loop3A_187 = tpu.vector_load %arg9[%parallel_loop3A_185, %parallel_loop3A_186] {strides = array<i32>} : memref<128x128xf32, #tpu.memory_space<vmem>>, vector<1x16xf32>,
        %parallel_loop3A_188 = vector.shape_cast %parallel_loop3A_187 : vector<1x16xf32> to vector<16xf32>
        %parallel_loop3A_189 = arith.index_cast %parallel_loop3A_184 : i32 to index
        %parallel_loop3A_190 = arith.constant 0 : index
        %parallel_loop3A_191 = tpu.vector_load %arg10[%parallel_loop3A_189, %parallel_loop3A_190] {strides = array<i32>} : memref<128x128xf32, #tpu.memory_space<vmem>>, vector<1x16xf32>,
        %parallel_loop3A_192 = vector.shape_cast %parallel_loop3A_191 : vector<1x16xf32> to vector<16xf32>
        %parallel_loop3A_193 = arith.addf %parallel_loop3A_188, %parallel_loop3A_192 : vector<16xf32>
        %parallel_loop3A_194 = arith.index_cast %parallel_loop3A_184 : i32 to index
        %parallel_loop3A_195 = arith.constant 0 : index
        %parallel_loop3A_196 = tpu.vector_load %arg9[%parallel_loop3A_194, %parallel_loop3A_195] {strides = array<i32>} : memref<128x128xf32, #tpu.memory_space<vmem>>, vector<1x16xf32>,
        %parallel_loop3A_197 = vector.shape_cast %parallel_loop3A_196 : vector<1x16xf32> to vector<16xf32>
        %parallel_loop3A_198 = vector.shape_cast %parallel_loop3A_193 : vector<16xf32> to vector<1x16xf32>
        tpu.vector_store %arg9[%parallel_loop3A_194, %parallel_loop3A_195], %parallel_loop3A_198 {strides = array<i32>} : memref<128x128xf32, #tpu.memory_space<vmem>>, vector<1x16xf32>,
        %parallel_loop3A_199 = arith.index_cast %parallel_loop3A_184 : i32 to index
        %parallel_loop3A_200 = arith.constant 16 : index
        %parallel_loop3A_201 = tpu.vector_load %arg9[%parallel_loop3A_199, %parallel_loop3A_200] {strides = array<i32>} : memref<128x128xf32, #tpu.memory_space<vmem>>, vector<1x16xf32>,
        %parallel_loop3A_202 = vector.shape_cast %parallel_loop3A_201 : vector<1x16xf32> to vector<16xf32>
        %parallel_loop3A_203 = arith.index_cast %parallel_loop3A_184 : i32 to index
        %parallel_loop3A_204 = arith.constant 16 : index
        %parallel_loop3A_205 = tpu.vector_load %arg10[%parallel_loop3A_203, %parallel_loop3A_204] {strides = array<i32>} : memref<128x128xf32, #tpu.memory_space<vmem>>, vector<1x16xf32>,
        %parallel_loop3A_206 = vector.shape_cast %parallel_loop3A_205 : vector<1x16xf32> to vector<16xf32>
        %parallel_loop3A_207 = arith.addf %parallel_loop3A_202, %parallel_loop3A_206 : vector<16xf32>
        %parallel_loop3A_208 = arith.index_cast %parallel_loop3A_184 : i32 to index
        %parallel_loop3A_209 = arith.constant 16 : index
        %parallel_loop3A_210 = tpu.vector_load %arg9[%parallel_loop3A_208, %parallel_loop3A_209] {strides = array<i32>} : memref<128x128xf32, #tpu.memory_space<vmem>>, vector<1x16xf32>,
        %parallel_loop3A_211 = vector.shape_cast %parallel_loop3A_210 : vector<1x16xf32> to vector<16xf32>
        %parallel_loop3A_212 = vector.shape_cast %parallel_loop3A_207 : vector<16xf32> to vector<1x16xf32>
        tpu.vector_store %arg9[%parallel_loop3A_208, %parallel_loop3A_209], %parallel_loop3A_212 {strides = array<i32>} : memref<128x128xf32, #tpu.memory_space<vmem>>, vector<1x16xf32>,
        %parallel_loop3A_213 = arith.index_cast %parallel_loop3A_184 : i32 to index
        %parallel_loop3A_214 = arith.constant 32 : index
        %parallel_loop3A_215 = tpu.vector_load %arg9[%parallel_loop3A_213, %parallel_loop3A_214] {strides = array<i32>} : memref<128x128xf32, #tpu.memory_space<vmem>>, vector<1x16xf32>,
        %parallel_loop3A_216 = vector.shape_cast %parallel_loop3A_215 : vector<1x16xf32> to vector<16xf32>
        %parallel_loop3A_217 = arith.index_cast %parallel_loop3A_184 : i32 to index
        %parallel_loop3A_218 = arith.constant 32 : index
        %parallel_loop3A_219 = tpu.vector_load %arg10[%parallel_loop3A_217, %parallel_loop3A_218] {strides = array<i32>} : memref<128x128xf32, #tpu.memory_space<vmem>>, vector<1x16xf32>,
        %parallel_loop3A_220 = vector.shape_cast %parallel_loop3A_219 : vector<1x16xf32> to vector<16xf32>
        %parallel_loop3A_221 = arith.addf %parallel_loop3A_216, %parallel_loop3A_220 : vector<16xf32>
        %parallel_loop3A_222 = arith.index_cast %parallel_loop3A_184 : i32 to index
        %parallel_loop3A_223 = arith.constant 32 : index
        %parallel_loop3A_224 = tpu.vector_load %arg9[%parallel_loop3A_222, %parallel_loop3A_223] {strides = array<i32>} : memref<128x128xf32, #tpu.memory_space<vmem>>, vector<1x16xf32>,
        %parallel_loop3A_225 = vector.shape_cast %parallel_loop3A_224 : vector<1x16xf32> to vector<16xf32>
        %parallel_loop3A_226 = vector.shape_cast %parallel_loop3A_221 : vector<16xf32> to vector<1x16xf32>
        tpu.vector_store %arg9[%parallel_loop3A_222, %parallel_loop3A_223], %parallel_loop3A_226 {strides = array<i32>} : memref<128x128xf32, #tpu.memory_space<vmem>>, vector<1x16xf32>,
        %parallel_loop3A_227 = arith.index_cast %parallel_loop3A_184 : i32 to index
        %parallel_loop3A_228 = arith.constant 48 : index
        %parallel_loop3A_229 = tpu.vector_load %arg9[%parallel_loop3A_227, %parallel_loop3A_228] {strides = array<i32>} : memref<128x128xf32, #tpu.memory_space<vmem>>, vector<1x16xf32>,
        %parallel_loop3A_230 = vector.shape_cast %parallel_loop3A_229 : vector<1x16xf32> to vector<16xf32>
        %parallel_loop3A_231 = arith.index_cast %parallel_loop3A_184 : i32 to index
        %parallel_loop3A_232 = arith.constant 48 : index
        %parallel_loop3A_233 = tpu.vector_load %arg10[%parallel_loop3A_231, %parallel_loop3A_232] {strides = array<i32>} : memref<128x128xf32, #tpu.memory_space<vmem>>, vector<1x16xf32>,
        %parallel_loop3A_234 = vector.shape_cast %parallel_loop3A_233 : vector<1x16xf32> to vector<16xf32>
        %parallel_loop3A_235 = arith.addf %parallel_loop3A_230, %parallel_loop3A_234 : vector<16xf32>
        %parallel_loop3A_236 = arith.index_cast %parallel_loop3A_184 : i32 to index
        %parallel_loop3A_237 = arith.constant 48 : index
        %parallel_loop3A_238 = tpu.vector_load %arg9[%parallel_loop3A_236, %parallel_loop3A_237] {strides = array<i32>} : memref<128x128xf32, #tpu.memory_space<vmem>>, vector<1x16xf32>,
        %parallel_loop3A_239 = vector.shape_cast %parallel_loop3A_238 : vector<1x16xf32> to vector<16xf32>
        %parallel_loop3A_240 = vector.shape_cast %parallel_loop3A_235 : vector<16xf32> to vector<1x16xf32>
        tpu.vector_store %arg9[%parallel_loop3A_236, %parallel_loop3A_237], %parallel_loop3A_240 {strides = array<i32>} : memref<128x128xf32, #tpu.memory_space<vmem>>, vector<1x16xf32>,
        %parallel_loop3A_241 = arith.index_cast %parallel_loop3A_184 : i32 to index
        %parallel_loop3A_242 = arith.constant 64 : index
        %parallel_loop3A_243 = tpu.vector_load %arg9[%parallel_loop3A_241, %parallel_loop3A_242] {strides = array<i32>} : memref<128x128xf32, #tpu.memory_space<vmem>>, vector<1x16xf32>,
        %parallel_loop3A_244 = vector.shape_cast %parallel_loop3A_243 : vector<1x16xf32> to vector<16xf32>
        %parallel_loop3A_245 = arith.index_cast %parallel_loop3A_184 : i32 to index
        %parallel_loop3A_246 = arith.constant 64 : index
        %parallel_loop3A_247 = tpu.vector_load %arg10[%parallel_loop3A_245, %parallel_loop3A_246] {strides = array<i32>} : memref<128x128xf32, #tpu.memory_space<vmem>>, vector<1x16xf32>,
        %parallel_loop3A_248 = vector.shape_cast %parallel_loop3A_247 : vector<1x16xf32> to vector<16xf32>
        %parallel_loop3A_249 = arith.addf %parallel_loop3A_244, %parallel_loop3A_248 : vector<16xf32>
        %parallel_loop3A_250 = arith.index_cast %parallel_loop3A_184 : i32 to index
        %parallel_loop3A_251 = arith.constant 64 : index
        %parallel_loop3A_252 = tpu.vector_load %arg9[%parallel_loop3A_250, %parallel_loop3A_251] {strides = array<i32>} : memref<128x128xf32, #tpu.memory_space<vmem>>, vector<1x16xf32>,
        %parallel_loop3A_253 = vector.shape_cast %parallel_loop3A_252 : vector<1x16xf32> to vector<16xf32>
        %parallel_loop3A_254 = vector.shape_cast %parallel_loop3A_249 : vector<16xf32> to vector<1x16xf32>
        tpu.vector_store %arg9[%parallel_loop3A_250, %parallel_loop3A_251], %parallel_loop3A_254 {strides = array<i32>} : memref<128x128xf32, #tpu.memory_space<vmem>>, vector<1x16xf32>,
        %parallel_loop3A_255 = arith.index_cast %parallel_loop3A_184 : i32 to index
        %parallel_loop3A_256 = arith.constant 80 : index
        %parallel_loop3A_257 = tpu.vector_load %arg9[%parallel_loop3A_255, %parallel_loop3A_256] {strides = array<i32>} : memref<128x128xf32, #tpu.memory_space<vmem>>, vector<1x16xf32>,
        %parallel_loop3A_258 = vector.shape_cast %parallel_loop3A_257 : vector<1x16xf32> to vector<16xf32>
        %parallel_loop3A_259 = arith.index_cast %parallel_loop3A_184 : i32 to index
        %parallel_loop3A_260 = arith.constant 80 : index
        %parallel_loop3A_261 = tpu.vector_load %arg10[%parallel_loop3A_259, %parallel_loop3A_260] {strides = array<i32>} : memref<128x128xf32, #tpu.memory_space<vmem>>, vector<1x16xf32>,
        %parallel_loop3A_262 = vector.shape_cast %parallel_loop3A_261 : vector<1x16xf32> to vector<16xf32>
        %parallel_loop3A_263 = arith.addf %parallel_loop3A_258, %parallel_loop3A_262 : vector<16xf32>
        %parallel_loop3A_264 = arith.index_cast %parallel_loop3A_184 : i32 to index
        %parallel_loop3A_265 = arith.constant 80 : index
        %parallel_loop3A_266 = tpu.vector_load %arg9[%parallel_loop3A_264, %parallel_loop3A_265] {strides = array<i32>} : memref<128x128xf32, #tpu.memory_space<vmem>>, vector<1x16xf32>,
        %parallel_loop3A_267 = vector.shape_cast %parallel_loop3A_266 : vector<1x16xf32> to vector<16xf32>
        %parallel_loop3A_268 = vector.shape_cast %parallel_loop3A_263 : vector<16xf32> to vector<1x16xf32>
        tpu.vector_store %arg9[%parallel_loop3A_264, %parallel_loop3A_265], %parallel_loop3A_268 {strides = array<i32>} : memref<128x128xf32, #tpu.memory_space<vmem>>, vector<1x16xf32>,
        %parallel_loop3A_269 = arith.index_cast %parallel_loop3A_184 : i32 to index
        %parallel_loop3A_270 = arith.constant 96 : index
        %parallel_loop3A_271 = tpu.vector_load %arg9[%parallel_loop3A_269, %parallel_loop3A_270] {strides = array<i32>} : memref<128x128xf32, #tpu.memory_space<vmem>>, vector<1x16xf32>,
        %parallel_loop3A_272 = vector.shape_cast %parallel_loop3A_271 : vector<1x16xf32> to vector<16xf32>
        %parallel_loop3A_273 = arith.index_cast %parallel_loop3A_184 : i32 to index
        %parallel_loop3A_274 = arith.constant 96 : index
        %parallel_loop3A_275 = tpu.vector_load %arg10[%parallel_loop3A_273, %parallel_loop3A_274] {strides = array<i32>} : memref<128x128xf32, #tpu.memory_space<vmem>>, vector<1x16xf32>,
        %parallel_loop3A_276 = vector.shape_cast %parallel_loop3A_275 : vector<1x16xf32> to vector<16xf32>
        %parallel_loop3A_277 = arith.addf %parallel_loop3A_272, %parallel_loop3A_276 : vector<16xf32>
        %parallel_loop3A_278 = arith.index_cast %parallel_loop3A_184 : i32 to index
        %parallel_loop3A_279 = arith.constant 96 : index
        %parallel_loop3A_280 = tpu.vector_load %arg9[%parallel_loop3A_278, %parallel_loop3A_279] {strides = array<i32>} : memref<128x128xf32, #tpu.memory_space<vmem>>, vector<1x16xf32>,
        %parallel_loop3A_281 = vector.shape_cast %parallel_loop3A_280 : vector<1x16xf32> to vector<16xf32>
        %parallel_loop3A_282 = vector.shape_cast %parallel_loop3A_277 : vector<16xf32> to vector<1x16xf32>
        tpu.vector_store %arg9[%parallel_loop3A_278, %parallel_loop3A_279], %parallel_loop3A_282 {strides = array<i32>} : memref<128x128xf32, #tpu.memory_space<vmem>>, vector<1x16xf32>,
        %parallel_loop3A_283 = arith.index_cast %parallel_loop3A_184 : i32 to index
        %parallel_loop3A_284 = arith.constant 112 : index
        %parallel_loop3A_285 = tpu.vector_load %arg9[%parallel_loop3A_283, %parallel_loop3A_284] {strides = array<i32>} : memref<128x128xf32, #tpu.memory_space<vmem>>, vector<1x16xf32>,
        %parallel_loop3A_286 = vector.shape_cast %parallel_loop3A_285 : vector<1x16xf32> to vector<16xf32>
        %parallel_loop3A_287 = arith.index_cast %parallel_loop3A_184 : i32 to index
        %parallel_loop3A_288 = arith.constant 112 : index
        %parallel_loop3A_289 = tpu.vector_load %arg10[%parallel_loop3A_287, %parallel_loop3A_288] {strides = array<i32>} : memref<128x128xf32, #tpu.memory_space<vmem>>, vector<1x16xf32>,
        %parallel_loop3A_290 = vector.shape_cast %parallel_loop3A_289 : vector<1x16xf32> to vector<16xf32>
        %parallel_loop3A_291 = arith.addf %parallel_loop3A_286, %parallel_loop3A_290 : vector<16xf32>
        %parallel_loop3A_292 = arith.index_cast %parallel_loop3A_184 : i32 to index
        %parallel_loop3A_293 = arith.constant 112 : index
        %parallel_loop3A_294 = tpu.vector_load %arg9[%parallel_loop3A_292, %parallel_loop3A_293] {strides = array<i32>} : memref<128x128xf32, #tpu.memory_space<vmem>>, vector<1x16xf32>,
        %parallel_loop3A_295 = vector.shape_cast %parallel_loop3A_294 : vector<1x16xf32> to vector<16xf32>
        %parallel_loop3A_296 = vector.shape_cast %parallel_loop3A_291 : vector<16xf32> to vector<1x16xf32>
        tpu.vector_store %arg9[%parallel_loop3A_292, %parallel_loop3A_293], %parallel_loop3A_296 {strides = array<i32>} : memref<128x128xf32, #tpu.memory_space<vmem>>, vector<1x16xf32>,
      } {sc.loop_unroll_factor = 2 : i64, sc.parallel_access}
      %add3A_145 = arith.addi %add3A_8, %mul3A_108 : i32
      %mul3A_146 = arith.constant 128 : i32
      %mul3A_147 = arith.muli %add3A_145, %mul3A_146 : i32
      %multiple_of3A_148 = tpu.assume_multiple %mul3A_147, 128 : i32
      %dma_start3A_149 = arith.constant 0 : i32
      %dma_start3A_150 = tpu.memref_slice %arg6[%multiple_of3A_148, %dma_start3A_149] : memref<80000x128xf32, #tpu.memory_space<hbm>> -> memref<128x128xf32, #tpu.memory_space<hbm>>
      %dma_start3A_151 = arith.constant 0 : i32
      %dma_start3A_152 = tpu.memref_slice %arg6[%multiple_of3A_148, %dma_start3A_151] : memref<80000x128xf32, #tpu.memory_space<hbm>> -> memref<128x128xf32, #tpu.memory_space<hbm>>
      tpu.enqueue_dma source(%arg9 : memref<128x128xf32, #tpu.memory_space<vmem>>) target(%dma_start3A_152 : memref<128x128xf32, #tpu.memory_space<hbm>>) target_semaphore(%arg17 : memref<!tpu.dma_semaphore, #tpu.memory_space<semaphore_mem>>)
      %add3A_153 = arith.constant 1 : i32
      %add3A_154 = arith.addi %add3A_110, %add3A_153 : i32
      %lt3A_155 = arith.cmpi slt, %add3A_154, %add3A_4 : i32
      %convert_element_type3A_156 = arith.extui %lt3A_155 : i1 to i32
      %cond3A_157 = arith.constant 0 : i32
      %cond3A_158 = arith.cmpi ne, %convert_element_type3A_156, %cond3A_157 : i32
      scf.if %cond3A_158 {
        %mul3A_184 = arith.constant 128 : i32
        %mul3A_185 = arith.muli %add3A_8, %mul3A_184 : i32
        %multiple_of3A_186 = tpu.assume_multiple %mul3A_185, 128 : i32
        %dma_wait3A_187 = arith.constant 0 : i32
        %dma_wait3A_188 = tpu.memref_slice %arg6[%multiple_of3A_186, %dma_wait3A_187] : memref<80000x128xf32, #tpu.memory_space<hbm>> -> memref<128x128xf32, #tpu.memory_space<hbm>>
        %dma_wait3A_189 = arith.constant 0 : i32
        %dma_wait3A_190 = tpu.memref_slice %arg6[%multiple_of3A_186, %dma_wait3A_189] : memref<80000x128xf32, #tpu.memory_space<hbm>> -> memref<128x128xf32, #tpu.memory_space<hbm>>
        tpu.wait_dma2 semaphore(%arg17 : memref<!tpu.dma_semaphore, #tpu.memory_space<semaphore_mem>>) src(%arg9 : memref<128x128xf32, #tpu.memory_space<vmem>>) dst(%dma_wait3A_190 : memref<128x128xf32, #tpu.memory_space<hbm>>)
        %add3A_191 = arith.constant 1 : i32
        %add3A_192 = arith.addi %add3A_110, %add3A_191 : i32
        %add3A_193 = arith.addi %sub3A_29, %add3A_192 : i32
        %dma_start3A_194 = arith.constant 0 : i32
        %dma_start3A_195 = tpu.memref_slice %arg7[%add3A_193, %dma_start3A_194] : memref<32x128xi32, #tpu.memory_space<vmem>> -> memref<1x128xi32, #tpu.memory_space<vmem>>
        %dma_start3A_196 = tpu.memref_squeeze %dma_start3A_195 : memref<1x128xi32, #tpu.memory_space<vmem>> -> memref<128xi32, #tpu.memory_space<vmem>>
        %dma_start3A_197 = arith.constant 0 : i32
        %dma_start3A_198 = arith.constant 0 : i32
        %dma_start3A_199 = tpu.memref_slice %arg2[%dma_start3A_197, %dma_start3A_198] : memref<10000x128xf32, #tpu.memory_space<hbm>> -> memref<10000x128xf32, #tpu.memory_space<hbm>>
        tpu.enqueue_indirect_dma source(%dma_start3A_199 : memref<10000x128xf32, #tpu.memory_space<hbm>>) target(%arg9 : memref<128x128xf32, #tpu.memory_space<vmem>>) offsets(%dma_start3A_196 : memref<128xi32, #tpu.memory_space<vmem>>) semaphore(%arg13 : memref<!tpu.dma_semaphore, #tpu.memory_space<semaphore_mem>>)
        %add3A_200 = arith.addi %sub3A_29, %add3A_192 : i32
        %dma_start3A_201 = arith.constant 0 : i32
        %dma_start3A_202 = tpu.memref_slice %arg8[%add3A_200, %dma_start3A_201] : memref<32x128xi32, #tpu.memory_space<vmem>> -> memref<1x128xi32, #tpu.memory_space<vmem>>
        %dma_start3A_203 = tpu.memref_squeeze %dma_start3A_202 : memref<1x128xi32, #tpu.memory_space<vmem>> -> memref<128xi32, #tpu.memory_space<vmem>>
        %dma_start3A_204 = arith.constant 0 : i32
        %dma_start3A_205 = arith.constant 0 : i32
        %dma_start3A_206 = tpu.memref_slice %arg3[%dma_start3A_204, %dma_start3A_205] : memref<10000x128xf32, #tpu.memory_space<hbm>> -> memref<10000x128xf32, #tpu.memory_space<hbm>>
        tpu.enqueue_indirect_dma source(%dma_start3A_206 : memref<10000x128xf32, #tpu.memory_space<hbm>>) target(%arg10 : memref<128x128xf32, #tpu.memory_space<vmem>>) offsets(%dma_start3A_203 : memref<128xi32, #tpu.memory_space<vmem>>) semaphore(%arg14 : memref<!tpu.dma_semaphore, #tpu.memory_space<semaphore_mem>>)
      } else {
      }
      %add3A_159 = arith.addi %sub3A_29, %add3A_110 : i32
      %dma_wait3A_160 = arith.constant 0 : i32
      %dma_wait3A_161 = tpu.memref_slice %arg7[%add3A_159, %dma_wait3A_160] : memref<32x128xi32, #tpu.memory_space<vmem>> -> memref<1x128xi32, #tpu.memory_space<vmem>>
      %dma_wait3A_162 = tpu.memref_squeeze %dma_wait3A_161 : memref<1x128xi32, #tpu.memory_space<vmem>> -> memref<128xi32, #tpu.memory_space<vmem>>
      %dma_wait3A_163 = arith.constant 0 : i32
      %dma_wait3A_164 = arith.constant 0 : i32
      %dma_wait3A_165 = tpu.memref_slice %arg2[%dma_wait3A_163, %dma_wait3A_164] : memref<10000x128xf32, #tpu.memory_space<hbm>> -> memref<10000x128xf32, #tpu.memory_space<hbm>>
      tpu.wait_indirect_dma semaphore(%arg15 : memref<!tpu.dma_semaphore, #tpu.memory_space<semaphore_mem>>) src(%dma_wait3A_165 : memref<10000x128xf32, #tpu.memory_space<hbm>>) dst(%arg11 : memref<128x128xf32, #tpu.memory_space<vmem>>)
      %add3A_166 = arith.addi %sub3A_29, %add3A_110 : i32
      %dma_wait3A_167 = arith.constant 0 : i32
      %dma_wait3A_168 = tpu.memref_slice %arg8[%add3A_166, %dma_wait3A_167] : memref<32x128xi32, #tpu.memory_space<vmem>> -> memref<1x128xi32, #tpu.memory_space<vmem>>
      %dma_wait3A_169 = tpu.memref_squeeze %dma_wait3A_168 : memref<1x128xi32, #tpu.memory_space<vmem>> -> memref<128xi32, #tpu.memory_space<vmem>>
      %dma_wait3A_170 = arith.constant 0 : i32
      %dma_wait3A_171 = arith.constant 0 : i32
      %dma_wait3A_172 = tpu.memref_slice %arg3[%dma_wait3A_170, %dma_wait3A_171] : memref<10000x128xf32, #tpu.memory_space<hbm>> -> memref<10000x128xf32, #tpu.memory_space<hbm>>
      tpu.wait_indirect_dma semaphore(%arg16 : memref<!tpu.dma_semaphore, #tpu.memory_space<semaphore_mem>>) src(%dma_wait3A_172 : memref<10000x128xf32, #tpu.memory_space<hbm>>) dst(%arg12 : memref<128x128xf32, #tpu.memory_space<vmem>>)
      %parallel_loop3A_173 = arith.constant 0 : i32
      %parallel_loop3A_174 = arith.constant 128 : i32
      %parallel_loop3A_175 = arith.constant 1 : i32
      scf.for %parallel_loop3A_184 = %parallel_loop3A_173 to %parallel_loop3A_174 step %parallel_loop3A_175  : i32 {
        %parallel_loop3A_185 = arith.index_cast %parallel_loop3A_184 : i32 to index
        %parallel_loop3A_186 = arith.constant 0 : index
        %parallel_loop3A_187 = tpu.vector_load %arg11[%parallel_loop3A_185, %parallel_loop3A_186] {strides = array<i32>} : memref<128x128xf32, #tpu.memory_space<vmem>>, vector<1x16xf32>,
        %parallel_loop3A_188 = vector.shape_cast %parallel_loop3A_187 : vector<1x16xf32> to vector<16xf32>
        %parallel_loop3A_189 = arith.index_cast %parallel_loop3A_184 : i32 to index
        %parallel_loop3A_190 = arith.constant 0 : index
        %parallel_loop3A_191 = tpu.vector_load %arg12[%parallel_loop3A_189, %parallel_loop3A_190] {strides = array<i32>} : memref<128x128xf32, #tpu.memory_space<vmem>>, vector<1x16xf32>,
        %parallel_loop3A_192 = vector.shape_cast %parallel_loop3A_191 : vector<1x16xf32> to vector<16xf32>
        %parallel_loop3A_193 = arith.addf %parallel_loop3A_188, %parallel_loop3A_192 : vector<16xf32>
        %parallel_loop3A_194 = arith.index_cast %parallel_loop3A_184 : i32 to index
        %parallel_loop3A_195 = arith.constant 0 : index
        %parallel_loop3A_196 = tpu.vector_load %arg11[%parallel_loop3A_194, %parallel_loop3A_195] {strides = array<i32>} : memref<128x128xf32, #tpu.memory_space<vmem>>, vector<1x16xf32>,
        %parallel_loop3A_197 = vector.shape_cast %parallel_loop3A_196 : vector<1x16xf32> to vector<16xf32>
        %parallel_loop3A_198 = vector.shape_cast %parallel_loop3A_193 : vector<16xf32> to vector<1x16xf32>
        tpu.vector_store %arg11[%parallel_loop3A_194, %parallel_loop3A_195], %parallel_loop3A_198 {strides = array<i32>} : memref<128x128xf32, #tpu.memory_space<vmem>>, vector<1x16xf32>,
        %parallel_loop3A_199 = arith.index_cast %parallel_loop3A_184 : i32 to index
        %parallel_loop3A_200 = arith.constant 16 : index
        %parallel_loop3A_201 = tpu.vector_load %arg11[%parallel_loop3A_199, %parallel_loop3A_200] {strides = array<i32>} : memref<128x128xf32, #tpu.memory_space<vmem>>, vector<1x16xf32>,
        %parallel_loop3A_202 = vector.shape_cast %parallel_loop3A_201 : vector<1x16xf32> to vector<16xf32>
        %parallel_loop3A_203 = arith.index_cast %parallel_loop3A_184 : i32 to index
        %parallel_loop3A_204 = arith.constant 16 : index
        %parallel_loop3A_205 = tpu.vector_load %arg12[%parallel_loop3A_203, %parallel_loop3A_204] {strides = array<i32>} : memref<128x128xf32, #tpu.memory_space<vmem>>, vector<1x16xf32>,
        %parallel_loop3A_206 = vector.shape_cast %parallel_loop3A_205 : vector<1x16xf32> to vector<16xf32>
        %parallel_loop3A_207 = arith.addf %parallel_loop3A_202, %parallel_loop3A_206 : vector<16xf32>
        %parallel_loop3A_208 = arith.index_cast %parallel_loop3A_184 : i32 to index
        %parallel_loop3A_209 = arith.constant 16 : index
        %parallel_loop3A_210 = tpu.vector_load %arg11[%parallel_loop3A_208, %parallel_loop3A_209] {strides = array<i32>} : memref<128x128xf32, #tpu.memory_space<vmem>>, vector<1x16xf32>,
        %parallel_loop3A_211 = vector.shape_cast %parallel_loop3A_210 : vector<1x16xf32> to vector<16xf32>
        %parallel_loop3A_212 = vector.shape_cast %parallel_loop3A_207 : vector<16xf32> to vector<1x16xf32>
        tpu.vector_store %arg11[%parallel_loop3A_208, %parallel_loop3A_209], %parallel_loop3A_212 {strides = array<i32>} : memref<128x128xf32, #tpu.memory_space<vmem>>, vector<1x16xf32>,
        %parallel_loop3A_213 = arith.index_cast %parallel_loop3A_184 : i32 to index
        %parallel_loop3A_214 = arith.constant 32 : index
        %parallel_loop3A_215 = tpu.vector_load %arg11[%parallel_loop3A_213, %parallel_loop3A_214] {strides = array<i32>} : memref<128x128xf32, #tpu.memory_space<vmem>>, vector<1x16xf32>,
        %parallel_loop3A_216 = vector.shape_cast %parallel_loop3A_215 : vector<1x16xf32> to vector<16xf32>
        %parallel_loop3A_217 = arith.index_cast %parallel_loop3A_184 : i32 to index
        %parallel_loop3A_218 = arith.constant 32 : index
        %parallel_loop3A_219 = tpu.vector_load %arg12[%parallel_loop3A_217, %parallel_loop3A_218] {strides = array<i32>} : memref<128x128xf32, #tpu.memory_space<vmem>>, vector<1x16xf32>,
        %parallel_loop3A_220 = vector.shape_cast %parallel_loop3A_219 : vector<1x16xf32> to vector<16xf32>
        %parallel_loop3A_221 = arith.addf %parallel_loop3A_216, %parallel_loop3A_220 : vector<16xf32>
        %parallel_loop3A_222 = arith.index_cast %parallel_loop3A_184 : i32 to index
        %parallel_loop3A_223 = arith.constant 32 : index
        %parallel_loop3A_224 = tpu.vector_load %arg11[%parallel_loop3A_222, %parallel_loop3A_223] {strides = array<i32>} : memref<128x128xf32, #tpu.memory_space<vmem>>, vector<1x16xf32>,
        %parallel_loop3A_225 = vector.shape_cast %parallel_loop3A_224 : vector<1x16xf32> to vector<16xf32>
        %parallel_loop3A_226 = vector.shape_cast %parallel_loop3A_221 : vector<16xf32> to vector<1x16xf32>
        tpu.vector_store %arg11[%parallel_loop3A_222, %parallel_loop3A_223], %parallel_loop3A_226 {strides = array<i32>} : memref<128x128xf32, #tpu.memory_space<vmem>>, vector<1x16xf32>,
        %parallel_loop3A_227 = arith.index_cast %parallel_loop3A_184 : i32 to index
        %parallel_loop3A_228 = arith.constant 48 : index
        %parallel_loop3A_229 = tpu.vector_load %arg11[%parallel_loop3A_227, %parallel_loop3A_228] {strides = array<i32>} : memref<128x128xf32, #tpu.memory_space<vmem>>, vector<1x16xf32>,
        %parallel_loop3A_230 = vector.shape_cast %parallel_loop3A_229 : vector<1x16xf32> to vector<16xf32>
        %parallel_loop3A_231 = arith.index_cast %parallel_loop3A_184 : i32 to index
        %parallel_loop3A_232 = arith.constant 48 : index
        %parallel_loop3A_233 = tpu.vector_load %arg12[%parallel_loop3A_231, %parallel_loop3A_232] {strides = array<i32>} : memref<128x128xf32, #tpu.memory_space<vmem>>, vector<1x16xf32>,
        %parallel_loop3A_234 = vector.shape_cast %parallel_loop3A_233 : vector<1x16xf32> to vector<16xf32>
        %parallel_loop3A_235 = arith.addf %parallel_loop3A_230, %parallel_loop3A_234 : vector<16xf32>
        %parallel_loop3A_236 = arith.index_cast %parallel_loop3A_184 : i32 to index
        %parallel_loop3A_237 = arith.constant 48 : index
        %parallel_loop3A_238 = tpu.vector_load %arg11[%parallel_loop3A_236, %parallel_loop3A_237] {strides = array<i32>} : memref<128x128xf32, #tpu.memory_space<vmem>>, vector<1x16xf32>,
        %parallel_loop3A_239 = vector.shape_cast %parallel_loop3A_238 : vector<1x16xf32> to vector<16xf32>
        %parallel_loop3A_240 = vector.shape_cast %parallel_loop3A_235 : vector<16xf32> to vector<1x16xf32>
        tpu.vector_store %arg11[%parallel_loop3A_236, %parallel_loop3A_237], %parallel_loop3A_240 {strides = array<i32>} : memref<128x128xf32, #tpu.memory_space<vmem>>, vector<1x16xf32>,
        %parallel_loop3A_241 = arith.index_cast %parallel_loop3A_184 : i32 to index
        %parallel_loop3A_242 = arith.constant 64 : index
        %parallel_loop3A_243 = tpu.vector_load %arg11[%parallel_loop3A_241, %parallel_loop3A_242] {strides = array<i32>} : memref<128x128xf32, #tpu.memory_space<vmem>>, vector<1x16xf32>,
        %parallel_loop3A_244 = vector.shape_cast %parallel_loop3A_243 : vector<1x16xf32> to vector<16xf32>
        %parallel_loop3A_245 = arith.index_cast %parallel_loop3A_184 : i32 to index
        %parallel_loop3A_246 = arith.constant 64 : index
        %parallel_loop3A_247 = tpu.vector_load %arg12[%parallel_loop3A_245, %parallel_loop3A_246] {strides = array<i32>} : memref<128x128xf32, #tpu.memory_space<vmem>>, vector<1x16xf32>,
        %parallel_loop3A_248 = vector.shape_cast %parallel_loop3A_247 : vector<1x16xf32> to vector<16xf32>
        %parallel_loop3A_249 = arith.addf %parallel_loop3A_244, %parallel_loop3A_248 : vector<16xf32>
        %parallel_loop3A_250 = arith.index_cast %parallel_loop3A_184 : i32 to index
        %parallel_loop3A_251 = arith.constant 64 : index
        %parallel_loop3A_252 = tpu.vector_load %arg11[%parallel_loop3A_250, %parallel_loop3A_251] {strides = array<i32>} : memref<128x128xf32, #tpu.memory_space<vmem>>, vector<1x16xf32>,
        %parallel_loop3A_253 = vector.shape_cast %parallel_loop3A_252 : vector<1x16xf32> to vector<16xf32>
        %parallel_loop3A_254 = vector.shape_cast %parallel_loop3A_249 : vector<16xf32> to vector<1x16xf32>
        tpu.vector_store %arg11[%parallel_loop3A_250, %parallel_loop3A_251], %parallel_loop3A_254 {strides = array<i32>} : memref<128x128xf32, #tpu.memory_space<vmem>>, vector<1x16xf32>,
        %parallel_loop3A_255 = arith.index_cast %parallel_loop3A_184 : i32 to index
        %parallel_loop3A_256 = arith.constant 80 : index
        %parallel_loop3A_257 = tpu.vector_load %arg11[%parallel_loop3A_255, %parallel_loop3A_256] {strides = array<i32>} : memref<128x128xf32, #tpu.memory_space<vmem>>, vector<1x16xf32>,
        %parallel_loop3A_258 = vector.shape_cast %parallel_loop3A_257 : vector<1x16xf32> to vector<16xf32>
        %parallel_loop3A_259 = arith.index_cast %parallel_loop3A_184 : i32 to index
        %parallel_loop3A_260 = arith.constant 80 : index
        %parallel_loop3A_261 = tpu.vector_load %arg12[%parallel_loop3A_259, %parallel_loop3A_260] {strides = array<i32>} : memref<128x128xf32, #tpu.memory_space<vmem>>, vector<1x16xf32>,
        %parallel_loop3A_262 = vector.shape_cast %parallel_loop3A_261 : vector<1x16xf32> to vector<16xf32>
        %parallel_loop3A_263 = arith.addf %parallel_loop3A_258, %parallel_loop3A_262 : vector<16xf32>
        %parallel_loop3A_264 = arith.index_cast %parallel_loop3A_184 : i32 to index
        %parallel_loop3A_265 = arith.constant 80 : index
        %parallel_loop3A_266 = tpu.vector_load %arg11[%parallel_loop3A_264, %parallel_loop3A_265] {strides = array<i32>} : memref<128x128xf32, #tpu.memory_space<vmem>>, vector<1x16xf32>,
        %parallel_loop3A_267 = vector.shape_cast %parallel_loop3A_266 : vector<1x16xf32> to vector<16xf32>
        %parallel_loop3A_268 = vector.shape_cast %parallel_loop3A_263 : vector<16xf32> to vector<1x16xf32>
        tpu.vector_store %arg11[%parallel_loop3A_264, %parallel_loop3A_265], %parallel_loop3A_268 {strides = array<i32>} : memref<128x128xf32, #tpu.memory_space<vmem>>, vector<1x16xf32>,
        %parallel_loop3A_269 = arith.index_cast %parallel_loop3A_184 : i32 to index
        %parallel_loop3A_270 = arith.constant 96 : index
        %parallel_loop3A_271 = tpu.vector_load %arg11[%parallel_loop3A_269, %parallel_loop3A_270] {strides = array<i32>} : memref<128x128xf32, #tpu.memory_space<vmem>>, vector<1x16xf32>,
        %parallel_loop3A_272 = vector.shape_cast %parallel_loop3A_271 : vector<1x16xf32> to vector<16xf32>
        %parallel_loop3A_273 = arith.index_cast %parallel_loop3A_184 : i32 to index
        %parallel_loop3A_274 = arith.constant 96 : index
        %parallel_loop3A_275 = tpu.vector_load %arg12[%parallel_loop3A_273, %parallel_loop3A_274] {strides = array<i32>} : memref<128x128xf32, #tpu.memory_space<vmem>>, vector<1x16xf32>,
        %parallel_loop3A_276 = vector.shape_cast %parallel_loop3A_275 : vector<1x16xf32> to vector<16xf32>
        %parallel_loop3A_277 = arith.addf %parallel_loop3A_272, %parallel_loop3A_276 : vector<16xf32>
        %parallel_loop3A_278 = arith.index_cast %parallel_loop3A_184 : i32 to index
        %parallel_loop3A_279 = arith.constant 96 : index
        %parallel_loop3A_280 = tpu.vector_load %arg11[%parallel_loop3A_278, %parallel_loop3A_279] {strides = array<i32>} : memref<128x128xf32, #tpu.memory_space<vmem>>, vector<1x16xf32>,
        %parallel_loop3A_281 = vector.shape_cast %parallel_loop3A_280 : vector<1x16xf32> to vector<16xf32>
        %parallel_loop3A_282 = vector.shape_cast %parallel_loop3A_277 : vector<16xf32> to vector<1x16xf32>
        tpu.vector_store %arg11[%parallel_loop3A_278, %parallel_loop3A_279], %parallel_loop3A_282 {strides = array<i32>} : memref<128x128xf32, #tpu.memory_space<vmem>>, vector<1x16xf32>,
        %parallel_loop3A_283 = arith.index_cast %parallel_loop3A_184 : i32 to index
        %parallel_loop3A_284 = arith.constant 112 : index
        %parallel_loop3A_285 = tpu.vector_load %arg11[%parallel_loop3A_283, %parallel_loop3A_284] {strides = array<i32>} : memref<128x128xf32, #tpu.memory_space<vmem>>, vector<1x16xf32>,
        %parallel_loop3A_286 = vector.shape_cast %parallel_loop3A_285 : vector<1x16xf32> to vector<16xf32>
        %parallel_loop3A_287 = arith.index_cast %parallel_loop3A_184 : i32 to index
        %parallel_loop3A_288 = arith.constant 112 : index
        %parallel_loop3A_289 = tpu.vector_load %arg12[%parallel_loop3A_287, %parallel_loop3A_288] {strides = array<i32>} : memref<128x128xf32, #tpu.memory_space<vmem>>, vector<1x16xf32>,
        %parallel_loop3A_290 = vector.shape_cast %parallel_loop3A_289 : vector<1x16xf32> to vector<16xf32>
        %parallel_loop3A_291 = arith.addf %parallel_loop3A_286, %parallel_loop3A_290 : vector<16xf32>
        %parallel_loop3A_292 = arith.index_cast %parallel_loop3A_184 : i32 to index
        %parallel_loop3A_293 = arith.constant 112 : index
        %parallel_loop3A_294 = tpu.vector_load %arg11[%parallel_loop3A_292, %parallel_loop3A_293] {strides = array<i32>} : memref<128x128xf32, #tpu.memory_space<vmem>>, vector<1x16xf32>,
        %parallel_loop3A_295 = vector.shape_cast %parallel_loop3A_294 : vector<1x16xf32> to vector<16xf32>
        %parallel_loop3A_296 = vector.shape_cast %parallel_loop3A_291 : vector<16xf32> to vector<1x16xf32>
        tpu.vector_store %arg11[%parallel_loop3A_292, %parallel_loop3A_293], %parallel_loop3A_296 {strides = array<i32>} : memref<128x128xf32, #tpu.memory_space<vmem>>, vector<1x16xf32>,
      } {sc.loop_unroll_factor = 2 : i64, sc.parallel_access}
      %add3A_176 = arith.addi %add3A_8, %add3A_110 : i32
      %mul3A_177 = arith.constant 128 : i32
      %mul3A_178 = arith.muli %add3A_176, %mul3A_177 : i32
      %multiple_of3A_179 = tpu.assume_multiple %mul3A_178, 128 : i32
      %dma_start3A_180 = arith.constant 0 : i32
      %dma_start3A_181 = tpu.memref_slice %arg6[%multiple_of3A_179, %dma_start3A_180] : memref<80000x128xf32, #tpu.memory_space<hbm>> -> memref<128x128xf32, #tpu.memory_space<hbm>>
      %dma_start3A_182 = arith.constant 0 : i32
      %dma_start3A_183 = tpu.memref_slice %arg6[%multiple_of3A_179, %dma_start3A_182] : memref<80000x128xf32, #tpu.memory_space<hbm>> -> memref<128x128xf32, #tpu.memory_space<hbm>>
      tpu.enqueue_dma source(%arg11 : memref<128x128xf32, #tpu.memory_space<vmem>>) target(%dma_start3A_183 : memref<128x128xf32, #tpu.memory_space<hbm>>) target_semaphore(%arg18 : memref<!tpu.dma_semaphore, #tpu.memory_space<semaphore_mem>>)
    }
    %while3A_77 = arith.constant 1 : i32
    scf.for %while3A_106 = %while3A_75 to %while3A_71 step %while3A_77  : i32 {
      %mul3A_107 = arith.constant 2 : i32
      %mul3A_108 = arith.muli %mul3A_107, %while3A_106 : i32
      %add3A_109 = arith.constant 1 : i32
      %add3A_110 = arith.addi %mul3A_108, %add3A_109 : i32
      %gt3A = arith.constant 0 : i32
      %gt3A_111 = arith.cmpi sgt, %while3A_106, %gt3A : i32
      %convert_element_type3A_112 = arith.extui %gt3A_111 : i1 to i32
      %cond3A_113 = arith.constant 0 : i32
      %cond3A_114 = arith.cmpi ne, %convert_element_type3A_112, %cond3A_113 : i32
      scf.if %cond3A_114 {
        %mul3A_184 = arith.constant 128 : i32
        %mul3A_185 = arith.muli %add3A_8, %mul3A_184 : i32
        %multiple_of3A_186 = tpu.assume_multiple %mul3A_185, 128 : i32
        %dma_wait3A_187 = arith.constant 0 : i32
        %dma_wait3A_188 = tpu.memref_slice %arg6[%multiple_of3A_186, %dma_wait3A_187] : memref<80000x128xf32, #tpu.memory_space<hbm>> -> memref<128x128xf32, #tpu.memory_space<hbm>>
        %dma_wait3A_189 = arith.constant 0 : i32
        %dma_wait3A_190 = tpu.memref_slice %arg6[%multiple_of3A_186, %dma_wait3A_189] : memref<80000x128xf32, #tpu.memory_space<hbm>> -> memref<128x128xf32, #tpu.memory_space<hbm>>
        tpu.wait_dma2 semaphore(%arg18 : memref<!tpu.dma_semaphore, #tpu.memory_space<semaphore_mem>>) src(%arg11 : memref<128x128xf32, #tpu.memory_space<vmem>>) dst(%dma_wait3A_190 : memref<128x128xf32, #tpu.memory_space<hbm>>)
      } else {
      }
      %add3A_115 = arith.addi %sub3A_29, %add3A_110 : i32
      %dma_start3A_116 = arith.constant 0 : i32
      %dma_start3A_117 = tpu.memref_slice %arg7[%add3A_115, %dma_start3A_116] : memref<32x128xi32, #tpu.memory_space<vmem>> -> memref<1x128xi32, #tpu.memory_space<vmem>>
      %dma_start3A_118 = tpu.memref_squeeze %dma_start3A_117 : memref<1x128xi32, #tpu.memory_space<vmem>> -> memref<128xi32, #tpu.memory_space<vmem>>
      %dma_start3A_119 = arith.constant 0 : i32
      %dma_start3A_120 = arith.constant 0 : i32
      %dma_start3A_121 = tpu.memref_slice %arg2[%dma_start3A_119, %dma_start3A_120] : memref<10000x128xf32, #tpu.memory_space<hbm>> -> memref<10000x128xf32, #tpu.memory_space<hbm>>
      tpu.enqueue_indirect_dma source(%dma_start3A_121 : memref<10000x128xf32, #tpu.memory_space<hbm>>) target(%arg11 : memref<128x128xf32, #tpu.memory_space<vmem>>) offsets(%dma_start3A_118 : memref<128xi32, #tpu.memory_space<vmem>>) semaphore(%arg15 : memref<!tpu.dma_semaphore, #tpu.memory_space<semaphore_mem>>)
      %add3A_122 = arith.addi %sub3A_29, %add3A_110 : i32
      %dma_start3A_123 = arith.constant 0 : i32
      %dma_start3A_124 = tpu.memref_slice %arg8[%add3A_122, %dma_start3A_123] : memref<32x128xi32, #tpu.memory_space<vmem>> -> memref<1x128xi32, #tpu.memory_space<vmem>>
      %dma_start3A_125 = tpu.memref_squeeze %dma_start3A_124 : memref<1x128xi32, #tpu.memory_space<vmem>> -> memref<128xi32, #tpu.memory_space<vmem>>
      %dma_start3A_126 = arith.constant 0 : i32
      %dma_start3A_127 = arith.constant 0 : i32
      %dma_start3A_128 = tpu.memref_slice %arg3[%dma_start3A_126, %dma_start3A_127] : memref<10000x128xf32, #tpu.memory_space<hbm>> -> memref<10000x128xf32, #tpu.memory_space<hbm>>
      tpu.enqueue_indirect_dma source(%dma_start3A_128 : memref<10000x128xf32, #tpu.memory_space<hbm>>) target(%arg12 : memref<128x128xf32, #tpu.memory_space<vmem>>) offsets(%dma_start3A_125 : memref<128xi32, #tpu.memory_space<vmem>>) semaphore(%arg16 : memref<!tpu.dma_semaphore, #tpu.memory_space<semaphore_mem>>)
      %add3A_129 = arith.addi %sub3A_29, %mul3A_108 : i32
      %dma_wait3A_130 = arith.constant 0 : i32
      %dma_wait3A_131 = tpu.memref_slice %arg7[%add3A_129, %dma_wait3A_130] : memref<32x128xi32, #tpu.memory_space<vmem>> -> memref<1x128xi32, #tpu.memory_space<vmem>>
      %dma_wait3A_132 = tpu.memref_squeeze %dma_wait3A_131 : memref<1x128xi32, #tpu.memory_space<vmem>> -> memref<128xi32, #tpu.memory_space<vmem>>
      %dma_wait3A_133 = arith.constant 0 : i32
      %dma_wait3A_134 = arith.constant 0 : i32
      %dma_wait3A_135 = tpu.memref_slice %arg2[%dma_wait3A_133, %dma_wait3A_134] : memref<10000x128xf32, #tpu.memory_space<hbm>> -> memref<10000x128xf32, #tpu.memory_space<hbm>>
      tpu.wait_indirect_dma semaphore(%arg13 : memref<!tpu.dma_semaphore, #tpu.memory_space<semaphore_mem>>) src(%dma_wait3A_135 : memref<10000x128xf32, #tpu.memory_space<hbm>>) dst(%arg9 : memref<128x128xf32, #tpu.memory_space<vmem>>)
      %add3A_136 = arith.addi %sub3A_29, %mul3A_108 : i32
      %dma_wait3A_137 = arith.constant 0 : i32
      %dma_wait3A_138 = tpu.memref_slice %arg8[%add3A_136, %dma_wait3A_137] : memref<32x128xi32, #tpu.memory_space<vmem>> -> memref<1x128xi32, #tpu.memory_space<vmem>>
      %dma_wait3A_139 = tpu.memref_squeeze %dma_wait3A_138 : memref<1x128xi32, #tpu.memory_space<vmem>> -> memref<128xi32, #tpu.memory_space<vmem>>
      %dma_wait3A_140 = arith.constant 0 : i32
      %dma_wait3A_141 = arith.constant 0 : i32
      %dma_wait3A_142 = tpu.memref_slice %arg3[%dma_wait3A_140, %dma_wait3A_141] : memref<10000x128xf32, #tpu.memory_space<hbm>> -> memref<10000x128xf32, #tpu.memory_space<hbm>>
      tpu.wait_indirect_dma semaphore(%arg14 : memref<!tpu.dma_semaphore, #tpu.memory_space<semaphore_mem>>) src(%dma_wait3A_142 : memref<10000x128xf32, #tpu.memory_space<hbm>>) dst(%arg10 : memref<128x128xf32, #tpu.memory_space<vmem>>)
      %parallel_loop3A = arith.constant 0 : i32
      %parallel_loop3A_143 = arith.constant 128 : i32
      %parallel_loop3A_144 = arith.constant 1 : i32
      scf.for %parallel_loop3A_184 = %parallel_loop3A to %parallel_loop3A_143 step %parallel_loop3A_144  : i32 {
        %parallel_loop3A_185 = arith.index_cast %parallel_loop3A_184 : i32 to index
        %parallel_loop3A_186 = arith.constant 0 : index
        %parallel_loop3A_187 = tpu.vector_load %arg9[%parallel_loop3A_185, %parallel_loop3A_186] {strides = array<i32>} : memref<128x128xf32, #tpu.memory_space<vmem>>, vector<1x16xf32>,
        %parallel_loop3A_188 = vector.shape_cast %parallel_loop3A_187 : vector<1x16xf32> to vector<16xf32>
        %parallel_loop3A_189 = arith.index_cast %parallel_loop3A_184 : i32 to index
        %parallel_loop3A_190 = arith.constant 0 : index
        %parallel_loop3A_191 = tpu.vector_load %arg10[%parallel_loop3A_189, %parallel_loop3A_190] {strides = array<i32>} : memref<128x128xf32, #tpu.memory_space<vmem>>, vector<1x16xf32>,
        %parallel_loop3A_192 = vector.shape_cast %parallel_loop3A_191 : vector<1x16xf32> to vector<16xf32>
        %parallel_loop3A_193 = arith.addf %parallel_loop3A_188, %parallel_loop3A_192 : vector<16xf32>
        %parallel_loop3A_194 = arith.index_cast %parallel_loop3A_184 : i32 to index
        %parallel_loop3A_195 = arith.constant 0 : index
        %parallel_loop3A_196 = tpu.vector_load %arg9[%parallel_loop3A_194, %parallel_loop3A_195] {strides = array<i32>} : memref<128x128xf32, #tpu.memory_space<vmem>>, vector<1x16xf32>,
        %parallel_loop3A_197 = vector.shape_cast %parallel_loop3A_196 : vector<1x16xf32> to vector<16xf32>
        %parallel_loop3A_198 = vector.shape_cast %parallel_loop3A_193 : vector<16xf32> to vector<1x16xf32>
        tpu.vector_store %arg9[%parallel_loop3A_194, %parallel_loop3A_195], %parallel_loop3A_198 {strides = array<i32>} : memref<128x128xf32, #tpu.memory_space<vmem>>, vector<1x16xf32>,
        %parallel_loop3A_199 = arith.index_cast %parallel_loop3A_184 : i32 to index
        %parallel_loop3A_200 = arith.constant 16 : index
        %parallel_loop3A_201 = tpu.vector_load %arg9[%parallel_loop3A_199, %parallel_loop3A_200] {strides = array<i32>} : memref<128x128xf32, #tpu.memory_space<vmem>>, vector<1x16xf32>,
        %parallel_loop3A_202 = vector.shape_cast %parallel_loop3A_201 : vector<1x16xf32> to vector<16xf32>
        %parallel_loop3A_203 = arith.index_cast %parallel_loop3A_184 : i32 to index
        %parallel_loop3A_204 = arith.constant 16 : index
        %parallel_loop3A_205 = tpu.vector_load %arg10[%parallel_loop3A_203, %parallel_loop3A_204] {strides = array<i32>} : memref<128x128xf32, #tpu.memory_space<vmem>>, vector<1x16xf32>,
        %parallel_loop3A_206 = vector.shape_cast %parallel_loop3A_205 : vector<1x16xf32> to vector<16xf32>
        %parallel_loop3A_207 = arith.addf %parallel_loop3A_202, %parallel_loop3A_206 : vector<16xf32>
        %parallel_loop3A_208 = arith.index_cast %parallel_loop3A_184 : i32 to index
        %parallel_loop3A_209 = arith.constant 16 : index
        %parallel_loop3A_210 = tpu.vector_load %arg9[%parallel_loop3A_208, %parallel_loop3A_209] {strides = array<i32>} : memref<128x128xf32, #tpu.memory_space<vmem>>, vector<1x16xf32>,
        %parallel_loop3A_211 = vector.shape_cast %parallel_loop3A_210 : vector<1x16xf32> to vector<16xf32>
        %parallel_loop3A_212 = vector.shape_cast %parallel_loop3A_207 : vector<16xf32> to vector<1x16xf32>
        tpu.vector_store %arg9[%parallel_loop3A_208, %parallel_loop3A_209], %parallel_loop3A_212 {strides = array<i32>} : memref<128x128xf32, #tpu.memory_space<vmem>>, vector<1x16xf32>,
        %parallel_loop3A_213 = arith.index_cast %parallel_loop3A_184 : i32 to index
        %parallel_loop3A_214 = arith.constant 32 : index
        %parallel_loop3A_215 = tpu.vector_load %arg9[%parallel_loop3A_213, %parallel_loop3A_214] {strides = array<i32>} : memref<128x128xf32, #tpu.memory_space<vmem>>, vector<1x16xf32>,
        %parallel_loop3A_216 = vector.shape_cast %parallel_loop3A_215 : vector<1x16xf32> to vector<16xf32>
        %parallel_loop3A_217 = arith.index_cast %parallel_loop3A_184 : i32 to index
        %parallel_loop3A_218 = arith.constant 32 : index
        %parallel_loop3A_219 = tpu.vector_load %arg10[%parallel_loop3A_217, %parallel_loop3A_218] {strides = array<i32>} : memref<128x128xf32, #tpu.memory_space<vmem>>, vector<1x16xf32>,
        %parallel_loop3A_220 = vector.shape_cast %parallel_loop3A_219 : vector<1x16xf32> to vector<16xf32>
        %parallel_loop3A_221 = arith.addf %parallel_loop3A_216, %parallel_loop3A_220 : vector<16xf32>
        %parallel_loop3A_222 = arith.index_cast %parallel_loop3A_184 : i32 to index
        %parallel_loop3A_223 = arith.constant 32 : index
        %parallel_loop3A_224 = tpu.vector_load %arg9[%parallel_loop3A_222, %parallel_loop3A_223] {strides = array<i32>} : memref<128x128xf32, #tpu.memory_space<vmem>>, vector<1x16xf32>,
        %parallel_loop3A_225 = vector.shape_cast %parallel_loop3A_224 : vector<1x16xf32> to vector<16xf32>
        %parallel_loop3A_226 = vector.shape_cast %parallel_loop3A_221 : vector<16xf32> to vector<1x16xf32>
        tpu.vector_store %arg9[%parallel_loop3A_222, %parallel_loop3A_223], %parallel_loop3A_226 {strides = array<i32>} : memref<128x128xf32, #tpu.memory_space<vmem>>, vector<1x16xf32>,
        %parallel_loop3A_227 = arith.index_cast %parallel_loop3A_184 : i32 to index
        %parallel_loop3A_228 = arith.constant 48 : index
        %parallel_loop3A_229 = tpu.vector_load %arg9[%parallel_loop3A_227, %parallel_loop3A_228] {strides = array<i32>} : memref<128x128xf32, #tpu.memory_space<vmem>>, vector<1x16xf32>,
        %parallel_loop3A_230 = vector.shape_cast %parallel_loop3A_229 : vector<1x16xf32> to vector<16xf32>
        %parallel_loop3A_231 = arith.index_cast %parallel_loop3A_184 : i32 to index
        %parallel_loop3A_232 = arith.constant 48 : index
        %parallel_loop3A_233 = tpu.vector_load %arg10[%parallel_loop3A_231, %parallel_loop3A_232] {strides = array<i32>} : memref<128x128xf32, #tpu.memory_space<vmem>>, vector<1x16xf32>,
        %parallel_loop3A_234 = vector.shape_cast %parallel_loop3A_233 : vector<1x16xf32> to vector<16xf32>
        %parallel_loop3A_235 = arith.addf %parallel_loop3A_230, %parallel_loop3A_234 : vector<16xf32>
        %parallel_loop3A_236 = arith.index_cast %parallel_loop3A_184 : i32 to index
        %parallel_loop3A_237 = arith.constant 48 : index
        %parallel_loop3A_238 = tpu.vector_load %arg9[%parallel_loop3A_236, %parallel_loop3A_237] {strides = array<i32>} : memref<128x128xf32, #tpu.memory_space<vmem>>, vector<1x16xf32>,
        %parallel_loop3A_239 = vector.shape_cast %parallel_loop3A_238 : vector<1x16xf32> to vector<16xf32>
        %parallel_loop3A_240 = vector.shape_cast %parallel_loop3A_235 : vector<16xf32> to vector<1x16xf32>
        tpu.vector_store %arg9[%parallel_loop3A_236, %parallel_loop3A_237], %parallel_loop3A_240 {strides = array<i32>} : memref<128x128xf32, #tpu.memory_space<vmem>>, vector<1x16xf32>,
        %parallel_loop3A_241 = arith.index_cast %parallel_loop3A_184 : i32 to index
        %parallel_loop3A_242 = arith.constant 64 : index
        %parallel_loop3A_243 = tpu.vector_load %arg9[%parallel_loop3A_241, %parallel_loop3A_242] {strides = array<i32>} : memref<128x128xf32, #tpu.memory_space<vmem>>, vector<1x16xf32>,
        %parallel_loop3A_244 = vector.shape_cast %parallel_loop3A_243 : vector<1x16xf32> to vector<16xf32>
        %parallel_loop3A_245 = arith.index_cast %parallel_loop3A_184 : i32 to index
        %parallel_loop3A_246 = arith.constant 64 : index
        %parallel_loop3A_247 = tpu.vector_load %arg10[%parallel_loop3A_245, %parallel_loop3A_246] {strides = array<i32>} : memref<128x128xf32, #tpu.memory_space<vmem>>, vector<1x16xf32>,
        %parallel_loop3A_248 = vector.shape_cast %parallel_loop3A_247 : vector<1x16xf32> to vector<16xf32>
        %parallel_loop3A_249 = arith.addf %parallel_loop3A_244, %parallel_loop3A_248 : vector<16xf32>
        %parallel_loop3A_250 = arith.index_cast %parallel_loop3A_184 : i32 to index
        %parallel_loop3A_251 = arith.constant 64 : index
        %parallel_loop3A_252 = tpu.vector_load %arg9[%parallel_loop3A_250, %parallel_loop3A_251] {strides = array<i32>} : memref<128x128xf32, #tpu.memory_space<vmem>>, vector<1x16xf32>,
        %parallel_loop3A_253 = vector.shape_cast %parallel_loop3A_252 : vector<1x16xf32> to vector<16xf32>
        %parallel_loop3A_254 = vector.shape_cast %parallel_loop3A_249 : vector<16xf32> to vector<1x16xf32>
        tpu.vector_store %arg9[%parallel_loop3A_250, %parallel_loop3A_251], %parallel_loop3A_254 {strides = array<i32>} : memref<128x128xf32, #tpu.memory_space<vmem>>, vector<1x16xf32>,
        %parallel_loop3A_255 = arith.index_cast %parallel_loop3A_184 : i32 to index
        %parallel_loop3A_256 = arith.constant 80 : index
        %parallel_loop3A_257 = tpu.vector_load %arg9[%parallel_loop3A_255, %parallel_loop3A_256] {strides = array<i32>} : memref<128x128xf32, #tpu.memory_space<vmem>>, vector<1x16xf32>,
        %parallel_loop3A_258 = vector.shape_cast %parallel_loop3A_257 : vector<1x16xf32> to vector<16xf32>
        %parallel_loop3A_259 = arith.index_cast %parallel_loop3A_184 : i32 to index
        %parallel_loop3A_260 = arith.constant 80 : index
        %parallel_loop3A_261 = tpu.vector_load %arg10[%parallel_loop3A_259, %parallel_loop3A_260] {strides = array<i32>} : memref<128x128xf32, #tpu.memory_space<vmem>>, vector<1x16xf32>,
        %parallel_loop3A_262 = vector.shape_cast %parallel_loop3A_261 : vector<1x16xf32> to vector<16xf32>
        %parallel_loop3A_263 = arith.addf %parallel_loop3A_258, %parallel_loop3A_262 : vector<16xf32>
        %parallel_loop3A_264 = arith.index_cast %parallel_loop3A_184 : i32 to index
        %parallel_loop3A_265 = arith.constant 80 : index
        %parallel_loop3A_266 = tpu.vector_load %arg9[%parallel_loop3A_264, %parallel_loop3A_265] {strides = array<i32>} : memref<128x128xf32, #tpu.memory_space<vmem>>, vector<1x16xf32>,
        %parallel_loop3A_267 = vector.shape_cast %parallel_loop3A_266 : vector<1x16xf32> to vector<16xf32>
        %parallel_loop3A_268 = vector.shape_cast %parallel_loop3A_263 : vector<16xf32> to vector<1x16xf32>
        tpu.vector_store %arg9[%parallel_loop3A_264, %parallel_loop3A_265], %parallel_loop3A_268 {strides = array<i32>} : memref<128x128xf32, #tpu.memory_space<vmem>>, vector<1x16xf32>,
        %parallel_loop3A_269 = arith.index_cast %parallel_loop3A_184 : i32 to index
        %parallel_loop3A_270 = arith.constant 96 : index
        %parallel_loop3A_271 = tpu.vector_load %arg9[%parallel_loop3A_269, %parallel_loop3A_270] {strides = array<i32>} : memref<128x128xf32, #tpu.memory_space<vmem>>, vector<1x16xf32>,
        %parallel_loop3A_272 = vector.shape_cast %parallel_loop3A_271 : vector<1x16xf32> to vector<16xf32>
        %parallel_loop3A_273 = arith.index_cast %parallel_loop3A_184 : i32 to index
        %parallel_loop3A_274 = arith.constant 96 : index
        %parallel_loop3A_275 = tpu.vector_load %arg10[%parallel_loop3A_273, %parallel_loop3A_274] {strides = array<i32>} : memref<128x128xf32, #tpu.memory_space<vmem>>, vector<1x16xf32>,
        %parallel_loop3A_276 = vector.shape_cast %parallel_loop3A_275 : vector<1x16xf32> to vector<16xf32>
        %parallel_loop3A_277 = arith.addf %parallel_loop3A_272, %parallel_loop3A_276 : vector<16xf32>
        %parallel_loop3A_278 = arith.index_cast %parallel_loop3A_184 : i32 to index
        %parallel_loop3A_279 = arith.constant 96 : index
        %parallel_loop3A_280 = tpu.vector_load %arg9[%parallel_loop3A_278, %parallel_loop3A_279] {strides = array<i32>} : memref<128x128xf32, #tpu.memory_space<vmem>>, vector<1x16xf32>,
        %parallel_loop3A_281 = vector.shape_cast %parallel_loop3A_280 : vector<1x16xf32> to vector<16xf32>
        %parallel_loop3A_282 = vector.shape_cast %parallel_loop3A_277 : vector<16xf32> to vector<1x16xf32>
        tpu.vector_store %arg9[%parallel_loop3A_278, %parallel_loop3A_279], %parallel_loop3A_282 {strides = array<i32>} : memref<128x128xf32, #tpu.memory_space<vmem>>, vector<1x16xf32>,
        %parallel_loop3A_283 = arith.index_cast %parallel_loop3A_184 : i32 to index
        %parallel_loop3A_284 = arith.constant 112 : index
        %parallel_loop3A_285 = tpu.vector_load %arg9[%parallel_loop3A_283, %parallel_loop3A_284] {strides = array<i32>} : memref<128x128xf32, #tpu.memory_space<vmem>>, vector<1x16xf32>,
        %parallel_loop3A_286 = vector.shape_cast %parallel_loop3A_285 : vector<1x16xf32> to vector<16xf32>
        %parallel_loop3A_287 = arith.index_cast %parallel_loop3A_184 : i32 to index
        %parallel_loop3A_288 = arith.constant 112 : index
        %parallel_loop3A_289 = tpu.vector_load %arg10[%parallel_loop3A_287, %parallel_loop3A_288] {strides = array<i32>} : memref<128x128xf32, #tpu.memory_space<vmem>>, vector<1x16xf32>,
        %parallel_loop3A_290 = vector.shape_cast %parallel_loop3A_289 : vector<1x16xf32> to vector<16xf32>
        %parallel_loop3A_291 = arith.addf %parallel_loop3A_286, %parallel_loop3A_290 : vector<16xf32>
        %parallel_loop3A_292 = arith.index_cast %parallel_loop3A_184 : i32 to index
        %parallel_loop3A_293 = arith.constant 112 : index
        %parallel_loop3A_294 = tpu.vector_load %arg9[%parallel_loop3A_292, %parallel_loop3A_293] {strides = array<i32>} : memref<128x128xf32, #tpu.memory_space<vmem>>, vector<1x16xf32>,
        %parallel_loop3A_295 = vector.shape_cast %parallel_loop3A_294 : vector<1x16xf32> to vector<16xf32>
        %parallel_loop3A_296 = vector.shape_cast %parallel_loop3A_291 : vector<16xf32> to vector<1x16xf32>
        tpu.vector_store %arg9[%parallel_loop3A_292, %parallel_loop3A_293], %parallel_loop3A_296 {strides = array<i32>} : memref<128x128xf32, #tpu.memory_space<vmem>>, vector<1x16xf32>,
      } {sc.loop_unroll_factor = 2 : i64, sc.parallel_access}
      %add3A_145 = arith.addi %add3A_8, %mul3A_108 : i32
      %mul3A_146 = arith.constant 128 : i32
      %mul3A_147 = arith.muli %add3A_145, %mul3A_146 : i32
      %multiple_of3A_148 = tpu.assume_multiple %mul3A_147, 128 : i32
      %dma_start3A_149 = arith.constant 0 : i32
      %dma_start3A_150 = tpu.memref_slice %arg6[%multiple_of3A_148, %dma_start3A_149] : memref<80000x128xf32, #tpu.memory_space<hbm>> -> memref<128x128xf32, #tpu.memory_space<hbm>>
      %dma_start3A_151 = arith.constant 0 : i32
      %dma_start3A_152 = tpu.memref_slice %arg6[%multiple_of3A_148, %dma_start3A_151] : memref<80000x128xf32, #tpu.memory_space<hbm>> -> memref<128x128xf32, #tpu.memory_space<hbm>>
      tpu.enqueue_dma source(%arg9 : memref<128x128xf32, #tpu.memory_space<vmem>>) target(%dma_start3A_152 : memref<128x128xf32, #tpu.memory_space<hbm>>) target_semaphore(%arg17 : memref<!tpu.dma_semaphore, #tpu.memory_space<semaphore_mem>>)
      %add3A_153 = arith.constant 1 : i32
      %add3A_154 = arith.addi %add3A_110, %add3A_153 : i32
      %lt3A_155 = arith.cmpi slt, %add3A_154, %add3A_4 : i32
      %convert_element_type3A_156 = arith.extui %lt3A_155 : i1 to i32
      %cond3A_157 = arith.constant 0 : i32
      %cond3A_158 = arith.cmpi ne, %convert_element_type3A_156, %cond3A_157 : i32
      scf.if %cond3A_158 {
        %mul3A_184 = arith.constant 128 : i32
        %mul3A_185 = arith.muli %add3A_8, %mul3A_184 : i32
        %multiple_of3A_186 = tpu.assume_multiple %mul3A_185, 128 : i32
        %dma_wait3A_187 = arith.constant 0 : i32
        %dma_wait3A_188 = tpu.memref_slice %arg6[%multiple_of3A_186, %dma_wait3A_187] : memref<80000x128xf32, #tpu.memory_space<hbm>> -> memref<128x128xf32, #tpu.memory_space<hbm>>
        %dma_wait3A_189 = arith.constant 0 : i32
        %dma_wait3A_190 = tpu.memref_slice %arg6[%multiple_of3A_186, %dma_wait3A_189] : memref<80000x128xf32, #tpu.memory_space<hbm>> -> memref<128x128xf32, #tpu.memory_space<hbm>>
        tpu.wait_dma2 semaphore(%arg17 : memref<!tpu.dma_semaphore, #tpu.memory_space<semaphore_mem>>) src(%arg9 : memref<128x128xf32, #tpu.memory_space<vmem>>) dst(%dma_wait3A_190 : memref<128x128xf32, #tpu.memory_space<hbm>>)
        %add3A_191 = arith.constant 1 : i32
        %add3A_192 = arith.addi %add3A_110, %add3A_191 : i32
        %add3A_193 = arith.addi %sub3A_29, %add3A_192 : i32
        %dma_start3A_194 = arith.constant 0 : i32
        %dma_start3A_195 = tpu.memref_slice %arg7[%add3A_193, %dma_start3A_194] : memref<32x128xi32, #tpu.memory_space<vmem>> -> memref<1x128xi32, #tpu.memory_space<vmem>>
        %dma_start3A_196 = tpu.memref_squeeze %dma_start3A_195 : memref<1x128xi32, #tpu.memory_space<vmem>> -> memref<128xi32, #tpu.memory_space<vmem>>
        %dma_start3A_197 = arith.constant 0 : i32
        %dma_start3A_198 = arith.constant 0 : i32
        %dma_start3A_199 = tpu.memref_slice %arg2[%dma_start3A_197, %dma_start3A_198] : memref<10000x128xf32, #tpu.memory_space<hbm>> -> memref<10000x128xf32, #tpu.memory_space<hbm>>
        tpu.enqueue_indirect_dma source(%dma_start3A_199 : memref<10000x128xf32, #tpu.memory_space<hbm>>) target(%arg9 : memref<128x128xf32, #tpu.memory_space<vmem>>) offsets(%dma_start3A_196 : memref<128xi32, #tpu.memory_space<vmem>>) semaphore(%arg13 : memref<!tpu.dma_semaphore, #tpu.memory_space<semaphore_mem>>)
        %add3A_200 = arith.addi %sub3A_29, %add3A_192 : i32
        %dma_start3A_201 = arith.constant 0 : i32
        %dma_start3A_202 = tpu.memref_slice %arg8[%add3A_200, %dma_start3A_201] : memref<32x128xi32, #tpu.memory_space<vmem>> -> memref<1x128xi32, #tpu.memory_space<vmem>>
        %dma_start3A_203 = tpu.memref_squeeze %dma_start3A_202 : memref<1x128xi32, #tpu.memory_space<vmem>> -> memref<128xi32, #tpu.memory_space<vmem>>
        %dma_start3A_204 = arith.constant 0 : i32
        %dma_start3A_205 = arith.constant 0 : i32
        %dma_start3A_206 = tpu.memref_slice %arg3[%dma_start3A_204, %dma_start3A_205] : memref<10000x128xf32, #tpu.memory_space<hbm>> -> memref<10000x128xf32, #tpu.memory_space<hbm>>
        tpu.enqueue_indirect_dma source(%dma_start3A_206 : memref<10000x128xf32, #tpu.memory_space<hbm>>) target(%arg10 : memref<128x128xf32, #tpu.memory_space<vmem>>) offsets(%dma_start3A_203 : memref<128xi32, #tpu.memory_space<vmem>>) semaphore(%arg14 : memref<!tpu.dma_semaphore, #tpu.memory_space<semaphore_mem>>)
      } else {
      }
      %add3A_159 = arith.addi %sub3A_29, %add3A_110 : i32
      %dma_wait3A_160 = arith.constant 0 : i32
      %dma_wait3A_161 = tpu.memref_slice %arg7[%add3A_159, %dma_wait3A_160] : memref<32x128xi32, #tpu.memory_space<vmem>> -> memref<1x128xi32, #tpu.memory_space<vmem>>
      %dma_wait3A_162 = tpu.memref_squeeze %dma_wait3A_161 : memref<1x128xi32, #tpu.memory_space<vmem>> -> memref<128xi32, #tpu.memory_space<vmem>>
      %dma_wait3A_163 = arith.constant 0 : i32
      %dma_wait3A_164 = arith.constant 0 : i32
      %dma_wait3A_165 = tpu.memref_slice %arg2[%dma_wait3A_163, %dma_wait3A_164] : memref<10000x128xf32, #tpu.memory_space<hbm>> -> memref<10000x128xf32, #tpu.memory_space<hbm>>
      tpu.wait_indirect_dma semaphore(%arg15 : memref<!tpu.dma_semaphore, #tpu.memory_space<semaphore_mem>>) src(%dma_wait3A_165 : memref<10000x128xf32, #tpu.memory_space<hbm>>) dst(%arg11 : memref<128x128xf32, #tpu.memory_space<vmem>>)
      %add3A_166 = arith.addi %sub3A_29, %add3A_110 : i32
      %dma_wait3A_167 = arith.constant 0 : i32
      %dma_wait3A_168 = tpu.memref_slice %arg8[%add3A_166, %dma_wait3A_167] : memref<32x128xi32, #tpu.memory_space<vmem>> -> memref<1x128xi32, #tpu.memory_space<vmem>>
      %dma_wait3A_169 = tpu.memref_squeeze %dma_wait3A_168 : memref<1x128xi32, #tpu.memory_space<vmem>> -> memref<128xi32, #tpu.memory_space<vmem>>
      %dma_wait3A_170 = arith.constant 0 : i32
      %dma_wait3A_171 = arith.constant 0 : i32
      %dma_wait3A_172 = tpu.memref_slice %arg3[%dma_wait3A_170, %dma_wait3A_171] : memref<10000x128xf32, #tpu.memory_space<hbm>> -> memref<10000x128xf32, #tpu.memory_space<hbm>>
      tpu.wait_indirect_dma semaphore(%arg16 : memref<!tpu.dma_semaphore, #tpu.memory_space<semaphore_mem>>) src(%dma_wait3A_172 : memref<10000x128xf32, #tpu.memory_space<hbm>>) dst(%arg12 : memref<128x128xf32, #tpu.memory_space<vmem>>)
      %parallel_loop3A_173 = arith.constant 0 : i32
      %parallel_loop3A_174 = arith.constant 128 : i32
      %parallel_loop3A_175 = arith.constant 1 : i32
      scf.for %parallel_loop3A_184 = %parallel_loop3A_173 to %parallel_loop3A_174 step %parallel_loop3A_175  : i32 {
        %parallel_loop3A_185 = arith.index_cast %parallel_loop3A_184 : i32 to index
        %parallel_loop3A_186 = arith.constant 0 : index
        %parallel_loop3A_187 = tpu.vector_load %arg11[%parallel_loop3A_185, %parallel_loop3A_186] {strides = array<i32>} : memref<128x128xf32, #tpu.memory_space<vmem>>, vector<1x16xf32>,
        %parallel_loop3A_188 = vector.shape_cast %parallel_loop3A_187 : vector<1x16xf32> to vector<16xf32>
        %parallel_loop3A_189 = arith.index_cast %parallel_loop3A_184 : i32 to index
        %parallel_loop3A_190 = arith.constant 0 : index
        %parallel_loop3A_191 = tpu.vector_load %arg12[%parallel_loop3A_189, %parallel_loop3A_190] {strides = array<i32>} : memref<128x128xf32, #tpu.memory_space<vmem>>, vector<1x16xf32>,
        %parallel_loop3A_192 = vector.shape_cast %parallel_loop3A_191 : vector<1x16xf32> to vector<16xf32>
        %parallel_loop3A_193 = arith.addf %parallel_loop3A_188, %parallel_loop3A_192 : vector<16xf32>
        %parallel_loop3A_194 = arith.index_cast %parallel_loop3A_184 : i32 to index
        %parallel_loop3A_195 = arith.constant 0 : index
        %parallel_loop3A_196 = tpu.vector_load %arg11[%parallel_loop3A_194, %parallel_loop3A_195] {strides = array<i32>} : memref<128x128xf32, #tpu.memory_space<vmem>>, vector<1x16xf32>,
        %parallel_loop3A_197 = vector.shape_cast %parallel_loop3A_196 : vector<1x16xf32> to vector<16xf32>
        %parallel_loop3A_198 = vector.shape_cast %parallel_loop3A_193 : vector<16xf32> to vector<1x16xf32>
        tpu.vector_store %arg11[%parallel_loop3A_194, %parallel_loop3A_195], %parallel_loop3A_198 {strides = array<i32>} : memref<128x128xf32, #tpu.memory_space<vmem>>, vector<1x16xf32>,
        %parallel_loop3A_199 = arith.index_cast %parallel_loop3A_184 : i32 to index
        %parallel_loop3A_200 = arith.constant 16 : index
        %parallel_loop3A_201 = tpu.vector_load %arg11[%parallel_loop3A_199, %parallel_loop3A_200] {strides = array<i32>} : memref<128x128xf32, #tpu.memory_space<vmem>>, vector<1x16xf32>,
        %parallel_loop3A_202 = vector.shape_cast %parallel_loop3A_201 : vector<1x16xf32> to vector<16xf32>
        %parallel_loop3A_203 = arith.index_cast %parallel_loop3A_184 : i32 to index
        %parallel_loop3A_204 = arith.constant 16 : index
        %parallel_loop3A_205 = tpu.vector_load %arg12[%parallel_loop3A_203, %parallel_loop3A_204] {strides = array<i32>} : memref<128x128xf32, #tpu.memory_space<vmem>>, vector<1x16xf32>,
        %parallel_loop3A_206 = vector.shape_cast %parallel_loop3A_205 : vector<1x16xf32> to vector<16xf32>
        %parallel_loop3A_207 = arith.addf %parallel_loop3A_202, %parallel_loop3A_206 : vector<16xf32>
        %parallel_loop3A_208 = arith.index_cast %parallel_loop3A_184 : i32 to index
        %parallel_loop3A_209 = arith.constant 16 : index
        %parallel_loop3A_210 = tpu.vector_load %arg11[%parallel_loop3A_208, %parallel_loop3A_209] {strides = array<i32>} : memref<128x128xf32, #tpu.memory_space<vmem>>, vector<1x16xf32>,
        %parallel_loop3A_211 = vector.shape_cast %parallel_loop3A_210 : vector<1x16xf32> to vector<16xf32>
        %parallel_loop3A_212 = vector.shape_cast %parallel_loop3A_207 : vector<16xf32> to vector<1x16xf32>
        tpu.vector_store %arg11[%parallel_loop3A_208, %parallel_loop3A_209], %parallel_loop3A_212 {strides = array<i32>} : memref<128x128xf32, #tpu.memory_space<vmem>>, vector<1x16xf32>,
        %parallel_loop3A_213 = arith.index_cast %parallel_loop3A_184 : i32 to index
        %parallel_loop3A_214 = arith.constant 32 : index
        %parallel_loop3A_215 = tpu.vector_load %arg11[%parallel_loop3A_213, %parallel_loop3A_214] {strides = array<i32>} : memref<128x128xf32, #tpu.memory_space<vmem>>, vector<1x16xf32>,
        %parallel_loop3A_216 = vector.shape_cast %parallel_loop3A_215 : vector<1x16xf32> to vector<16xf32>
        %parallel_loop3A_217 = arith.index_cast %parallel_loop3A_184 : i32 to index
        %parallel_loop3A_218 = arith.constant 32 : index
        %parallel_loop3A_219 = tpu.vector_load %arg12[%parallel_loop3A_217, %parallel_loop3A_218] {strides = array<i32>} : memref<128x128xf32, #tpu.memory_space<vmem>>, vector<1x16xf32>,
        %parallel_loop3A_220 = vector.shape_cast %parallel_loop3A_219 : vector<1x16xf32> to vector<16xf32>
        %parallel_loop3A_221 = arith.addf %parallel_loop3A_216, %parallel_loop3A_220 : vector<16xf32>
        %parallel_loop3A_222 = arith.index_cast %parallel_loop3A_184 : i32 to index
        %parallel_loop3A_223 = arith.constant 32 : index
        %parallel_loop3A_224 = tpu.vector_load %arg11[%parallel_loop3A_222, %parallel_loop3A_223] {strides = array<i32>} : memref<128x128xf32, #tpu.memory_space<vmem>>, vector<1x16xf32>,
        %parallel_loop3A_225 = vector.shape_cast %parallel_loop3A_224 : vector<1x16xf32> to vector<16xf32>
        %parallel_loop3A_226 = vector.shape_cast %parallel_loop3A_221 : vector<16xf32> to vector<1x16xf32>
        tpu.vector_store %arg11[%parallel_loop3A_222, %parallel_loop3A_223], %parallel_loop3A_226 {strides = array<i32>} : memref<128x128xf32, #tpu.memory_space<vmem>>, vector<1x16xf32>,
        %parallel_loop3A_227 = arith.index_cast %parallel_loop3A_184 : i32 to index
        %parallel_loop3A_228 = arith.constant 48 : index
        %parallel_loop3A_229 = tpu.vector_load %arg11[%parallel_loop3A_227, %parallel_loop3A_228] {strides = array<i32>} : memref<128x128xf32, #tpu.memory_space<vmem>>, vector<1x16xf32>,
        %parallel_loop3A_230 = vector.shape_cast %parallel_loop3A_229 : vector<1x16xf32> to vector<16xf32>
        %parallel_loop3A_231 = arith.index_cast %parallel_loop3A_184 : i32 to index
        %parallel_loop3A_232 = arith.constant 48 : index
        %parallel_loop3A_233 = tpu.vector_load %arg12[%parallel_loop3A_231, %parallel_loop3A_232] {strides = array<i32>} : memref<128x128xf32, #tpu.memory_space<vmem>>, vector<1x16xf32>,
        %parallel_loop3A_234 = vector.shape_cast %parallel_loop3A_233 : vector<1x16xf32> to vector<16xf32>
        %parallel_loop3A_235 = arith.addf %parallel_loop3A_230, %parallel_loop3A_234 : vector<16xf32>
        %parallel_loop3A_236 = arith.index_cast %parallel_loop3A_184 : i32 to index
        %parallel_loop3A_237 = arith.constant 48 : index
        %parallel_loop3A_238 = tpu.vector_load %arg11[%parallel_loop3A_236, %parallel_loop3A_237] {strides = array<i32>} : memref<128x128xf32, #tpu.memory_space<vmem>>, vector<1x16xf32>,
        %parallel_loop3A_239 = vector.shape_cast %parallel_loop3A_238 : vector<1x16xf32> to vector<16xf32>
        %parallel_loop3A_240 = vector.shape_cast %parallel_loop3A_235 : vector<16xf32> to vector<1x16xf32>
        tpu.vector_store %arg11[%parallel_loop3A_236, %parallel_loop3A_237], %parallel_loop3A_240 {strides = array<i32>} : memref<128x128xf32, #tpu.memory_space<vmem>>, vector<1x16xf32>,
        %parallel_loop3A_241 = arith.index_cast %parallel_loop3A_184 : i32 to index
        %parallel_loop3A_242 = arith.constant 64 : index
        %parallel_loop3A_243 = tpu.vector_load %arg11[%parallel_loop3A_241, %parallel_loop3A_242] {strides = array<i32>} : memref<128x128xf32, #tpu.memory_space<vmem>>, vector<1x16xf32>,
        %parallel_loop3A_244 = vector.shape_cast %parallel_loop3A_243 : vector<1x16xf32> to vector<16xf32>
        %parallel_loop3A_245 = arith.index_cast %parallel_loop3A_184 : i32 to index
        %parallel_loop3A_246 = arith.constant 64 : index
        %parallel_loop3A_247 = tpu.vector_load %arg12[%parallel_loop3A_245, %parallel_loop3A_246] {strides = array<i32>} : memref<128x128xf32, #tpu.memory_space<vmem>>, vector<1x16xf32>,
        %parallel_loop3A_248 = vector.shape_cast %parallel_loop3A_247 : vector<1x16xf32> to vector<16xf32>
        %parallel_loop3A_249 = arith.addf %parallel_loop3A_244, %parallel_loop3A_248 : vector<16xf32>
        %parallel_loop3A_250 = arith.index_cast %parallel_loop3A_184 : i32 to index
        %parallel_loop3A_251 = arith.constant 64 : index
        %parallel_loop3A_252 = tpu.vector_load %arg11[%parallel_loop3A_250, %parallel_loop3A_251] {strides = array<i32>} : memref<128x128xf32, #tpu.memory_space<vmem>>, vector<1x16xf32>,
        %parallel_loop3A_253 = vector.shape_cast %parallel_loop3A_252 : vector<1x16xf32> to vector<16xf32>
        %parallel_loop3A_254 = vector.shape_cast %parallel_loop3A_249 : vector<16xf32> to vector<1x16xf32>
        tpu.vector_store %arg11[%parallel_loop3A_250, %parallel_loop3A_251], %parallel_loop3A_254 {strides = array<i32>} : memref<128x128xf32, #tpu.memory_space<vmem>>, vector<1x16xf32>,
        %parallel_loop3A_255 = arith.index_cast %parallel_loop3A_184 : i32 to index
        %parallel_loop3A_256 = arith.constant 80 : index
        %parallel_loop3A_257 = tpu.vector_load %arg11[%parallel_loop3A_255, %parallel_loop3A_256] {strides = array<i32>} : memref<128x128xf32, #tpu.memory_space<vmem>>, vector<1x16xf32>,
        %parallel_loop3A_258 = vector.shape_cast %parallel_loop3A_257 : vector<1x16xf32> to vector<16xf32>
        %parallel_loop3A_259 = arith.index_cast %parallel_loop3A_184 : i32 to index
        %parallel_loop3A_260 = arith.constant 80 : index
        %parallel_loop3A_261 = tpu.vector_load %arg12[%parallel_loop3A_259, %parallel_loop3A_260] {strides = array<i32>} : memref<128x128xf32, #tpu.memory_space<vmem>>, vector<1x16xf32>,
        %parallel_loop3A_262 = vector.shape_cast %parallel_loop3A_261 : vector<1x16xf32> to vector<16xf32>
        %parallel_loop3A_263 = arith.addf %parallel_loop3A_258, %parallel_loop3A_262 : vector<16xf32>
        %parallel_loop3A_264 = arith.index_cast %parallel_loop3A_184 : i32 to index
        %parallel_loop3A_265 = arith.constant 80 : index
        %parallel_loop3A_266 = tpu.vector_load %arg11[%parallel_loop3A_264, %parallel_loop3A_265] {strides = array<i32>} : memref<128x128xf32, #tpu.memory_space<vmem>>, vector<1x16xf32>,
        %parallel_loop3A_267 = vector.shape_cast %parallel_loop3A_266 : vector<1x16xf32> to vector<16xf32>
        %parallel_loop3A_268 = vector.shape_cast %parallel_loop3A_263 : vector<16xf32> to vector<1x16xf32>
        tpu.vector_store %arg11[%parallel_loop3A_264, %parallel_loop3A_265], %parallel_loop3A_268 {strides = array<i32>} : memref<128x128xf32, #tpu.memory_space<vmem>>, vector<1x16xf32>,
        %parallel_loop3A_269 = arith.index_cast %parallel_loop3A_184 : i32 to index
        %parallel_loop3A_270 = arith.constant 96 : index
        %parallel_loop3A_271 = tpu.vector_load %arg11[%parallel_loop3A_269, %parallel_loop3A_270] {strides = array<i32>} : memref<128x128xf32, #tpu.memory_space<vmem>>, vector<1x16xf32>,
        %parallel_loop3A_272 = vector.shape_cast %parallel_loop3A_271 : vector<1x16xf32> to vector<16xf32>
        %parallel_loop3A_273 = arith.index_cast %parallel_loop3A_184 : i32 to index
        %parallel_loop3A_274 = arith.constant 96 : index
        %parallel_loop3A_275 = tpu.vector_load %arg12[%parallel_loop3A_273, %parallel_loop3A_274] {strides = array<i32>} : memref<128x128xf32, #tpu.memory_space<vmem>>, vector<1x16xf32>,
        %parallel_loop3A_276 = vector.shape_cast %parallel_loop3A_275 : vector<1x16xf32> to vector<16xf32>
        %parallel_loop3A_277 = arith.addf %parallel_loop3A_272, %parallel_loop3A_276 : vector<16xf32>
        %parallel_loop3A_278 = arith.index_cast %parallel_loop3A_184 : i32 to index
        %parallel_loop3A_279 = arith.constant 96 : index
        %parallel_loop3A_280 = tpu.vector_load %arg11[%parallel_loop3A_278, %parallel_loop3A_279] {strides = array<i32>} : memref<128x128xf32, #tpu.memory_space<vmem>>, vector<1x16xf32>,
        %parallel_loop3A_281 = vector.shape_cast %parallel_loop3A_280 : vector<1x16xf32> to vector<16xf32>
        %parallel_loop3A_282 = vector.shape_cast %parallel_loop3A_277 : vector<16xf32> to vector<1x16xf32>
        tpu.vector_store %arg11[%parallel_loop3A_278, %parallel_loop3A_279], %parallel_loop3A_282 {strides = array<i32>} : memref<128x128xf32, #tpu.memory_space<vmem>>, vector<1x16xf32>,
        %parallel_loop3A_283 = arith.index_cast %parallel_loop3A_184 : i32 to index
        %parallel_loop3A_284 = arith.constant 112 : index
        %parallel_loop3A_285 = tpu.vector_load %arg11[%parallel_loop3A_283, %parallel_loop3A_284] {strides = array<i32>} : memref<128x128xf32, #tpu.memory_space<vmem>>, vector<1x16xf32>,
        %parallel_loop3A_286 = vector.shape_cast %parallel_loop3A_285 : vector<1x16xf32> to vector<16xf32>
        %parallel_loop3A_287 = arith.index_cast %parallel_loop3A_184 : i32 to index
        %parallel_loop3A_288 = arith.constant 112 : index
        %parallel_loop3A_289 = tpu.vector_load %arg12[%parallel_loop3A_287, %parallel_loop3A_288] {strides = array<i32>} : memref<128x128xf32, #tpu.memory_space<vmem>>, vector<1x16xf32>,
        %parallel_loop3A_290 = vector.shape_cast %parallel_loop3A_289 : vector<1x16xf32> to vector<16xf32>
        %parallel_loop3A_291 = arith.addf %parallel_loop3A_286, %parallel_loop3A_290 : vector<16xf32>
        %parallel_loop3A_292 = arith.index_cast %parallel_loop3A_184 : i32 to index
        %parallel_loop3A_293 = arith.constant 112 : index
        %parallel_loop3A_294 = tpu.vector_load %arg11[%parallel_loop3A_292, %parallel_loop3A_293] {strides = array<i32>} : memref<128x128xf32, #tpu.memory_space<vmem>>, vector<1x16xf32>,
        %parallel_loop3A_295 = vector.shape_cast %parallel_loop3A_294 : vector<1x16xf32> to vector<16xf32>
        %parallel_loop3A_296 = vector.shape_cast %parallel_loop3A_291 : vector<16xf32> to vector<1x16xf32>
        tpu.vector_store %arg11[%parallel_loop3A_292, %parallel_loop3A_293], %parallel_loop3A_296 {strides = array<i32>} : memref<128x128xf32, #tpu.memory_space<vmem>>, vector<1x16xf32>,
      } {sc.loop_unroll_factor = 2 : i64, sc.parallel_access}
      %add3A_176 = arith.addi %add3A_8, %add3A_110 : i32
      %mul3A_177 = arith.constant 128 : i32
      %mul3A_178 = arith.muli %add3A_176, %mul3A_177 : i32
      %multiple_of3A_179 = tpu.assume_multiple %mul3A_178, 128 : i32
      %dma_start3A_180 = arith.constant 0 : i32
      %dma_start3A_181 = tpu.memref_slice %arg6[%multiple_of3A_179, %dma_start3A_180] : memref<80000x128xf32, #tpu.memory_space<hbm>> -> memref<128x128xf32, #tpu.memory_space<hbm>>
      %dma_start3A_182 = arith.constant 0 : i32
      %dma_start3A_183 = tpu.memref_slice %arg6[%multiple_of3A_179, %dma_start3A_182] : memref<80000x128xf32, #tpu.memory_space<hbm>> -> memref<128x128xf32, #tpu.memory_space<hbm>>
      tpu.enqueue_dma source(%arg11 : memref<128x128xf32, #tpu.memory_space<vmem>>) target(%dma_start3A_183 : memref<128x128xf32, #tpu.memory_space<hbm>>) target_semaphore(%arg18 : memref<!tpu.dma_semaphore, #tpu.memory_space<semaphore_mem>>)
    }
    %jit3A_78 = arith.constant 2 : i32
    %eq3A = arith.constant 0 : i32
    %eq3A_79 = arith.cmpi eq, %jit3A_78, %eq3A : i32
    %jit3A_80 = arith.constant 1 : i32
    %select_n3A_81 = arith.select %eq3A_79, %jit3A_80, %jit3A_78 : i32
    %rem3A_82 = arith.remsi %add3A_4, %select_n3A_81 : i32
    %ne3A_83 = arith.constant 0 : i32
    %ne3A_84 = arith.cmpi ne, %rem3A_82, %ne3A_83 : i32
    %lt3A_85 = arith.constant 0 : i32
    %lt3A_86 = arith.cmpi slt, %rem3A_82, %lt3A_85 : i32
    %lt3A_87 = arith.constant 0 : i32
    %lt3A_88 = arith.cmpi slt, %select_n3A_81, %lt3A_87 : i32
    %ne3A_89 = arith.xori %lt3A_86, %lt3A_88 : i1
    %and3A_90 = arith.andi %ne3A_89, %ne3A_84 : i1
    %add3A_91 = arith.addi %rem3A_82, %select_n3A_81 : i32
    %select_n3A_92 = arith.select %and3A_90, %add3A_91, %rem3A_82 : i32
    %eq3A_93 = arith.constant 1 : i32
    %eq3A_94 = arith.cmpi eq, %select_n3A_92, %eq3A_93 : i32
    %convert_element_type3A = arith.extui %eq3A_94 : i1 to i32
    %cond3A = arith.constant 0 : i32
    %cond3A_95 = arith.cmpi ne, %convert_element_type3A, %cond3A : i32
    scf.if %cond3A_95 {
      %sub3A_106 = arith.constant 1 : i32
      %sub3A_107 = arith.subi %add3A_4, %sub3A_106 : i32
      %add3A_108 = arith.addi %sub3A_29, %sub3A_107 : i32
      %dma_wait3A_109 = arith.constant 0 : i32
      %dma_wait3A_110 = tpu.memref_slice %arg7[%add3A_108, %dma_wait3A_109] : memref<32x128xi32, #tpu.memory_space<vmem>> -> memref<1x128xi32, #tpu.memory_space<vmem>>
      %dma_wait3A_111 = tpu.memref_squeeze %dma_wait3A_110 : memref<1x128xi32, #tpu.memory_space<vmem>> -> memref<128xi32, #tpu.memory_space<vmem>>
      %dma_wait3A_112 = arith.constant 0 : i32
      %dma_wait3A_113 = arith.constant 0 : i32
      %dma_wait3A_114 = tpu.memref_slice %arg2[%dma_wait3A_112, %dma_wait3A_113] : memref<10000x128xf32, #tpu.memory_space<hbm>> -> memref<10000x128xf32, #tpu.memory_space<hbm>>
      tpu.wait_indirect_dma semaphore(%arg13 : memref<!tpu.dma_semaphore, #tpu.memory_space<semaphore_mem>>) src(%dma_wait3A_114 : memref<10000x128xf32, #tpu.memory_space<hbm>>) dst(%arg9 : memref<128x128xf32, #tpu.memory_space<vmem>>)
      %add3A_115 = arith.addi %sub3A_29, %sub3A_107 : i32
      %dma_wait3A_116 = arith.constant 0 : i32
      %dma_wait3A_117 = tpu.memref_slice %arg8[%add3A_115, %dma_wait3A_116] : memref<32x128xi32, #tpu.memory_space<vmem>> -> memref<1x128xi32, #tpu.memory_space<vmem>>
      %dma_wait3A_118 = tpu.memref_squeeze %dma_wait3A_117 : memref<1x128xi32, #tpu.memory_space<vmem>> -> memref<128xi32, #tpu.memory_space<vmem>>
      %dma_wait3A_119 = arith.constant 0 : i32
      %dma_wait3A_120 = arith.constant 0 : i32
      %dma_wait3A_121 = tpu.memref_slice %arg3[%dma_wait3A_119, %dma_wait3A_120] : memref<10000x128xf32, #tpu.memory_space<hbm>> -> memref<10000x128xf32, #tpu.memory_space<hbm>>
      tpu.wait_indirect_dma semaphore(%arg14 : memref<!tpu.dma_semaphore, #tpu.memory_space<semaphore_mem>>) src(%dma_wait3A_121 : memref<10000x128xf32, #tpu.memory_space<hbm>>) dst(%arg10 : memref<128x128xf32, #tpu.memory_space<vmem>>)
      %parallel_loop3A = arith.constant 0 : i32
      %parallel_loop3A_122 = arith.constant 128 : i32
      %parallel_loop3A_123 = arith.constant 1 : i32
      scf.for %parallel_loop3A_132 = %parallel_loop3A to %parallel_loop3A_122 step %parallel_loop3A_123  : i32 {
        %parallel_loop3A_133 = arith.index_cast %parallel_loop3A_132 : i32 to index
        %parallel_loop3A_134 = arith.constant 0 : index
        %parallel_loop3A_135 = tpu.vector_load %arg9[%parallel_loop3A_133, %parallel_loop3A_134] {strides = array<i32>} : memref<128x128xf32, #tpu.memory_space<vmem>>, vector<1x16xf32>,
        %parallel_loop3A_136 = vector.shape_cast %parallel_loop3A_135 : vector<1x16xf32> to vector<16xf32>
        %parallel_loop3A_137 = arith.index_cast %parallel_loop3A_132 : i32 to index
        %parallel_loop3A_138 = arith.constant 0 : index
        %parallel_loop3A_139 = tpu.vector_load %arg10[%parallel_loop3A_137, %parallel_loop3A_138] {strides = array<i32>} : memref<128x128xf32, #tpu.memory_space<vmem>>, vector<1x16xf32>,
        %parallel_loop3A_140 = vector.shape_cast %parallel_loop3A_139 : vector<1x16xf32> to vector<16xf32>
        %parallel_loop3A_141 = arith.addf %parallel_loop3A_136, %parallel_loop3A_140 : vector<16xf32>
        %parallel_loop3A_142 = arith.index_cast %parallel_loop3A_132 : i32 to index
        %parallel_loop3A_143 = arith.constant 0 : index
        %parallel_loop3A_144 = tpu.vector_load %arg9[%parallel_loop3A_142, %parallel_loop3A_143] {strides = array<i32>} : memref<128x128xf32, #tpu.memory_space<vmem>>, vector<1x16xf32>,
        %parallel_loop3A_145 = vector.shape_cast %parallel_loop3A_144 : vector<1x16xf32> to vector<16xf32>
        %parallel_loop3A_146 = vector.shape_cast %parallel_loop3A_141 : vector<16xf32> to vector<1x16xf32>
        tpu.vector_store %arg9[%parallel_loop3A_142, %parallel_loop3A_143], %parallel_loop3A_146 {strides = array<i32>} : memref<128x128xf32, #tpu.memory_space<vmem>>, vector<1x16xf32>,
        %parallel_loop3A_147 = arith.index_cast %parallel_loop3A_132 : i32 to index
        %parallel_loop3A_148 = arith.constant 16 : index
        %parallel_loop3A_149 = tpu.vector_load %arg9[%parallel_loop3A_147, %parallel_loop3A_148] {strides = array<i32>} : memref<128x128xf32, #tpu.memory_space<vmem>>, vector<1x16xf32>,
        %parallel_loop3A_150 = vector.shape_cast %parallel_loop3A_149 : vector<1x16xf32> to vector<16xf32>
        %parallel_loop3A_151 = arith.index_cast %parallel_loop3A_132 : i32 to index
        %parallel_loop3A_152 = arith.constant 16 : index
        %parallel_loop3A_153 = tpu.vector_load %arg10[%parallel_loop3A_151, %parallel_loop3A_152] {strides = array<i32>} : memref<128x128xf32, #tpu.memory_space<vmem>>, vector<1x16xf32>,
        %parallel_loop3A_154 = vector.shape_cast %parallel_loop3A_153 : vector<1x16xf32> to vector<16xf32>
        %parallel_loop3A_155 = arith.addf %parallel_loop3A_150, %parallel_loop3A_154 : vector<16xf32>
        %parallel_loop3A_156 = arith.index_cast %parallel_loop3A_132 : i32 to index
        %parallel_loop3A_157 = arith.constant 16 : index
        %parallel_loop3A_158 = tpu.vector_load %arg9[%parallel_loop3A_156, %parallel_loop3A_157] {strides = array<i32>} : memref<128x128xf32, #tpu.memory_space<vmem>>, vector<1x16xf32>,
        %parallel_loop3A_159 = vector.shape_cast %parallel_loop3A_158 : vector<1x16xf32> to vector<16xf32>
        %parallel_loop3A_160 = vector.shape_cast %parallel_loop3A_155 : vector<16xf32> to vector<1x16xf32>
        tpu.vector_store %arg9[%parallel_loop3A_156, %parallel_loop3A_157], %parallel_loop3A_160 {strides = array<i32>} : memref<128x128xf32, #tpu.memory_space<vmem>>, vector<1x16xf32>,
        %parallel_loop3A_161 = arith.index_cast %parallel_loop3A_132 : i32 to index
        %parallel_loop3A_162 = arith.constant 32 : index
        %parallel_loop3A_163 = tpu.vector_load %arg9[%parallel_loop3A_161, %parallel_loop3A_162] {strides = array<i32>} : memref<128x128xf32, #tpu.memory_space<vmem>>, vector<1x16xf32>,
        %parallel_loop3A_164 = vector.shape_cast %parallel_loop3A_163 : vector<1x16xf32> to vector<16xf32>
        %parallel_loop3A_165 = arith.index_cast %parallel_loop3A_132 : i32 to index
        %parallel_loop3A_166 = arith.constant 32 : index
        %parallel_loop3A_167 = tpu.vector_load %arg10[%parallel_loop3A_165, %parallel_loop3A_166] {strides = array<i32>} : memref<128x128xf32, #tpu.memory_space<vmem>>, vector<1x16xf32>,
        %parallel_loop3A_168 = vector.shape_cast %parallel_loop3A_167 : vector<1x16xf32> to vector<16xf32>
        %parallel_loop3A_169 = arith.addf %parallel_loop3A_164, %parallel_loop3A_168 : vector<16xf32>
        %parallel_loop3A_170 = arith.index_cast %parallel_loop3A_132 : i32 to index
        %parallel_loop3A_171 = arith.constant 32 : index
        %parallel_loop3A_172 = tpu.vector_load %arg9[%parallel_loop3A_170, %parallel_loop3A_171] {strides = array<i32>} : memref<128x128xf32, #tpu.memory_space<vmem>>, vector<1x16xf32>,
        %parallel_loop3A_173 = vector.shape_cast %parallel_loop3A_172 : vector<1x16xf32> to vector<16xf32>
        %parallel_loop3A_174 = vector.shape_cast %parallel_loop3A_169 : vector<16xf32> to vector<1x16xf32>
        tpu.vector_store %arg9[%parallel_loop3A_170, %parallel_loop3A_171], %parallel_loop3A_174 {strides = array<i32>} : memref<128x128xf32, #tpu.memory_space<vmem>>, vector<1x16xf32>,
        %parallel_loop3A_175 = arith.index_cast %parallel_loop3A_132 : i32 to index
        %parallel_loop3A_176 = arith.constant 48 : index
        %parallel_loop3A_177 = tpu.vector_load %arg9[%parallel_loop3A_175, %parallel_loop3A_176] {strides = array<i32>} : memref<128x128xf32, #tpu.memory_space<vmem>>, vector<1x16xf32>,
        %parallel_loop3A_178 = vector.shape_cast %parallel_loop3A_177 : vector<1x16xf32> to vector<16xf32>
        %parallel_loop3A_179 = arith.index_cast %parallel_loop3A_132 : i32 to index
        %parallel_loop3A_180 = arith.constant 48 : index
        %parallel_loop3A_181 = tpu.vector_load %arg10[%parallel_loop3A_179, %parallel_loop3A_180] {strides = array<i32>} : memref<128x128xf32, #tpu.memory_space<vmem>>, vector<1x16xf32>,
        %parallel_loop3A_182 = vector.shape_cast %parallel_loop3A_181 : vector<1x16xf32> to vector<16xf32>
        %parallel_loop3A_183 = arith.addf %parallel_loop3A_178, %parallel_loop3A_182 : vector<16xf32>
        %parallel_loop3A_184 = arith.index_cast %parallel_loop3A_132 : i32 to index
        %parallel_loop3A_185 = arith.constant 48 : index
        %parallel_loop3A_186 = tpu.vector_load %arg9[%parallel_loop3A_184, %parallel_loop3A_185] {strides = array<i32>} : memref<128x128xf32, #tpu.memory_space<vmem>>, vector<1x16xf32>,
        %parallel_loop3A_187 = vector.shape_cast %parallel_loop3A_186 : vector<1x16xf32> to vector<16xf32>
        %parallel_loop3A_188 = vector.shape_cast %parallel_loop3A_183 : vector<16xf32> to vector<1x16xf32>
        tpu.vector_store %arg9[%parallel_loop3A_184, %parallel_loop3A_185], %parallel_loop3A_188 {strides = array<i32>} : memref<128x128xf32, #tpu.memory_space<vmem>>, vector<1x16xf32>,
        %parallel_loop3A_189 = arith.index_cast %parallel_loop3A_132 : i32 to index
        %parallel_loop3A_190 = arith.constant 64 : index
        %parallel_loop3A_191 = tpu.vector_load %arg9[%parallel_loop3A_189, %parallel_loop3A_190] {strides = array<i32>} : memref<128x128xf32, #tpu.memory_space<vmem>>, vector<1x16xf32>,
        %parallel_loop3A_192 = vector.shape_cast %parallel_loop3A_191 : vector<1x16xf32> to vector<16xf32>
        %parallel_loop3A_193 = arith.index_cast %parallel_loop3A_132 : i32 to index
        %parallel_loop3A_194 = arith.constant 64 : index
        %parallel_loop3A_195 = tpu.vector_load %arg10[%parallel_loop3A_193, %parallel_loop3A_194] {strides = array<i32>} : memref<128x128xf32, #tpu.memory_space<vmem>>, vector<1x16xf32>,
        %parallel_loop3A_196 = vector.shape_cast %parallel_loop3A_195 : vector<1x16xf32> to vector<16xf32>
        %parallel_loop3A_197 = arith.addf %parallel_loop3A_192, %parallel_loop3A_196 : vector<16xf32>
        %parallel_loop3A_198 = arith.index_cast %parallel_loop3A_132 : i32 to index
        %parallel_loop3A_199 = arith.constant 64 : index
        %parallel_loop3A_200 = tpu.vector_load %arg9[%parallel_loop3A_198, %parallel_loop3A_199] {strides = array<i32>} : memref<128x128xf32, #tpu.memory_space<vmem>>, vector<1x16xf32>,
        %parallel_loop3A_201 = vector.shape_cast %parallel_loop3A_200 : vector<1x16xf32> to vector<16xf32>
        %parallel_loop3A_202 = vector.shape_cast %parallel_loop3A_197 : vector<16xf32> to vector<1x16xf32>
        tpu.vector_store %arg9[%parallel_loop3A_198, %parallel_loop3A_199], %parallel_loop3A_202 {strides = array<i32>} : memref<128x128xf32, #tpu.memory_space<vmem>>, vector<1x16xf32>,
        %parallel_loop3A_203 = arith.index_cast %parallel_loop3A_132 : i32 to index
        %parallel_loop3A_204 = arith.constant 80 : index
        %parallel_loop3A_205 = tpu.vector_load %arg9[%parallel_loop3A_203, %parallel_loop3A_204] {strides = array<i32>} : memref<128x128xf32, #tpu.memory_space<vmem>>, vector<1x16xf32>,
        %parallel_loop3A_206 = vector.shape_cast %parallel_loop3A_205 : vector<1x16xf32> to vector<16xf32>
        %parallel_loop3A_207 = arith.index_cast %parallel_loop3A_132 : i32 to index
        %parallel_loop3A_208 = arith.constant 80 : index
        %parallel_loop3A_209 = tpu.vector_load %arg10[%parallel_loop3A_207, %parallel_loop3A_208] {strides = array<i32>} : memref<128x128xf32, #tpu.memory_space<vmem>>, vector<1x16xf32>,
        %parallel_loop3A_210 = vector.shape_cast %parallel_loop3A_209 : vector<1x16xf32> to vector<16xf32>
        %parallel_loop3A_211 = arith.addf %parallel_loop3A_206, %parallel_loop3A_210 : vector<16xf32>
        %parallel_loop3A_212 = arith.index_cast %parallel_loop3A_132 : i32 to index
        %parallel_loop3A_213 = arith.constant 80 : index
        %parallel_loop3A_214 = tpu.vector_load %arg9[%parallel_loop3A_212, %parallel_loop3A_213] {strides = array<i32>} : memref<128x128xf32, #tpu.memory_space<vmem>>, vector<1x16xf32>,
        %parallel_loop3A_215 = vector.shape_cast %parallel_loop3A_214 : vector<1x16xf32> to vector<16xf32>
        %parallel_loop3A_216 = vector.shape_cast %parallel_loop3A_211 : vector<16xf32> to vector<1x16xf32>
        tpu.vector_store %arg9[%parallel_loop3A_212, %parallel_loop3A_213], %parallel_loop3A_216 {strides = array<i32>} : memref<128x128xf32, #tpu.memory_space<vmem>>, vector<1x16xf32>,
        %parallel_loop3A_217 = arith.index_cast %parallel_loop3A_132 : i32 to index
        %parallel_loop3A_218 = arith.constant 96 : index
        %parallel_loop3A_219 = tpu.vector_load %arg9[%parallel_loop3A_217, %parallel_loop3A_218] {strides = array<i32>} : memref<128x128xf32, #tpu.memory_space<vmem>>, vector<1x16xf32>,
        %parallel_loop3A_220 = vector.shape_cast %parallel_loop3A_219 : vector<1x16xf32> to vector<16xf32>
        %parallel_loop3A_221 = arith.index_cast %parallel_loop3A_132 : i32 to index
        %parallel_loop3A_222 = arith.constant 96 : index
        %parallel_loop3A_223 = tpu.vector_load %arg10[%parallel_loop3A_221, %parallel_loop3A_222] {strides = array<i32>} : memref<128x128xf32, #tpu.memory_space<vmem>>, vector<1x16xf32>,
        %parallel_loop3A_224 = vector.shape_cast %parallel_loop3A_223 : vector<1x16xf32> to vector<16xf32>
        %parallel_loop3A_225 = arith.addf %parallel_loop3A_220, %parallel_loop3A_224 : vector<16xf32>
        %parallel_loop3A_226 = arith.index_cast %parallel_loop3A_132 : i32 to index
        %parallel_loop3A_227 = arith.constant 96 : index
        %parallel_loop3A_228 = tpu.vector_load %arg9[%parallel_loop3A_226, %parallel_loop3A_227] {strides = array<i32>} : memref<128x128xf32, #tpu.memory_space<vmem>>, vector<1x16xf32>,
        %parallel_loop3A_229 = vector.shape_cast %parallel_loop3A_228 : vector<1x16xf32> to vector<16xf32>
        %parallel_loop3A_230 = vector.shape_cast %parallel_loop3A_225 : vector<16xf32> to vector<1x16xf32>
        tpu.vector_store %arg9[%parallel_loop3A_226, %parallel_loop3A_227], %parallel_loop3A_230 {strides = array<i32>} : memref<128x128xf32, #tpu.memory_space<vmem>>, vector<1x16xf32>,
        %parallel_loop3A_231 = arith.index_cast %parallel_loop3A_132 : i32 to index
        %parallel_loop3A_232 = arith.constant 112 : index
        %parallel_loop3A_233 = tpu.vector_load %arg9[%parallel_loop3A_231, %parallel_loop3A_232] {strides = array<i32>} : memref<128x128xf32, #tpu.memory_space<vmem>>, vector<1x16xf32>,
        %parallel_loop3A_234 = vector.shape_cast %parallel_loop3A_233 : vector<1x16xf32> to vector<16xf32>
        %parallel_loop3A_235 = arith.index_cast %parallel_loop3A_132 : i32 to index
        %parallel_loop3A_236 = arith.constant 112 : index
        %parallel_loop3A_237 = tpu.vector_load %arg10[%parallel_loop3A_235, %parallel_loop3A_236] {strides = array<i32>} : memref<128x128xf32, #tpu.memory_space<vmem>>, vector<1x16xf32>,
        %parallel_loop3A_238 = vector.shape_cast %parallel_loop3A_237 : vector<1x16xf32> to vector<16xf32>
        %parallel_loop3A_239 = arith.addf %parallel_loop3A_234, %parallel_loop3A_238 : vector<16xf32>
        %parallel_loop3A_240 = arith.index_cast %parallel_loop3A_132 : i32 to index
        %parallel_loop3A_241 = arith.constant 112 : index
        %parallel_loop3A_242 = tpu.vector_load %arg9[%parallel_loop3A_240, %parallel_loop3A_241] {strides = array<i32>} : memref<128x128xf32, #tpu.memory_space<vmem>>, vector<1x16xf32>,
        %parallel_loop3A_243 = vector.shape_cast %parallel_loop3A_242 : vector<1x16xf32> to vector<16xf32>
        %parallel_loop3A_244 = vector.shape_cast %parallel_loop3A_239 : vector<16xf32> to vector<1x16xf32>
        tpu.vector_store %arg9[%parallel_loop3A_240, %parallel_loop3A_241], %parallel_loop3A_244 {strides = array<i32>} : memref<128x128xf32, #tpu.memory_space<vmem>>, vector<1x16xf32>,
      } {sc.loop_unroll_factor = 2 : i64, sc.parallel_access}
      %add3A_124 = arith.addi %add3A_8, %sub3A_107 : i32
      %mul3A_125 = arith.constant 128 : i32
      %mul3A_126 = arith.muli %add3A_124, %mul3A_125 : i32
      %multiple_of3A_127 = tpu.assume_multiple %mul3A_126, 128 : i32
      %dma_start3A_128 = arith.constant 0 : i32
      %dma_start3A_129 = tpu.memref_slice %arg6[%multiple_of3A_127, %dma_start3A_128] : memref<80000x128xf32, #tpu.memory_space<hbm>> -> memref<128x128xf32, #tpu.memory_space<hbm>>
      %dma_start3A_130 = arith.constant 0 : i32
      %dma_start3A_131 = tpu.memref_slice %arg6[%multiple_of3A_127, %dma_start3A_130] : memref<80000x128xf32, #tpu.memory_space<hbm>> -> memref<128x128xf32, #tpu.memory_space<hbm>>
      tpu.enqueue_dma source(%arg9 : memref<128x128xf32, #tpu.memory_space<vmem>>) target(%dma_start3A_131 : memref<128x128xf32, #tpu.memory_space<hbm>>) target_semaphore(%arg17 : memref<!tpu.dma_semaphore, #tpu.memory_space<semaphore_mem>>)
    } else {
    }
    %mul3A_96 = arith.constant 128 : i32
    %mul3A_97 = arith.muli %add3A_8, %mul3A_96 : i32
    %multiple_of3A_98 = tpu.assume_multiple %mul3A_97, 128 : i32
    %dma_wait3A = arith.constant 0 : i32
    %dma_wait3A_99 = tpu.memref_slice %arg6[%multiple_of3A_98, %dma_wait3A] : memref<80000x128xf32, #tpu.memory_space<hbm>> -> memref<128x128xf32, #tpu.memory_space<hbm>>
    %dma_wait3A_100 = arith.constant 0 : i32
    %dma_wait3A_101 = tpu.memref_slice %arg6[%multiple_of3A_98, %dma_wait3A_100] : memref<80000x128xf32, #tpu.memory_space<hbm>> -> memref<128x128xf32, #tpu.memory_space<hbm>>
    tpu.wait_dma2 semaphore(%arg17 : memref<!tpu.dma_semaphore, #tpu.memory_space<semaphore_mem>>) src(%arg9 : memref<128x128xf32, #tpu.memory_space<vmem>>) dst(%dma_wait3A_101 : memref<128x128xf32, #tpu.memory_space<hbm>>)
    %ge3A = arith.constant 2 : i32
    %ge3A_102 = arith.cmpi sge, %add3A_4, %ge3A : i32
    %convert_element_type3A_103 = arith.extui %ge3A_102 : i1 to i32
    %cond3A_104 = arith.constant 0 : i32
    %cond3A_105 = arith.cmpi ne, %convert_element_type3A_103, %cond3A_104 : i32
    scf.if %cond3A_105 {
      %mul3A_106 = arith.constant 128 : i32
      %mul3A_107 = arith.muli %add3A_8, %mul3A_106 : i32
      %multiple_of3A_108 = tpu.assume_multiple %mul3A_107, 128 : i32
      %dma_wait3A_109 = arith.constant 0 : i32
      %dma_wait3A_110 = tpu.memref_slice %arg6[%multiple_of3A_108, %dma_wait3A_109] : memref<80000x128xf32, #tpu.memory_space<hbm>> -> memref<128x128xf32, #tpu.memory_space<hbm>>
      %dma_wait3A_111 = arith.constant 0 : i32
      %dma_wait3A_112 = tpu.memref_slice %arg6[%multiple_of3A_108, %dma_wait3A_111] : memref<80000x128xf32, #tpu.memory_space<hbm>> -> memref<128x128xf32, #tpu.memory_space<hbm>>
      tpu.wait_dma2 semaphore(%arg18 : memref<!tpu.dma_semaphore, #tpu.memory_space<semaphore_mem>>) src(%arg11 : memref<128x128xf32, #tpu.memory_space<vmem>>) dst(%dma_wait3A_112 : memref<128x128xf32, #tpu.memory_space<hbm>>)
    } else {
    }
    return
  }
}

module attributes {stable_mosaic.version = 14 : i64} {
  func.func @_proj_body(%arg0: i32, %arg1: memref<2000x128xf32, #tpu.memory_space<vmem>>, %arg2: memref<2000x128xf32, #tpu.memory_space<vmem>>, %arg3: memref<128x128xf32, #tpu.memory_space<vmem>>, %arg4: memref<128x128xf32, #tpu.memory_space<vmem>>, %arg5: memref<2000x128xf32, #tpu.memory_space<vmem>>, %arg6: memref<2000x128xf32, #tpu.memory_space<vmem>>) attributes {dimension_semantics = [#tpu.dimension_semantics<arbitrary>], iteration_bounds = array<i64: 5>, scalar_prefetch = 0 : i64, scratch_operands = 0 : i64, tpu.core_type = #tpu.core_type<tc>, window_params = [{transform_indices = @transform_0, window_bounds = array<i64: 2000, 128>}, {transform_indices = @transform_1, window_bounds = array<i64: 2000, 128>}, {pipeline_mode = #tpu.pipeline_mode<synchronous>, transform_indices = @transform_2, window_bounds = array<i64: 128, 128>}, {pipeline_mode = #tpu.pipeline_mode<synchronous>, transform_indices = @transform_3, window_bounds = array<i64: 128, 128>}, {transform_indices = @transform_4, window_bounds = array<i64: 2000, 128>}, {transform_indices = @transform_5, window_bounds = array<i64: 2000, 128>}]} {
    %get3A = arith.constant 0 : index
    %get3A_0 = arith.constant 0 : index
    %get3A_1 = vector.load %arg1[%get3A, %get3A_0] : memref<2000x128xf32, #tpu.memory_space<vmem>>, vector<2000x128xf32>
    %get3A_2 = arith.constant 0 : index
    %get3A_3 = arith.constant 0 : index
    %get3A_4 = vector.load %arg3[%get3A_2, %get3A_3] : memref<128x128xf32, #tpu.memory_space<vmem>>, vector<128x128xf32>
    %dot_general3A = arith.constant dense<0.000000e+00> : vector<2000x128xf32>
    %dot_general3A_5 = tpu.matmul %get3A_1, %get3A_4, %dot_general3A {dimension_numbers = #tpu.dot_dimension_numbers<[1], [0], [0], [1], [0, 0, 1, 1], [], []>, transpose_lhs_hint = false} : vector<2000x128xf32>, vector<128x128xf32>, vector<2000x128xf32> -> vector<2000x128xf32>
    %swap3A = arith.constant 0 : index
    %swap3A_6 = arith.constant 0 : index
    %swap3A_7 = vector.load %arg5[%swap3A, %swap3A_6] : memref<2000x128xf32, #tpu.memory_space<vmem>>, vector<2000x128xf32>
    tpu.vector_store %arg5[%swap3A, %swap3A_6], %dot_general3A_5 {strides = array<i32>} : memref<2000x128xf32, #tpu.memory_space<vmem>>, vector<2000x128xf32>,
    %get3A_8 = arith.constant 0 : index
    %get3A_9 = arith.constant 0 : index
    %get3A_10 = vector.load %arg2[%get3A_8, %get3A_9] : memref<2000x128xf32, #tpu.memory_space<vmem>>, vector<2000x128xf32>
    %get3A_11 = arith.constant 0 : index
    %get3A_12 = arith.constant 0 : index
    %get3A_13 = vector.load %arg4[%get3A_11, %get3A_12] : memref<128x128xf32, #tpu.memory_space<vmem>>, vector<128x128xf32>
    %dot_general3A_14 = arith.constant dense<0.000000e+00> : vector<2000x128xf32>
    %dot_general3A_15 = tpu.matmul %get3A_10, %get3A_13, %dot_general3A_14 {dimension_numbers = #tpu.dot_dimension_numbers<[1], [0], [0], [1], [0, 0, 1, 1], [], []>, transpose_lhs_hint = false} : vector<2000x128xf32>, vector<128x128xf32>, vector<2000x128xf32> -> vector<2000x128xf32>
    %swap3A_16 = arith.constant 0 : index
    %swap3A_17 = arith.constant 0 : index
    %swap3A_18 = vector.load %arg6[%swap3A_16, %swap3A_17] : memref<2000x128xf32, #tpu.memory_space<vmem>>, vector<2000x128xf32>
    tpu.vector_store %arg6[%swap3A_16, %swap3A_17], %dot_general3A_15 {strides = array<i32>} : memref<2000x128xf32, #tpu.memory_space<vmem>>, vector<2000x128xf32>,
    return
  }
  func.func @transform_0(%arg0: i32) -> (i32, i32) {
    %c0_i32 = arith.constant 0 : i32
    %c0_i32_0 = arith.constant 0 : i32
    return %arg0, %c0_i32 : i32, i32
  }
  func.func @transform_1(%arg0: i32) -> (i32, i32) {
    %c0_i32 = arith.constant 0 : i32
    %c0_i32_0 = arith.constant 0 : i32
    return %arg0, %c0_i32 : i32, i32
  }
  func.func @transform_2(%arg0: i32) -> (i32, i32) {
    %c0_i32 = arith.constant 0 : i32
    %c0_i32_0 = arith.constant 0 : i32
    %c0_i32_1 = arith.constant 0 : i32
    return %c0_i32, %c0_i32_0 : i32, i32
  }
  func.func @transform_3(%arg0: i32) -> (i32, i32) {
    %c0_i32 = arith.constant 0 : i32
    %c0_i32_0 = arith.constant 0 : i32
    %c0_i32_1 = arith.constant 0 : i32
    return %c0_i32, %c0_i32_0 : i32, i32
  }
  func.func @transform_4(%arg0: i32) -> (i32, i32) {
    %c0_i32 = arith.constant 0 : i32
    %c0_i32_0 = arith.constant 0 : i32
    return %arg0, %c0_i32 : i32, i32
  }
  func.func @transform_5(%arg0: i32) -> (i32, i32) {
    %c0_i32 = arith.constant 0 : i32
    %c0_i32_0 = arith.constant 0 : i32
    return %arg0, %c0_i32 : i32, i32
  }
}

module attributes {stable_mosaic.version = 14 : i64} {
  func.func @_edge_body(%arg0: i32, %arg1: memref<8000x12xf32, #tpu.memory_space<vmem>>, %arg2: memref<8000x128xf32, #tpu.memory_space<vmem>>, %arg3: memref<12x128xf32, #tpu.memory_space<vmem>>, %arg4: memref<1x128xf32, #tpu.memory_space<vmem>>, %arg5: memref<128x128xf32, #tpu.memory_space<vmem>>, %arg6: memref<1x128xf32, #tpu.memory_space<vmem>>, %arg7: memref<1x128xf32, #tpu.memory_space<vmem>>, %arg8: memref<1x128xf32, #tpu.memory_space<vmem>>, %arg9: memref<128x128xf32, #tpu.memory_space<vmem>>, %arg10: memref<1x128xf32, #tpu.memory_space<vmem>>, %arg11: memref<128x128xf32, #tpu.memory_space<vmem>>, %arg12: memref<1x128xf32, #tpu.memory_space<vmem>>, %arg13: memref<1x128xf32, #tpu.memory_space<vmem>>, %arg14: memref<1x128xf32, #tpu.memory_space<vmem>>, %arg15: memref<8000x128xf32, #tpu.memory_space<vmem>>) attributes {dimension_semantics = [#tpu.dimension_semantics<arbitrary>], iteration_bounds = array<i64: 10>, scalar_prefetch = 0 : i64, scratch_operands = 0 : i64, tpu.core_type = #tpu.core_type<tc>, window_params = [{transform_indices = @transform_0, window_bounds = array<i64: 8000, 12>}, {transform_indices = @transform_1, window_bounds = array<i64: 8000, 128>}, {pipeline_mode = #tpu.pipeline_mode<synchronous>, transform_indices = @transform_2, window_bounds = array<i64: 12, 128>}, {pipeline_mode = #tpu.pipeline_mode<synchronous>, transform_indices = @transform_3, window_bounds = array<i64: 1, 128>}, {pipeline_mode = #tpu.pipeline_mode<synchronous>, transform_indices = @transform_4, window_bounds = array<i64: 128, 128>}, {pipeline_mode = #tpu.pipeline_mode<synchronous>, transform_indices = @transform_5, window_bounds = array<i64: 1, 128>}, {pipeline_mode = #tpu.pipeline_mode<synchronous>, transform_indices = @transform_6, window_bounds = array<i64: 1, 128>}, {pipeline_mode = #tpu.pipeline_mode<synchronous>, transform_indices = @transform_7, window_bounds = array<i64: 1, 128>}, {pipeline_mode = #tpu.pipeline_mode<synchronous>, transform_indices = @transform_8, window_bounds = array<i64: 128, 128>}, {pipeline_mode = #tpu.pipeline_mode<synchronous>, transform_indices = @transform_9, window_bounds = array<i64: 1, 128>}, {pipeline_mode = #tpu.pipeline_mode<synchronous>, transform_indices = @transform_10, window_bounds = array<i64: 128, 128>}, {pipeline_mode = #tpu.pipeline_mode<synchronous>, transform_indices = @transform_11, window_bounds = array<i64: 1, 128>}, {pipeline_mode = #tpu.pipeline_mode<synchronous>, transform_indices = @transform_12, window_bounds = array<i64: 1, 128>}, {pipeline_mode = #tpu.pipeline_mode<synchronous>, transform_indices = @transform_13, window_bounds = array<i64: 1, 128>}, {transform_indices = @transform_14, window_bounds = array<i64: 8000, 128>}]} {
    %get3A = arith.constant 0 : index
    %get3A_0 = arith.constant 0 : index
    %get3A_1 = vector.load %arg1[%get3A, %get3A_0] : memref<8000x12xf32, #tpu.memory_space<vmem>>, vector<8000x12xf32>
    %get3A_2 = arith.constant 0 : index
    %get3A_3 = arith.constant 0 : index
    %get3A_4 = vector.load %arg3[%get3A_2, %get3A_3] : memref<12x128xf32, #tpu.memory_space<vmem>>, vector<12x128xf32>
    %dot_general3A = arith.constant dense<0.000000e+00> : vector<8000x128xf32>
    %dot_general3A_5 = tpu.matmul %get3A_1, %get3A_4, %dot_general3A {dimension_numbers = #tpu.dot_dimension_numbers<[1], [0], [0], [1], [0, 0, 1, 1], [], []>, transpose_lhs_hint = false} : vector<8000x12xf32>, vector<12x128xf32>, vector<8000x128xf32> -> vector<8000x128xf32>
    %get3A_6 = arith.constant 0 : index
    %get3A_7 = arith.constant 0 : index
    %get3A_8 = vector.load %arg4[%get3A_6, %get3A_7] : memref<1x128xf32, #tpu.memory_space<vmem>>, vector<1x128xf32>
    %add3A = vector.broadcast %get3A_8 : vector<1x128xf32> to vector<8000x128xf32>
    %add3A_9 = arith.addf %dot_general3A_5, %add3A : vector<8000x128xf32>
    %logistic3A = arith.negf %add3A_9 : vector<8000x128xf32>
    %logistic3A_10 = math.exp %logistic3A : vector<8000x128xf32>
    %logistic3A_11 = arith.constant 1.000000e+00 : f32
    %logistic3A_12 = vector.broadcast %logistic3A_11 : f32 to vector<8000x128xf32>
    %logistic3A_13 = arith.addf %logistic3A_12, %logistic3A_10 : vector<8000x128xf32>
    %logistic3A_14 = arith.divf %logistic3A_12, %logistic3A_13 : vector<8000x128xf32>
    %mul3A = arith.mulf %add3A_9, %logistic3A_14 : vector<8000x128xf32>
    %convert_element_type3A = arith.truncf %mul3A : vector<8000x128xf32> to vector<8000x128xbf16>
    %get3A_15 = arith.constant 0 : index
    %get3A_16 = arith.constant 0 : index
    %get3A_17 = vector.load %arg5[%get3A_15, %get3A_16] : memref<128x128xf32, #tpu.memory_space<vmem>>, vector<128x128xf32>
    %convert_element_type3A_18 = arith.truncf %get3A_17 : vector<128x128xf32> to vector<128x128xbf16>
    %dot_general3A_19 = arith.constant dense<0.000000e+00> : vector<8000x128xf32>
    %dot_general3A_20 = tpu.matmul %convert_element_type3A, %convert_element_type3A_18, %dot_general3A_19 {dimension_numbers = #tpu.dot_dimension_numbers<[1], [0], [0], [1], [0, 0, 1, 1], [], []>, transpose_lhs_hint = false} : vector<8000x128xbf16>, vector<128x128xbf16>, vector<8000x128xf32> -> vector<8000x128xf32>
    %get3A_21 = arith.constant 0 : index
    %get3A_22 = arith.constant 0 : index
    %get3A_23 = vector.load %arg6[%get3A_21, %get3A_22] : memref<1x128xf32, #tpu.memory_space<vmem>>, vector<1x128xf32>
    %add3A_24 = vector.broadcast %get3A_23 : vector<1x128xf32> to vector<8000x128xf32>
    %add3A_25 = arith.addf %dot_general3A_20, %add3A_24 : vector<8000x128xf32>
    %get3A_26 = arith.constant 0 : index
    %get3A_27 = arith.constant 0 : index
    %get3A_28 = vector.load %arg7[%get3A_26, %get3A_27] : memref<1x128xf32, #tpu.memory_space<vmem>>, vector<1x128xf32>
    %get3A_29 = arith.constant 0 : index
    %get3A_30 = arith.constant 0 : index
    %get3A_31 = vector.load %arg8[%get3A_29, %get3A_30] : memref<1x128xf32, #tpu.memory_space<vmem>>, vector<1x128xf32>
    %reduce_sum3A = arith.constant dense<0.000000e+00> : vector<8000xf32>
    %reduce_sum3A_32 = vector.multi_reduction <add>, %add3A_25, %reduce_sum3A [1] : vector<8000x128xf32> to vector<8000xf32>
    %broadcast_in_dim3A = vector.shape_cast %reduce_sum3A_32 : vector<8000xf32> to vector<8000x1xf32>
    %div3A = arith.constant 1.280000e+02 : f32
    %div3A_33 = vector.broadcast %div3A : f32 to vector<8000x1xf32>
    %div3A_34 = arith.divf %broadcast_in_dim3A, %div3A_33 : vector<8000x1xf32>
    %sub3A = vector.broadcast %div3A_34 : vector<8000x1xf32> to vector<8000x128xf32>
    %sub3A_35 = arith.subf %add3A_25, %sub3A : vector<8000x128xf32>
    %mul3A_36 = arith.mulf %sub3A_35, %sub3A_35 : vector<8000x128xf32>
    %reduce_sum3A_37 = arith.constant dense<0.000000e+00> : vector<8000xf32>
    %reduce_sum3A_38 = vector.multi_reduction <add>, %mul3A_36, %reduce_sum3A_37 [1] : vector<8000x128xf32> to vector<8000xf32>
    %broadcast_in_dim3A_39 = vector.shape_cast %reduce_sum3A_38 : vector<8000xf32> to vector<8000x1xf32>
    %div3A_40 = arith.constant 1.280000e+02 : f32
    %div3A_41 = vector.broadcast %div3A_40 : f32 to vector<8000x1xf32>
    %div3A_42 = arith.divf %broadcast_in_dim3A_39, %div3A_41 : vector<8000x1xf32>
    %add3A_43 = arith.constant 9.99999974E-6 : f32
    %add3A_44 = vector.broadcast %add3A_43 : f32 to vector<8000x1xf32>
    %add3A_45 = arith.addf %div3A_42, %add3A_44 : vector<8000x1xf32>
    %rsqrt3A = math.rsqrt %add3A_45 : vector<8000x1xf32>
    %mul3A_46 = vector.broadcast %rsqrt3A : vector<8000x1xf32> to vector<8000x128xf32>
    %mul3A_47 = arith.mulf %sub3A_35, %mul3A_46 : vector<8000x128xf32>
    %mul3A_48 = vector.broadcast %get3A_28 : vector<1x128xf32> to vector<8000x128xf32>
    %mul3A_49 = arith.mulf %mul3A_47, %mul3A_48 : vector<8000x128xf32>
    %add3A_50 = vector.broadcast %get3A_31 : vector<1x128xf32> to vector<8000x128xf32>
    %add3A_51 = arith.addf %mul3A_49, %add3A_50 : vector<8000x128xf32>
    %get3A_52 = arith.constant 0 : index
    %get3A_53 = arith.constant 0 : index
    %get3A_54 = vector.load %arg2[%get3A_52, %get3A_53] : memref<8000x128xf32, #tpu.memory_space<vmem>>, vector<8000x128xf32>
    %convert_element_type3A_55 = arith.truncf %add3A_51 : vector<8000x128xf32> to vector<8000x128xbf16>
    %get3A_56 = arith.constant 0 : index
    %get3A_57 = arith.constant 0 : index
    %get3A_58 = vector.load %arg9[%get3A_56, %get3A_57] : memref<128x128xf32, #tpu.memory_space<vmem>>, vector<128x128xf32>
    %convert_element_type3A_59 = arith.truncf %get3A_58 : vector<128x128xf32> to vector<128x128xbf16>
    %dot_general3A_60 = arith.constant dense<0.000000e+00> : vector<8000x128xf32>
    %dot_general3A_61 = tpu.matmul %convert_element_type3A_55, %convert_element_type3A_59, %dot_general3A_60 {dimension_numbers = #tpu.dot_dimension_numbers<[1], [0], [0], [1], [0, 0, 1, 1], [], []>, transpose_lhs_hint = false} : vector<8000x128xbf16>, vector<128x128xbf16>, vector<8000x128xf32> -> vector<8000x128xf32>
    %add3A_62 = arith.addf %get3A_54, %dot_general3A_61 : vector<8000x128xf32>
    %get3A_63 = arith.constant 0 : index
    %get3A_64 = arith.constant 0 : index
    %get3A_65 = vector.load %arg10[%get3A_63, %get3A_64] : memref<1x128xf32, #tpu.memory_space<vmem>>, vector<1x128xf32>
    %add3A_66 = vector.broadcast %get3A_65 : vector<1x128xf32> to vector<8000x128xf32>
    %add3A_67 = arith.addf %add3A_62, %add3A_66 : vector<8000x128xf32>
    %logistic3A_68 = arith.negf %add3A_67 : vector<8000x128xf32>
    %logistic3A_69 = math.exp %logistic3A_68 : vector<8000x128xf32>
    %logistic3A_70 = arith.constant 1.000000e+00 : f32
    %logistic3A_71 = vector.broadcast %logistic3A_70 : f32 to vector<8000x128xf32>
    %logistic3A_72 = arith.addf %logistic3A_71, %logistic3A_69 : vector<8000x128xf32>
    %logistic3A_73 = arith.divf %logistic3A_71, %logistic3A_72 : vector<8000x128xf32>
    %mul3A_74 = arith.mulf %add3A_67, %logistic3A_73 : vector<8000x128xf32>
    %convert_element_type3A_75 = arith.truncf %mul3A_74 : vector<8000x128xf32> to vector<8000x128xbf16>
    %get3A_76 = arith.constant 0 : index
    %get3A_77 = arith.constant 0 : index
    %get3A_78 = vector.load %arg11[%get3A_76, %get3A_77] : memref<128x128xf32, #tpu.memory_space<vmem>>, vector<128x128xf32>
    %convert_element_type3A_79 = arith.truncf %get3A_78 : vector<128x128xf32> to vector<128x128xbf16>
    %dot_general3A_80 = arith.constant dense<0.000000e+00> : vector<8000x128xf32>
    %dot_general3A_81 = tpu.matmul %convert_element_type3A_75, %convert_element_type3A_79, %dot_general3A_80 {dimension_numbers = #tpu.dot_dimension_numbers<[1], [0], [0], [1], [0, 0, 1, 1], [], []>, transpose_lhs_hint = false} : vector<8000x128xbf16>, vector<128x128xbf16>, vector<8000x128xf32> -> vector<8000x128xf32>
    %get3A_82 = arith.constant 0 : index
    %get3A_83 = arith.constant 0 : index
    %get3A_84 = vector.load %arg12[%get3A_82, %get3A_83] : memref<1x128xf32, #tpu.memory_space<vmem>>, vector<1x128xf32>
    %add3A_85 = vector.broadcast %get3A_84 : vector<1x128xf32> to vector<8000x128xf32>
    %add3A_86 = arith.addf %dot_general3A_81, %add3A_85 : vector<8000x128xf32>
    %get3A_87 = arith.constant 0 : index
    %get3A_88 = arith.constant 0 : index
    %get3A_89 = vector.load %arg13[%get3A_87, %get3A_88] : memref<1x128xf32, #tpu.memory_space<vmem>>, vector<1x128xf32>
    %get3A_90 = arith.constant 0 : index
    %get3A_91 = arith.constant 0 : index
    %get3A_92 = vector.load %arg14[%get3A_90, %get3A_91] : memref<1x128xf32, #tpu.memory_space<vmem>>, vector<1x128xf32>
    %reduce_sum3A_93 = arith.constant dense<0.000000e+00> : vector<8000xf32>
    %reduce_sum3A_94 = vector.multi_reduction <add>, %add3A_86, %reduce_sum3A_93 [1] : vector<8000x128xf32> to vector<8000xf32>
    %broadcast_in_dim3A_95 = vector.shape_cast %reduce_sum3A_94 : vector<8000xf32> to vector<8000x1xf32>
    %div3A_96 = arith.constant 1.280000e+02 : f32
    %div3A_97 = vector.broadcast %div3A_96 : f32 to vector<8000x1xf32>
    %div3A_98 = arith.divf %broadcast_in_dim3A_95, %div3A_97 : vector<8000x1xf32>
    %sub3A_99 = vector.broadcast %div3A_98 : vector<8000x1xf32> to vector<8000x128xf32>
    %sub3A_100 = arith.subf %add3A_86, %sub3A_99 : vector<8000x128xf32>
    %mul3A_101 = arith.mulf %sub3A_100, %sub3A_100 : vector<8000x128xf32>
    %reduce_sum3A_102 = arith.constant dense<0.000000e+00> : vector<8000xf32>
    %reduce_sum3A_103 = vector.multi_reduction <add>, %mul3A_101, %reduce_sum3A_102 [1] : vector<8000x128xf32> to vector<8000xf32>
    %broadcast_in_dim3A_104 = vector.shape_cast %reduce_sum3A_103 : vector<8000xf32> to vector<8000x1xf32>
    %div3A_105 = arith.constant 1.280000e+02 : f32
    %div3A_106 = vector.broadcast %div3A_105 : f32 to vector<8000x1xf32>
    %div3A_107 = arith.divf %broadcast_in_dim3A_104, %div3A_106 : vector<8000x1xf32>
    %add3A_108 = arith.constant 9.99999974E-6 : f32
    %add3A_109 = vector.broadcast %add3A_108 : f32 to vector<8000x1xf32>
    %add3A_110 = arith.addf %div3A_107, %add3A_109 : vector<8000x1xf32>
    %rsqrt3A_111 = math.rsqrt %add3A_110 : vector<8000x1xf32>
    %mul3A_112 = vector.broadcast %rsqrt3A_111 : vector<8000x1xf32> to vector<8000x128xf32>
    %mul3A_113 = arith.mulf %sub3A_100, %mul3A_112 : vector<8000x128xf32>
    %mul3A_114 = vector.broadcast %get3A_89 : vector<1x128xf32> to vector<8000x128xf32>
    %mul3A_115 = arith.mulf %mul3A_113, %mul3A_114 : vector<8000x128xf32>
    %add3A_116 = vector.broadcast %get3A_92 : vector<1x128xf32> to vector<8000x128xf32>
    %add3A_117 = arith.addf %mul3A_115, %add3A_116 : vector<8000x128xf32>
    %swap3A = arith.constant 0 : index
    %swap3A_118 = arith.constant 0 : index
    %swap3A_119 = vector.load %arg15[%swap3A, %swap3A_118] : memref<8000x128xf32, #tpu.memory_space<vmem>>, vector<8000x128xf32>
    tpu.vector_store %arg15[%swap3A, %swap3A_118], %add3A_117 {strides = array<i32>} : memref<8000x128xf32, #tpu.memory_space<vmem>>, vector<8000x128xf32>,
    return
  }
  func.func @transform_0(%arg0: i32) -> (i32, i32) {
    %c0_i32 = arith.constant 0 : i32
    %c0_i32_0 = arith.constant 0 : i32
    return %arg0, %c0_i32 : i32, i32
  }
  func.func @transform_1(%arg0: i32) -> (i32, i32) {
    %c0_i32 = arith.constant 0 : i32
    %c0_i32_0 = arith.constant 0 : i32
    return %arg0, %c0_i32 : i32, i32
  }
  func.func @transform_2(%arg0: i32) -> (i32, i32) {
    %c0_i32 = arith.constant 0 : i32
    %c0_i32_0 = arith.constant 0 : i32
    %c0_i32_1 = arith.constant 0 : i32
    return %c0_i32, %c0_i32_0 : i32, i32
  }
  func.func @transform_3(%arg0: i32) -> (i32, i32) {
    %c0_i32 = arith.constant 0 : i32
    %c0_i32_0 = arith.constant 0 : i32
    %c0_i32_1 = arith.constant 0 : i32
    return %c0_i32, %c0_i32_0 : i32, i32
  }
  func.func @transform_4(%arg0: i32) -> (i32, i32) {
    %c0_i32 = arith.constant 0 : i32
    %c0_i32_0 = arith.constant 0 : i32
    %c0_i32_1 = arith.constant 0 : i32
    return %c0_i32, %c0_i32_0 : i32, i32
  }
  func.func @transform_5(%arg0: i32) -> (i32, i32) {
    %c0_i32 = arith.constant 0 : i32
    %c0_i32_0 = arith.constant 0 : i32
    %c0_i32_1 = arith.constant 0 : i32
    return %c0_i32, %c0_i32_0 : i32, i32
  }
  func.func @transform_6(%arg0: i32) -> (i32, i32) {
    %c0_i32 = arith.constant 0 : i32
    %c0_i32_0 = arith.constant 0 : i32
    %c0_i32_1 = arith.constant 0 : i32
    return %c0_i32, %c0_i32_0 : i32, i32
  }
  func.func @transform_7(%arg0: i32) -> (i32, i32) {
    %c0_i32 = arith.constant 0 : i32
    %c0_i32_0 = arith.constant 0 : i32
    %c0_i32_1 = arith.constant 0 : i32
    return %c0_i32, %c0_i32_0 : i32, i32
  }
  func.func @transform_8(%arg0: i32) -> (i32, i32) {
    %c0_i32 = arith.constant 0 : i32
    %c0_i32_0 = arith.constant 0 : i32
    %c0_i32_1 = arith.constant 0 : i32
    return %c0_i32, %c0_i32_0 : i32, i32
  }
  func.func @transform_9(%arg0: i32) -> (i32, i32) {
    %c0_i32 = arith.constant 0 : i32
    %c0_i32_0 = arith.constant 0 : i32
    %c0_i32_1 = arith.constant 0 : i32
    return %c0_i32, %c0_i32_0 : i32, i32
  }
  func.func @transform_10(%arg0: i32) -> (i32, i32) {
    %c0_i32 = arith.constant 0 : i32
    %c0_i32_0 = arith.constant 0 : i32
    %c0_i32_1 = arith.constant 0 : i32
    return %c0_i32, %c0_i32_0 : i32, i32
  }
  func.func @transform_11(%arg0: i32) -> (i32, i32) {
    %c0_i32 = arith.constant 0 : i32
    %c0_i32_0 = arith.constant 0 : i32
    %c0_i32_1 = arith.constant 0 : i32
    return %c0_i32, %c0_i32_0 : i32, i32
  }
  func.func @transform_12(%arg0: i32) -> (i32, i32) {
    %c0_i32 = arith.constant 0 : i32
    %c0_i32_0 = arith.constant 0 : i32
    %c0_i32_1 = arith.constant 0 : i32
    return %c0_i32, %c0_i32_0 : i32, i32
  }
  func.func @transform_13(%arg0: i32) -> (i32, i32) {
    %c0_i32 = arith.constant 0 : i32
    %c0_i32_0 = arith.constant 0 : i32
    %c0_i32_1 = arith.constant 0 : i32
    return %c0_i32, %c0_i32_0 : i32, i32
  }
  func.func @transform_14(%arg0: i32) -> (i32, i32) {
    %c0_i32 = arith.constant 0 : i32
    %c0_i32_0 = arith.constant 0 : i32
    return %arg0, %c0_i32 : i32, i32
  }
}

module attributes {stable_mosaic.version = 14 : i64} {
  func.func @_node_body(%arg0: i32, %arg1: memref<2000x128xf32, #tpu.memory_space<vmem>>, %arg2: memref<2000x128xf32, #tpu.memory_space<vmem>>, %arg3: memref<2000x128xf32, #tpu.memory_space<vmem>>, %arg4: memref<2000x128xf32, #tpu.memory_space<vmem>>, %arg5: memref<2000x128xf32, #tpu.memory_space<vmem>>, %arg6: memref<128x128xf32, #tpu.memory_space<vmem>>, %arg7: memref<1x128xf32, #tpu.memory_space<vmem>>, %arg8: memref<128x128xf32, #tpu.memory_space<vmem>>, %arg9: memref<128x128xf32, #tpu.memory_space<vmem>>, %arg10: memref<1x128xf32, #tpu.memory_space<vmem>>, %arg11: memref<2000x128xf32, #tpu.memory_space<vmem>>) attributes {dimension_semantics = [#tpu.dimension_semantics<arbitrary>], iteration_bounds = array<i64: 5>, scalar_prefetch = 0 : i64, scratch_operands = 0 : i64, tpu.core_type = #tpu.core_type<tc>, window_params = [{transform_indices = @transform_0, window_bounds = array<i64: 2000, 128>}, {transform_indices = @transform_1, window_bounds = array<i64: 2000, 128>}, {transform_indices = @transform_2, window_bounds = array<i64: 2000, 128>}, {transform_indices = @transform_3, window_bounds = array<i64: 2000, 128>}, {transform_indices = @transform_4, window_bounds = array<i64: 2000, 128>}, {pipeline_mode = #tpu.pipeline_mode<synchronous>, transform_indices = @transform_5, window_bounds = array<i64: 128, 128>}, {pipeline_mode = #tpu.pipeline_mode<synchronous>, transform_indices = @transform_6, window_bounds = array<i64: 1, 128>}, {pipeline_mode = #tpu.pipeline_mode<synchronous>, transform_indices = @transform_7, window_bounds = array<i64: 128, 128>}, {pipeline_mode = #tpu.pipeline_mode<synchronous>, transform_indices = @transform_8, window_bounds = array<i64: 128, 128>}, {pipeline_mode = #tpu.pipeline_mode<synchronous>, transform_indices = @transform_9, window_bounds = array<i64: 1, 128>}, {transform_indices = @transform_10, window_bounds = array<i64: 2000, 128>}]} {
    %get3A = arith.constant 0 : index
    %get3A_0 = arith.constant 0 : index
    %get3A_1 = vector.load %arg2[%get3A, %get3A_0] : memref<2000x128xf32, #tpu.memory_space<vmem>>, vector<2000x128xf32>
    %get3A_2 = arith.constant 0 : index
    %get3A_3 = arith.constant 0 : index
    %get3A_4 = vector.load %arg3[%get3A_2, %get3A_3] : memref<2000x128xf32, #tpu.memory_space<vmem>>, vector<2000x128xf32>
    %add3A = arith.addf %get3A_1, %get3A_4 : vector<2000x128xf32>
    %get3A_5 = arith.constant 0 : index
    %get3A_6 = arith.constant 0 : index
    %get3A_7 = vector.load %arg4[%get3A_5, %get3A_6] : memref<2000x128xf32, #tpu.memory_space<vmem>>, vector<2000x128xf32>
    %add3A_8 = arith.addf %add3A, %get3A_7 : vector<2000x128xf32>
    %get3A_9 = arith.constant 0 : index
    %get3A_10 = arith.constant 0 : index
    %get3A_11 = vector.load %arg5[%get3A_9, %get3A_10] : memref<2000x128xf32, #tpu.memory_space<vmem>>, vector<2000x128xf32>
    %add3A_12 = arith.addf %add3A_8, %get3A_11 : vector<2000x128xf32>
    %get3A_13 = arith.constant 0 : index
    %get3A_14 = arith.constant 0 : index
    %get3A_15 = vector.load %arg1[%get3A_13, %get3A_14] : memref<2000x128xf32, #tpu.memory_space<vmem>>, vector<2000x128xf32>
    %get3A_16 = arith.constant 0 : index
    %get3A_17 = arith.constant 0 : index
    %get3A_18 = vector.load %arg6[%get3A_16, %get3A_17] : memref<128x128xf32, #tpu.memory_space<vmem>>, vector<128x128xf32>
    %dot_general3A = arith.constant dense<0.000000e+00> : vector<2000x128xf32>
    %dot_general3A_19 = tpu.matmul %get3A_15, %get3A_18, %dot_general3A {dimension_numbers = #tpu.dot_dimension_numbers<[1], [0], [0], [1], [0, 0, 1, 1], [], []>, transpose_lhs_hint = false} : vector<2000x128xf32>, vector<128x128xf32>, vector<2000x128xf32> -> vector<2000x128xf32>
    %get3A_20 = arith.constant 0 : index
    %get3A_21 = arith.constant 0 : index
    %get3A_22 = vector.load %arg7[%get3A_20, %get3A_21] : memref<1x128xf32, #tpu.memory_space<vmem>>, vector<1x128xf32>
    %add3A_23 = vector.broadcast %get3A_22 : vector<1x128xf32> to vector<2000x128xf32>
    %add3A_24 = arith.addf %dot_general3A_19, %add3A_23 : vector<2000x128xf32>
    %get3A_25 = arith.constant 0 : index
    %get3A_26 = arith.constant 0 : index
    %get3A_27 = vector.load %arg8[%get3A_25, %get3A_26] : memref<128x128xf32, #tpu.memory_space<vmem>>, vector<128x128xf32>
    %dot_general3A_28 = arith.constant dense<0.000000e+00> : vector<2000x128xf32>
    %dot_general3A_29 = tpu.matmul %add3A_12, %get3A_27, %dot_general3A_28 {dimension_numbers = #tpu.dot_dimension_numbers<[1], [0], [0], [1], [0, 0, 1, 1], [], []>, transpose_lhs_hint = false} : vector<2000x128xf32>, vector<128x128xf32>, vector<2000x128xf32> -> vector<2000x128xf32>
    %add3A_30 = arith.addf %add3A_24, %dot_general3A_29 : vector<2000x128xf32>
    %logistic3A = arith.negf %add3A_30 : vector<2000x128xf32>
    %logistic3A_31 = math.exp %logistic3A : vector<2000x128xf32>
    %logistic3A_32 = arith.constant 1.000000e+00 : f32
    %logistic3A_33 = vector.broadcast %logistic3A_32 : f32 to vector<2000x128xf32>
    %logistic3A_34 = arith.addf %logistic3A_33, %logistic3A_31 : vector<2000x128xf32>
    %logistic3A_35 = arith.divf %logistic3A_33, %logistic3A_34 : vector<2000x128xf32>
    %mul3A = arith.mulf %add3A_30, %logistic3A_35 : vector<2000x128xf32>
    %get3A_36 = arith.constant 0 : index
    %get3A_37 = arith.constant 0 : index
    %get3A_38 = vector.load %arg1[%get3A_36, %get3A_37] : memref<2000x128xf32, #tpu.memory_space<vmem>>, vector<2000x128xf32>
    %get3A_39 = arith.constant 0 : index
    %get3A_40 = arith.constant 0 : index
    %get3A_41 = vector.load %arg9[%get3A_39, %get3A_40] : memref<128x128xf32, #tpu.memory_space<vmem>>, vector<128x128xf32>
    %dot_general3A_42 = arith.constant dense<0.000000e+00> : vector<2000x128xf32>
    %dot_general3A_43 = tpu.matmul %mul3A, %get3A_41, %dot_general3A_42 {dimension_numbers = #tpu.dot_dimension_numbers<[1], [0], [0], [1], [0, 0, 1, 1], [], []>, transpose_lhs_hint = false} : vector<2000x128xf32>, vector<128x128xf32>, vector<2000x128xf32> -> vector<2000x128xf32>
    %add3A_44 = arith.addf %get3A_38, %dot_general3A_43 : vector<2000x128xf32>
    %get3A_45 = arith.constant 0 : index
    %get3A_46 = arith.constant 0 : index
    %get3A_47 = vector.load %arg10[%get3A_45, %get3A_46] : memref<1x128xf32, #tpu.memory_space<vmem>>, vector<1x128xf32>
    %add3A_48 = vector.broadcast %get3A_47 : vector<1x128xf32> to vector<2000x128xf32>
    %add3A_49 = arith.addf %add3A_44, %add3A_48 : vector<2000x128xf32>
    %swap3A = arith.constant 0 : index
    %swap3A_50 = arith.constant 0 : index
    %swap3A_51 = vector.load %arg11[%swap3A, %swap3A_50] : memref<2000x128xf32, #tpu.memory_space<vmem>>, vector<2000x128xf32>
    tpu.vector_store %arg11[%swap3A, %swap3A_50], %add3A_49 {strides = array<i32>} : memref<2000x128xf32, #tpu.memory_space<vmem>>, vector<2000x128xf32>,
    return
  }
  func.func @transform_0(%arg0: i32) -> (i32, i32) {
    %c0_i32 = arith.constant 0 : i32
    %c0_i32_0 = arith.constant 0 : i32
    return %arg0, %c0_i32 : i32, i32
  }
  func.func @transform_1(%arg0: i32) -> (i32, i32) {
    %c0_i32 = arith.constant 0 : i32
    %c0_i32_0 = arith.constant 0 : i32
    return %arg0, %c0_i32 : i32, i32
  }
  func.func @transform_2(%arg0: i32) -> (i32, i32) {
    %c0_i32 = arith.constant 0 : i32
    %c0_i32_0 = arith.constant 0 : i32
    return %arg0, %c0_i32 : i32, i32
  }
  func.func @transform_3(%arg0: i32) -> (i32, i32) {
    %c0_i32 = arith.constant 0 : i32
    %c0_i32_0 = arith.constant 0 : i32
    return %arg0, %c0_i32 : i32, i32
  }
  func.func @transform_4(%arg0: i32) -> (i32, i32) {
    %c0_i32 = arith.constant 0 : i32
    %c0_i32_0 = arith.constant 0 : i32
    return %arg0, %c0_i32 : i32, i32
  }
  func.func @transform_5(%arg0: i32) -> (i32, i32) {
    %c0_i32 = arith.constant 0 : i32
    %c0_i32_0 = arith.constant 0 : i32
    %c0_i32_1 = arith.constant 0 : i32
    return %c0_i32, %c0_i32_0 : i32, i32
  }
  func.func @transform_6(%arg0: i32) -> (i32, i32) {
    %c0_i32 = arith.constant 0 : i32
    %c0_i32_0 = arith.constant 0 : i32
    %c0_i32_1 = arith.constant 0 : i32
    return %c0_i32, %c0_i32_0 : i32, i32
  }
  func.func @transform_7(%arg0: i32) -> (i32, i32) {
    %c0_i32 = arith.constant 0 : i32
    %c0_i32_0 = arith.constant 0 : i32
    %c0_i32_1 = arith.constant 0 : i32
    return %c0_i32, %c0_i32_0 : i32, i32
  }
  func.func @transform_8(%arg0: i32) -> (i32, i32) {
    %c0_i32 = arith.constant 0 : i32
    %c0_i32_0 = arith.constant 0 : i32
    %c0_i32_1 = arith.constant 0 : i32
    return %c0_i32, %c0_i32_0 : i32, i32
  }
  func.func @transform_9(%arg0: i32) -> (i32, i32) {
    %c0_i32 = arith.constant 0 : i32
    %c0_i32_0 = arith.constant 0 : i32
    %c0_i32_1 = arith.constant 0 : i32
    return %c0_i32, %c0_i32_0 : i32, i32
  }
  func.func @transform_10(%arg0: i32) -> (i32, i32) {
    %c0_i32 = arith.constant 0 : i32
    %c0_i32_0 = arith.constant 0 : i32
    return %arg0, %c0_i32 : i32, i32
  }
}

</mosaic_0001>

<sc_bundles>
// kernel: kernel.10.cloned.1.call-start
scs
__scs_entry_jumppad:
0x0: {  	(pc) =	sbr.rel $0x88, $3  }
0x1: {  	(tag) =	ssettag $0x0;
	lr =	simm.s32 $0x1  }
0x2: {  	[smem:$0x3F8B] =	sst lr;
	_ =	strace $0xD0000000  }
0x3: {  	_ = 	snop  }
0x4: {  	_ = 	snop  }
0x5: {  	_ = 	snop  }
0x6: {  	_ = 	snop  }
0x7: {  	_ = 	snop  }
__scs_overlays_trampoline_lowered:
0x8: {  	[smem:$0x3F9A] =	sst s0  }
0x9: {  	[smem:$0x3F9B] =	sst s1  }
0xa: {  	[smem:$0x3F9C] =	sst s2  }
0xb: {  	[smem:$0x3F9D] =	sst s3  }
0xc: {  	[smem:$0x3F9E] =	sst s4  }
0xd: {  	[smem:$0x3F9F] =	sst s5  }
0xe: {  	[smem:$0x3FA0] =	sst s6  }
0xf: {  	[smem:$0x3FA1] =	sst s7  }
0x10: {  	[smem:$0x3FA2] =	sst s8  }
0x11: {  	[smem:$0x3FA3] =	sst s9;
	s0 =	simm.s32 @!p0 $0x0  }
0x12: {  	s1 =	sld [smem:$0x3F89];
	s0 =	simm.s32 @p0 $0x1  }
0x13: {  	[smem:$0x3FA4] =	sst s0;
	s0 =	simm.s32 @!p1 $0x0  }
0x14: {  	s2 =	sld [smem:$0x3F88];
	s0 =	simm.s32 @p1 $0x1  }
0x15: {  	[smem:$0x3FA5] =	sst s0;
	s0 =	simm.s32 @!p2 $0x0  }
0x16: {  	s3 =	sld [smem:$0x3FDB];
	s0 =	simm.s32 @p2 $0x1  }
0x17: {  	s4 =	simm.s32 $0x1BF5;
	[smem:$0x3FA7] =	sst s0  }
0x18: {  	s0 =	sld [smem:$0x3F8A];
	_ =	swait.ge [sflag:s4], $0x0  }
0x19: {  	s7 =	sld [smem:$0x3F8B]  }
0x1a: {  	s8 =	sadd.s32 $0xFFFFE003, lr  }
0x1b: {  	s9 =	sadd.s32 $0xFFFFFEF7, lr;
	s5 =	simm.s32 $0xFFFFFFFF;
	p2 =	slt.u32 s8, $0xFFFFF086  }
0x1c: {  	p1 =	slt.u32 s9, $0xF7A;
	s5 =	simm.s32 @!p2 $0x0  }
0x1d: {  	s5 =	simm.s32 @p1 $0x1;
	p0 =	seq.s32 s7, s2  }
0x1e: {  	s7 =	smul.u32 @!p0 $0xF7A, s2;
	p2 =	seq.s32 @!p0 s5, $0x0  }
0x1f: {  	s9 =	smul.u32 $0xF7A, s1;
	s8 =	simm.s32 @!p0 $0x1BF5;
	p2 =	por !p2, p0  }
0x20: {  	[sflag:s8] =	ssyncset.s32 @!p0 $0xFFFFF086;
	s6 =	sadd.s32 @!p0 s3, s7;
	s7 =	simm.s32 @!p0 $0x108  }
0x21: {  	s3 =	sadd.s32 s3, s9;
	s6 =	sadd.s32 @!p0 $0x88, s6;
	s7 =	simm.s32 @p2 $0x1082  }
0x22: {  	[simem:s7], [sflag:s8] =	dma.local @!p0 [hbm:s6], $0xF7A  }
0x23: {  	s9 =	sor.u32 $0xD0000000, s2;
	s6 =	simm.s32 $0x108;
	_ =	swait.ge @!p0 [sflag:s8], $0x0  }
0x24: {  	s3 =	sadd.s32 $0x88, s3;
	s6 =	simm.s32 @!p1 $0x1082;
	[sflag:s4] =	ssyncset.s32 $0xFFFFF086  }
0x25: {  	[simem:s6], [sflag:s4] =	dma.local [hbm:s3], $0xF7A  }
0x26: {  	[smem:$0x3F8B] =	sst s1;
	(tag) =	ssettag s2;
	_ =	strace s9  }
0x27: {  	s1 =	sld [smem:$0x3F9B]  }
0x28: {  	s2 =	sld [smem:$0x3F9C]  }
0x29: {  	s4 =	sld [smem:$0x3F9E]  }
0x2a: {  	p0 =	seq.s32 s5, $0x0;
	s5 =	sld [smem:$0x3F9F]  }
0x2b: {  	s6 =	sld [smem:$0x3FA0]  }
0x2c: {  	s7 =	sld [smem:$0x3FA1]  }
0x2d: {  	s3 =	simm.s32 $0x108;
	s8 =	sld [smem:$0x3FA2]  }
0x2e: {  	s3 =	simm.s32 @!p0 $0x1082;
	s9 =	sld [smem:$0x3FA3]  }
0x2f: {  	lr =	sadd.s32 s0, s3;
	s0 =	sld [smem:$0x3F9A]  }
0x30: {  	s3 =	sld [smem:$0x3F9D]  }
0x31: {  	[smem:$0x3FA6] =	sst s10  }
0x32: {  	s10 =	sld [smem:$0x3FA4];
	_ =	sdelay $0x3  }
0x33: {  	p0 =	seq.s32 s10, $0x1;
	s10 =	sld [smem:$0x3FA6];
	_ =	sdelay $0x3  }
0x34: {  	[smem:$0x3FA6] =	sst s10  }
0x35: {  	s10 =	sld [smem:$0x3FA5];
	_ =	sdelay $0x3  }
0x36: {  	p1 =	seq.s32 s10, $0x1;
	s10 =	sld [smem:$0x3FA6];
	_ =	sdelay $0x3  }
0x37: {  	[smem:$0x3FA6] =	sst s10  }
0x38: {  	s10 =	sld [smem:$0x3FA7]  }
0x39: {  	_ = 	snop;
	(pc) =	sbr.ind lr, $3  }
0x3a: {  	_ = 	snop  }
0x3b: {  	_ = 	snop  }
0x3c: {  	p2 =	seq.s32 s10, $0x1;
	s10 =	sld [smem:$0x3FA6]  }
0x3d: {  	_ =	shalt  }
0x3e: {  	_ =	shalt  }
0x3f: {  	_ =	shalt  }
0x40: {  	_ =	shalt  }
0x41: {  	_ =	shalt  }
0x42: {  	_ =	shalt  }
0x43: {  	_ =	shalt  }
0x44: {  	_ =	shalt  }
0x45: {  	_ =	shalt  }
0x46: {  	_ =	shalt  }
0x47: {  	_ =	shalt  }
0x48: {  	_ =	shalt  }
0x49: {  	_ =	shalt  }
0x4a: {  	_ =	shalt  }
0x4b: {  	_ =	shalt  }
0x4c: {  	_ =	shalt  }
0x4d: {  	_ =	shalt  }
0x4e: {  	_ =	shalt  }
0x4f: {  	_ =	shalt  }
0x50: {  	_ =	shalt  }
0x51: {  	_ =	shalt  }
0x52: {  	_ =	shalt  }
0x53: {  	_ =	shalt  }
0x54: {  	_ =	shalt  }
0x55: {  	_ =	shalt  }
0x56: {  	_ =	shalt  }
0x57: {  	_ =	shalt  }
0x58: {  	_ =	shalt  }
0x59: {  	_ =	shalt  }
0x5a: {  	_ =	shalt  }
0x5b: {  	_ =	shalt  }
0x5c: {  	_ =	shalt  }
0x5d: {  	_ =	shalt  }
0x5e: {  	_ =	shalt  }
0x5f: {  	_ =	shalt  }
0x60: {  	_ =	shalt  }
0x61: {  	_ =	shalt  }
0x62: {  	_ =	shalt  }
0x63: {  	_ =	shalt  }
0x64: {  	_ =	shalt  }
0x65: {  	_ =	shalt  }
0x66: {  	_ =	shalt  }
0x67: {  	_ =	shalt  }
0x68: {  	_ =	shalt  }
0x69: {  	_ =	shalt  }
0x6a: {  	_ =	shalt  }
0x6b: {  	_ =	shalt  }
0x6c: {  	_ =	shalt  }
0x6d: {  	_ =	shalt  }
0x6e: {  	_ =	shalt  }
0x6f: {  	_ =	shalt  }
0x70: {  	_ =	shalt  }
0x71: {  	_ =	shalt  }
0x72: {  	_ =	shalt  }
0x73: {  	_ =	shalt  }
0x74: {  	_ =	shalt  }
0x75: {  	_ =	shalt  }
0x76: {  	_ =	shalt  }
0x77: {  	_ =	shalt  }
0x78: {  	_ =	shalt  }
0x79: {  	_ =	shalt  }
0x7a: {  	_ =	shalt  }
0x7b: {  	_ =	shalt  }
0x7c: {  	_ =	shalt  }
0x7d: {  	_ =	shalt  }
0x7e: {  	_ =	shalt  }
0x7f: {  	_ =	shalt  }
0x80: {  	_ =	shalt  }
0x81: {  	_ =	shalt  }
0x82: {  	_ =	shalt  }
0x83: {  	_ =	shalt  }
0x84: {  	_ =	shalt  }
0x85: {  	_ =	shalt  }
0x86: {  	_ =	shalt  }
0x87: {  	_ =	shalt  }
.Lfunc_end0:
.L_simem_size_0:
called_computation_lowered:
.L_overlay_start_0:
0x88: {  	s2 =	sld [smem:$0x3FD9]  }
0x89: {  	s3 =	sld [smem:$0x3FFE];
	_ =	sdelay $0x1  }
0x8a: {  	s1 =	srdreg.scid  }
0x8b: {  	s0 =	sand.u32 $0x1, s1  }
0x8c: {  	s15 =	sshll.u32 s0, $0xA;
	s2 =	sadd.s32 s3, s2  }
0x8d: {  	s2 =	sadd.s32 s2, s15  }
0x8e: {  	[smem:$0x3FB2] =	sst s2  }
0x8f: {  	_ = 	snop  }
0x90: {  	s2 =	sld [smem:$0x3FD0];
	_ =	sdelay $0x2  }
0x91: {  	s4 =	simm.s32 $0xB;
	s16 =	simm.s32 $0x10  }
0x92: {  	[smem:s16], [sflag:s4] =	dma.local [hbm:s2], $0x1  }
0x93: {  	_ =	swait.eq [sflag:s4], $0x1  }
0x94: {  	[sflag:s4] =	ssyncset.done $0x0  }
0x95: {  	s17 =	sld [smem:$0x10];
	[sflag:s4] =	ssyncadd.s32 $0xFFFFFFFF  }
0x96: {  	s18 =	sld [smem:$0x11];
	(tm) =	ssettm $0x1  }
0x97: {  	s19 =	sld [smem:$0x3FFB];
	_ =	sdelay $0x3  }
0x98: {  	_ =	strace s19  }
0x99: {  	s2 =	sld [smem:$0x3FFC];
	_ =	sdelay $0x3  }
0x9a: {  	_ =	strace s2  }
0x9b: {  	s2 =	sld [smem:$0x3FFD];
	_ =	sdelay $0x3  }
0x9c: {  	_ =	strace s2  }
0x9d: {  	_ =	strace $0x8FFFFFFF  }
0x9e: {  	s20 =	sld [smem:$0x3FDB];
	_ =	sdelay $0x1  }
0x9f: {  	s5 =	simm.s32 $_scs_section_size  }
0xa0: {  	s6 =	simm.s32 $_size__tile_overlayer_lowered;
	s7 =	simm.s32 $_tile_overlayer_lowered  }
0xa1: {  	s8 =	simm.s32 $0x1BFF;
	s21 =	sshll.u32 s7, $0x1;
	s5 =	sadd.s32 s5, s20  }
0xa2: {  	s22 =	simm.s32 $0x0;
	s6 =	sshll.u32 s6, $0x1;
	s7 =	sadd.s32 s21, s5  }
0xa3: {  	[timem:s22], [sflag:s8] =	dma.local [hbm:s7], s6  }
0xa4: {  	_ =	swait.ge [sflag:s8], s6  }
0xa5: {  	s6 =	ssub.s32 $0x0, s6;
	[sflag:s8] =	ssyncset.done $0x0  }
0xa6: {  	[sflag:s8] =	ssyncadd.s32 s6;
	_ =	sdelay $0x1  }
0xa7: {  	s23 =	simm.s32 $0x1B8B  }
0xa8: {  	_ =	swait.ge [sflag:s23], $0x1  }
0xa9: {  	[sflag:s23] =	ssyncset.done $0x0  }
0xaa: {  	[sflag:s23] =	ssyncadd.s32 $0xFFFFFFFF  }
0xab: {  	s6 =	sld [smem:$0x0]  }
0xac: {  	s7 =	sand.u32 $0xFFFFFFFE, s1  }
0xad: {  	p0 =	sne.s32 s1, s7  }
0xae: {  	s7 =	sshll.u32 @p0 s7, $0xE  }
0xaf: {  	s7 =	sadd.s32 @p0 $0x11B8D, s7;
	s8 =	sshll.u32 @p0 s6, $0x11  }
0xb0: {  	s7 =	sor.u32 @p0 s8, s7  }
0xb1: {  	[sflag:s7] =	ssyncadd.remote.s32 @p0 $0x1;
	_ =	sdelay $0x1  }
0xb2: {  	s7 =	simm.s32 @p0 $0x1B8D  }
0xb3: {  	_ =	swait.eq @p0 [sflag:s7], $0x1  }
0xb4: {  	[sflag:s7] =	ssyncadd.s32 @p0 $0xFFFFFFFF  }
0xb5: {  	s8 =	sshll.u32 @!p0 s1, $0xE  }
0xb6: {  	s8 =	sor.u32 @!p0 $0x4000, s8;
	s7 =	simm.s32 @!p0 $0x1B8D  }
0xb7: {  	s6 =	sshll.u32 @!p0 s6, $0x11;
	s8 =	sadd.s32 @!p0 $0x11B8D, s8;
	_ =	swait.eq @!p0 [sflag:s7], $0x1  }
0xb8: {  	s6 =	sor.u32 @!p0 s6, s8;
	[sflag:s7] =	ssyncadd.s32 @!p0 $0xFFFFFFFF  }
0xb9: {  	s25 =	simm.s32 $0x1B8E;
	s24 =	sld [smem:$0x3FFE];
	[sflag:s6] =	ssyncadd.remote.s32 @!p0 $0x1  }
0xba: {  	s26 =	simm.s32 $execute0_lowered;
	[smem:$0x3FD2] =	sst s25  }
0xbb: {  	s7 =	sshll.u32 s26, $0x1;
	_ =	strace $0x80000049;
	[dreg:$0x1] =	wrdreg $0xFFFFFFFF  }
0xbc: {  	s28 =	simm.s32 $_size_execute0_lowered;
	s5 =	sadd.s32 s5, s7;
	[dreg:$0x0] =	wrdreg $0x0  }
0xbd: {  	s7 =	sshll.u32 s28, $0x1;
	[dreg:$0x2] =	wrdreg s5  }
0xbe: {  	[dreg:$0x3] =	wrdreg s7  }
0xbf: {  	[dreg:$0x4] =	wrdreg $0xC0  }
0xc0: {  	_ =	task [dreg:s22], $0x5FFFF  }
0xc1: {  	[dreg:$0x1] =	wrdreg $0xFFFFFFFF  }
0xc2: {  	[dreg:$0x0] =	wrdreg $0x60  }
0xc3: {  	[dreg:$0x2] =	wrdreg s18  }
0xc4: {  	[dreg:$0x3] =	wrdreg s17  }
0xc5: {  	[dreg:$0x4] =	wrdreg s24  }
0xc6: {  	[dreg:$0x5] =	wrdreg $0x9  }
0xc7: {  	_ =	task.clear_ibuf [dreg:s22], $0x6FFFF;
	_ =	strace $0x90000049  }
0xc8: {  	s29 =	simm.s32 $0x9;
	_ =	strace $0x8000004B  }
0xc9: {  	_ =	swait.ge [sflag:s29], $0x1  }
0xca: {  	[sflag:s29] =	ssyncadd.s32 $0xFFFFFFFF  }
0xcb: {  	_ =	strace $0x9000004B  }
0xcc: {  	_ =	sfence  }
0xcd: {  	s30 =	sld [smem:$0x0];
	_ =	sdelay $0x2  }
0xce: {  	s31 =	sshll.u32 s1, $0xD;
	s1 =	sshrl.u32 s1, $0x2  }
0xcf: {  	s4 =	sand.u32 $0x4000, s31;
	s1 =	sadd.s32 s1, s30  }
0xd0: {  	s0 =	sor.u32 s4, s0;
	s1 =	sshll.u32 s1, $0x11  }
0xd1: {  	s0 =	sor.u32 s1, s0  }
0xd2: {  	s0 =	sadd.s32 $0x8F2B, s0  }
0xd3: {  	[sflag:s0] =	ssyncadd.remote.s32 $0x1  }
0xd4: {  	_ =	sfence.sel $0xFFFF  }
0xd5: {  	[dreg:$0x0] =	wrdreg $0xFFFFFFFF;
	(pc) =	sbr.abs _section_cstart, $3  }
0xd6: {  	[dreg:$0x1] =	wrdreg $0xFFFFFFFF  }
0xd7: {  	_ =	task.clear_ibuf [dreg:s22], $0x2FFFF;
	_ =	strace $0x9FFFFFFF  }
0xd8: {  	(tm) =	ssettm $0x7FFFFFFF  }
0xd9: {  	_ =	shalt  }
tec
execute0_lowered:
.L_overlay_start_1:
0x0: {  	(tag) =	ssettag $0x1  }
0x1: {  	s0 =	srdreg.scid;
	s2 =	rddreg [dreg:$0x0]  }
0x2: {  	s1 =	stileid.u32;
	s3 =	rddreg [dreg:$0x1]  }
0x3: {  	s6 =	rddreg [dreg:$0x2];
	s4 =	simm.s32 $0x0;
	s16 =	simm.s32 $0x7  }
0x4: {  	s18 =	simm.s32 $0x80;
	s19 =	simm.s32 $0x2000;
	s21 =	simm.s32 $0xA000  }
0x5: {  	s22 =	simm.s32 $0xE000;
	s23 =	simm.s32 $0x1;
	s24 =	simm.s32 $0x2  }
0x6: {  	s25 =	simm.s32 $0x3;
	s28 =	simm.s32 $0x5;
	s29 =	simm.s32 $0x6  }
0x7: {  	s0 =	sand.u32 $0x1, s0;
	s1 =	sshll.u32 s1, $0x1;
	[smem:$0x7FF] =	sst s4  }
0x8: {  	s30 =	simm.s32 $0x0;
	s1 =	sor.u32 s0, s1;
	_ =	strace $0x8000004A  }
0x9: {  	s0 =	ssub.s32 $0x2, s0;
	s5 =	smul.u32 $0x13, s1;
	s7 =	smin.u32 s1, $0x11  }
0xa: {  	s8 =	sshrl.u32 s0, $0x1;
	p0 =	slt.u32 s1, $0x11;
	s1 =	simm.s32 $0x13  }
0xb: {  	s0 =	ssub.s32 s0, s8;
	s1 =	simm.s32 @!p0 $0x12;
	s5 =	sadd.s32 s7, s5  }
0xc: {  	s0 =	smax.u32 s0, $0x1;
	s7 =	sshll.u32 s5, $0x4;
	s8 =	sand.u32 $0x7, s5  }
0xd: {  	s1 =	sadd.s32 s1, s5;
	[dreg:$0x9] =	wrdreg s0;
	s7 =	sand.u32 $0x7F80, s7  }
0xe: {  	s1 =	sshll.u32 s1, $0xB;
	s9 =	sadd.s32 s7, s6;
	s6 =	sadd.s32 $0x147600, s6  }
0xf: {  	s26 =	sshll.u32 s8, $0x7;
	s7 =	simm.s32 $0x14;
	s1 =	sand.u32 $0x1FFFF800, s1  }
.Ltmp0:
0x10: {  	[dreg:$0x6] =	wrdreg s26;
	s10 =	sadd.s32 $0x142600, s9;
	(pc) =	sbr.rel .LBB2_1-.Ltmp0, $4  }
0x11: {  	s7 =	simm.s32 @!p0 $0x13;
	s9 =	sadd.s32 $0x144E00, s9;
	[dreg:$0x4] =	wrdreg s10  }
0x12: {  	s1 =	sadd.s32 s6, s1;
	[dreg:$0x5] =	wrdreg s9;
	s9 =	sor.u32 $0x1000, s26  }
0x13: {  	s13 =	sshrl.u32 s7, $0x1;
	s31 =	sand.u32 $0x1, s7;
	[dreg:$0x8] =	wrdreg s1  }
0x14: {  	s26 =	simm.s32 $0x4;
	[dreg:$0x7] =	wrdreg s9;
	p0 =	seq.s32 s31, $0x0  }
.LBB2_11:
0x15: {  	_ =	swait.ge [sflag:s28], $0x4000  }
0x16: {  	[sflag:s28] =	ssyncset.done $0x0  }
0x17: {  	[sflag:s28] =	ssyncadd.s32 $0xFFFFC000  }
0x18: {  	_ =	swait.ge [sflag:s29], $0x4000  }
0x19: {  	s30 =	sadd.s32 $0x1, s30;
	s0 =	rddreg [dreg:$0x9]  }
0x1a: {  	p1 =	sne.s32 s30, s0  }
.Ltmp1:
0x1b: {  	_ = 	snop;
	(pc) =	sbr.rel @!p1 .LBB2_12-.Ltmp1, $3  }
0x1c: {  	_ =	sdelay $0x1  }
0x1d: {  	[sflag:s29] =	ssyncset.done $0x0  }
0x1e: {  	[sflag:s29] =	ssyncadd.s32 $0xFFFFC000  }
.LBB2_1:
0x1f: {  	s0 =	rddreg [dreg:$0x4]  }
0x20: {  	[tilespmem:s4], [sflag:$0x7] =	stream.linear.gather [hbm4b:s0+s4], $0x1000, $0x38;
	[tilespmem:$0x12000] =	vst v63  }
0x21: {  	_ =	swait.ge [sflag:s16], $0x1000  }
0x22: {  	[sflag:s16] =	ssyncset.done $0x0  }
0x23: {  	s1 =	simm.s32 $0x1000;
	s14 =	rddreg [dreg:$0x5];
	[sflag:s16] =	ssyncadd.s32 $0xFFFFF000  }
0x24: {  	[tilespmem:s1], [sflag:$0x7] =	stream.linear.gather [hbm4b:s14+s4], $0x1000, $0x38;
	[tilespmem:$0x12000] =	vst v63  }
0x25: {  	_ =	swait.ge [sflag:s16], $0x1000  }
0x26: {  	[sflag:s16] =	ssyncset.done $0x0  }
0x27: {  	s15 =	rddreg [dreg:$0x6];
	[sflag:s16] =	ssyncadd.s32 $0xFFFFF000  }
0x28: {  	[tilespmem:s19], [sflag:$0x1] =	stream.indirect.gather [hbm4b:s2+s18], $0x80, s15, s18, $0xb8;
	[tilespmem:$0x12000] =	vst v63  }
0x29: {  	s20 =	simm.s32 $0x6000;
	s31 =	simm.s32 $0x0;
	s17 =	rddreg [dreg:$0x7]  }
0x2a: {  	[tilespmem:s20], [sflag:$0x2] =	stream.indirect.gather [hbm4b:s3+s18], $0x80, s17, s18, $0xb8;
	[tilespmem:$0x12000] =	vst v63  }
.LBB2_2:
0x2b: {  	p1 =	seq.s32 s31, $0x0  }
0x2c: {  	s0 =	simm.s32 @!p1 $0x6  }
0x2d: {  	s1 =	sshllo.u32 s31, $0x1;
	_ =	swait.ge @!p1 [sflag:s0], $0x4000  }
0x2e: {  	s9 =	sadd.s32 s8, s1;
	[sflag:s0] =	ssyncset.done @!p1 $0x0  }
0x2f: {  	s20 =	sshll.u32 s9, $0x7;
	[sflag:s0] =	ssyncadd.s32 @!p1 $0xFFFFC000  }
0x30: {  	[tilespmem:s21], [sflag:$0x3] =	stream.indirect.gather [hbm4b:s2+s18], $0x80, s20, s18, $0xb8;
	[tilespmem:$0x12000] =	vst v63  }
0x31: {  	s0 =	sadd.s32 $0x1000, s20  }
0x32: {  	[tilespmem:s22], [sflag:$0x4] =	stream.indirect.gather [hbm4b:s3+s18], $0x80, s0, s18, $0xb8;
	[tilespmem:$0x12000] =	vst v63  }
0x33: {  	_ =	swait.ge [sflag:s23], $0x4000  }
0x34: {  	[sflag:s23] =	ssyncset.done $0x0  }
0x35: {  	[sflag:s23] =	ssyncadd.s32 $0xFFFFC000  }
0x36: {  	_ =	swait.ge [sflag:s24], $0x4000  }
0x37: {  	[sflag:s24] =	ssyncset.done $0x0  }
0x38: {  	s0 =	simm.s32 $0x2080;
	[sflag:s24] =	ssyncadd.s32 $0xFFFFC000  }
0x39: {  	s10 =	simm.s32 $0x6080;
	v0 =	vld [tilespmem:s0+$0x0]  }
0x3a: {  	v1 =	vld [tilespmem:s10+$0x0];
	_ =	sdelay $0x3  }
0x3b: {  	v2 =	vld [tilespmem:s0+$0xFFFFFF80]  }
0x3c: {  	v0 =	vadd.f32 v1, v0;
	v1 =	vld [tilespmem:s10+$0xFFFFFF80];
	_ =	sdelay $0x1  }
0x3d: {  	[tilespmem:s0+$0x0] =	vst v0;
	v0 =	vld [tilespmem:s0+$0x10]  }
0x3e: {  	v3 =	vld [tilespmem:s10+$0x10];
	_ =	sdelay $0x1  }
0x3f: {  	v1 =	vadd.f32 v1, v2;
	_ =	sdelay $0x1  }
0x40: {  	v4 =	vld [tilespmem:s0+$0xFFFFFF90];
	[tilespmem:s0+$0xFFFFFF80] =	vst v1  }
0x41: {  	v0 =	vadd.f32 v3, v0;
	v1 =	vld [tilespmem:s10+$0xFFFFFF90];
	_ =	sdelay $0x1  }
0x42: {  	[tilespmem:s0+$0x10] =	vst v0;
	v0 =	vld [tilespmem:s0+$0x20]  }
0x43: {  	v3 =	vld [tilespmem:s10+$0x20]  }
0x44: {  	v5 =	vld [tilespmem:s0+$0xFFFFFFB0]  }
0x45: {  	s17 =	simm.s32 $0x2180;
	v6 =	vld [tilespmem:s0+$0xFFFFFFD0];
	v1 =	vadd.f32 v1, v4  }
0x46: {  	v7 =	vld [tilespmem:s17+$0x0]  }
0x47: {  	v2 =	vld [tilespmem:s0+$0xFFFFFFA0];
	[tilespmem:s0+$0xFFFFFF90] =	vst v1  }
0x48: {  	v0 =	vadd.f32 v3, v0;
	v1 =	vld [tilespmem:s10+$0xFFFFFFA0]  }
0x49: {  	v8 =	vld [tilespmem:s0+$0xFFFFFFE0]  }
0x4a: {  	[tilespmem:s0+$0x20] =	vst v0;
	v0 =	vld [tilespmem:s0+$0x30]  }
0x4b: {  	s20 =	simm.s32 $0x6180;
	v3 =	vld [tilespmem:s10+$0x30]  }
0x4c: {  	v10 =	vld [tilespmem:s20+$0xFFFFFF80]  }
0x4d: {  	v1 =	vadd.f32 v1, v2;
	v2 =	vld [tilespmem:s20+$0x0]  }
0x4e: {  	v12 =	vld [tilespmem:s17+$0xFFFFFF90]  }
0x4f: {  	s9 =	simm.s32 $0x6280;
	v13 =	vld [tilespmem:s17+$0xFFFFFFD0]  }
0x50: {  	v15 =	vld [tilespmem:s9+$0xFFFFFF80];
	v0 =	vadd.f32 v3, v0  }
0x51: {  	[tilespmem:s0+$0xFFFFFFA0] =	vst v1;
	v1 =	vld [tilespmem:s0+$0x40]  }
0x52: {  	[tilespmem:s0+$0x30] =	vst v0;
	v2 =	vadd.f32 v2, v7;
	v7 =	vld [tilespmem:s17+$0xFFFFFF80]  }
0x53: {  	s14 =	simm.s32 $0x2280;
	v9 =	vld [tilespmem:s10+$0x40]  }
0x54: {  	v16 =	vld [tilespmem:s14+$0xFFFFFF80]  }
0x55: {  	v3 =	vld [tilespmem:s10+$0xFFFFFFB0]  }
0x56: {  	v17 =	vld [tilespmem:s17+$0x50]  }
0x57: {  	[tilespmem:s17+$0x0] =	vst v2;
	v2 =	vld [tilespmem:s17+$0x10];
	v7 =	vadd.f32 v10, v7  }
0x58: {  	v11 =	vld [tilespmem:s20+$0x10];
	v1 =	vadd.f32 v9, v1  }
0x59: {  	v9 =	vld [tilespmem:s0+$0x50];
	[tilespmem:s17+$0xFFFFFF80] =	vst v7  }
0x5a: {  	[tilespmem:s0+$0x40] =	vst v1;
	v1 =	vadd.f32 v3, v5;
	v5 =	vld [tilespmem:s20+$0xFFFFFF90]  }
0x5b: {  	v3 =	vld [tilespmem:s10+$0x50]  }
0x5c: {  	v60 =	vld [tilespmem:s14+$0xFFFFFFA0]  }
0x5d: {  	v4 =	vld [tilespmem:s0+$0xFFFFFFC0];
	v2 =	vadd.f32 v11, v2;
	[tilespmem:s0+$0xFFFFFFB0] =	vst v1  }
0x5e: {  	v1 =	vld [tilespmem:s10+$0xFFFFFFC0]  }
0x5f: {  	[tilespmem:s17+$0x10] =	vst v2;
	v2 =	vld [tilespmem:s17+$0x20]  }
0x60: {  	v5 =	vadd.f32 v5, v12;
	v3 =	vadd.f32 v3, v9;
	v9 =	vld [tilespmem:s20+$0x20]  }
0x61: {  	v18 =	vld [tilespmem:s17+$0x60];
	v15 =	vadd.f32 v15, v16  }
0x62: {  	v10 =	vld [tilespmem:s17+$0xFFFFFFA0];
	[tilespmem:s17+$0xFFFFFF90] =	vst v5  }
0x63: {  	[tilespmem:s14+$0xFFFFFF80] =	vst v15;
	v1 =	vadd.f32 v1, v4;
	v4 =	vld [tilespmem:s20+$0xFFFFFFA0]  }
0x64: {  	v15 =	vld [tilespmem:s9+$0xFFFFFF90]  }
0x65: {  	v0 =	vld [tilespmem:s0+$0xFFFFFFF0];
	[tilespmem:s0+$0xFFFFFFC0] =	vst v1;
	v1 =	vadd.f32 v9, v2  }
0x66: {  	v7 =	vld [tilespmem:s17+$0xFFFFFFB0]  }
0x67: {  	v5 =	vld [tilespmem:s17+$0x30];
	[tilespmem:s17+$0x20] =	vst v1  }
0x68: {  	v4 =	vadd.f32 v4, v10;
	v10 =	vld [tilespmem:s20+$0x30]  }
0x69: {  	v2 =	vld [tilespmem:s10+$0xFFFFFFD0]  }
0x6a: {  	v11 =	vld [tilespmem:s0+$0x60]  }
0x6b: {  	v12 =	vld [tilespmem:s17+$0xFFFFFFC0];
	[tilespmem:s0+$0x50] =	vst v3  }
0x6c: {  	v3 =	vld [tilespmem:s10+$0x60]  }
0x6d: {  	[tilespmem:s17+$0xFFFFFFA0] =	vst v4;
	v4 =	vld [tilespmem:s14+$0x0];
	v5 =	vadd.f32 v10, v5  }
0x6e: {  	v2 =	vadd.f32 v2, v6;
	v6 =	vld [tilespmem:s9+$0x0]  }
0x6f: {  	v10 =	vld [tilespmem:s17+$0x40];
	[tilespmem:s17+$0x30] =	vst v5  }
0x70: {  	v5 =	vld [tilespmem:s20+$0x40]  }
0x71: {  	v9 =	vld [tilespmem:s0+$0x70];
	v3 =	vadd.f32 v3, v11  }
0x72: {  	v1 =	vld [tilespmem:s17+$0xFFFFFFE0]  }
0x73: {  	[tilespmem:s0+$0x60] =	vst v3;
	v3 =	vld [tilespmem:s20+$0xFFFFFFB0];
	v4 =	vadd.f32 v6, v4  }
0x74: {  	v6 =	vld [tilespmem:s14+$0xFFFFFF90]  }
0x75: {  	[tilespmem:s14+$0x0] =	vst v4;
	v4 =	vld [tilespmem:s14+$0x10];
	v5 =	vadd.f32 v5, v10  }
0x76: {  	v10 =	vld [tilespmem:s9+$0x10]  }
0x77: {  	v11 =	vld [tilespmem:s10+$0x70];
	[tilespmem:s17+$0x40] =	vst v5  }
0x78: {  	v3 =	vadd.f32 v3, v7;
	v7 =	vld [tilespmem:s20+$0x50]  }
0x79: {  	[tilespmem:s0+$0xFFFFFFD0] =	vst v2;
	v2 =	vld [tilespmem:s17+$0xFFFFFFF0]  }
0x7a: {  	v14 =	vld [tilespmem:s10+$0xFFFFFFE0];
	[tilespmem:s17+$0xFFFFFFB0] =	vst v3;
	v6 =	vadd.f32 v15, v6  }
0x7b: {  	v3 =	vadd.f32 v10, v4;
	v10 =	vld [tilespmem:s20+$0xFFFFFFC0]  }
0x7c: {  	[tilespmem:s14+$0xFFFFFF90] =	vst v6;
	v6 =	vld [tilespmem:s14+$0xFFFFFFE0]  }
0x7d: {  	v5 =	vld [tilespmem:s14+$0xFFFFFFB0];
	[tilespmem:s14+$0x10] =	vst v3;
	v3 =	vadd.f32 v7, v17  }
0x7e: {  	v7 =	vld [tilespmem:s14+$0x20]  }
0x7f: {  	v15 =	vld [tilespmem:s9+$0x20];
	[tilespmem:s17+$0x50] =	vst v3  }
0x80: {  	v10 =	vadd.f32 v10, v12;
	v12 =	vld [tilespmem:s20+$0x60]  }
0x81: {  	v61 =	vld [tilespmem:s9+$0xFFFFFFA0]  }
0x82: {  	v4 =	vld [tilespmem:s14+$0xFFFFFFC0];
	[tilespmem:s17+$0xFFFFFFC0] =	vst v10  }
0x83: {  	v10 =	vld [tilespmem:s20+$0xFFFFFFD0]  }
0x84: {  	v3 =	vld [tilespmem:s14+$0xFFFFFFD0];
	v7 =	vadd.f32 v15, v7  }
0x85: {  	v15 =	vld [tilespmem:s17+$0x70];
	v12 =	vadd.f32 v12, v18  }
0x86: {  	[tilespmem:s14+$0x20] =	vst v7;
	v7 =	vadd.f32 v14, v8;
	v14 =	vld [tilespmem:s14+$0x30]  }
0x87: {  	v8 =	vadd.f32 v61, v60;
	v62 =	vld [tilespmem:s9+$0x30];
	[tilespmem:s17+$0x60] =	vst v12  }
0x88: {  	[tilespmem:s0+$0xFFFFFFE0] =	vst v7;
	v7 =	vadd.f32 v10, v13;
	v63 =	vld [tilespmem:s20+$0x70]  }
0x89: {  	[tilespmem:s14+$0xFFFFFFA0] =	vst v8;
	v8 =	vld [tilespmem:s10+$0xFFFFFFF0]  }
0x8a: {  	v12 =	vld [tilespmem:s9+$0xFFFFFFB0];
	[tilespmem:s17+$0xFFFFFFD0] =	vst v7  }
0x8b: {  	v10 =	vadd.f32 v11, v9;
	v9 =	vld [tilespmem:s20+$0xFFFFFFE0]  }
0x8c: {  	s15 =	simm.s32 $0x4;
	v7 =	vld [tilespmem:s14+$0xFFFFFFF0];
	v13 =	vadd.f32 v62, v14  }
0x8d: {  	s11 =	simm.s32 $0x2380;
	s12 =	simm.s32 $0x6280;
	s10 =	sshll.u32 s31, $0x1;
	[tilespmem:s0+$0x70] =	vst v10;
	v10 =	vld [tilespmem:s14+$0x40];
	v11 =	vadd.f32 v63, v15  }
.LBB2_3:
0x8e: {  	v14 =	vld [tilespmem:s11+$0x0];
	[tilespmem:s14+$0x30] =	vst v13;
	s9 =	sadd.s32 $0x100, s9;
	v8 =	vadd.f32 v8, v0;
	v0 =	vmov v2  }
0x8f: {  	v13 =	vld [tilespmem:s9+$0x0];
	v12 =	vadd.f32 v12, v5;
	[tilespmem:s17+$0x70] =	vst v11  }
0x90: {  	s15 =	sadd.s32 $0x2, s15;
	v5 =	vld [tilespmem:s12+$0x40];
	v9 =	vadd.f32 v9, v1;
	[tilespmem:s0+$0xFFFFFFF0] =	vst v8;
	v1 =	vmov v6;
	s0 =	smov.u32 s17;
	s17 =	smov.u32 s14  }
0x91: {  	p1 =	slt.u32 s15, $0x7E;
	s14 =	smov.u32 s11;
	v6 =	vld [tilespmem:s9+$0xFFFFFF80];
	[tilespmem:s17+$0xFFFFFFB0] =	vst v12;
	v2 =	vmov v7  }
0x92: {  	v7 =	vld [tilespmem:s11+$0xFFFFFF80];
	[tilespmem:s0+$0xFFFFFFE0] =	vst v9  }
0x93: {  	v8 =	vld [tilespmem:s11+$0xFFFFFF90]  }
0x94: {  	v9 =	vld [tilespmem:s11+$0xFFFFFFA0];
	v11 =	vadd.f32 v13, v14  }
0x95: {  	v5 =	vadd.f32 v5, v10;
	v10 =	vld [tilespmem:s17+$0x50]  }
0x96: {  	[tilespmem:s11+$0x0] =	vst v11;
	v11 =	vld [tilespmem:s11+$0x10]  }
0x97: {  	v6 =	vadd.f32 v6, v7;
	v7 =	vld [tilespmem:s9+$0x10];
	[tilespmem:s17+$0x40] =	vst v5  }
0x98: {  	v12 =	vld [tilespmem:s12+$0x50]  }
0x99: {  	[tilespmem:s11+$0xFFFFFF80] =	vst v6;
	v5 =	vld [tilespmem:s11+$0xFFFFFFB0]  }
0x9a: {  	v6 =	vld [tilespmem:s9+$0xFFFFFF90]  }
0x9b: {  	v13 =	vld [tilespmem:s12+$0xFFFFFFC0]  }
0x9c: {  	v14 =	vld [tilespmem:s11+$0xFFFFFFC0];
	v7 =	vadd.f32 v7, v11  }
0x9d: {  	v10 =	vadd.f32 v12, v10;
	v11 =	vld [tilespmem:s17+$0x60]  }
0x9e: {  	[tilespmem:s11+$0x10] =	vst v7;
	v7 =	vld [tilespmem:s11+$0x20]  }
0x9f: {  	v6 =	vadd.f32 v6, v8;
	v8 =	vld [tilespmem:s9+$0x20];
	[tilespmem:s17+$0x50] =	vst v10  }
0xa0: {  	v10 =	vadd.f32 v13, v4;
	v12 =	vld [tilespmem:s12+$0x60]  }
0xa1: {  	[tilespmem:s11+$0xFFFFFF90] =	vst v6;
	v13 =	vld [tilespmem:s11+$0xFFFFFFD0];
	v4 =	vmov v14  }
0xa2: {  	v14 =	vld [tilespmem:s9+$0xFFFFFFA0];
	[tilespmem:s17+$0xFFFFFFC0] =	vst v10  }
0xa3: {  	v10 =	vld [tilespmem:s12+$0xFFFFFFD0]  }
0xa4: {  	v6 =	vld [tilespmem:s11+$0xFFFFFFE0];
	v7 =	vadd.f32 v8, v7  }
0xa5: {  	v8 =	vadd.f32 v12, v11;
	v11 =	vld [tilespmem:s17+$0x70]  }
0xa6: {  	[tilespmem:s11+$0x20] =	vst v7;
	v15 =	vld [tilespmem:s11+$0x30]  }
0xa7: {  	v7 =	vadd.f32 v14, v9;
	v14 =	vld [tilespmem:s9+$0x30];
	[tilespmem:s17+$0x60] =	vst v8  }
0xa8: {  	v9 =	vadd.f32 v10, v3;
	v16 =	vld [tilespmem:s12+$0x70];
	v3 =	vmov v13  }
.Ltmp2:
0xa9: {  	[tilespmem:s11+$0xFFFFFFA0] =	vst v7;
	v8 =	vld [tilespmem:s20+$0xFFFFFFF0];
	s20 =	smov.u32 s12;
	s12 =	smov.u32 s9;
	(pc) =	sbr.rel @p1 .LBB2_3-.Ltmp2, $4  }
0xaa: {  	v12 =	vld [tilespmem:s9+$0xFFFFFFB0];
	[tilespmem:s17+$0xFFFFFFD0] =	vst v9  }
0xab: {  	v9 =	vld [tilespmem:s20+$0xFFFFFFE0]  }
0xac: {  	v7 =	vld [tilespmem:s11+$0xFFFFFFF0];
	v13 =	vadd.f32 v14, v15  }
0xad: {  	s11 =	sadd.s32 $0x100, s11;
	v10 =	vld [tilespmem:s14+$0x40];
	v11 =	vadd.f32 v16, v11  }
0xae: {  	_ = 	snop  }
0xaf: {  	[tilespmem:s14+$0x30] =	vst v13;
	v5 =	vadd.f32 v12, v5  }
0xb0: {  	v12 =	vld [tilespmem:s12+$0x40]  }
0xb1: {  	[tilespmem:s14+$0xFFFFFFB0] =	vst v5  }
0xb2: {  	v5 =	vld [tilespmem:s12+$0xFFFFFFC0];
	_ =	sdelay $0x2  }
0xb3: {  	v10 =	vadd.f32 v12, v10;
	_ =	sdelay $0x1  }
0xb4: {  	v12 =	vld [tilespmem:s14+$0x50];
	[tilespmem:s14+$0x40] =	vst v10;
	v4 =	vadd.f32 v5, v4  }
0xb5: {  	v5 =	vld [tilespmem:s12+$0x50]  }
0xb6: {  	[tilespmem:s14+$0xFFFFFFC0] =	vst v4  }
0xb7: {  	v4 =	vld [tilespmem:s12+$0xFFFFFFD0];
	_ =	sdelay $0x2  }
0xb8: {  	v5 =	vadd.f32 v5, v12;
	_ =	sdelay $0x1  }
0xb9: {  	v10 =	vld [tilespmem:s14+$0x60];
	[tilespmem:s14+$0x50] =	vst v5;
	v3 =	vadd.f32 v4, v3  }
0xba: {  	v4 =	vld [tilespmem:s12+$0x60]  }
0xbb: {  	[tilespmem:s14+$0xFFFFFFD0] =	vst v3  }
0xbc: {  	v3 =	vld [tilespmem:s12+$0xFFFFFFE0];
	_ =	sdelay $0x2  }
0xbd: {  	v4 =	vadd.f32 v4, v10  }
0xbe: {  	v1 =	vadd.f32 v9, v1  }
0xbf: {  	v5 =	vld [tilespmem:s14+$0x70];
	[tilespmem:s14+$0x60] =	vst v4;
	v3 =	vadd.f32 v3, v6  }
0xc0: {  	[tilespmem:s17+$0xFFFFFFE0] =	vst v1;
	v1 =	vld [tilespmem:s12+$0x70]  }
0xc1: {  	v4 =	vld [tilespmem:s20+$0xFFFFFFF0];
	[tilespmem:s14+$0xFFFFFFE0] =	vst v3  }
0xc2: {  	v3 =	vld [tilespmem:s12+$0xFFFFFFF0];
	_ =	sdelay $0x1  }
0xc3: {  	v0 =	vadd.f32 v8, v0  }
0xc4: {  	[tilespmem:s17+$0x70] =	vst v11;
	v1 =	vadd.f32 v1, v5  }
0xc5: {  	[tilespmem:s0+$0xFFFFFFF0] =	vst v0;
	s12 =	sadd.s32 s5, s10;
	v0 =	vadd.f32 v4, v2  }
0xc6: {  	s0 =	sshll.u32 s12, $0xB;
	[tilespmem:s14+$0x70] =	vst v1;
	v1 =	vadd.f32 v3, v7  }
0xc7: {  	s0 =	sand.u32 $0x1FFFF800, s0;
	[tilespmem:s17+$0xFFFFFFF0] =	vst v0  }
0xc8: {  	s0 =	sadd.s32 s6, s0;
	[tilespmem:s14+$0xFFFFFFF0] =	vst v1  }
0xc9: {  	[hbm4b:s0+s4] =	stream.linear.scatter [tilespmem:s19], [sflag:$0x5], $0x4000, $0x38;
	[tilespmem:$0x12000] =	vst v63  }
0xca: {  	s0 =	sadd.s32 $0x2, s10  }
0xcb: {  	p1 =	sge.u32 s0, s7  }
0xcc: {  	s9 =	simm.s32 @!p1 $0x5  }
0xcd: {  	_ =	swait.ge @!p1 [sflag:s9], $0x4000  }
0xce: {  	s0 =	sadd.s32 @!p1 s8, s0;
	s10 =	simm.s32 @!p1 $0x2000;
	[sflag:s9] =	ssyncset.done @!p1 $0x0  }
0xcf: {  	s0 =	sshll.u32 @!p1 s0, $0x7;
	[sflag:s9] =	ssyncadd.s32 @!p1 $0xFFFFC000;
	s9 =	simm.s32 @!p1 $0x80  }
0xd0: {  	[tilespmem:s10], [sflag:$0x1] =	stream.indirect.gather @!p1 [hbm4b:s2+s9], $0x80, s0, s9, $0xb8;
	[tilespmem:$0x12000] =	vst v63  }
0xd1: {  	s0 =	sadd.s32 @!p1 $0x1000, s0;
	s10 =	simm.s32 @!p1 $0x6000  }
0xd2: {  	[tilespmem:s10], [sflag:$0x2] =	stream.indirect.gather @!p1 [hbm4b:s3+s9], $0x80, s0, s9, $0xb8;
	[tilespmem:$0x12000] =	vst v63  }
0xd3: {  	_ =	swait.ge [sflag:s25], $0x4000  }
0xd4: {  	[sflag:s25] =	ssyncset.done $0x0  }
0xd5: {  	[sflag:s25] =	ssyncadd.s32 $0xFFFFC000  }
0xd6: {  	_ =	swait.ge [sflag:s26], $0x4000  }
0xd7: {  	[sflag:s26] =	ssyncset.done $0x0  }
0xd8: {  	s0 =	simm.s32 $0xA080;
	[sflag:s26] =	ssyncadd.s32 $0xFFFFC000  }
0xd9: {  	s15 =	simm.s32 $0xE080;
	v0 =	vld [tilespmem:s0+$0x0]  }
0xda: {  	v1 =	vld [tilespmem:s15+$0x0];
	_ =	sdelay $0x3  }
0xdb: {  	v2 =	vld [tilespmem:s0+$0xFFFFFF80]  }
0xdc: {  	v0 =	vadd.f32 v1, v0;
	v1 =	vld [tilespmem:s15+$0xFFFFFF80];
	_ =	sdelay $0x1  }
0xdd: {  	[tilespmem:s0+$0x0] =	vst v0;
	v0 =	vld [tilespmem:s0+$0x10]  }
0xde: {  	v3 =	vld [tilespmem:s15+$0x10];
	_ =	sdelay $0x1  }
0xdf: {  	v1 =	vadd.f32 v1, v2;
	_ =	sdelay $0x1  }
0xe0: {  	v4 =	vld [tilespmem:s0+$0xFFFFFF90];
	[tilespmem:s0+$0xFFFFFF80] =	vst v1  }
0xe1: {  	v0 =	vadd.f32 v3, v0;
	v1 =	vld [tilespmem:s15+$0xFFFFFF90];
	_ =	sdelay $0x1  }
0xe2: {  	[tilespmem:s0+$0x10] =	vst v0;
	v0 =	vld [tilespmem:s0+$0x20]  }
0xe3: {  	v3 =	vld [tilespmem:s15+$0x20]  }
0xe4: {  	v5 =	vld [tilespmem:s0+$0xFFFFFFB0]  }
0xe5: {  	s17 =	simm.s32 $0xA180;
	v6 =	vld [tilespmem:s0+$0xFFFFFFD0];
	v1 =	vadd.f32 v1, v4  }
0xe6: {  	v7 =	vld [tilespmem:s17+$0x0]  }
0xe7: {  	v2 =	vld [tilespmem:s0+$0xFFFFFFA0];
	[tilespmem:s0+$0xFFFFFF90] =	vst v1  }
0xe8: {  	v0 =	vadd.f32 v3, v0;
	v1 =	vld [tilespmem:s15+$0xFFFFFFA0]  }
0xe9: {  	v8 =	vld [tilespmem:s0+$0xFFFFFFE0]  }
0xea: {  	[tilespmem:s0+$0x20] =	vst v0;
	v0 =	vld [tilespmem:s0+$0x30]  }
0xeb: {  	s20 =	simm.s32 $0xE180;
	v3 =	vld [tilespmem:s15+$0x30]  }
0xec: {  	v10 =	vld [tilespmem:s20+$0xFFFFFF80]  }
0xed: {  	v1 =	vadd.f32 v1, v2;
	v2 =	vld [tilespmem:s20+$0x0]  }
0xee: {  	v12 =	vld [tilespmem:s17+$0xFFFFFF90]  }
0xef: {  	s9 =	simm.s32 $0xE280;
	v13 =	vld [tilespmem:s17+$0xFFFFFFD0]  }
0xf0: {  	v15 =	vld [tilespmem:s9+$0xFFFFFF80];
	v0 =	vadd.f32 v3, v0  }
0xf1: {  	[tilespmem:s0+$0xFFFFFFA0] =	vst v1;
	v1 =	vld [tilespmem:s0+$0x40]  }
0xf2: {  	[tilespmem:s0+$0x30] =	vst v0;
	v2 =	vadd.f32 v2, v7;
	v7 =	vld [tilespmem:s17+$0xFFFFFF80]  }
0xf3: {  	s14 =	simm.s32 $0xA280;
	v9 =	vld [tilespmem:s15+$0x40]  }
0xf4: {  	v16 =	vld [tilespmem:s14+$0xFFFFFF80]  }
0xf5: {  	v3 =	vld [tilespmem:s15+$0xFFFFFFB0]  }
0xf6: {  	v17 =	vld [tilespmem:s17+$0x50]  }
0xf7: {  	[tilespmem:s17+$0x0] =	vst v2;
	v2 =	vld [tilespmem:s17+$0x10];
	v7 =	vadd.f32 v10, v7  }
0xf8: {  	v11 =	vld [tilespmem:s20+$0x10];
	v1 =	vadd.f32 v9, v1  }
0xf9: {  	v9 =	vld [tilespmem:s0+$0x50];
	[tilespmem:s17+$0xFFFFFF80] =	vst v7  }
0xfa: {  	[tilespmem:s0+$0x40] =	vst v1;
	v1 =	vadd.f32 v3, v5;
	v5 =	vld [tilespmem:s20+$0xFFFFFF90]  }
0xfb: {  	v3 =	vld [tilespmem:s15+$0x50]  }
0xfc: {  	v60 =	vld [tilespmem:s14+$0xFFFFFFA0]  }
0xfd: {  	v4 =	vld [tilespmem:s0+$0xFFFFFFC0];
	v2 =	vadd.f32 v11, v2;
	[tilespmem:s0+$0xFFFFFFB0] =	vst v1  }
0xfe: {  	v1 =	vld [tilespmem:s15+$0xFFFFFFC0]  }
0xff: {  	[tilespmem:s17+$0x10] =	vst v2;
	v2 =	vld [tilespmem:s17+$0x20]  }
0x100: {  	v5 =	vadd.f32 v5, v12;
	v3 =	vadd.f32 v3, v9;
	v9 =	vld [tilespmem:s20+$0x20]  }
0x101: {  	v18 =	vld [tilespmem:s17+$0x60];
	v15 =	vadd.f32 v15, v16  }
0x102: {  	v10 =	vld [tilespmem:s17+$0xFFFFFFA0];
	[tilespmem:s17+$0xFFFFFF90] =	vst v5  }
0x103: {  	[tilespmem:s14+$0xFFFFFF80] =	vst v15;
	v1 =	vadd.f32 v1, v4;
	v4 =	vld [tilespmem:s20+$0xFFFFFFA0]  }
0x104: {  	v15 =	vld [tilespmem:s9+$0xFFFFFF90]  }
0x105: {  	v0 =	vld [tilespmem:s0+$0xFFFFFFF0];
	[tilespmem:s0+$0xFFFFFFC0] =	vst v1;
	v1 =	vadd.f32 v9, v2  }
0x106: {  	v7 =	vld [tilespmem:s17+$0xFFFFFFB0]  }
0x107: {  	v5 =	vld [tilespmem:s17+$0x30];
	[tilespmem:s17+$0x20] =	vst v1  }
0x108: {  	v4 =	vadd.f32 v4, v10;
	v10 =	vld [tilespmem:s20+$0x30]  }
0x109: {  	v2 =	vld [tilespmem:s15+$0xFFFFFFD0]  }
0x10a: {  	v11 =	vld [tilespmem:s0+$0x60]  }
0x10b: {  	v12 =	vld [tilespmem:s17+$0xFFFFFFC0];
	[tilespmem:s0+$0x50] =	vst v3  }
0x10c: {  	v3 =	vld [tilespmem:s15+$0x60]  }
0x10d: {  	[tilespmem:s17+$0xFFFFFFA0] =	vst v4;
	v4 =	vld [tilespmem:s14+$0x0];
	v5 =	vadd.f32 v10, v5  }
0x10e: {  	v2 =	vadd.f32 v2, v6;
	v6 =	vld [tilespmem:s9+$0x0]  }
0x10f: {  	v10 =	vld [tilespmem:s17+$0x40];
	[tilespmem:s17+$0x30] =	vst v5  }
0x110: {  	v5 =	vld [tilespmem:s20+$0x40]  }
0x111: {  	v9 =	vld [tilespmem:s0+$0x70];
	v3 =	vadd.f32 v3, v11  }
0x112: {  	v1 =	vld [tilespmem:s17+$0xFFFFFFE0]  }
0x113: {  	[tilespmem:s0+$0x60] =	vst v3;
	v3 =	vld [tilespmem:s20+$0xFFFFFFB0];
	v4 =	vadd.f32 v6, v4  }
0x114: {  	v6 =	vld [tilespmem:s14+$0xFFFFFF90]  }
0x115: {  	[tilespmem:s14+$0x0] =	vst v4;
	v4 =	vld [tilespmem:s14+$0x10];
	v5 =	vadd.f32 v5, v10  }
0x116: {  	v10 =	vld [tilespmem:s9+$0x10]  }
0x117: {  	v11 =	vld [tilespmem:s15+$0x70];
	[tilespmem:s17+$0x40] =	vst v5  }
0x118: {  	v3 =	vadd.f32 v3, v7;
	v7 =	vld [tilespmem:s20+$0x50]  }
0x119: {  	[tilespmem:s0+$0xFFFFFFD0] =	vst v2;
	v2 =	vld [tilespmem:s17+$0xFFFFFFF0]  }
0x11a: {  	v14 =	vld [tilespmem:s15+$0xFFFFFFE0];
	[tilespmem:s17+$0xFFFFFFB0] =	vst v3;
	v6 =	vadd.f32 v15, v6  }
0x11b: {  	v3 =	vadd.f32 v10, v4;
	v10 =	vld [tilespmem:s20+$0xFFFFFFC0]  }
0x11c: {  	[tilespmem:s14+$0xFFFFFF90] =	vst v6;
	v6 =	vld [tilespmem:s14+$0xFFFFFFE0]  }
0x11d: {  	v5 =	vld [tilespmem:s14+$0xFFFFFFB0];
	[tilespmem:s14+$0x10] =	vst v3;
	v3 =	vadd.f32 v7, v17  }
0x11e: {  	v7 =	vld [tilespmem:s14+$0x20]  }
0x11f: {  	v15 =	vld [tilespmem:s9+$0x20];
	[tilespmem:s17+$0x50] =	vst v3  }
0x120: {  	v10 =	vadd.f32 v10, v12;
	v12 =	vld [tilespmem:s20+$0x60]  }
0x121: {  	v61 =	vld [tilespmem:s9+$0xFFFFFFA0]  }
0x122: {  	v4 =	vld [tilespmem:s14+$0xFFFFFFC0];
	[tilespmem:s17+$0xFFFFFFC0] =	vst v10  }
0x123: {  	v10 =	vld [tilespmem:s20+$0xFFFFFFD0]  }
0x124: {  	v3 =	vld [tilespmem:s14+$0xFFFFFFD0];
	v7 =	vadd.f32 v15, v7  }
0x125: {  	v15 =	vld [tilespmem:s17+$0x70];
	v12 =	vadd.f32 v12, v18  }
0x126: {  	[tilespmem:s14+$0x20] =	vst v7;
	v7 =	vadd.f32 v14, v8;
	v14 =	vld [tilespmem:s14+$0x30]  }
0x127: {  	v8 =	vadd.f32 v61, v60;
	v62 =	vld [tilespmem:s9+$0x30];
	[tilespmem:s17+$0x60] =	vst v12  }
0x128: {  	[tilespmem:s0+$0xFFFFFFE0] =	vst v7;
	v7 =	vadd.f32 v10, v13;
	v63 =	vld [tilespmem:s20+$0x70]  }
0x129: {  	[tilespmem:s14+$0xFFFFFFA0] =	vst v8;
	v8 =	vld [tilespmem:s15+$0xFFFFFFF0]  }
0x12a: {  	v12 =	vld [tilespmem:s9+$0xFFFFFFB0];
	[tilespmem:s17+$0xFFFFFFD0] =	vst v7  }
0x12b: {  	v10 =	vadd.f32 v11, v9;
	v9 =	vld [tilespmem:s20+$0xFFFFFFE0]  }
0x12c: {  	v7 =	vld [tilespmem:s14+$0xFFFFFFF0];
	v13 =	vadd.f32 v62, v14  }
0x12d: {  	s11 =	simm.s32 $0xA380;
	s12 =	simm.s32 $0x4;
	s10 =	simm.s32 $0xE280;
	[tilespmem:s0+$0x70] =	vst v10;
	v10 =	vld [tilespmem:s14+$0x40];
	v11 =	vadd.f32 v63, v15  }
.LBB2_5:
0x12e: {  	v14 =	vld [tilespmem:s11+$0x0];
	[tilespmem:s14+$0x30] =	vst v13;
	s9 =	sadd.s32 $0x100, s9;
	v8 =	vadd.f32 v8, v0;
	v0 =	vmov v2  }
0x12f: {  	v13 =	vld [tilespmem:s9+$0x0];
	v12 =	vadd.f32 v12, v5;
	[tilespmem:s17+$0x70] =	vst v11  }
0x130: {  	s12 =	sadd.s32 $0x2, s12;
	v5 =	vld [tilespmem:s10+$0x40];
	v9 =	vadd.f32 v9, v1;
	[tilespmem:s0+$0xFFFFFFF0] =	vst v8;
	v1 =	vmov v6;
	s0 =	smov.u32 s17;
	s17 =	smov.u32 s14  }
0x131: {  	p1 =	slt.u32 s12, $0x7E;
	s14 =	smov.u32 s11;
	v6 =	vld [tilespmem:s9+$0xFFFFFF80];
	[tilespmem:s17+$0xFFFFFFB0] =	vst v12;
	v2 =	vmov v7  }
0x132: {  	v7 =	vld [tilespmem:s11+$0xFFFFFF80];
	[tilespmem:s0+$0xFFFFFFE0] =	vst v9  }
0x133: {  	v8 =	vld [tilespmem:s11+$0xFFFFFF90]  }
0x134: {  	v9 =	vld [tilespmem:s11+$0xFFFFFFA0];
	v11 =	vadd.f32 v13, v14  }
0x135: {  	v5 =	vadd.f32 v5, v10;
	v10 =	vld [tilespmem:s17+$0x50]  }
0x136: {  	[tilespmem:s11+$0x0] =	vst v11;
	v11 =	vld [tilespmem:s11+$0x10]  }
0x137: {  	v6 =	vadd.f32 v6, v7;
	v7 =	vld [tilespmem:s9+$0x10];
	[tilespmem:s17+$0x40] =	vst v5  }
0x138: {  	v12 =	vld [tilespmem:s10+$0x50]  }
0x139: {  	[tilespmem:s11+$0xFFFFFF80] =	vst v6;
	v5 =	vld [tilespmem:s11+$0xFFFFFFB0]  }
0x13a: {  	v6 =	vld [tilespmem:s9+$0xFFFFFF90]  }
0x13b: {  	v13 =	vld [tilespmem:s10+$0xFFFFFFC0]  }
0x13c: {  	v14 =	vld [tilespmem:s11+$0xFFFFFFC0];
	v7 =	vadd.f32 v7, v11  }
0x13d: {  	v10 =	vadd.f32 v12, v10;
	v11 =	vld [tilespmem:s17+$0x60]  }
0x13e: {  	[tilespmem:s11+$0x10] =	vst v7;
	v7 =	vld [tilespmem:s11+$0x20]  }
0x13f: {  	v6 =	vadd.f32 v6, v8;
	v8 =	vld [tilespmem:s9+$0x20];
	[tilespmem:s17+$0x50] =	vst v10  }
0x140: {  	v10 =	vadd.f32 v13, v4;
	v12 =	vld [tilespmem:s10+$0x60]  }
0x141: {  	[tilespmem:s11+$0xFFFFFF90] =	vst v6;
	v13 =	vld [tilespmem:s11+$0xFFFFFFD0];
	v4 =	vmov v14  }
0x142: {  	v14 =	vld [tilespmem:s9+$0xFFFFFFA0];
	[tilespmem:s17+$0xFFFFFFC0] =	vst v10  }
0x143: {  	v10 =	vld [tilespmem:s10+$0xFFFFFFD0]  }
0x144: {  	v6 =	vld [tilespmem:s11+$0xFFFFFFE0];
	v7 =	vadd.f32 v8, v7  }
0x145: {  	v8 =	vadd.f32 v12, v11;
	v11 =	vld [tilespmem:s17+$0x70]  }
0x146: {  	[tilespmem:s11+$0x20] =	vst v7;
	v15 =	vld [tilespmem:s11+$0x30]  }
0x147: {  	v7 =	vadd.f32 v14, v9;
	v14 =	vld [tilespmem:s9+$0x30];
	[tilespmem:s17+$0x60] =	vst v8  }
0x148: {  	v9 =	vadd.f32 v10, v3;
	v16 =	vld [tilespmem:s10+$0x70];
	v3 =	vmov v13  }
.Ltmp3:
0x149: {  	[tilespmem:s11+$0xFFFFFFA0] =	vst v7;
	v8 =	vld [tilespmem:s20+$0xFFFFFFF0];
	s20 =	smov.u32 s10;
	s10 =	smov.u32 s9;
	(pc) =	sbr.rel @p1 .LBB2_5-.Ltmp3, $4  }
0x14a: {  	v12 =	vld [tilespmem:s9+$0xFFFFFFB0];
	[tilespmem:s17+$0xFFFFFFD0] =	vst v9  }
0x14b: {  	v9 =	vld [tilespmem:s20+$0xFFFFFFE0]  }
0x14c: {  	v7 =	vld [tilespmem:s11+$0xFFFFFFF0];
	v13 =	vadd.f32 v14, v15  }
0x14d: {  	s11 =	sadd.s32 $0x100, s11;
	v10 =	vld [tilespmem:s14+$0x40];
	v11 =	vadd.f32 v16, v11  }
0x14e: {  	_ = 	snop  }
0x14f: {  	v5 =	vadd.f32 v12, v5  }
0x150: {  	[tilespmem:s14+$0x30] =	vst v13  }
0x151: {  	v54 =	vld [tilespmem:s10+$0x40];
	[tilespmem:s14+$0xFFFFFFB0] =	vst v5  }
0x152: {  	v5 =	vld [tilespmem:s10+$0xFFFFFFC0];
	_ =	sdelay $0x3  }
0x153: {  	v10 =	vadd.f32 v54, v10  }
0x154: {  	v4 =	vadd.f32 v5, v4  }
0x155: {  	v55 =	vld [tilespmem:s14+$0x50];
	[tilespmem:s14+$0x40] =	vst v10  }
0x156: {  	v56 =	vld [tilespmem:s10+$0x50];
	[tilespmem:s14+$0xFFFFFFC0] =	vst v4  }
0x157: {  	v4 =	vld [tilespmem:s10+$0xFFFFFFD0];
	_ =	sdelay $0x3  }
0x158: {  	v5 =	vadd.f32 v56, v55  }
0x159: {  	v3 =	vadd.f32 v4, v3  }
0x15a: {  	v57 =	vld [tilespmem:s14+$0x60];
	[tilespmem:s14+$0x50] =	vst v5  }
0x15b: {  	v58 =	vld [tilespmem:s10+$0x60];
	[tilespmem:s14+$0xFFFFFFD0] =	vst v3  }
0x15c: {  	v3 =	vld [tilespmem:s10+$0xFFFFFFE0];
	_ =	sdelay $0x2  }
0x15d: {  	v1 =	vadd.f32 v9, v1  }
0x15e: {  	v4 =	vadd.f32 v58, v57  }
0x15f: {  	v59 =	vld [tilespmem:s14+$0x70];
	[tilespmem:s17+$0xFFFFFFE0] =	vst v1;
	v3 =	vadd.f32 v3, v6  }
0x160: {  	v61 =	vld [tilespmem:s20+$0xFFFFFFF0];
	[tilespmem:s14+$0x60] =	vst v4  }
0x161: {  	v60 =	vld [tilespmem:s10+$0x70];
	[tilespmem:s14+$0xFFFFFFE0] =	vst v3  }
0x162: {  	v3 =	vld [tilespmem:s10+$0xFFFFFFF0];
	_ =	sdelay $0x1  }
0x163: {  	v0 =	vadd.f32 v8, v0;
	s31 =	sadd.s32 $0x1, s31  }
0x164: {  	[tilespmem:s17+$0x70] =	vst v11;
	p1 =	sne.s32 s31, s13;
	v62 =	vadd.f32 v61, v2  }
.Ltmp4:
0x165: {  	[tilespmem:s0+$0xFFFFFFF0] =	vst v0;
	s20 =	sadd.s32 s5, s1;
	v1 =	vadd.f32 v60, v59;
	(pc) =	sbr.rel @p1 .LBB2_2-.Ltmp4, $4  }
0x166: {  	s0 =	sshll.u32 s20, $0xB;
	[tilespmem:s17+$0xFFFFFFF0] =	vst v62;
	v63 =	vadd.f32 v3, v7  }
0x167: {  	s0 =	sand.u32 $0x1FFFF800, s0;
	[tilespmem:s14+$0x70] =	vst v1  }
0x168: {  	s0 =	sadd.s32 s6, s0;
	[tilespmem:s14+$0xFFFFFFF0] =	vst v63  }
0x169: {  	[hbm4b:s0+s4] =	stream.linear.scatter [tilespmem:s21], [sflag:$0x6], $0x4000, $0x38;
	[tilespmem:$0x12000] =	vst v63  }
.Ltmp5:
0x16a: {  	(pc) =	sbr.rel @p0 .LBB2_11-.Ltmp5, $1  }
0x16b: {  	_ =	sdelay $0x3  }
0x16c: {  	_ =	swait.ge [sflag:s23], $0x4000  }
0x16d: {  	[sflag:s23] =	ssyncset.done $0x0  }
0x16e: {  	[sflag:s23] =	ssyncadd.s32 $0xFFFFC000  }
0x16f: {  	_ =	swait.ge [sflag:s24], $0x4000  }
0x170: {  	[sflag:s24] =	ssyncset.done $0x0  }
0x171: {  	s0 =	simm.s32 $0x2080;
	[sflag:s24] =	ssyncadd.s32 $0xFFFFC000  }
0x172: {  	s10 =	simm.s32 $0x6080;
	v0 =	vld [tilespmem:s0+$0x0]  }
0x173: {  	v1 =	vld [tilespmem:s10+$0x0];
	_ =	sdelay $0x3  }
0x174: {  	v2 =	vld [tilespmem:s0+$0xFFFFFF80]  }
0x175: {  	v0 =	vadd.f32 v1, v0;
	v1 =	vld [tilespmem:s10+$0xFFFFFF80];
	_ =	sdelay $0x1  }
0x176: {  	[tilespmem:s0+$0x0] =	vst v0;
	v0 =	vld [tilespmem:s0+$0x10]  }
0x177: {  	v3 =	vld [tilespmem:s10+$0x10];
	_ =	sdelay $0x1  }
0x178: {  	v1 =	vadd.f32 v1, v2;
	_ =	sdelay $0x1  }
0x179: {  	v4 =	vld [tilespmem:s0+$0xFFFFFF90];
	[tilespmem:s0+$0xFFFFFF80] =	vst v1  }
0x17a: {  	v0 =	vadd.f32 v3, v0;
	v1 =	vld [tilespmem:s10+$0xFFFFFF90];
	_ =	sdelay $0x1  }
0x17b: {  	[tilespmem:s0+$0x10] =	vst v0;
	v0 =	vld [tilespmem:s0+$0x20]  }
0x17c: {  	v3 =	vld [tilespmem:s10+$0x20]  }
0x17d: {  	v5 =	vld [tilespmem:s0+$0xFFFFFFB0]  }
0x17e: {  	s1 =	simm.s32 $0x2180;
	v6 =	vld [tilespmem:s0+$0xFFFFFFD0];
	v1 =	vadd.f32 v1, v4  }
0x17f: {  	v7 =	vld [tilespmem:s1+$0x0]  }
0x180: {  	v2 =	vld [tilespmem:s0+$0xFFFFFFA0];
	[tilespmem:s0+$0xFFFFFF90] =	vst v1  }
0x181: {  	v0 =	vadd.f32 v3, v0;
	v1 =	vld [tilespmem:s10+$0xFFFFFFA0]  }
0x182: {  	v8 =	vld [tilespmem:s0+$0xFFFFFFE0]  }
0x183: {  	[tilespmem:s0+$0x20] =	vst v0;
	v0 =	vld [tilespmem:s0+$0x30]  }
0x184: {  	s17 =	simm.s32 $0x6180;
	v3 =	vld [tilespmem:s10+$0x30]  }
0x185: {  	v10 =	vld [tilespmem:s17+$0xFFFFFF80]  }
0x186: {  	v1 =	vadd.f32 v1, v2;
	v2 =	vld [tilespmem:s17+$0x0]  }
0x187: {  	v12 =	vld [tilespmem:s1+$0xFFFFFF90]  }
0x188: {  	s9 =	simm.s32 $0x6280;
	v13 =	vld [tilespmem:s1+$0xFFFFFFD0]  }
0x189: {  	v15 =	vld [tilespmem:s9+$0xFFFFFF80];
	v0 =	vadd.f32 v3, v0  }
0x18a: {  	[tilespmem:s0+$0xFFFFFFA0] =	vst v1;
	v1 =	vld [tilespmem:s0+$0x40]  }
0x18b: {  	[tilespmem:s0+$0x30] =	vst v0;
	v2 =	vadd.f32 v2, v7;
	v7 =	vld [tilespmem:s1+$0xFFFFFF80]  }
0x18c: {  	s14 =	simm.s32 $0x2280;
	v9 =	vld [tilespmem:s10+$0x40]  }
0x18d: {  	v16 =	vld [tilespmem:s14+$0xFFFFFF80]  }
0x18e: {  	v3 =	vld [tilespmem:s10+$0xFFFFFFB0]  }
0x18f: {  	v17 =	vld [tilespmem:s1+$0x50]  }
0x190: {  	[tilespmem:s1+$0x0] =	vst v2;
	v2 =	vld [tilespmem:s1+$0x10];
	v7 =	vadd.f32 v10, v7  }
0x191: {  	v11 =	vld [tilespmem:s17+$0x10];
	v1 =	vadd.f32 v9, v1  }
0x192: {  	v9 =	vld [tilespmem:s0+$0x50];
	[tilespmem:s1+$0xFFFFFF80] =	vst v7  }
0x193: {  	[tilespmem:s0+$0x40] =	vst v1;
	v1 =	vadd.f32 v3, v5;
	v5 =	vld [tilespmem:s17+$0xFFFFFF90]  }
0x194: {  	v3 =	vld [tilespmem:s10+$0x50]  }
0x195: {  	v60 =	vld [tilespmem:s14+$0xFFFFFFA0]  }
0x196: {  	v4 =	vld [tilespmem:s0+$0xFFFFFFC0];
	v2 =	vadd.f32 v11, v2;
	[tilespmem:s0+$0xFFFFFFB0] =	vst v1  }
0x197: {  	v1 =	vld [tilespmem:s10+$0xFFFFFFC0]  }
0x198: {  	[tilespmem:s1+$0x10] =	vst v2;
	v2 =	vld [tilespmem:s1+$0x20]  }
0x199: {  	v5 =	vadd.f32 v5, v12;
	v3 =	vadd.f32 v3, v9;
	v9 =	vld [tilespmem:s17+$0x20]  }
0x19a: {  	v18 =	vld [tilespmem:s1+$0x60];
	v15 =	vadd.f32 v15, v16  }
0x19b: {  	v10 =	vld [tilespmem:s1+$0xFFFFFFA0];
	[tilespmem:s1+$0xFFFFFF90] =	vst v5  }
0x19c: {  	[tilespmem:s14+$0xFFFFFF80] =	vst v15;
	v1 =	vadd.f32 v1, v4;
	v4 =	vld [tilespmem:s17+$0xFFFFFFA0]  }
0x19d: {  	v15 =	vld [tilespmem:s9+$0xFFFFFF90]  }
0x19e: {  	v0 =	vld [tilespmem:s0+$0xFFFFFFF0];
	[tilespmem:s0+$0xFFFFFFC0] =	vst v1;
	v1 =	vadd.f32 v9, v2  }
0x19f: {  	v7 =	vld [tilespmem:s1+$0xFFFFFFB0]  }
0x1a0: {  	v5 =	vld [tilespmem:s1+$0x30];
	[tilespmem:s1+$0x20] =	vst v1  }
0x1a1: {  	v4 =	vadd.f32 v4, v10;
	v10 =	vld [tilespmem:s17+$0x30]  }
0x1a2: {  	v2 =	vld [tilespmem:s10+$0xFFFFFFD0]  }
0x1a3: {  	v11 =	vld [tilespmem:s0+$0x60]  }
0x1a4: {  	v12 =	vld [tilespmem:s1+$0xFFFFFFC0];
	[tilespmem:s0+$0x50] =	vst v3  }
0x1a5: {  	v3 =	vld [tilespmem:s10+$0x60]  }
0x1a6: {  	[tilespmem:s1+$0xFFFFFFA0] =	vst v4;
	v4 =	vld [tilespmem:s14+$0x0];
	v5 =	vadd.f32 v10, v5  }
0x1a7: {  	v2 =	vadd.f32 v2, v6;
	v6 =	vld [tilespmem:s9+$0x0]  }
0x1a8: {  	v10 =	vld [tilespmem:s1+$0x40];
	[tilespmem:s1+$0x30] =	vst v5  }
0x1a9: {  	v5 =	vld [tilespmem:s17+$0x40]  }
0x1aa: {  	v9 =	vld [tilespmem:s0+$0x70];
	v3 =	vadd.f32 v3, v11  }
0x1ab: {  	v1 =	vld [tilespmem:s1+$0xFFFFFFE0]  }
0x1ac: {  	[tilespmem:s0+$0x60] =	vst v3;
	v3 =	vld [tilespmem:s17+$0xFFFFFFB0];
	v4 =	vadd.f32 v6, v4  }
0x1ad: {  	v6 =	vld [tilespmem:s14+$0xFFFFFF90]  }
0x1ae: {  	[tilespmem:s14+$0x0] =	vst v4;
	v4 =	vld [tilespmem:s14+$0x10];
	v5 =	vadd.f32 v5, v10  }
0x1af: {  	v10 =	vld [tilespmem:s9+$0x10]  }
0x1b0: {  	v11 =	vld [tilespmem:s10+$0x70];
	[tilespmem:s1+$0x40] =	vst v5  }
0x1b1: {  	v3 =	vadd.f32 v3, v7;
	v7 =	vld [tilespmem:s17+$0x50]  }
0x1b2: {  	[tilespmem:s0+$0xFFFFFFD0] =	vst v2;
	v2 =	vld [tilespmem:s1+$0xFFFFFFF0]  }
0x1b3: {  	v14 =	vld [tilespmem:s10+$0xFFFFFFE0];
	[tilespmem:s1+$0xFFFFFFB0] =	vst v3;
	v6 =	vadd.f32 v15, v6  }
0x1b4: {  	v3 =	vadd.f32 v10, v4;
	v10 =	vld [tilespmem:s17+$0xFFFFFFC0]  }
0x1b5: {  	[tilespmem:s14+$0xFFFFFF90] =	vst v6;
	v6 =	vld [tilespmem:s14+$0xFFFFFFE0]  }
0x1b6: {  	v5 =	vld [tilespmem:s14+$0xFFFFFFB0];
	[tilespmem:s14+$0x10] =	vst v3;
	v3 =	vadd.f32 v7, v17  }
0x1b7: {  	v7 =	vld [tilespmem:s14+$0x20]  }
0x1b8: {  	v15 =	vld [tilespmem:s9+$0x20];
	[tilespmem:s1+$0x50] =	vst v3  }
0x1b9: {  	v10 =	vadd.f32 v10, v12;
	v12 =	vld [tilespmem:s17+$0x60]  }
0x1ba: {  	v61 =	vld [tilespmem:s9+$0xFFFFFFA0]  }
0x1bb: {  	v4 =	vld [tilespmem:s14+$0xFFFFFFC0];
	[tilespmem:s1+$0xFFFFFFC0] =	vst v10  }
0x1bc: {  	v10 =	vld [tilespmem:s17+$0xFFFFFFD0]  }
0x1bd: {  	v3 =	vld [tilespmem:s14+$0xFFFFFFD0];
	v7 =	vadd.f32 v15, v7  }
0x1be: {  	v15 =	vld [tilespmem:s1+$0x70];
	v12 =	vadd.f32 v12, v18  }
0x1bf: {  	[tilespmem:s14+$0x20] =	vst v7;
	v7 =	vadd.f32 v14, v8;
	v14 =	vld [tilespmem:s14+$0x30]  }
0x1c0: {  	v8 =	vadd.f32 v61, v60;
	v62 =	vld [tilespmem:s9+$0x30];
	[tilespmem:s1+$0x60] =	vst v12  }
0x1c1: {  	[tilespmem:s0+$0xFFFFFFE0] =	vst v7;
	v7 =	vadd.f32 v10, v13;
	v63 =	vld [tilespmem:s17+$0x70]  }
0x1c2: {  	[tilespmem:s14+$0xFFFFFFA0] =	vst v8;
	v8 =	vld [tilespmem:s10+$0xFFFFFFF0]  }
0x1c3: {  	v12 =	vld [tilespmem:s9+$0xFFFFFFB0];
	[tilespmem:s1+$0xFFFFFFD0] =	vst v7  }
0x1c4: {  	v10 =	vadd.f32 v11, v9;
	v9 =	vld [tilespmem:s17+$0xFFFFFFE0]  }
0x1c5: {  	v7 =	vld [tilespmem:s14+$0xFFFFFFF0];
	v13 =	vadd.f32 v62, v14  }
0x1c6: {  	s12 =	simm.s32 $0x4;
	s11 =	simm.s32 $0x2380;
	s10 =	simm.s32 $0x6280;
	[tilespmem:s0+$0x70] =	vst v10;
	v10 =	vld [tilespmem:s14+$0x40];
	v11 =	vadd.f32 v63, v15  }
.LBB2_9:
0x1c7: {  	v14 =	vld [tilespmem:s11+$0x0];
	[tilespmem:s14+$0x30] =	vst v13;
	s9 =	sadd.s32 $0x100, s9;
	v8 =	vadd.f32 v8, v0;
	v0 =	vmov v2  }
0x1c8: {  	v13 =	vld [tilespmem:s9+$0x0];
	v12 =	vadd.f32 v12, v5;
	[tilespmem:s1+$0x70] =	vst v11  }
0x1c9: {  	s12 =	sadd.s32 $0x2, s12;
	v5 =	vld [tilespmem:s10+$0x40];
	v9 =	vadd.f32 v9, v1;
	[tilespmem:s0+$0xFFFFFFF0] =	vst v8;
	v1 =	vmov v6;
	s0 =	smov.u32 s1;
	s1 =	smov.u32 s14  }
0x1ca: {  	p1 =	slt.u32 s12, $0x7E;
	s14 =	smov.u32 s11;
	v6 =	vld [tilespmem:s9+$0xFFFFFF80];
	[tilespmem:s1+$0xFFFFFFB0] =	vst v12;
	v2 =	vmov v7  }
0x1cb: {  	v7 =	vld [tilespmem:s11+$0xFFFFFF80];
	[tilespmem:s0+$0xFFFFFFE0] =	vst v9  }
0x1cc: {  	v8 =	vld [tilespmem:s11+$0xFFFFFF90]  }
0x1cd: {  	v9 =	vld [tilespmem:s11+$0xFFFFFFA0];
	v11 =	vadd.f32 v13, v14  }
0x1ce: {  	v5 =	vadd.f32 v5, v10;
	v10 =	vld [tilespmem:s1+$0x50]  }
0x1cf: {  	[tilespmem:s11+$0x0] =	vst v11;
	v11 =	vld [tilespmem:s11+$0x10]  }
0x1d0: {  	v6 =	vadd.f32 v6, v7;
	v7 =	vld [tilespmem:s9+$0x10];
	[tilespmem:s1+$0x40] =	vst v5  }
0x1d1: {  	v12 =	vld [tilespmem:s10+$0x50]  }
0x1d2: {  	[tilespmem:s11+$0xFFFFFF80] =	vst v6;
	v5 =	vld [tilespmem:s11+$0xFFFFFFB0]  }
0x1d3: {  	v6 =	vld [tilespmem:s9+$0xFFFFFF90]  }
0x1d4: {  	v13 =	vld [tilespmem:s10+$0xFFFFFFC0]  }
0x1d5: {  	v14 =	vld [tilespmem:s11+$0xFFFFFFC0];
	v7 =	vadd.f32 v7, v11  }
0x1d6: {  	v10 =	vadd.f32 v12, v10;
	v11 =	vld [tilespmem:s1+$0x60]  }
0x1d7: {  	[tilespmem:s11+$0x10] =	vst v7;
	v7 =	vld [tilespmem:s11+$0x20]  }
0x1d8: {  	v6 =	vadd.f32 v6, v8;
	v8 =	vld [tilespmem:s9+$0x20];
	[tilespmem:s1+$0x50] =	vst v10  }
0x1d9: {  	v10 =	vadd.f32 v13, v4;
	v12 =	vld [tilespmem:s10+$0x60]  }
0x1da: {  	[tilespmem:s11+$0xFFFFFF90] =	vst v6;
	v13 =	vld [tilespmem:s11+$0xFFFFFFD0];
	v4 =	vmov v14  }
0x1db: {  	v14 =	vld [tilespmem:s9+$0xFFFFFFA0];
	[tilespmem:s1+$0xFFFFFFC0] =	vst v10  }
0x1dc: {  	v10 =	vld [tilespmem:s10+$0xFFFFFFD0]  }
0x1dd: {  	v6 =	vld [tilespmem:s11+$0xFFFFFFE0];
	v7 =	vadd.f32 v8, v7  }
0x1de: {  	v8 =	vadd.f32 v12, v11;
	v11 =	vld [tilespmem:s1+$0x70]  }
0x1df: {  	[tilespmem:s11+$0x20] =	vst v7;
	v15 =	vld [tilespmem:s11+$0x30]  }
0x1e0: {  	v7 =	vadd.f32 v14, v9;
	v14 =	vld [tilespmem:s9+$0x30];
	[tilespmem:s1+$0x60] =	vst v8  }
0x1e1: {  	v9 =	vadd.f32 v10, v3;
	v16 =	vld [tilespmem:s10+$0x70];
	v3 =	vmov v13  }
.Ltmp6:
0x1e2: {  	[tilespmem:s11+$0xFFFFFFA0] =	vst v7;
	v8 =	vld [tilespmem:s17+$0xFFFFFFF0];
	s17 =	smov.u32 s10;
	s10 =	smov.u32 s9;
	(pc) =	sbr.rel @p1 .LBB2_9-.Ltmp6, $4  }
0x1e3: {  	v12 =	vld [tilespmem:s9+$0xFFFFFFB0];
	[tilespmem:s1+$0xFFFFFFD0] =	vst v9  }
0x1e4: {  	v9 =	vld [tilespmem:s17+$0xFFFFFFE0]  }
0x1e5: {  	v7 =	vld [tilespmem:s11+$0xFFFFFFF0];
	v13 =	vadd.f32 v14, v15  }
0x1e6: {  	s11 =	sadd.s32 $0x100, s11;
	v10 =	vld [tilespmem:s14+$0x40];
	v11 =	vadd.f32 v16, v11  }
0x1e7: {  	_ = 	snop  }
0x1e8: {  	v5 =	vadd.f32 v12, v5  }
0x1e9: {  	[tilespmem:s14+$0x30] =	vst v13  }
0x1ea: {  	v54 =	vld [tilespmem:s10+$0x40];
	[tilespmem:s14+$0xFFFFFFB0] =	vst v5  }
0x1eb: {  	v5 =	vld [tilespmem:s10+$0xFFFFFFC0];
	_ =	sdelay $0x3  }
0x1ec: {  	v10 =	vadd.f32 v54, v10  }
0x1ed: {  	v4 =	vadd.f32 v5, v4  }
0x1ee: {  	v55 =	vld [tilespmem:s14+$0x50];
	[tilespmem:s14+$0x40] =	vst v10  }
0x1ef: {  	v56 =	vld [tilespmem:s10+$0x50];
	[tilespmem:s14+$0xFFFFFFC0] =	vst v4  }
0x1f0: {  	v4 =	vld [tilespmem:s10+$0xFFFFFFD0];
	_ =	sdelay $0x3  }
0x1f1: {  	v5 =	vadd.f32 v56, v55  }
0x1f2: {  	v3 =	vadd.f32 v4, v3  }
0x1f3: {  	v57 =	vld [tilespmem:s14+$0x60];
	[tilespmem:s14+$0x50] =	vst v5  }
0x1f4: {  	v58 =	vld [tilespmem:s10+$0x60];
	[tilespmem:s14+$0xFFFFFFD0] =	vst v3  }
0x1f5: {  	v3 =	vld [tilespmem:s10+$0xFFFFFFE0];
	_ =	sdelay $0x2  }
0x1f6: {  	v1 =	vadd.f32 v9, v1  }
0x1f7: {  	v4 =	vadd.f32 v58, v57  }
0x1f8: {  	v59 =	vld [tilespmem:s14+$0x70];
	[tilespmem:s1+$0xFFFFFFE0] =	vst v1;
	v3 =	vadd.f32 v3, v6  }
0x1f9: {  	v61 =	vld [tilespmem:s17+$0xFFFFFFF0];
	[tilespmem:s14+$0x60] =	vst v4  }
0x1fa: {  	v60 =	vld [tilespmem:s10+$0x70];
	[tilespmem:s14+$0xFFFFFFE0] =	vst v3  }
0x1fb: {  	v3 =	vld [tilespmem:s10+$0xFFFFFFF0];
	_ =	sdelay $0x1  }
0x1fc: {  	v0 =	vadd.f32 v8, v0  }
0x1fd: {  	[tilespmem:s1+$0x70] =	vst v11;
	v62 =	vadd.f32 v61, v2  }
0x1fe: {  	[tilespmem:s0+$0xFFFFFFF0] =	vst v0;
	v1 =	vadd.f32 v60, v59  }
.Ltmp7:
0x1ff: {  	[tilespmem:s1+$0xFFFFFFF0] =	vst v62;
	v63 =	vadd.f32 v3, v7;
	(pc) =	sbr.rel .LBB2_11-.Ltmp7, $4  }
0x200: {  	[tilespmem:s14+$0x70] =	vst v1  }
0x201: {  	[tilespmem:s14+$0xFFFFFFF0] =	vst v63  }
0x202: {  	s0 =	rddreg [dreg:$0x8]  }
0x203: {  	[hbm4b:s0+s4] =	stream.linear.scatter [tilespmem:s19], [sflag:$0x5], $0x4000, $0x38;
	[tilespmem:$0x12000] =	vst v63  }
.LBB2_12:
0x204: {  	_ =	sfence.sel $0x180000  }
0x205: {  	[bflag:$0x0] =	sbarrier.arrive $0xFFFF  }
0x206: {  	_ =	strace $0x9000004A  }
0x207: {  	s0 =	stileid.u32;
	[bflag:$0x2] =	sbarrier.arrive $0xFFFF  }
0x208: {  	p0 =	sne.s32 s0, $0x0;
	s0 =	rddreg [dreg:$0x3]  }
0x209: {  	s0 =	sadd.s32 @!p0 $0x100000, s0  }
0x20a: {  	[sflag:s0] =	ssyncadd.tile.s32 @!p0 $0x1;
	_ =	shalt  }
.Lfunc_end2:
_tile_overlayer_lowered:
.L_overlay_start_2:
0x20b: {  	(tag) =	ssettag $0x2  }
0x20c: {  	s0 =	rddreg [dreg:$0x0];
	s2 =	stileid.u32  }
0x20d: {  	s1 =	rddreg [dreg:$0x1];
	p0 =	sne.s32 s2, $0x0  }
0x20e: {  	s3 =	rddreg [dreg:$0x2];
	[bflag:$0x3] =	sbarrier.arrive $0xFFFF;
	s2 =	simm.s32 @!p0 $0x1C07  }
0x20f: {  	[timem:s3], [sflag:s2] =	dma.local @!p0 [hbm:s0], s1  }
0x210: {  	s0 =	simm.s32 @!p0 $0x7  }
0x211: {  	_ =	swait.ge @!p0 [sflag:s0], s1  }
0x212: {  	s1 =	ssub.s32 @!p0 $0x0, s1;
	[sflag:s0] =	ssyncset.done @!p0 $0x0  }
0x213: {  	[sflag:s0] =	ssyncadd.s32 @!p0 s1  }
0x214: {  	[bflag:$0x3] =	sbarrier.arrive $0xFFFF  }
0x215: {  	_ =	shalt  }

// kernel: kernel.13.cloned.1.call-start
scs
__scs_entry_jumppad:
0x0: {  	(pc) =	sbr.rel $0x88, $3  }
0x1: {  	(tag) =	ssettag $0x0;
	lr =	simm.s32 $0x1  }
0x2: {  	[smem:$0x3F8B] =	sst lr;
	_ =	strace $0xD0000000  }
0x3: {  	_ = 	snop  }
0x4: {  	_ = 	snop  }
0x5: {  	_ = 	snop  }
0x6: {  	_ = 	snop  }
0x7: {  	_ = 	snop  }
__scs_overlays_trampoline_lowered:
0x8: {  	[smem:$0x3F9A] =	sst s0  }
0x9: {  	[smem:$0x3F9B] =	sst s1  }
0xa: {  	[smem:$0x3F9C] =	sst s2  }
0xb: {  	[smem:$0x3F9D] =	sst s3  }
0xc: {  	[smem:$0x3F9E] =	sst s4  }
0xd: {  	[smem:$0x3F9F] =	sst s5  }
0xe: {  	[smem:$0x3FA0] =	sst s6  }
0xf: {  	[smem:$0x3FA1] =	sst s7  }
0x10: {  	[smem:$0x3FA2] =	sst s8  }
0x11: {  	[smem:$0x3FA3] =	sst s9;
	s0 =	simm.s32 @!p0 $0x0  }
0x12: {  	s1 =	sld [smem:$0x3F89];
	s0 =	simm.s32 @p0 $0x1  }
0x13: {  	[smem:$0x3FA4] =	sst s0;
	s0 =	simm.s32 @!p1 $0x0  }
0x14: {  	s2 =	sld [smem:$0x3F88];
	s0 =	simm.s32 @p1 $0x1  }
0x15: {  	[smem:$0x3FA5] =	sst s0;
	s0 =	simm.s32 @!p2 $0x0  }
0x16: {  	s3 =	sld [smem:$0x3FDB];
	s0 =	simm.s32 @p2 $0x1  }
0x17: {  	s4 =	simm.s32 $0x1BF5;
	[smem:$0x3FA7] =	sst s0  }
0x18: {  	s0 =	sld [smem:$0x3F8A];
	_ =	swait.ge [sflag:s4], $0x0  }
0x19: {  	s7 =	sld [smem:$0x3F8B]  }
0x1a: {  	s8 =	sadd.s32 $0xFFFFE003, lr  }
0x1b: {  	s9 =	sadd.s32 $0xFFFFFEF7, lr;
	s5 =	simm.s32 $0xFFFFFFFF;
	p2 =	slt.u32 s8, $0xFFFFF086  }
0x1c: {  	p1 =	slt.u32 s9, $0xF7A;
	s5 =	simm.s32 @!p2 $0x0  }
0x1d: {  	s5 =	simm.s32 @p1 $0x1;
	p0 =	seq.s32 s7, s2  }
0x1e: {  	s7 =	smul.u32 @!p0 $0xF7A, s2;
	p2 =	seq.s32 @!p0 s5, $0x0  }
0x1f: {  	s9 =	smul.u32 $0xF7A, s1;
	s8 =	simm.s32 @!p0 $0x1BF5;
	p2 =	por !p2, p0  }
0x20: {  	[sflag:s8] =	ssyncset.s32 @!p0 $0xFFFFF086;
	s6 =	sadd.s32 @!p0 s3, s7;
	s7 =	simm.s32 @!p0 $0x108  }
0x21: {  	s3 =	sadd.s32 s3, s9;
	s6 =	sadd.s32 @!p0 $0x88, s6;
	s7 =	simm.s32 @p2 $0x1082  }
0x22: {  	[simem:s7], [sflag:s8] =	dma.local @!p0 [hbm:s6], $0xF7A  }
0x23: {  	s9 =	sor.u32 $0xD0000000, s2;
	s6 =	simm.s32 $0x108;
	_ =	swait.ge @!p0 [sflag:s8], $0x0  }
0x24: {  	s3 =	sadd.s32 $0x88, s3;
	s6 =	simm.s32 @!p1 $0x1082;
	[sflag:s4] =	ssyncset.s32 $0xFFFFF086  }
0x25: {  	[simem:s6], [sflag:s4] =	dma.local [hbm:s3], $0xF7A  }
0x26: {  	[smem:$0x3F8B] =	sst s1;
	(tag) =	ssettag s2;
	_ =	strace s9  }
0x27: {  	s1 =	sld [smem:$0x3F9B]  }
0x28: {  	s2 =	sld [smem:$0x3F9C]  }
0x29: {  	s4 =	sld [smem:$0x3F9E]  }
0x2a: {  	p0 =	seq.s32 s5, $0x0;
	s5 =	sld [smem:$0x3F9F]  }
0x2b: {  	s6 =	sld [smem:$0x3FA0]  }
0x2c: {  	s7 =	sld [smem:$0x3FA1]  }
0x2d: {  	s3 =	simm.s32 $0x108;
	s8 =	sld [smem:$0x3FA2]  }
0x2e: {  	s3 =	simm.s32 @!p0 $0x1082;
	s9 =	sld [smem:$0x3FA3]  }
0x2f: {  	lr =	sadd.s32 s0, s3;
	s0 =	sld [smem:$0x3F9A]  }
0x30: {  	s3 =	sld [smem:$0x3F9D]  }
0x31: {  	[smem:$0x3FA6] =	sst s10  }
0x32: {  	s10 =	sld [smem:$0x3FA4];
	_ =	sdelay $0x3  }
0x33: {  	p0 =	seq.s32 s10, $0x1;
	s10 =	sld [smem:$0x3FA6];
	_ =	sdelay $0x3  }
0x34: {  	[smem:$0x3FA6] =	sst s10  }
0x35: {  	s10 =	sld [smem:$0x3FA5];
	_ =	sdelay $0x3  }
0x36: {  	p1 =	seq.s32 s10, $0x1;
	s10 =	sld [smem:$0x3FA6];
	_ =	sdelay $0x3  }
0x37: {  	[smem:$0x3FA6] =	sst s10  }
0x38: {  	s10 =	sld [smem:$0x3FA7]  }
0x39: {  	_ = 	snop;
	(pc) =	sbr.ind lr, $3  }
0x3a: {  	_ = 	snop  }
0x3b: {  	_ = 	snop  }
0x3c: {  	p2 =	seq.s32 s10, $0x1;
	s10 =	sld [smem:$0x3FA6]  }
0x3d: {  	_ =	shalt  }
0x3e: {  	_ =	shalt  }
0x3f: {  	_ =	shalt  }
0x40: {  	_ =	shalt  }
0x41: {  	_ =	shalt  }
0x42: {  	_ =	shalt  }
0x43: {  	_ =	shalt  }
0x44: {  	_ =	shalt  }
0x45: {  	_ =	shalt  }
0x46: {  	_ =	shalt  }
0x47: {  	_ =	shalt  }
0x48: {  	_ =	shalt  }
0x49: {  	_ =	shalt  }
0x4a: {  	_ =	shalt  }
0x4b: {  	_ =	shalt  }
0x4c: {  	_ =	shalt  }
0x4d: {  	_ =	shalt  }
0x4e: {  	_ =	shalt  }
0x4f: {  	_ =	shalt  }
0x50: {  	_ =	shalt  }
0x51: {  	_ =	shalt  }
0x52: {  	_ =	shalt  }
0x53: {  	_ =	shalt  }
0x54: {  	_ =	shalt  }
0x55: {  	_ =	shalt  }
0x56: {  	_ =	shalt  }
0x57: {  	_ =	shalt  }
0x58: {  	_ =	shalt  }
0x59: {  	_ =	shalt  }
0x5a: {  	_ =	shalt  }
0x5b: {  	_ =	shalt  }
0x5c: {  	_ =	shalt  }
0x5d: {  	_ =	shalt  }
0x5e: {  	_ =	shalt  }
0x5f: {  	_ =	shalt  }
0x60: {  	_ =	shalt  }
0x61: {  	_ =	shalt  }
0x62: {  	_ =	shalt  }
0x63: {  	_ =	shalt  }
0x64: {  	_ =	shalt  }
0x65: {  	_ =	shalt  }
0x66: {  	_ =	shalt  }
0x67: {  	_ =	shalt  }
0x68: {  	_ =	shalt  }
0x69: {  	_ =	shalt  }
0x6a: {  	_ =	shalt  }
0x6b: {  	_ =	shalt  }
0x6c: {  	_ =	shalt  }
0x6d: {  	_ =	shalt  }
0x6e: {  	_ =	shalt  }
0x6f: {  	_ =	shalt  }
0x70: {  	_ =	shalt  }
0x71: {  	_ =	shalt  }
0x72: {  	_ =	shalt  }
0x73: {  	_ =	shalt  }
0x74: {  	_ =	shalt  }
0x75: {  	_ =	shalt  }
0x76: {  	_ =	shalt  }
0x77: {  	_ =	shalt  }
0x78: {  	_ =	shalt  }
0x79: {  	_ =	shalt  }
0x7a: {  	_ =	shalt  }
0x7b: {  	_ =	shalt  }
0x7c: {  	_ =	shalt  }
0x7d: {  	_ =	shalt  }
0x7e: {  	_ =	shalt  }
0x7f: {  	_ =	shalt  }
0x80: {  	_ =	shalt  }
0x81: {  	_ =	shalt  }
0x82: {  	_ =	shalt  }
0x83: {  	_ =	shalt  }
0x84: {  	_ =	shalt  }
0x85: {  	_ =	shalt  }
0x86: {  	_ =	shalt  }
0x87: {  	_ =	shalt  }
.Lfunc_end0:
.L_simem_size_0:
called_computation.1_lowered:
.L_overlay_start_0:
0x88: {  	s2 =	sld [smem:$0x3FD9]  }
0x89: {  	s3 =	sld [smem:$0x3FFE];
	_ =	sdelay $0x1  }
0x8a: {  	s1 =	srdreg.scid  }
0x8b: {  	s0 =	sand.u32 $0x1, s1  }
0x8c: {  	s14 =	sshll.u32 s0, $0xA;
	s2 =	sadd.s32 s3, s2  }
0x8d: {  	s2 =	sadd.s32 s2, s14  }
0x8e: {  	[smem:$0x3FB2] =	sst s2  }
0x8f: {  	_ = 	snop  }
0x90: {  	s2 =	sld [smem:$0x3FD0];
	_ =	sdelay $0x2  }
0x91: {  	s15 =	simm.s32 $0xB;
	s4 =	simm.s32 $0x10  }
0x92: {  	[smem:s4], [sflag:s15] =	dma.local [hbm:s2], $0x1  }
0x93: {  	_ =	swait.eq [sflag:s15], $0x1  }
0x94: {  	[sflag:s15] =	ssyncset.done $0x0  }
0x95: {  	s16 =	sld [smem:$0x10];
	[sflag:s15] =	ssyncadd.s32 $0xFFFFFFFF  }
0x96: {  	s17 =	sld [smem:$0x11];
	(tm) =	ssettm $0x1  }
0x97: {  	s18 =	sld [smem:$0x3FFB];
	_ =	sdelay $0x3  }
0x98: {  	_ =	strace s18  }
0x99: {  	s4 =	sld [smem:$0x3FFC];
	_ =	sdelay $0x3  }
0x9a: {  	_ =	strace s4  }
0x9b: {  	s4 =	sld [smem:$0x3FFD];
	_ =	sdelay $0x3  }
0x9c: {  	_ =	strace s4  }
0x9d: {  	_ =	strace $0x8FFFFFFF  }
0x9e: {  	s19 =	sld [smem:$0x3FDB];
	_ =	sdelay $0x1  }
0x9f: {  	s5 =	simm.s32 $_scs_section_size  }
0xa0: {  	s6 =	simm.s32 $_size__tile_overlayer_lowered;
	s7 =	simm.s32 $_tile_overlayer_lowered  }
0xa1: {  	s22 =	simm.s32 $0x1BFF;
	s21 =	sshll.u32 s7, $0x1;
	s4 =	sadd.s32 s5, s19  }
0xa2: {  	s8 =	simm.s32 $0x0;
	s20 =	sshll.u32 s6, $0x1;
	s6 =	sadd.s32 s21, s4  }
0xa3: {  	[timem:s8], [sflag:s22] =	dma.local [hbm:s6], s20  }
0xa4: {  	_ =	swait.ge [sflag:s22], s20  }
0xa5: {  	s5 =	ssub.s32 $0x0, s20;
	[sflag:s22] =	ssyncset.done $0x0  }
0xa6: {  	[sflag:s22] =	ssyncadd.s32 s5;
	_ =	sdelay $0x1  }
0xa7: {  	s23 =	simm.s32 $0x1B8B  }
0xa8: {  	_ =	swait.ge [sflag:s23], $0x1  }
0xa9: {  	[sflag:s23] =	ssyncset.done $0x0  }
0xaa: {  	s25 =	simm.s32 $0x1B8E;
	s24 =	sld [smem:$0x3FFE];
	[sflag:s23] =	ssyncadd.s32 $0xFFFFFFFF  }
0xab: {  	s26 =	simm.s32 $execute0_lowered;
	[smem:$0x3FD2] =	sst s25  }
0xac: {  	s6 =	sshll.u32 s26, $0x1;
	_ =	strace $0x80000046;
	[dreg:$0x1] =	wrdreg $0xFFFFFFFF  }
0xad: {  	s28 =	simm.s32 $_size_execute0_lowered;
	s4 =	sadd.s32 s4, s6;
	[dreg:$0x0] =	wrdreg $0x0  }
0xae: {  	s6 =	sshll.u32 s28, $0x1;
	[dreg:$0x2] =	wrdreg s4  }
0xaf: {  	[dreg:$0x3] =	wrdreg s6  }
0xb0: {  	[dreg:$0x4] =	wrdreg $0xC0  }
0xb1: {  	_ =	task [dreg:s8], $0x5FFFF  }
0xb2: {  	[dreg:$0x1] =	wrdreg $0xFFFFFFFF  }
0xb3: {  	[dreg:$0x0] =	wrdreg $0x60  }
0xb4: {  	[dreg:$0x2] =	wrdreg s17  }
0xb5: {  	[dreg:$0x3] =	wrdreg s16  }
0xb6: {  	[dreg:$0x4] =	wrdreg s24  }
0xb7: {  	[dreg:$0x5] =	wrdreg $0xA  }
0xb8: {  	_ =	task.clear_ibuf [dreg:s8], $0x6FFFF;
	_ =	strace $0x90000046  }
0xb9: {  	s29 =	simm.s32 $0xA;
	_ =	strace $0x80000048  }
0xba: {  	_ =	swait.ge [sflag:s29], $0x1  }
0xbb: {  	[sflag:s29] =	ssyncadd.s32 $0xFFFFFFFF  }
0xbc: {  	_ =	strace $0x90000048  }
0xbd: {  	_ =	sfence  }
0xbe: {  	s30 =	sld [smem:$0x0];
	_ =	sdelay $0x2  }
0xbf: {  	s31 =	sshll.u32 s1, $0xD;
	s1 =	sshrl.u32 s1, $0x2  }
0xc0: {  	s3 =	sand.u32 $0x4000, s31;
	s1 =	sadd.s32 s1, s30  }
0xc1: {  	s0 =	sor.u32 s3, s0;
	s1 =	sshll.u32 s1, $0x11  }
0xc2: {  	s0 =	sor.u32 s1, s0  }
0xc3: {  	s0 =	sadd.s32 $0x8F2B, s0  }
0xc4: {  	[sflag:s0] =	ssyncadd.remote.s32 $0x1  }
0xc5: {  	_ =	sfence.sel $0xFFFF  }
0xc6: {  	[dreg:$0x0] =	wrdreg $0xFFFFFFFF;
	(pc) =	sbr.abs _section_cstart, $3  }
0xc7: {  	[dreg:$0x1] =	wrdreg $0xFFFFFFFF  }
0xc8: {  	_ =	task.clear_ibuf [dreg:s8], $0x2FFFF;
	_ =	strace $0x9FFFFFFF  }
0xc9: {  	(tm) =	ssettm $0x7FFFFFFF  }
tec
execute0_lowered:
.L_overlay_start_1:
0x0: {  	(tag) =	ssettag $0x1  }
0x1: {  	s0 =	srdreg.scid;
	s2 =	rddreg [dreg:$0x0]  }
0x2: {  	s1 =	stileid.u32;
	s3 =	rddreg [dreg:$0x1]  }
0x3: {  	s6 =	rddreg [dreg:$0x2];
	s4 =	simm.s32 $0x0;
	s16 =	simm.s32 $0x7  }
0x4: {  	s18 =	simm.s32 $0x80;
	s19 =	simm.s32 $0x2000;
	s21 =	simm.s32 $0xA000  }
0x5: {  	s22 =	simm.s32 $0xE000;
	s23 =	simm.s32 $0x1;
	s24 =	simm.s32 $0x2  }
0x6: {  	s25 =	simm.s32 $0x3;
	s28 =	simm.s32 $0x5;
	s29 =	simm.s32 $0x6  }
0x7: {  	s0 =	sand.u32 $0x1, s0;
	s1 =	sshll.u32 s1, $0x1;
	[smem:$0x7FF] =	sst s4  }
0x8: {  	s30 =	simm.s32 $0x0;
	s1 =	sor.u32 s0, s1;
	_ =	strace $0x80000047  }
0x9: {  	s0 =	ssub.s32 $0x2, s0;
	s5 =	smul.u32 $0x13, s1;
	s7 =	smin.u32 s1, $0x11  }
0xa: {  	s8 =	sshrl.u32 s0, $0x1;
	p0 =	slt.u32 s1, $0x11;
	s1 =	simm.s32 $0x13  }
0xb: {  	s0 =	ssub.s32 s0, s8;
	s1 =	simm.s32 @!p0 $0x12;
	s5 =	sadd.s32 s7, s5  }
0xc: {  	s0 =	smax.u32 s0, $0x1;
	s7 =	sshll.u32 s5, $0x4;
	s8 =	sand.u32 $0x7, s5  }
0xd: {  	s1 =	sadd.s32 s1, s5;
	[dreg:$0x9] =	wrdreg s0;
	s7 =	sand.u32 $0x7F80, s7  }
0xe: {  	s26 =	sshll.u32 s8, $0x7;
	s1 =	sshll.u32 s1, $0xB;
	s9 =	sadd.s32 s7, s6  }
0xf: {  	s6 =	sadd.s32 $0x9E00, s6;
	s7 =	simm.s32 $0x14;
	[dreg:$0x6] =	wrdreg s26  }
.Ltmp0:
0x10: {  	s1 =	sand.u32 $0x1FFFF800, s1;
	s10 =	sadd.s32 $0x4E00, s9;
	(pc) =	sbr.rel .LBB2_1-.Ltmp0, $4  }
0x11: {  	s7 =	simm.s32 @!p0 $0x13;
	s9 =	sadd.s32 $0x7600, s9;
	[dreg:$0x4] =	wrdreg s10  }
0x12: {  	s1 =	sadd.s32 s6, s1;
	[dreg:$0x5] =	wrdreg s9;
	s9 =	sor.u32 $0x1000, s26  }
0x13: {  	s13 =	sshrl.u32 s7, $0x1;
	s31 =	sand.u32 $0x1, s7;
	[dreg:$0x8] =	wrdreg s1  }
0x14: {  	s26 =	simm.s32 $0x4;
	[dreg:$0x7] =	wrdreg s9;
	p0 =	seq.s32 s31, $0x0  }
.LBB2_11:
0x15: {  	_ =	swait.ge [sflag:s28], $0x4000  }
0x16: {  	[sflag:s28] =	ssyncset.done $0x0  }
0x17: {  	[sflag:s28] =	ssyncadd.s32 $0xFFFFC000  }
0x18: {  	_ =	swait.ge [sflag:s29], $0x4000  }
0x19: {  	s30 =	sadd.s32 $0x1, s30;
	s0 =	rddreg [dreg:$0x9]  }
0x1a: {  	p1 =	sne.s32 s30, s0  }
.Ltmp1:
0x1b: {  	_ = 	snop;
	(pc) =	sbr.rel @!p1 .LBB2_12-.Ltmp1, $3  }
0x1c: {  	_ =	sdelay $0x1  }
0x1d: {  	[sflag:s29] =	ssyncset.done $0x0  }
0x1e: {  	[sflag:s29] =	ssyncadd.s32 $0xFFFFC000  }
.LBB2_1:
0x1f: {  	s0 =	rddreg [dreg:$0x4]  }
0x20: {  	[tilespmem:s4], [sflag:$0x7] =	stream.linear.gather [hbm4b:s0+s4], $0x1000, $0x38;
	[tilespmem:$0x12000] =	vst v63  }
0x21: {  	_ =	swait.ge [sflag:s16], $0x1000  }
0x22: {  	[sflag:s16] =	ssyncset.done $0x0  }
0x23: {  	s1 =	simm.s32 $0x1000;
	s14 =	rddreg [dreg:$0x5];
	[sflag:s16] =	ssyncadd.s32 $0xFFFFF000  }
0x24: {  	[tilespmem:s1], [sflag:$0x7] =	stream.linear.gather [hbm4b:s14+s4], $0x1000, $0x38;
	[tilespmem:$0x12000] =	vst v63  }
0x25: {  	_ =	swait.ge [sflag:s16], $0x1000  }
0x26: {  	[sflag:s16] =	ssyncset.done $0x0  }
0x27: {  	s15 =	rddreg [dreg:$0x6];
	[sflag:s16] =	ssyncadd.s32 $0xFFFFF000  }
0x28: {  	[tilespmem:s19], [sflag:$0x1] =	stream.indirect.gather [hbm4b:s2+s18], $0x80, s15, s18, $0xb8;
	[tilespmem:$0x12000] =	vst v63  }
0x29: {  	s20 =	simm.s32 $0x6000;
	s31 =	simm.s32 $0x0;
	s17 =	rddreg [dreg:$0x7]  }
0x2a: {  	[tilespmem:s20], [sflag:$0x2] =	stream.indirect.gather [hbm4b:s3+s18], $0x80, s17, s18, $0xb8;
	[tilespmem:$0x12000] =	vst v63  }
.LBB2_2:
0x2b: {  	p1 =	seq.s32 s31, $0x0  }
0x2c: {  	s0 =	simm.s32 @!p1 $0x6  }
0x2d: {  	s1 =	sshllo.u32 s31, $0x1;
	_ =	swait.ge @!p1 [sflag:s0], $0x4000  }
0x2e: {  	s9 =	sadd.s32 s8, s1;
	[sflag:s0] =	ssyncset.done @!p1 $0x0  }
0x2f: {  	s20 =	sshll.u32 s9, $0x7;
	[sflag:s0] =	ssyncadd.s32 @!p1 $0xFFFFC000  }
0x30: {  	[tilespmem:s21], [sflag:$0x3] =	stream.indirect.gather [hbm4b:s2+s18], $0x80, s20, s18, $0xb8;
	[tilespmem:$0x12000] =	vst v63  }
0x31: {  	s0 =	sadd.s32 $0x1000, s20  }
0x32: {  	[tilespmem:s22], [sflag:$0x4] =	stream.indirect.gather [hbm4b:s3+s18], $0x80, s0, s18, $0xb8;
	[tilespmem:$0x12000] =	vst v63  }
0x33: {  	_ =	swait.ge [sflag:s23], $0x4000  }
0x34: {  	[sflag:s23] =	ssyncset.done $0x0  }
0x35: {  	[sflag:s23] =	ssyncadd.s32 $0xFFFFC000  }
0x36: {  	_ =	swait.ge [sflag:s24], $0x4000  }
0x37: {  	[sflag:s24] =	ssyncset.done $0x0  }
0x38: {  	s0 =	simm.s32 $0x2080;
	[sflag:s24] =	ssyncadd.s32 $0xFFFFC000  }
0x39: {  	s10 =	simm.s32 $0x6080;
	v0 =	vld [tilespmem:s0+$0x0]  }
0x3a: {  	v1 =	vld [tilespmem:s10+$0x0];
	_ =	sdelay $0x3  }
0x3b: {  	v2 =	vld [tilespmem:s0+$0xFFFFFF80]  }
0x3c: {  	v0 =	vadd.f32 v1, v0;
	v1 =	vld [tilespmem:s10+$0xFFFFFF80];
	_ =	sdelay $0x1  }
0x3d: {  	[tilespmem:s0+$0x0] =	vst v0;
	v0 =	vld [tilespmem:s0+$0x10]  }
0x3e: {  	v3 =	vld [tilespmem:s10+$0x10];
	_ =	sdelay $0x1  }
0x3f: {  	v1 =	vadd.f32 v1, v2;
	_ =	sdelay $0x1  }
0x40: {  	v4 =	vld [tilespmem:s0+$0xFFFFFF90];
	[tilespmem:s0+$0xFFFFFF80] =	vst v1  }
0x41: {  	v0 =	vadd.f32 v3, v0;
	v1 =	vld [tilespmem:s10+$0xFFFFFF90];
	_ =	sdelay $0x1  }
0x42: {  	[tilespmem:s0+$0x10] =	vst v0;
	v0 =	vld [tilespmem:s0+$0x20]  }
0x43: {  	v3 =	vld [tilespmem:s10+$0x20]  }
0x44: {  	v5 =	vld [tilespmem:s0+$0xFFFFFFB0]  }
0x45: {  	s17 =	simm.s32 $0x2180;
	v6 =	vld [tilespmem:s0+$0xFFFFFFD0];
	v1 =	vadd.f32 v1, v4  }
0x46: {  	v7 =	vld [tilespmem:s17+$0x0]  }
0x47: {  	v2 =	vld [tilespmem:s0+$0xFFFFFFA0];
	[tilespmem:s0+$0xFFFFFF90] =	vst v1  }
0x48: {  	v0 =	vadd.f32 v3, v0;
	v1 =	vld [tilespmem:s10+$0xFFFFFFA0]  }
0x49: {  	v8 =	vld [tilespmem:s0+$0xFFFFFFE0]  }
0x4a: {  	[tilespmem:s0+$0x20] =	vst v0;
	v0 =	vld [tilespmem:s0+$0x30]  }
0x4b: {  	s20 =	simm.s32 $0x6180;
	v3 =	vld [tilespmem:s10+$0x30]  }
0x4c: {  	v10 =	vld [tilespmem:s20+$0xFFFFFF80]  }
0x4d: {  	v1 =	vadd.f32 v1, v2;
	v2 =	vld [tilespmem:s20+$0x0]  }
0x4e: {  	v12 =	vld [tilespmem:s17+$0xFFFFFF90]  }
0x4f: {  	s9 =	simm.s32 $0x6280;
	v13 =	vld [tilespmem:s17+$0xFFFFFFD0]  }
0x50: {  	v15 =	vld [tilespmem:s9+$0xFFFFFF80];
	v0 =	vadd.f32 v3, v0  }
0x51: {  	[tilespmem:s0+$0xFFFFFFA0] =	vst v1;
	v1 =	vld [tilespmem:s0+$0x40]  }
0x52: {  	[tilespmem:s0+$0x30] =	vst v0;
	v2 =	vadd.f32 v2, v7;
	v7 =	vld [tilespmem:s17+$0xFFFFFF80]  }
0x53: {  	s14 =	simm.s32 $0x2280;
	v9 =	vld [tilespmem:s10+$0x40]  }
0x54: {  	v16 =	vld [tilespmem:s14+$0xFFFFFF80]  }
0x55: {  	v3 =	vld [tilespmem:s10+$0xFFFFFFB0]  }
0x56: {  	v17 =	vld [tilespmem:s17+$0x50]  }
0x57: {  	[tilespmem:s17+$0x0] =	vst v2;
	v2 =	vld [tilespmem:s17+$0x10];
	v7 =	vadd.f32 v10, v7  }
0x58: {  	v11 =	vld [tilespmem:s20+$0x10];
	v1 =	vadd.f32 v9, v1  }
0x59: {  	v9 =	vld [tilespmem:s0+$0x50];
	[tilespmem:s17+$0xFFFFFF80] =	vst v7  }
0x5a: {  	[tilespmem:s0+$0x40] =	vst v1;
	v1 =	vadd.f32 v3, v5;
	v5 =	vld [tilespmem:s20+$0xFFFFFF90]  }
0x5b: {  	v3 =	vld [tilespmem:s10+$0x50]  }
0x5c: {  	v60 =	vld [tilespmem:s14+$0xFFFFFFA0]  }
0x5d: {  	v4 =	vld [tilespmem:s0+$0xFFFFFFC0];
	v2 =	vadd.f32 v11, v2;
	[tilespmem:s0+$0xFFFFFFB0] =	vst v1  }
0x5e: {  	v1 =	vld [tilespmem:s10+$0xFFFFFFC0]  }
0x5f: {  	[tilespmem:s17+$0x10] =	vst v2;
	v2 =	vld [tilespmem:s17+$0x20]  }
0x60: {  	v5 =	vadd.f32 v5, v12;
	v3 =	vadd.f32 v3, v9;
	v9 =	vld [tilespmem:s20+$0x20]  }
0x61: {  	v18 =	vld [tilespmem:s17+$0x60];
	v15 =	vadd.f32 v15, v16  }
0x62: {  	v10 =	vld [tilespmem:s17+$0xFFFFFFA0];
	[tilespmem:s17+$0xFFFFFF90] =	vst v5  }
0x63: {  	[tilespmem:s14+$0xFFFFFF80] =	vst v15;
	v1 =	vadd.f32 v1, v4;
	v4 =	vld [tilespmem:s20+$0xFFFFFFA0]  }
0x64: {  	v15 =	vld [tilespmem:s9+$0xFFFFFF90]  }
0x65: {  	v0 =	vld [tilespmem:s0+$0xFFFFFFF0];
	[tilespmem:s0+$0xFFFFFFC0] =	vst v1;
	v1 =	vadd.f32 v9, v2  }
0x66: {  	v7 =	vld [tilespmem:s17+$0xFFFFFFB0]  }
0x67: {  	v5 =	vld [tilespmem:s17+$0x30];
	[tilespmem:s17+$0x20] =	vst v1  }
0x68: {  	v4 =	vadd.f32 v4, v10;
	v10 =	vld [tilespmem:s20+$0x30]  }
0x69: {  	v2 =	vld [tilespmem:s10+$0xFFFFFFD0]  }
0x6a: {  	v11 =	vld [tilespmem:s0+$0x60]  }
0x6b: {  	v12 =	vld [tilespmem:s17+$0xFFFFFFC0];
	[tilespmem:s0+$0x50] =	vst v3  }
0x6c: {  	v3 =	vld [tilespmem:s10+$0x60]  }
0x6d: {  	[tilespmem:s17+$0xFFFFFFA0] =	vst v4;
	v4 =	vld [tilespmem:s14+$0x0];
	v5 =	vadd.f32 v10, v5  }
0x6e: {  	v2 =	vadd.f32 v2, v6;
	v6 =	vld [tilespmem:s9+$0x0]  }
0x6f: {  	v10 =	vld [tilespmem:s17+$0x40];
	[tilespmem:s17+$0x30] =	vst v5  }
0x70: {  	v5 =	vld [tilespmem:s20+$0x40]  }
0x71: {  	v9 =	vld [tilespmem:s0+$0x70];
	v3 =	vadd.f32 v3, v11  }
0x72: {  	v1 =	vld [tilespmem:s17+$0xFFFFFFE0]  }
0x73: {  	[tilespmem:s0+$0x60] =	vst v3;
	v3 =	vld [tilespmem:s20+$0xFFFFFFB0];
	v4 =	vadd.f32 v6, v4  }
0x74: {  	v6 =	vld [tilespmem:s14+$0xFFFFFF90]  }
0x75: {  	[tilespmem:s14+$0x0] =	vst v4;
	v4 =	vld [tilespmem:s14+$0x10];
	v5 =	vadd.f32 v5, v10  }
0x76: {  	v10 =	vld [tilespmem:s9+$0x10]  }
0x77: {  	v11 =	vld [tilespmem:s10+$0x70];
	[tilespmem:s17+$0x40] =	vst v5  }
0x78: {  	v3 =	vadd.f32 v3, v7;
	v7 =	vld [tilespmem:s20+$0x50]  }
0x79: {  	[tilespmem:s0+$0xFFFFFFD0] =	vst v2;
	v2 =	vld [tilespmem:s17+$0xFFFFFFF0]  }
0x7a: {  	v14 =	vld [tilespmem:s10+$0xFFFFFFE0];
	[tilespmem:s17+$0xFFFFFFB0] =	vst v3;
	v6 =	vadd.f32 v15, v6  }
0x7b: {  	v3 =	vadd.f32 v10, v4;
	v10 =	vld [tilespmem:s20+$0xFFFFFFC0]  }
0x7c: {  	[tilespmem:s14+$0xFFFFFF90] =	vst v6;
	v6 =	vld [tilespmem:s14+$0xFFFFFFE0]  }
0x7d: {  	v5 =	vld [tilespmem:s14+$0xFFFFFFB0];
	[tilespmem:s14+$0x10] =	vst v3;
	v3 =	vadd.f32 v7, v17  }
0x7e: {  	v7 =	vld [tilespmem:s14+$0x20]  }
0x7f: {  	v15 =	vld [tilespmem:s9+$0x20];
	[tilespmem:s17+$0x50] =	vst v3  }
0x80: {  	v10 =	vadd.f32 v10, v12;
	v12 =	vld [tilespmem:s20+$0x60]  }
0x81: {  	v61 =	vld [tilespmem:s9+$0xFFFFFFA0]  }
0x82: {  	v4 =	vld [tilespmem:s14+$0xFFFFFFC0];
	[tilespmem:s17+$0xFFFFFFC0] =	vst v10  }
0x83: {  	v10 =	vld [tilespmem:s20+$0xFFFFFFD0]  }
0x84: {  	v3 =	vld [tilespmem:s14+$0xFFFFFFD0];
	v7 =	vadd.f32 v15, v7  }
0x85: {  	v15 =	vld [tilespmem:s17+$0x70];
	v12 =	vadd.f32 v12, v18  }
0x86: {  	[tilespmem:s14+$0x20] =	vst v7;
	v7 =	vadd.f32 v14, v8;
	v14 =	vld [tilespmem:s14+$0x30]  }
0x87: {  	v8 =	vadd.f32 v61, v60;
	v62 =	vld [tilespmem:s9+$0x30];
	[tilespmem:s17+$0x60] =	vst v12  }
0x88: {  	[tilespmem:s0+$0xFFFFFFE0] =	vst v7;
	v7 =	vadd.f32 v10, v13;
	v63 =	vld [tilespmem:s20+$0x70]  }
0x89: {  	[tilespmem:s14+$0xFFFFFFA0] =	vst v8;
	v8 =	vld [tilespmem:s10+$0xFFFFFFF0]  }
0x8a: {  	v12 =	vld [tilespmem:s9+$0xFFFFFFB0];
	[tilespmem:s17+$0xFFFFFFD0] =	vst v7  }
0x8b: {  	v10 =	vadd.f32 v11, v9;
	v9 =	vld [tilespmem:s20+$0xFFFFFFE0]  }
0x8c: {  	s15 =	simm.s32 $0x4;
	v7 =	vld [tilespmem:s14+$0xFFFFFFF0];
	v13 =	vadd.f32 v62, v14  }
0x8d: {  	s11 =	simm.s32 $0x2380;
	s12 =	simm.s32 $0x6280;
	s10 =	sshll.u32 s31, $0x1;
	[tilespmem:s0+$0x70] =	vst v10;
	v10 =	vld [tilespmem:s14+$0x40];
	v11 =	vadd.f32 v63, v15  }
.LBB2_3:
0x8e: {  	v14 =	vld [tilespmem:s11+$0x0];
	[tilespmem:s14+$0x30] =	vst v13;
	s9 =	sadd.s32 $0x100, s9;
	v8 =	vadd.f32 v8, v0;
	v0 =	vmov v2  }
0x8f: {  	v13 =	vld [tilespmem:s9+$0x0];
	v12 =	vadd.f32 v12, v5;
	[tilespmem:s17+$0x70] =	vst v11  }
0x90: {  	s15 =	sadd.s32 $0x2, s15;
	v5 =	vld [tilespmem:s12+$0x40];
	v9 =	vadd.f32 v9, v1;
	[tilespmem:s0+$0xFFFFFFF0] =	vst v8;
	v1 =	vmov v6;
	s0 =	smov.u32 s17;
	s17 =	smov.u32 s14  }
0x91: {  	p1 =	slt.u32 s15, $0x7E;
	s14 =	smov.u32 s11;
	v6 =	vld [tilespmem:s9+$0xFFFFFF80];
	[tilespmem:s17+$0xFFFFFFB0] =	vst v12;
	v2 =	vmov v7  }
0x92: {  	v7 =	vld [tilespmem:s11+$0xFFFFFF80];
	[tilespmem:s0+$0xFFFFFFE0] =	vst v9  }
0x93: {  	v8 =	vld [tilespmem:s11+$0xFFFFFF90]  }
0x94: {  	v9 =	vld [tilespmem:s11+$0xFFFFFFA0];
	v11 =	vadd.f32 v13, v14  }
0x95: {  	v5 =	vadd.f32 v5, v10;
	v10 =	vld [tilespmem:s17+$0x50]  }
0x96: {  	[tilespmem:s11+$0x0] =	vst v11;
	v11 =	vld [tilespmem:s11+$0x10]  }
0x97: {  	v6 =	vadd.f32 v6, v7;
	v7 =	vld [tilespmem:s9+$0x10];
	[tilespmem:s17+$0x40] =	vst v5  }
0x98: {  	v12 =	vld [tilespmem:s12+$0x50]  }
0x99: {  	[tilespmem:s11+$0xFFFFFF80] =	vst v6;
	v5 =	vld [tilespmem:s11+$0xFFFFFFB0]  }
0x9a: {  	v6 =	vld [tilespmem:s9+$0xFFFFFF90]  }
0x9b: {  	v13 =	vld [tilespmem:s12+$0xFFFFFFC0]  }
0x9c: {  	v14 =	vld [tilespmem:s11+$0xFFFFFFC0];
	v7 =	vadd.f32 v7, v11  }
0x9d: {  	v10 =	vadd.f32 v12, v10;
	v11 =	vld [tilespmem:s17+$0x60]  }
0x9e: {  	[tilespmem:s11+$0x10] =	vst v7;
	v7 =	vld [tilespmem:s11+$0x20]  }
0x9f: {  	v6 =	vadd.f32 v6, v8;
	v8 =	vld [tilespmem:s9+$0x20];
	[tilespmem:s17+$0x50] =	vst v10  }
0xa0: {  	v10 =	vadd.f32 v13, v4;
	v12 =	vld [tilespmem:s12+$0x60]  }
0xa1: {  	[tilespmem:s11+$0xFFFFFF90] =	vst v6;
	v13 =	vld [tilespmem:s11+$0xFFFFFFD0];
	v4 =	vmov v14  }
0xa2: {  	v14 =	vld [tilespmem:s9+$0xFFFFFFA0];
	[tilespmem:s17+$0xFFFFFFC0] =	vst v10  }
0xa3: {  	v10 =	vld [tilespmem:s12+$0xFFFFFFD0]  }
0xa4: {  	v6 =	vld [tilespmem:s11+$0xFFFFFFE0];
	v7 =	vadd.f32 v8, v7  }
0xa5: {  	v8 =	vadd.f32 v12, v11;
	v11 =	vld [tilespmem:s17+$0x70]  }
0xa6: {  	[tilespmem:s11+$0x20] =	vst v7;
	v15 =	vld [tilespmem:s11+$0x30]  }
0xa7: {  	v7 =	vadd.f32 v14, v9;
	v14 =	vld [tilespmem:s9+$0x30];
	[tilespmem:s17+$0x60] =	vst v8  }
0xa8: {  	v9 =	vadd.f32 v10, v3;
	v16 =	vld [tilespmem:s12+$0x70];
	v3 =	vmov v13  }
.Ltmp2:
0xa9: {  	[tilespmem:s11+$0xFFFFFFA0] =	vst v7;
	v8 =	vld [tilespmem:s20+$0xFFFFFFF0];
	s20 =	smov.u32 s12;
	s12 =	smov.u32 s9;
	(pc) =	sbr.rel @p1 .LBB2_3-.Ltmp2, $4  }
0xaa: {  	v12 =	vld [tilespmem:s9+$0xFFFFFFB0];
	[tilespmem:s17+$0xFFFFFFD0] =	vst v9  }
0xab: {  	v9 =	vld [tilespmem:s20+$0xFFFFFFE0]  }
0xac: {  	v7 =	vld [tilespmem:s11+$0xFFFFFFF0];
	v13 =	vadd.f32 v14, v15  }
0xad: {  	s11 =	sadd.s32 $0x100, s11;
	v10 =	vld [tilespmem:s14+$0x40];
	v11 =	vadd.f32 v16, v11  }
0xae: {  	_ = 	snop  }
0xaf: {  	[tilespmem:s14+$0x30] =	vst v13;
	v5 =	vadd.f32 v12, v5  }
0xb0: {  	v12 =	vld [tilespmem:s12+$0x40]  }
0xb1: {  	[tilespmem:s14+$0xFFFFFFB0] =	vst v5  }
0xb2: {  	v5 =	vld [tilespmem:s12+$0xFFFFFFC0];
	_ =	sdelay $0x2  }
0xb3: {  	v10 =	vadd.f32 v12, v10;
	_ =	sdelay $0x1  }
0xb4: {  	v12 =	vld [tilespmem:s14+$0x50];
	[tilespmem:s14+$0x40] =	vst v10;
	v4 =	vadd.f32 v5, v4  }
0xb5: {  	v5 =	vld [tilespmem:s12+$0x50]  }
0xb6: {  	[tilespmem:s14+$0xFFFFFFC0] =	vst v4  }
0xb7: {  	v4 =	vld [tilespmem:s12+$0xFFFFFFD0];
	_ =	sdelay $0x2  }
0xb8: {  	v5 =	vadd.f32 v5, v12;
	_ =	sdelay $0x1  }
0xb9: {  	v10 =	vld [tilespmem:s14+$0x60];
	[tilespmem:s14+$0x50] =	vst v5;
	v3 =	vadd.f32 v4, v3  }
0xba: {  	v4 =	vld [tilespmem:s12+$0x60]  }
0xbb: {  	[tilespmem:s14+$0xFFFFFFD0] =	vst v3  }
0xbc: {  	v3 =	vld [tilespmem:s12+$0xFFFFFFE0];
	_ =	sdelay $0x2  }
0xbd: {  	v4 =	vadd.f32 v4, v10  }
0xbe: {  	v1 =	vadd.f32 v9, v1  }
0xbf: {  	v5 =	vld [tilespmem:s14+$0x70];
	[tilespmem:s14+$0x60] =	vst v4;
	v3 =	vadd.f32 v3, v6  }
0xc0: {  	[tilespmem:s17+$0xFFFFFFE0] =	vst v1;
	v1 =	vld [tilespmem:s12+$0x70]  }
0xc1: {  	v4 =	vld [tilespmem:s20+$0xFFFFFFF0];
	[tilespmem:s14+$0xFFFFFFE0] =	vst v3  }
0xc2: {  	v3 =	vld [tilespmem:s12+$0xFFFFFFF0];
	_ =	sdelay $0x1  }
0xc3: {  	v0 =	vadd.f32 v8, v0  }
0xc4: {  	[tilespmem:s17+$0x70] =	vst v11;
	v1 =	vadd.f32 v1, v5  }
0xc5: {  	[tilespmem:s0+$0xFFFFFFF0] =	vst v0;
	s12 =	sadd.s32 s5, s10;
	v0 =	vadd.f32 v4, v2  }
0xc6: {  	s0 =	sshll.u32 s12, $0xB;
	[tilespmem:s14+$0x70] =	vst v1;
	v1 =	vadd.f32 v3, v7  }
0xc7: {  	s0 =	sand.u32 $0x1FFFF800, s0;
	[tilespmem:s17+$0xFFFFFFF0] =	vst v0  }
0xc8: {  	s0 =	sadd.s32 s6, s0;
	[tilespmem:s14+$0xFFFFFFF0] =	vst v1  }
0xc9: {  	[hbm4b:s0+s4] =	stream.linear.scatter [tilespmem:s19], [sflag:$0x5], $0x4000, $0x38;
	[tilespmem:$0x12000] =	vst v63  }
0xca: {  	s0 =	sadd.s32 $0x2, s10  }
0xcb: {  	p1 =	sge.u32 s0, s7  }
0xcc: {  	s9 =	simm.s32 @!p1 $0x5  }
0xcd: {  	_ =	swait.ge @!p1 [sflag:s9], $0x4000  }
0xce: {  	s0 =	sadd.s32 @!p1 s8, s0;
	s10 =	simm.s32 @!p1 $0x2000;
	[sflag:s9] =	ssyncset.done @!p1 $0x0  }
0xcf: {  	s0 =	sshll.u32 @!p1 s0, $0x7;
	[sflag:s9] =	ssyncadd.s32 @!p1 $0xFFFFC000;
	s9 =	simm.s32 @!p1 $0x80  }
0xd0: {  	[tilespmem:s10], [sflag:$0x1] =	stream.indirect.gather @!p1 [hbm4b:s2+s9], $0x80, s0, s9, $0xb8;
	[tilespmem:$0x12000] =	vst v63  }
0xd1: {  	s0 =	sadd.s32 @!p1 $0x1000, s0;
	s10 =	simm.s32 @!p1 $0x6000  }
0xd2: {  	[tilespmem:s10], [sflag:$0x2] =	stream.indirect.gather @!p1 [hbm4b:s3+s9], $0x80, s0, s9, $0xb8;
	[tilespmem:$0x12000] =	vst v63  }
0xd3: {  	_ =	swait.ge [sflag:s25], $0x4000  }
0xd4: {  	[sflag:s25] =	ssyncset.done $0x0  }
0xd5: {  	[sflag:s25] =	ssyncadd.s32 $0xFFFFC000  }
0xd6: {  	_ =	swait.ge [sflag:s26], $0x4000  }
0xd7: {  	[sflag:s26] =	ssyncset.done $0x0  }
0xd8: {  	s0 =	simm.s32 $0xA080;
	[sflag:s26] =	ssyncadd.s32 $0xFFFFC000  }
0xd9: {  	s15 =	simm.s32 $0xE080;
	v0 =	vld [tilespmem:s0+$0x0]  }
0xda: {  	v1 =	vld [tilespmem:s15+$0x0];
	_ =	sdelay $0x3  }
0xdb: {  	v2 =	vld [tilespmem:s0+$0xFFFFFF80]  }
0xdc: {  	v0 =	vadd.f32 v1, v0;
	v1 =	vld [tilespmem:s15+$0xFFFFFF80];
	_ =	sdelay $0x1  }
0xdd: {  	[tilespmem:s0+$0x0] =	vst v0;
	v0 =	vld [tilespmem:s0+$0x10]  }
0xde: {  	v3 =	vld [tilespmem:s15+$0x10];
	_ =	sdelay $0x1  }
0xdf: {  	v1 =	vadd.f32 v1, v2;
	_ =	sdelay $0x1  }
0xe0: {  	v4 =	vld [tilespmem:s0+$0xFFFFFF90];
	[tilespmem:s0+$0xFFFFFF80] =	vst v1  }
0xe1: {  	v0 =	vadd.f32 v3, v0;
	v1 =	vld [tilespmem:s15+$0xFFFFFF90];
	_ =	sdelay $0x1  }
0xe2: {  	[tilespmem:s0+$0x10] =	vst v0;
	v0 =	vld [tilespmem:s0+$0x20]  }
0xe3: {  	v3 =	vld [tilespmem:s15+$0x20]  }
0xe4: {  	v5 =	vld [tilespmem:s0+$0xFFFFFFB0]  }
0xe5: {  	s17 =	simm.s32 $0xA180;
	v6 =	vld [tilespmem:s0+$0xFFFFFFD0];
	v1 =	vadd.f32 v1, v4  }
0xe6: {  	v7 =	vld [tilespmem:s17+$0x0]  }
0xe7: {  	v2 =	vld [tilespmem:s0+$0xFFFFFFA0];
	[tilespmem:s0+$0xFFFFFF90] =	vst v1  }
0xe8: {  	v0 =	vadd.f32 v3, v0;
	v1 =	vld [tilespmem:s15+$0xFFFFFFA0]  }
0xe9: {  	v8 =	vld [tilespmem:s0+$0xFFFFFFE0]  }
0xea: {  	[tilespmem:s0+$0x20] =	vst v0;
	v0 =	vld [tilespmem:s0+$0x30]  }
0xeb: {  	s20 =	simm.s32 $0xE180;
	v3 =	vld [tilespmem:s15+$0x30]  }
0xec: {  	v10 =	vld [tilespmem:s20+$0xFFFFFF80]  }
0xed: {  	v1 =	vadd.f32 v1, v2;
	v2 =	vld [tilespmem:s20+$0x0]  }
0xee: {  	v12 =	vld [tilespmem:s17+$0xFFFFFF90]  }
0xef: {  	s9 =	simm.s32 $0xE280;
	v13 =	vld [tilespmem:s17+$0xFFFFFFD0]  }
0xf0: {  	v15 =	vld [tilespmem:s9+$0xFFFFFF80];
	v0 =	vadd.f32 v3, v0  }
0xf1: {  	[tilespmem:s0+$0xFFFFFFA0] =	vst v1;
	v1 =	vld [tilespmem:s0+$0x40]  }
0xf2: {  	[tilespmem:s0+$0x30] =	vst v0;
	v2 =	vadd.f32 v2, v7;
	v7 =	vld [tilespmem:s17+$0xFFFFFF80]  }
0xf3: {  	s14 =	simm.s32 $0xA280;
	v9 =	vld [tilespmem:s15+$0x40]  }
0xf4: {  	v16 =	vld [tilespmem:s14+$0xFFFFFF80]  }
0xf5: {  	v3 =	vld [tilespmem:s15+$0xFFFFFFB0]  }
0xf6: {  	v17 =	vld [tilespmem:s17+$0x50]  }
0xf7: {  	[tilespmem:s17+$0x0] =	vst v2;
	v2 =	vld [tilespmem:s17+$0x10];
	v7 =	vadd.f32 v10, v7  }
0xf8: {  	v11 =	vld [tilespmem:s20+$0x10];
	v1 =	vadd.f32 v9, v1  }
0xf9: {  	v9 =	vld [tilespmem:s0+$0x50];
	[tilespmem:s17+$0xFFFFFF80] =	vst v7  }
0xfa: {  	[tilespmem:s0+$0x40] =	vst v1;
	v1 =	vadd.f32 v3, v5;
	v5 =	vld [tilespmem:s20+$0xFFFFFF90]  }
0xfb: {  	v3 =	vld [tilespmem:s15+$0x50]  }
0xfc: {  	v60 =	vld [tilespmem:s14+$0xFFFFFFA0]  }
0xfd: {  	v4 =	vld [tilespmem:s0+$0xFFFFFFC0];
	v2 =	vadd.f32 v11, v2;
	[tilespmem:s0+$0xFFFFFFB0] =	vst v1  }
0xfe: {  	v1 =	vld [tilespmem:s15+$0xFFFFFFC0]  }
0xff: {  	[tilespmem:s17+$0x10] =	vst v2;
	v2 =	vld [tilespmem:s17+$0x20]  }
0x100: {  	v5 =	vadd.f32 v5, v12;
	v3 =	vadd.f32 v3, v9;
	v9 =	vld [tilespmem:s20+$0x20]  }
0x101: {  	v18 =	vld [tilespmem:s17+$0x60];
	v15 =	vadd.f32 v15, v16  }
0x102: {  	v10 =	vld [tilespmem:s17+$0xFFFFFFA0];
	[tilespmem:s17+$0xFFFFFF90] =	vst v5  }
0x103: {  	[tilespmem:s14+$0xFFFFFF80] =	vst v15;
	v1 =	vadd.f32 v1, v4;
	v4 =	vld [tilespmem:s20+$0xFFFFFFA0]  }
0x104: {  	v15 =	vld [tilespmem:s9+$0xFFFFFF90]  }
0x105: {  	v0 =	vld [tilespmem:s0+$0xFFFFFFF0];
	[tilespmem:s0+$0xFFFFFFC0] =	vst v1;
	v1 =	vadd.f32 v9, v2  }
0x106: {  	v7 =	vld [tilespmem:s17+$0xFFFFFFB0]  }
0x107: {  	v5 =	vld [tilespmem:s17+$0x30];
	[tilespmem:s17+$0x20] =	vst v1  }
0x108: {  	v4 =	vadd.f32 v4, v10;
	v10 =	vld [tilespmem:s20+$0x30]  }
0x109: {  	v2 =	vld [tilespmem:s15+$0xFFFFFFD0]  }
0x10a: {  	v11 =	vld [tilespmem:s0+$0x60]  }
0x10b: {  	v12 =	vld [tilespmem:s17+$0xFFFFFFC0];
	[tilespmem:s0+$0x50] =	vst v3  }
0x10c: {  	v3 =	vld [tilespmem:s15+$0x60]  }
0x10d: {  	[tilespmem:s17+$0xFFFFFFA0] =	vst v4;
	v4 =	vld [tilespmem:s14+$0x0];
	v5 =	vadd.f32 v10, v5  }
0x10e: {  	v2 =	vadd.f32 v2, v6;
	v6 =	vld [tilespmem:s9+$0x0]  }
0x10f: {  	v10 =	vld [tilespmem:s17+$0x40];
	[tilespmem:s17+$0x30] =	vst v5  }
0x110: {  	v5 =	vld [tilespmem:s20+$0x40]  }
0x111: {  	v9 =	vld [tilespmem:s0+$0x70];
	v3 =	vadd.f32 v3, v11  }
0x112: {  	v1 =	vld [tilespmem:s17+$0xFFFFFFE0]  }
0x113: {  	[tilespmem:s0+$0x60] =	vst v3;
	v3 =	vld [tilespmem:s20+$0xFFFFFFB0];
	v4 =	vadd.f32 v6, v4  }
0x114: {  	v6 =	vld [tilespmem:s14+$0xFFFFFF90]  }
0x115: {  	[tilespmem:s14+$0x0] =	vst v4;
	v4 =	vld [tilespmem:s14+$0x10];
	v5 =	vadd.f32 v5, v10  }
0x116: {  	v10 =	vld [tilespmem:s9+$0x10]  }
0x117: {  	v11 =	vld [tilespmem:s15+$0x70];
	[tilespmem:s17+$0x40] =	vst v5  }
0x118: {  	v3 =	vadd.f32 v3, v7;
	v7 =	vld [tilespmem:s20+$0x50]  }
0x119: {  	[tilespmem:s0+$0xFFFFFFD0] =	vst v2;
	v2 =	vld [tilespmem:s17+$0xFFFFFFF0]  }
0x11a: {  	v14 =	vld [tilespmem:s15+$0xFFFFFFE0];
	[tilespmem:s17+$0xFFFFFFB0] =	vst v3;
	v6 =	vadd.f32 v15, v6  }
0x11b: {  	v3 =	vadd.f32 v10, v4;
	v10 =	vld [tilespmem:s20+$0xFFFFFFC0]  }
0x11c: {  	[tilespmem:s14+$0xFFFFFF90] =	vst v6;
	v6 =	vld [tilespmem:s14+$0xFFFFFFE0]  }
0x11d: {  	v5 =	vld [tilespmem:s14+$0xFFFFFFB0];
	[tilespmem:s14+$0x10] =	vst v3;
	v3 =	vadd.f32 v7, v17  }
0x11e: {  	v7 =	vld [tilespmem:s14+$0x20]  }
0x11f: {  	v15 =	vld [tilespmem:s9+$0x20];
	[tilespmem:s17+$0x50] =	vst v3  }
0x120: {  	v10 =	vadd.f32 v10, v12;
	v12 =	vld [tilespmem:s20+$0x60]  }
0x121: {  	v61 =	vld [tilespmem:s9+$0xFFFFFFA0]  }
0x122: {  	v4 =	vld [tilespmem:s14+$0xFFFFFFC0];
	[tilespmem:s17+$0xFFFFFFC0] =	vst v10  }
0x123: {  	v10 =	vld [tilespmem:s20+$0xFFFFFFD0]  }
0x124: {  	v3 =	vld [tilespmem:s14+$0xFFFFFFD0];
	v7 =	vadd.f32 v15, v7  }
0x125: {  	v15 =	vld [tilespmem:s17+$0x70];
	v12 =	vadd.f32 v12, v18  }
0x126: {  	[tilespmem:s14+$0x20] =	vst v7;
	v7 =	vadd.f32 v14, v8;
	v14 =	vld [tilespmem:s14+$0x30]  }
0x127: {  	v8 =	vadd.f32 v61, v60;
	v62 =	vld [tilespmem:s9+$0x30];
	[tilespmem:s17+$0x60] =	vst v12  }
0x128: {  	[tilespmem:s0+$0xFFFFFFE0] =	vst v7;
	v7 =	vadd.f32 v10, v13;
	v63 =	vld [tilespmem:s20+$0x70]  }
0x129: {  	[tilespmem:s14+$0xFFFFFFA0] =	vst v8;
	v8 =	vld [tilespmem:s15+$0xFFFFFFF0]  }
0x12a: {  	v12 =	vld [tilespmem:s9+$0xFFFFFFB0];
	[tilespmem:s17+$0xFFFFFFD0] =	vst v7  }
0x12b: {  	v10 =	vadd.f32 v11, v9;
	v9 =	vld [tilespmem:s20+$0xFFFFFFE0]  }
0x12c: {  	v7 =	vld [tilespmem:s14+$0xFFFFFFF0];
	v13 =	vadd.f32 v62, v14  }
0x12d: {  	s11 =	simm.s32 $0xA380;
	s12 =	simm.s32 $0x4;
	s10 =	simm.s32 $0xE280;
	[tilespmem:s0+$0x70] =	vst v10;
	v10 =	vld [tilespmem:s14+$0x40];
	v11 =	vadd.f32 v63, v15  }
.LBB2_5:
0x12e: {  	v14 =	vld [tilespmem:s11+$0x0];
	[tilespmem:s14+$0x30] =	vst v13;
	s9 =	sadd.s32 $0x100, s9;
	v8 =	vadd.f32 v8, v0;
	v0 =	vmov v2  }
0x12f: {  	v13 =	vld [tilespmem:s9+$0x0];
	v12 =	vadd.f32 v12, v5;
	[tilespmem:s17+$0x70] =	vst v11  }
0x130: {  	s12 =	sadd.s32 $0x2, s12;
	v5 =	vld [tilespmem:s10+$0x40];
	v9 =	vadd.f32 v9, v1;
	[tilespmem:s0+$0xFFFFFFF0] =	vst v8;
	v1 =	vmov v6;
	s0 =	smov.u32 s17;
	s17 =	smov.u32 s14  }
0x131: {  	p1 =	slt.u32 s12, $0x7E;
	s14 =	smov.u32 s11;
	v6 =	vld [tilespmem:s9+$0xFFFFFF80];
	[tilespmem:s17+$0xFFFFFFB0] =	vst v12;
	v2 =	vmov v7  }
0x132: {  	v7 =	vld [tilespmem:s11+$0xFFFFFF80];
	[tilespmem:s0+$0xFFFFFFE0] =	vst v9  }
0x133: {  	v8 =	vld [tilespmem:s11+$0xFFFFFF90]  }
0x134: {  	v9 =	vld [tilespmem:s11+$0xFFFFFFA0];
	v11 =	vadd.f32 v13, v14  }
0x135: {  	v5 =	vadd.f32 v5, v10;
	v10 =	vld [tilespmem:s17+$0x50]  }
0x136: {  	[tilespmem:s11+$0x0] =	vst v11;
	v11 =	vld [tilespmem:s11+$0x10]  }
0x137: {  	v6 =	vadd.f32 v6, v7;
	v7 =	vld [tilespmem:s9+$0x10];
	[tilespmem:s17+$0x40] =	vst v5  }
0x138: {  	v12 =	vld [tilespmem:s10+$0x50]  }
0x139: {  	[tilespmem:s11+$0xFFFFFF80] =	vst v6;
	v5 =	vld [tilespmem:s11+$0xFFFFFFB0]  }
0x13a: {  	v6 =	vld [tilespmem:s9+$0xFFFFFF90]  }
0x13b: {  	v13 =	vld [tilespmem:s10+$0xFFFFFFC0]  }
0x13c: {  	v14 =	vld [tilespmem:s11+$0xFFFFFFC0];
	v7 =	vadd.f32 v7, v11  }
0x13d: {  	v10 =	vadd.f32 v12, v10;
	v11 =	vld [tilespmem:s17+$0x60]  }
0x13e: {  	[tilespmem:s11+$0x10] =	vst v7;
	v7 =	vld [tilespmem:s11+$0x20]  }
0x13f: {  	v6 =	vadd.f32 v6, v8;
	v8 =	vld [tilespmem:s9+$0x20];
	[tilespmem:s17+$0x50] =	vst v10  }
0x140: {  	v10 =	vadd.f32 v13, v4;
	v12 =	vld [tilespmem:s10+$0x60]  }
0x141: {  	[tilespmem:s11+$0xFFFFFF90] =	vst v6;
	v13 =	vld [tilespmem:s11+$0xFFFFFFD0];
	v4 =	vmov v14  }
0x142: {  	v14 =	vld [tilespmem:s9+$0xFFFFFFA0];
	[tilespmem:s17+$0xFFFFFFC0] =	vst v10  }
0x143: {  	v10 =	vld [tilespmem:s10+$0xFFFFFFD0]  }
0x144: {  	v6 =	vld [tilespmem:s11+$0xFFFFFFE0];
	v7 =	vadd.f32 v8, v7  }
0x145: {  	v8 =	vadd.f32 v12, v11;
	v11 =	vld [tilespmem:s17+$0x70]  }
0x146: {  	[tilespmem:s11+$0x20] =	vst v7;
	v15 =	vld [tilespmem:s11+$0x30]  }
0x147: {  	v7 =	vadd.f32 v14, v9;
	v14 =	vld [tilespmem:s9+$0x30];
	[tilespmem:s17+$0x60] =	vst v8  }
0x148: {  	v9 =	vadd.f32 v10, v3;
	v16 =	vld [tilespmem:s10+$0x70];
	v3 =	vmov v13  }
.Ltmp3:
0x149: {  	[tilespmem:s11+$0xFFFFFFA0] =	vst v7;
	v8 =	vld [tilespmem:s20+$0xFFFFFFF0];
	s20 =	smov.u32 s10;
	s10 =	smov.u32 s9;
	(pc) =	sbr.rel @p1 .LBB2_5-.Ltmp3, $4  }
0x14a: {  	v12 =	vld [tilespmem:s9+$0xFFFFFFB0];
	[tilespmem:s17+$0xFFFFFFD0] =	vst v9  }
0x14b: {  	v9 =	vld [tilespmem:s20+$0xFFFFFFE0]  }
0x14c: {  	v7 =	vld [tilespmem:s11+$0xFFFFFFF0];
	v13 =	vadd.f32 v14, v15  }
0x14d: {  	s11 =	sadd.s32 $0x100, s11;
	v10 =	vld [tilespmem:s14+$0x40];
	v11 =	vadd.f32 v16, v11  }
0x14e: {  	_ = 	snop  }
0x14f: {  	v5 =	vadd.f32 v12, v5  }
0x150: {  	[tilespmem:s14+$0x30] =	vst v13  }
0x151: {  	v54 =	vld [tilespmem:s10+$0x40];
	[tilespmem:s14+$0xFFFFFFB0] =	vst v5  }
0x152: {  	v5 =	vld [tilespmem:s10+$0xFFFFFFC0];
	_ =	sdelay $0x3  }
0x153: {  	v10 =	vadd.f32 v54, v10  }
0x154: {  	v4 =	vadd.f32 v5, v4  }
0x155: {  	v55 =	vld [tilespmem:s14+$0x50];
	[tilespmem:s14+$0x40] =	vst v10  }
0x156: {  	v56 =	vld [tilespmem:s10+$0x50];
	[tilespmem:s14+$0xFFFFFFC0] =	vst v4  }
0x157: {  	v4 =	vld [tilespmem:s10+$0xFFFFFFD0];
	_ =	sdelay $0x3  }
0x158: {  	v5 =	vadd.f32 v56, v55  }
0x159: {  	v3 =	vadd.f32 v4, v3  }
0x15a: {  	v57 =	vld [tilespmem:s14+$0x60];
	[tilespmem:s14+$0x50] =	vst v5  }
0x15b: {  	v58 =	vld [tilespmem:s10+$0x60];
	[tilespmem:s14+$0xFFFFFFD0] =	vst v3  }
0x15c: {  	v3 =	vld [tilespmem:s10+$0xFFFFFFE0];
	_ =	sdelay $0x2  }
0x15d: {  	v1 =	vadd.f32 v9, v1  }
0x15e: {  	v4 =	vadd.f32 v58, v57  }
0x15f: {  	v59 =	vld [tilespmem:s14+$0x70];
	[tilespmem:s17+$0xFFFFFFE0] =	vst v1;
	v3 =	vadd.f32 v3, v6  }
0x160: {  	v61 =	vld [tilespmem:s20+$0xFFFFFFF0];
	[tilespmem:s14+$0x60] =	vst v4  }
0x161: {  	v60 =	vld [tilespmem:s10+$0x70];
	[tilespmem:s14+$0xFFFFFFE0] =	vst v3  }
0x162: {  	v3 =	vld [tilespmem:s10+$0xFFFFFFF0];
	_ =	sdelay $0x1  }
0x163: {  	v0 =	vadd.f32 v8, v0;
	s31 =	sadd.s32 $0x1, s31  }
0x164: {  	[tilespmem:s17+$0x70] =	vst v11;
	p1 =	sne.s32 s31, s13;
	v62 =	vadd.f32 v61, v2  }
.Ltmp4:
0x165: {  	[tilespmem:s0+$0xFFFFFFF0] =	vst v0;
	s20 =	sadd.s32 s5, s1;
	v1 =	vadd.f32 v60, v59;
	(pc) =	sbr.rel @p1 .LBB2_2-.Ltmp4, $4  }
0x166: {  	s0 =	sshll.u32 s20, $0xB;
	[tilespmem:s17+$0xFFFFFFF0] =	vst v62;
	v63 =	vadd.f32 v3, v7  }
0x167: {  	s0 =	sand.u32 $0x1FFFF800, s0;
	[tilespmem:s14+$0x70] =	vst v1  }
0x168: {  	s0 =	sadd.s32 s6, s0;
	[tilespmem:s14+$0xFFFFFFF0] =	vst v63  }
0x169: {  	[hbm4b:s0+s4] =	stream.linear.scatter [tilespmem:s21], [sflag:$0x6], $0x4000, $0x38;
	[tilespmem:$0x12000] =	vst v63  }
.Ltmp5:
0x16a: {  	(pc) =	sbr.rel @p0 .LBB2_11-.Ltmp5, $1  }
0x16b: {  	_ =	sdelay $0x3  }
0x16c: {  	_ =	swait.ge [sflag:s23], $0x4000  }
0x16d: {  	[sflag:s23] =	ssyncset.done $0x0  }
0x16e: {  	[sflag:s23] =	ssyncadd.s32 $0xFFFFC000  }
0x16f: {  	_ =	swait.ge [sflag:s24], $0x4000  }
0x170: {  	[sflag:s24] =	ssyncset.done $0x0  }
0x171: {  	s0 =	simm.s32 $0x2080;
	[sflag:s24] =	ssyncadd.s32 $0xFFFFC000  }
0x172: {  	s10 =	simm.s32 $0x6080;
	v0 =	vld [tilespmem:s0+$0x0]  }
0x173: {  	v1 =	vld [tilespmem:s10+$0x0];
	_ =	sdelay $0x3  }
0x174: {  	v2 =	vld [tilespmem:s0+$0xFFFFFF80]  }
0x175: {  	v0 =	vadd.f32 v1, v0;
	v1 =	vld [tilespmem:s10+$0xFFFFFF80];
	_ =	sdelay $0x1  }
0x176: {  	[tilespmem:s0+$0x0] =	vst v0;
	v0 =	vld [tilespmem:s0+$0x10]  }
0x177: {  	v3 =	vld [tilespmem:s10+$0x10];
	_ =	sdelay $0x1  }
0x178: {  	v1 =	vadd.f32 v1, v2;
	_ =	sdelay $0x1  }
0x179: {  	v4 =	vld [tilespmem:s0+$0xFFFFFF90];
	[tilespmem:s0+$0xFFFFFF80] =	vst v1  }
0x17a: {  	v0 =	vadd.f32 v3, v0;
	v1 =	vld [tilespmem:s10+$0xFFFFFF90];
	_ =	sdelay $0x1  }
0x17b: {  	[tilespmem:s0+$0x10] =	vst v0;
	v0 =	vld [tilespmem:s0+$0x20]  }
0x17c: {  	v3 =	vld [tilespmem:s10+$0x20]  }
0x17d: {  	v5 =	vld [tilespmem:s0+$0xFFFFFFB0]  }
0x17e: {  	s1 =	simm.s32 $0x2180;
	v6 =	vld [tilespmem:s0+$0xFFFFFFD0];
	v1 =	vadd.f32 v1, v4  }
0x17f: {  	v7 =	vld [tilespmem:s1+$0x0]  }
0x180: {  	v2 =	vld [tilespmem:s0+$0xFFFFFFA0];
	[tilespmem:s0+$0xFFFFFF90] =	vst v1  }
0x181: {  	v0 =	vadd.f32 v3, v0;
	v1 =	vld [tilespmem:s10+$0xFFFFFFA0]  }
0x182: {  	v8 =	vld [tilespmem:s0+$0xFFFFFFE0]  }
0x183: {  	[tilespmem:s0+$0x20] =	vst v0;
	v0 =	vld [tilespmem:s0+$0x30]  }
0x184: {  	s17 =	simm.s32 $0x6180;
	v3 =	vld [tilespmem:s10+$0x30]  }
0x185: {  	v10 =	vld [tilespmem:s17+$0xFFFFFF80]  }
0x186: {  	v1 =	vadd.f32 v1, v2;
	v2 =	vld [tilespmem:s17+$0x0]  }
0x187: {  	v12 =	vld [tilespmem:s1+$0xFFFFFF90]  }
0x188: {  	s9 =	simm.s32 $0x6280;
	v13 =	vld [tilespmem:s1+$0xFFFFFFD0]  }
0x189: {  	v15 =	vld [tilespmem:s9+$0xFFFFFF80];
	v0 =	vadd.f32 v3, v0  }
0x18a: {  	[tilespmem:s0+$0xFFFFFFA0] =	vst v1;
	v1 =	vld [tilespmem:s0+$0x40]  }
0x18b: {  	[tilespmem:s0+$0x30] =	vst v0;
	v2 =	vadd.f32 v2, v7;
	v7 =	vld [tilespmem:s1+$0xFFFFFF80]  }
0x18c: {  	s14 =	simm.s32 $0x2280;
	v9 =	vld [tilespmem:s10+$0x40]  }
0x18d: {  	v16 =	vld [tilespmem:s14+$0xFFFFFF80]  }
0x18e: {  	v3 =	vld [tilespmem:s10+$0xFFFFFFB0]  }
0x18f: {  	v17 =	vld [tilespmem:s1+$0x50]  }
0x190: {  	[tilespmem:s1+$0x0] =	vst v2;
	v2 =	vld [tilespmem:s1+$0x10];
	v7 =	vadd.f32 v10, v7  }
0x191: {  	v11 =	vld [tilespmem:s17+$0x10];
	v1 =	vadd.f32 v9, v1  }
0x192: {  	v9 =	vld [tilespmem:s0+$0x50];
	[tilespmem:s1+$0xFFFFFF80] =	vst v7  }
0x193: {  	[tilespmem:s0+$0x40] =	vst v1;
	v1 =	vadd.f32 v3, v5;
	v5 =	vld [tilespmem:s17+$0xFFFFFF90]  }
0x194: {  	v3 =	vld [tilespmem:s10+$0x50]  }
0x195: {  	v60 =	vld [tilespmem:s14+$0xFFFFFFA0]  }
0x196: {  	v4 =	vld [tilespmem:s0+$0xFFFFFFC0];
	v2 =	vadd.f32 v11, v2;
	[tilespmem:s0+$0xFFFFFFB0] =	vst v1  }
0x197: {  	v1 =	vld [tilespmem:s10+$0xFFFFFFC0]  }
0x198: {  	[tilespmem:s1+$0x10] =	vst v2;
	v2 =	vld [tilespmem:s1+$0x20]  }
0x199: {  	v5 =	vadd.f32 v5, v12;
	v3 =	vadd.f32 v3, v9;
	v9 =	vld [tilespmem:s17+$0x20]  }
0x19a: {  	v18 =	vld [tilespmem:s1+$0x60];
	v15 =	vadd.f32 v15, v16  }
0x19b: {  	v10 =	vld [tilespmem:s1+$0xFFFFFFA0];
	[tilespmem:s1+$0xFFFFFF90] =	vst v5  }
0x19c: {  	[tilespmem:s14+$0xFFFFFF80] =	vst v15;
	v1 =	vadd.f32 v1, v4;
	v4 =	vld [tilespmem:s17+$0xFFFFFFA0]  }
0x19d: {  	v15 =	vld [tilespmem:s9+$0xFFFFFF90]  }
0x19e: {  	v0 =	vld [tilespmem:s0+$0xFFFFFFF0];
	[tilespmem:s0+$0xFFFFFFC0] =	vst v1;
	v1 =	vadd.f32 v9, v2  }
0x19f: {  	v7 =	vld [tilespmem:s1+$0xFFFFFFB0]  }
0x1a0: {  	v5 =	vld [tilespmem:s1+$0x30];
	[tilespmem:s1+$0x20] =	vst v1  }
0x1a1: {  	v4 =	vadd.f32 v4, v10;
	v10 =	vld [tilespmem:s17+$0x30]  }
0x1a2: {  	v2 =	vld [tilespmem:s10+$0xFFFFFFD0]  }
0x1a3: {  	v11 =	vld [tilespmem:s0+$0x60]  }
0x1a4: {  	v12 =	vld [tilespmem:s1+$0xFFFFFFC0];
	[tilespmem:s0+$0x50] =	vst v3  }
0x1a5: {  	v3 =	vld [tilespmem:s10+$0x60]  }
0x1a6: {  	[tilespmem:s1+$0xFFFFFFA0] =	vst v4;
	v4 =	vld [tilespmem:s14+$0x0];
	v5 =	vadd.f32 v10, v5  }
0x1a7: {  	v2 =	vadd.f32 v2, v6;
	v6 =	vld [tilespmem:s9+$0x0]  }
0x1a8: {  	v10 =	vld [tilespmem:s1+$0x40];
	[tilespmem:s1+$0x30] =	vst v5  }
0x1a9: {  	v5 =	vld [tilespmem:s17+$0x40]  }
0x1aa: {  	v9 =	vld [tilespmem:s0+$0x70];
	v3 =	vadd.f32 v3, v11  }
0x1ab: {  	v1 =	vld [tilespmem:s1+$0xFFFFFFE0]  }
0x1ac: {  	[tilespmem:s0+$0x60] =	vst v3;
	v3 =	vld [tilespmem:s17+$0xFFFFFFB0];
	v4 =	vadd.f32 v6, v4  }
0x1ad: {  	v6 =	vld [tilespmem:s14+$0xFFFFFF90]  }
0x1ae: {  	[tilespmem:s14+$0x0] =	vst v4;
	v4 =	vld [tilespmem:s14+$0x10];
	v5 =	vadd.f32 v5, v10  }
0x1af: {  	v10 =	vld [tilespmem:s9+$0x10]  }
0x1b0: {  	v11 =	vld [tilespmem:s10+$0x70];
	[tilespmem:s1+$0x40] =	vst v5  }
0x1b1: {  	v3 =	vadd.f32 v3, v7;
	v7 =	vld [tilespmem:s17+$0x50]  }
0x1b2: {  	[tilespmem:s0+$0xFFFFFFD0] =	vst v2;
	v2 =	vld [tilespmem:s1+$0xFFFFFFF0]  }
0x1b3: {  	v14 =	vld [tilespmem:s10+$0xFFFFFFE0];
	[tilespmem:s1+$0xFFFFFFB0] =	vst v3;
	v6 =	vadd.f32 v15, v6  }
0x1b4: {  	v3 =	vadd.f32 v10, v4;
	v10 =	vld [tilespmem:s17+$0xFFFFFFC0]  }
0x1b5: {  	[tilespmem:s14+$0xFFFFFF90] =	vst v6;
	v6 =	vld [tilespmem:s14+$0xFFFFFFE0]  }
0x1b6: {  	v5 =	vld [tilespmem:s14+$0xFFFFFFB0];
	[tilespmem:s14+$0x10] =	vst v3;
	v3 =	vadd.f32 v7, v17  }
0x1b7: {  	v7 =	vld [tilespmem:s14+$0x20]  }
0x1b8: {  	v15 =	vld [tilespmem:s9+$0x20];
	[tilespmem:s1+$0x50] =	vst v3  }
0x1b9: {  	v10 =	vadd.f32 v10, v12;
	v12 =	vld [tilespmem:s17+$0x60]  }
0x1ba: {  	v61 =	vld [tilespmem:s9+$0xFFFFFFA0]  }
0x1bb: {  	v4 =	vld [tilespmem:s14+$0xFFFFFFC0];
	[tilespmem:s1+$0xFFFFFFC0] =	vst v10  }
0x1bc: {  	v10 =	vld [tilespmem:s17+$0xFFFFFFD0]  }
0x1bd: {  	v3 =	vld [tilespmem:s14+$0xFFFFFFD0];
	v7 =	vadd.f32 v15, v7  }
0x1be: {  	v15 =	vld [tilespmem:s1+$0x70];
	v12 =	vadd.f32 v12, v18  }
0x1bf: {  	[tilespmem:s14+$0x20] =	vst v7;
	v7 =	vadd.f32 v14, v8;
	v14 =	vld [tilespmem:s14+$0x30]  }
0x1c0: {  	v8 =	vadd.f32 v61, v60;
	v62 =	vld [tilespmem:s9+$0x30];
	[tilespmem:s1+$0x60] =	vst v12  }
0x1c1: {  	[tilespmem:s0+$0xFFFFFFE0] =	vst v7;
	v7 =	vadd.f32 v10, v13;
	v63 =	vld [tilespmem:s17+$0x70]  }
0x1c2: {  	[tilespmem:s14+$0xFFFFFFA0] =	vst v8;
	v8 =	vld [tilespmem:s10+$0xFFFFFFF0]  }
0x1c3: {  	v12 =	vld [tilespmem:s9+$0xFFFFFFB0];
	[tilespmem:s1+$0xFFFFFFD0] =	vst v7  }
0x1c4: {  	v10 =	vadd.f32 v11, v9;
	v9 =	vld [tilespmem:s17+$0xFFFFFFE0]  }
0x1c5: {  	v7 =	vld [tilespmem:s14+$0xFFFFFFF0];
	v13 =	vadd.f32 v62, v14  }
0x1c6: {  	s12 =	simm.s32 $0x4;
	s11 =	simm.s32 $0x2380;
	s10 =	simm.s32 $0x6280;
	[tilespmem:s0+$0x70] =	vst v10;
	v10 =	vld [tilespmem:s14+$0x40];
	v11 =	vadd.f32 v63, v15  }
.LBB2_9:
0x1c7: {  	v14 =	vld [tilespmem:s11+$0x0];
	[tilespmem:s14+$0x30] =	vst v13;
	s9 =	sadd.s32 $0x100, s9;
	v8 =	vadd.f32 v8, v0;
	v0 =	vmov v2  }
0x1c8: {  	v13 =	vld [tilespmem:s9+$0x0];
	v12 =	vadd.f32 v12, v5;
	[tilespmem:s1+$0x70] =	vst v11  }
0x1c9: {  	s12 =	sadd.s32 $0x2, s12;
	v5 =	vld [tilespmem:s10+$0x40];
	v9 =	vadd.f32 v9, v1;
	[tilespmem:s0+$0xFFFFFFF0] =	vst v8;
	v1 =	vmov v6;
	s0 =	smov.u32 s1;
	s1 =	smov.u32 s14  }
0x1ca: {  	p1 =	slt.u32 s12, $0x7E;
	s14 =	smov.u32 s11;
	v6 =	vld [tilespmem:s9+$0xFFFFFF80];
	[tilespmem:s1+$0xFFFFFFB0] =	vst v12;
	v2 =	vmov v7  }
0x1cb: {  	v7 =	vld [tilespmem:s11+$0xFFFFFF80];
	[tilespmem:s0+$0xFFFFFFE0] =	vst v9  }
0x1cc: {  	v8 =	vld [tilespmem:s11+$0xFFFFFF90]  }
0x1cd: {  	v9 =	vld [tilespmem:s11+$0xFFFFFFA0];
	v11 =	vadd.f32 v13, v14  }
0x1ce: {  	v5 =	vadd.f32 v5, v10;
	v10 =	vld [tilespmem:s1+$0x50]  }
0x1cf: {  	[tilespmem:s11+$0x0] =	vst v11;
	v11 =	vld [tilespmem:s11+$0x10]  }
0x1d0: {  	v6 =	vadd.f32 v6, v7;
	v7 =	vld [tilespmem:s9+$0x10];
	[tilespmem:s1+$0x40] =	vst v5  }
0x1d1: {  	v12 =	vld [tilespmem:s10+$0x50]  }
0x1d2: {  	[tilespmem:s11+$0xFFFFFF80] =	vst v6;
	v5 =	vld [tilespmem:s11+$0xFFFFFFB0]  }
0x1d3: {  	v6 =	vld [tilespmem:s9+$0xFFFFFF90]  }
0x1d4: {  	v13 =	vld [tilespmem:s10+$0xFFFFFFC0]  }
0x1d5: {  	v14 =	vld [tilespmem:s11+$0xFFFFFFC0];
	v7 =	vadd.f32 v7, v11  }
0x1d6: {  	v10 =	vadd.f32 v12, v10;
	v11 =	vld [tilespmem:s1+$0x60]  }
0x1d7: {  	[tilespmem:s11+$0x10] =	vst v7;
	v7 =	vld [tilespmem:s11+$0x20]  }
0x1d8: {  	v6 =	vadd.f32 v6, v8;
	v8 =	vld [tilespmem:s9+$0x20];
	[tilespmem:s1+$0x50] =	vst v10  }
0x1d9: {  	v10 =	vadd.f32 v13, v4;
	v12 =	vld [tilespmem:s10+$0x60]  }
0x1da: {  	[tilespmem:s11+$0xFFFFFF90] =	vst v6;
	v13 =	vld [tilespmem:s11+$0xFFFFFFD0];
	v4 =	vmov v14  }
0x1db: {  	v14 =	vld [tilespmem:s9+$0xFFFFFFA0];
	[tilespmem:s1+$0xFFFFFFC0] =	vst v10  }
0x1dc: {  	v10 =	vld [tilespmem:s10+$0xFFFFFFD0]  }
0x1dd: {  	v6 =	vld [tilespmem:s11+$0xFFFFFFE0];
	v7 =	vadd.f32 v8, v7  }
0x1de: {  	v8 =	vadd.f32 v12, v11;
	v11 =	vld [tilespmem:s1+$0x70]  }
0x1df: {  	[tilespmem:s11+$0x20] =	vst v7;
	v15 =	vld [tilespmem:s11+$0x30]  }
0x1e0: {  	v7 =	vadd.f32 v14, v9;
	v14 =	vld [tilespmem:s9+$0x30];
	[tilespmem:s1+$0x60] =	vst v8  }
0x1e1: {  	v9 =	vadd.f32 v10, v3;
	v16 =	vld [tilespmem:s10+$0x70];
	v3 =	vmov v13  }
.Ltmp6:
0x1e2: {  	[tilespmem:s11+$0xFFFFFFA0] =	vst v7;
	v8 =	vld [tilespmem:s17+$0xFFFFFFF0];
	s17 =	smov.u32 s10;
	s10 =	smov.u32 s9;
	(pc) =	sbr.rel @p1 .LBB2_9-.Ltmp6, $4  }
0x1e3: {  	v12 =	vld [tilespmem:s9+$0xFFFFFFB0];
	[tilespmem:s1+$0xFFFFFFD0] =	vst v9  }
0x1e4: {  	v9 =	vld [tilespmem:s17+$0xFFFFFFE0]  }
0x1e5: {  	v7 =	vld [tilespmem:s11+$0xFFFFFFF0];
	v13 =	vadd.f32 v14, v15  }
0x1e6: {  	s11 =	sadd.s32 $0x100, s11;
	v10 =	vld [tilespmem:s14+$0x40];
	v11 =	vadd.f32 v16, v11  }
0x1e7: {  	_ = 	snop  }
0x1e8: {  	v5 =	vadd.f32 v12, v5  }
0x1e9: {  	[tilespmem:s14+$0x30] =	vst v13  }
0x1ea: {  	v54 =	vld [tilespmem:s10+$0x40];
	[tilespmem:s14+$0xFFFFFFB0] =	vst v5  }
0x1eb: {  	v5 =	vld [tilespmem:s10+$0xFFFFFFC0];
	_ =	sdelay $0x3  }
0x1ec: {  	v10 =	vadd.f32 v54, v10  }
0x1ed: {  	v4 =	vadd.f32 v5, v4  }
0x1ee: {  	v55 =	vld [tilespmem:s14+$0x50];
	[tilespmem:s14+$0x40] =	vst v10  }
0x1ef: {  	v56 =	vld [tilespmem:s10+$0x50];
	[tilespmem:s14+$0xFFFFFFC0] =	vst v4  }
0x1f0: {  	v4 =	vld [tilespmem:s10+$0xFFFFFFD0];
	_ =	sdelay $0x3  }
0x1f1: {  	v5 =	vadd.f32 v56, v55  }
0x1f2: {  	v3 =	vadd.f32 v4, v3  }
0x1f3: {  	v57 =	vld [tilespmem:s14+$0x60];
	[tilespmem:s14+$0x50] =	vst v5  }
0x1f4: {  	v58 =	vld [tilespmem:s10+$0x60];
	[tilespmem:s14+$0xFFFFFFD0] =	vst v3  }
0x1f5: {  	v3 =	vld [tilespmem:s10+$0xFFFFFFE0];
	_ =	sdelay $0x2  }
0x1f6: {  	v1 =	vadd.f32 v9, v1  }
0x1f7: {  	v4 =	vadd.f32 v58, v57  }
0x1f8: {  	v59 =	vld [tilespmem:s14+$0x70];
	[tilespmem:s1+$0xFFFFFFE0] =	vst v1;
	v3 =	vadd.f32 v3, v6  }
0x1f9: {  	v61 =	vld [tilespmem:s17+$0xFFFFFFF0];
	[tilespmem:s14+$0x60] =	vst v4  }
0x1fa: {  	v60 =	vld [tilespmem:s10+$0x70];
	[tilespmem:s14+$0xFFFFFFE0] =	vst v3  }
0x1fb: {  	v3 =	vld [tilespmem:s10+$0xFFFFFFF0];
	_ =	sdelay $0x1  }
0x1fc: {  	v0 =	vadd.f32 v8, v0  }
0x1fd: {  	[tilespmem:s1+$0x70] =	vst v11;
	v62 =	vadd.f32 v61, v2  }
0x1fe: {  	[tilespmem:s0+$0xFFFFFFF0] =	vst v0;
	v1 =	vadd.f32 v60, v59  }
.Ltmp7:
0x1ff: {  	[tilespmem:s1+$0xFFFFFFF0] =	vst v62;
	v63 =	vadd.f32 v3, v7;
	(pc) =	sbr.rel .LBB2_11-.Ltmp7, $4  }
0x200: {  	[tilespmem:s14+$0x70] =	vst v1  }
0x201: {  	[tilespmem:s14+$0xFFFFFFF0] =	vst v63  }
0x202: {  	s0 =	rddreg [dreg:$0x8]  }
0x203: {  	[hbm4b:s0+s4] =	stream.linear.scatter [tilespmem:s19], [sflag:$0x5], $0x4000, $0x38;
	[tilespmem:$0x12000] =	vst v63  }
.LBB2_12:
0x204: {  	_ =	sfence.sel $0x180000  }
0x205: {  	[bflag:$0x0] =	sbarrier.arrive $0xFFFF  }
0x206: {  	_ =	strace $0x90000047  }
0x207: {  	s0 =	stileid.u32;
	[bflag:$0x2] =	sbarrier.arrive $0xFFFF  }
0x208: {  	p0 =	sne.s32 s0, $0x0;
	s0 =	rddreg [dreg:$0x3]  }
0x209: {  	s0 =	sadd.s32 @!p0 $0x100000, s0  }
0x20a: {  	[sflag:s0] =	ssyncadd.tile.s32 @!p0 $0x1;
	_ =	shalt  }
.Lfunc_end2:
_tile_overlayer_lowered:
.L_overlay_start_2:
0x20b: {  	(tag) =	ssettag $0x2  }
0x20c: {  	s0 =	rddreg [dreg:$0x0];
	s2 =	stileid.u32  }
0x20d: {  	s1 =	rddreg [dreg:$0x1];
	p0 =	sne.s32 s2, $0x0  }
0x20e: {  	s3 =	rddreg [dreg:$0x2];
	[bflag:$0x3] =	sbarrier.arrive $0xFFFF;
	s2 =	simm.s32 @!p0 $0x1C07  }
0x20f: {  	[timem:s3], [sflag:s2] =	dma.local @!p0 [hbm:s0], s1  }
0x210: {  	s0 =	simm.s32 @!p0 $0x7  }
0x211: {  	_ =	swait.ge @!p0 [sflag:s0], s1  }
0x212: {  	s1 =	ssub.s32 @!p0 $0x0, s1;
	[sflag:s0] =	ssyncset.done @!p0 $0x0  }
0x213: {  	[sflag:s0] =	ssyncadd.s32 @!p0 s1  }
0x214: {  	[bflag:$0x3] =	sbarrier.arrive $0xFFFF  }
0x215: {  	_ =	shalt  }

// kernel: kernel.16.cloned.1.call-start
scs
__scs_entry_jumppad:
0x0: {  	(pc) =	sbr.rel $0x88, $3  }
0x1: {  	(tag) =	ssettag $0x0;
	lr =	simm.s32 $0x1  }
0x2: {  	[smem:$0x3F8B] =	sst lr;
	_ =	strace $0xD0000000  }
0x3: {  	_ = 	snop  }
0x4: {  	_ = 	snop  }
0x5: {  	_ = 	snop  }
0x6: {  	_ = 	snop  }
0x7: {  	_ = 	snop  }
__scs_overlays_trampoline_lowered:
0x8: {  	[smem:$0x3F9A] =	sst s0  }
0x9: {  	[smem:$0x3F9B] =	sst s1  }
0xa: {  	[smem:$0x3F9C] =	sst s2  }
0xb: {  	[smem:$0x3F9D] =	sst s3  }
0xc: {  	[smem:$0x3F9E] =	sst s4  }
0xd: {  	[smem:$0x3F9F] =	sst s5  }
0xe: {  	[smem:$0x3FA0] =	sst s6  }
0xf: {  	[smem:$0x3FA1] =	sst s7  }
0x10: {  	[smem:$0x3FA2] =	sst s8  }
0x11: {  	[smem:$0x3FA3] =	sst s9;
	s0 =	simm.s32 @!p0 $0x0  }
0x12: {  	s1 =	sld [smem:$0x3F89];
	s0 =	simm.s32 @p0 $0x1  }
0x13: {  	[smem:$0x3FA4] =	sst s0;
	s0 =	simm.s32 @!p1 $0x0  }
0x14: {  	s2 =	sld [smem:$0x3F88];
	s0 =	simm.s32 @p1 $0x1  }
0x15: {  	[smem:$0x3FA5] =	sst s0;
	s0 =	simm.s32 @!p2 $0x0  }
0x16: {  	s3 =	sld [smem:$0x3FDB];
	s0 =	simm.s32 @p2 $0x1  }
0x17: {  	s4 =	simm.s32 $0x1BF5;
	[smem:$0x3FA7] =	sst s0  }
0x18: {  	s0 =	sld [smem:$0x3F8A];
	_ =	swait.ge [sflag:s4], $0x0  }
0x19: {  	s7 =	sld [smem:$0x3F8B]  }
0x1a: {  	s8 =	sadd.s32 $0xFFFFE003, lr  }
0x1b: {  	s9 =	sadd.s32 $0xFFFFFEF7, lr;
	s5 =	simm.s32 $0xFFFFFFFF;
	p2 =	slt.u32 s8, $0xFFFFF086  }
0x1c: {  	p1 =	slt.u32 s9, $0xF7A;
	s5 =	simm.s32 @!p2 $0x0  }
0x1d: {  	s5 =	simm.s32 @p1 $0x1;
	p0 =	seq.s32 s7, s2  }
0x1e: {  	s7 =	smul.u32 @!p0 $0xF7A, s2;
	p2 =	seq.s32 @!p0 s5, $0x0  }
0x1f: {  	s9 =	smul.u32 $0xF7A, s1;
	s8 =	simm.s32 @!p0 $0x1BF5;
	p2 =	por !p2, p0  }
0x20: {  	[sflag:s8] =	ssyncset.s32 @!p0 $0xFFFFF086;
	s6 =	sadd.s32 @!p0 s3, s7;
	s7 =	simm.s32 @!p0 $0x108  }
0x21: {  	s3 =	sadd.s32 s3, s9;
	s6 =	sadd.s32 @!p0 $0x88, s6;
	s7 =	simm.s32 @p2 $0x1082  }
0x22: {  	[simem:s7], [sflag:s8] =	dma.local @!p0 [hbm:s6], $0xF7A  }
0x23: {  	s9 =	sor.u32 $0xD0000000, s2;
	s6 =	simm.s32 $0x108;
	_ =	swait.ge @!p0 [sflag:s8], $0x0  }
0x24: {  	s3 =	sadd.s32 $0x88, s3;
	s6 =	simm.s32 @!p1 $0x1082;
	[sflag:s4] =	ssyncset.s32 $0xFFFFF086  }
0x25: {  	[simem:s6], [sflag:s4] =	dma.local [hbm:s3], $0xF7A  }
0x26: {  	[smem:$0x3F8B] =	sst s1;
	(tag) =	ssettag s2;
	_ =	strace s9  }
0x27: {  	s1 =	sld [smem:$0x3F9B]  }
0x28: {  	s2 =	sld [smem:$0x3F9C]  }
0x29: {  	s4 =	sld [smem:$0x3F9E]  }
0x2a: {  	p0 =	seq.s32 s5, $0x0;
	s5 =	sld [smem:$0x3F9F]  }
0x2b: {  	s6 =	sld [smem:$0x3FA0]  }
0x2c: {  	s7 =	sld [smem:$0x3FA1]  }
0x2d: {  	s3 =	simm.s32 $0x108;
	s8 =	sld [smem:$0x3FA2]  }
0x2e: {  	s3 =	simm.s32 @!p0 $0x1082;
	s9 =	sld [smem:$0x3FA3]  }
0x2f: {  	lr =	sadd.s32 s0, s3;
	s0 =	sld [smem:$0x3F9A]  }
0x30: {  	s3 =	sld [smem:$0x3F9D]  }
0x31: {  	[smem:$0x3FA6] =	sst s10  }
0x32: {  	s10 =	sld [smem:$0x3FA4];
	_ =	sdelay $0x3  }
0x33: {  	p0 =	seq.s32 s10, $0x1;
	s10 =	sld [smem:$0x3FA6];
	_ =	sdelay $0x3  }
0x34: {  	[smem:$0x3FA6] =	sst s10  }
0x35: {  	s10 =	sld [smem:$0x3FA5];
	_ =	sdelay $0x3  }
0x36: {  	p1 =	seq.s32 s10, $0x1;
	s10 =	sld [smem:$0x3FA6];
	_ =	sdelay $0x3  }
0x37: {  	[smem:$0x3FA6] =	sst s10  }
0x38: {  	s10 =	sld [smem:$0x3FA7]  }
0x39: {  	_ = 	snop;
	(pc) =	sbr.ind lr, $3  }
0x3a: {  	_ = 	snop  }
0x3b: {  	_ = 	snop  }
0x3c: {  	p2 =	seq.s32 s10, $0x1;
	s10 =	sld [smem:$0x3FA6]  }
0x3d: {  	_ =	shalt  }
0x3e: {  	_ =	shalt  }
0x3f: {  	_ =	shalt  }
0x40: {  	_ =	shalt  }
0x41: {  	_ =	shalt  }
0x42: {  	_ =	shalt  }
0x43: {  	_ =	shalt  }
0x44: {  	_ =	shalt  }
0x45: {  	_ =	shalt  }
0x46: {  	_ =	shalt  }
0x47: {  	_ =	shalt  }
0x48: {  	_ =	shalt  }
0x49: {  	_ =	shalt  }
0x4a: {  	_ =	shalt  }
0x4b: {  	_ =	shalt  }
0x4c: {  	_ =	shalt  }
0x4d: {  	_ =	shalt  }
0x4e: {  	_ =	shalt  }
0x4f: {  	_ =	shalt  }
0x50: {  	_ =	shalt  }
0x51: {  	_ =	shalt  }
0x52: {  	_ =	shalt  }
0x53: {  	_ =	shalt  }
0x54: {  	_ =	shalt  }
0x55: {  	_ =	shalt  }
0x56: {  	_ =	shalt  }
0x57: {  	_ =	shalt  }
0x58: {  	_ =	shalt  }
0x59: {  	_ =	shalt  }
0x5a: {  	_ =	shalt  }
0x5b: {  	_ =	shalt  }
0x5c: {  	_ =	shalt  }
0x5d: {  	_ =	shalt  }
0x5e: {  	_ =	shalt  }
0x5f: {  	_ =	shalt  }
0x60: {  	_ =	shalt  }
0x61: {  	_ =	shalt  }
0x62: {  	_ =	shalt  }
0x63: {  	_ =	shalt  }
0x64: {  	_ =	shalt  }
0x65: {  	_ =	shalt  }
0x66: {  	_ =	shalt  }
0x67: {  	_ =	shalt  }
0x68: {  	_ =	shalt  }
0x69: {  	_ =	shalt  }
0x6a: {  	_ =	shalt  }
0x6b: {  	_ =	shalt  }
0x6c: {  	_ =	shalt  }
0x6d: {  	_ =	shalt  }
0x6e: {  	_ =	shalt  }
0x6f: {  	_ =	shalt  }
0x70: {  	_ =	shalt  }
0x71: {  	_ =	shalt  }
0x72: {  	_ =	shalt  }
0x73: {  	_ =	shalt  }
0x74: {  	_ =	shalt  }
0x75: {  	_ =	shalt  }
0x76: {  	_ =	shalt  }
0x77: {  	_ =	shalt  }
0x78: {  	_ =	shalt  }
0x79: {  	_ =	shalt  }
0x7a: {  	_ =	shalt  }
0x7b: {  	_ =	shalt  }
0x7c: {  	_ =	shalt  }
0x7d: {  	_ =	shalt  }
0x7e: {  	_ =	shalt  }
0x7f: {  	_ =	shalt  }
0x80: {  	_ =	shalt  }
0x81: {  	_ =	shalt  }
0x82: {  	_ =	shalt  }
0x83: {  	_ =	shalt  }
0x84: {  	_ =	shalt  }
0x85: {  	_ =	shalt  }
0x86: {  	_ =	shalt  }
0x87: {  	_ =	shalt  }
.Lfunc_end0:
.L_simem_size_0:
called_computation.2_lowered:
.L_overlay_start_0:
0x88: {  	s2 =	sld [smem:$0x3FD9]  }
0x89: {  	s3 =	sld [smem:$0x3FFE];
	_ =	sdelay $0x1  }
0x8a: {  	s1 =	srdreg.scid  }
0x8b: {  	s0 =	sand.u32 $0x1, s1  }
0x8c: {  	s17 =	sshll.u32 s0, $0xA;
	s2 =	sadd.s32 s3, s2  }
0x8d: {  	s2 =	sadd.s32 s2, s17  }
0x8e: {  	[smem:$0x3FB2] =	sst s2  }
0x8f: {  	_ = 	snop  }
0x90: {  	(tm) =	ssettm $0x1  }
0x91: {  	s18 =	sld [smem:$0x3FFB];
	_ =	sdelay $0x3  }
0x92: {  	_ =	strace s18  }
0x93: {  	s2 =	sld [smem:$0x3FFC];
	_ =	sdelay $0x3  }
0x94: {  	_ =	strace s2  }
0x95: {  	s2 =	sld [smem:$0x3FFD];
	_ =	sdelay $0x3  }
0x96: {  	_ =	strace s2  }
0x97: {  	_ =	strace $0x8FFFFFFF  }
0x98: {  	s19 =	sld [smem:$0x3FDB];
	_ =	sdelay $0x1  }
0x99: {  	s20 =	simm.s32 $_scs_section_size  }
0x9a: {  	s4 =	simm.s32 $_size__tile_overlayer_lowered;
	s5 =	simm.s32 $_tile_overlayer_lowered  }
0x9b: {  	s6 =	simm.s32 $0x1BFF;
	s21 =	sshll.u32 s5, $0x1;
	s3 =	sadd.s32 s20, s19  }
0x9c: {  	s22 =	simm.s32 $0x0;
	s4 =	sshll.u32 s4, $0x1;
	s5 =	sadd.s32 s21, s3  }
0x9d: {  	[timem:s22], [sflag:s6] =	dma.local [hbm:s5], s4  }
0x9e: {  	_ =	swait.ge [sflag:s6], s4  }
0x9f: {  	s4 =	ssub.s32 $0x0, s4;
	[sflag:s6] =	ssyncset.done $0x0  }
0xa0: {  	[sflag:s6] =	ssyncadd.s32 s4;
	_ =	sdelay $0x1  }
0xa1: {  	s23 =	simm.s32 $0x1B8B  }
0xa2: {  	_ =	swait.ge [sflag:s23], $0x1  }
0xa3: {  	[sflag:s23] =	ssyncset.done $0x0  }
0xa4: {  	[sflag:s23] =	ssyncadd.s32 $0xFFFFFFFF  }
0xa5: {  	s4 =	sld [smem:$0x0]  }
0xa6: {  	s5 =	sand.u32 $0xFFFFFFFE, s1  }
0xa7: {  	p0 =	sne.s32 s1, s5  }
0xa8: {  	s5 =	sshll.u32 @p0 s5, $0xE  }
0xa9: {  	s5 =	sadd.s32 @p0 $0x11B8D, s5;
	s6 =	sshll.u32 @p0 s4, $0x11  }
0xaa: {  	s5 =	sor.u32 @p0 s6, s5  }
0xab: {  	[sflag:s5] =	ssyncadd.remote.s32 @p0 $0x1;
	_ =	sdelay $0x1  }
0xac: {  	s5 =	simm.s32 @p0 $0x1B8D  }
0xad: {  	_ =	swait.eq @p0 [sflag:s5], $0x1  }
0xae: {  	[sflag:s5] =	ssyncadd.s32 @p0 $0xFFFFFFFF  }
0xaf: {  	s6 =	sshll.u32 @!p0 s1, $0xE  }
0xb0: {  	s6 =	sor.u32 @!p0 $0x4000, s6;
	s5 =	simm.s32 @!p0 $0x1B8D  }
0xb1: {  	s4 =	sshll.u32 @!p0 s4, $0x11;
	s6 =	sadd.s32 @!p0 $0x11B8D, s6;
	_ =	swait.eq @!p0 [sflag:s5], $0x1  }
0xb2: {  	s4 =	sor.u32 @!p0 s4, s6;
	[sflag:s5] =	ssyncadd.s32 @!p0 $0xFFFFFFFF  }
0xb3: {  	s25 =	simm.s32 $0x1B8E;
	s24 =	sld [smem:$0x3FFE];
	[sflag:s4] =	ssyncadd.remote.s32 @!p0 $0x1  }
0xb4: {  	s26 =	simm.s32 $execute0_lowered;
	[smem:$0x3FD2] =	sst s25  }
0xb5: {  	s5 =	sshll.u32 s26, $0x1;
	_ =	strace $0x8000004F;
	[dreg:$0x1] =	wrdreg $0xFFFFFFFF  }
0xb6: {  	s28 =	simm.s32 $_size_execute0_lowered;
	s3 =	sadd.s32 s3, s5;
	[dreg:$0x0] =	wrdreg $0x0  }
0xb7: {  	s5 =	sshll.u32 s28, $0x1;
	[dreg:$0x2] =	wrdreg s3  }
0xb8: {  	[dreg:$0x3] =	wrdreg s5  }
0xb9: {  	[dreg:$0x4] =	wrdreg $0xC0  }
0xba: {  	_ =	task [dreg:s22], $0x5FFFF  }
0xbb: {  	[dreg:$0x1] =	wrdreg $0xFFFFFFFF  }
0xbc: {  	[dreg:$0x0] =	wrdreg $0x60  }
0xbd: {  	[dreg:$0x2] =	wrdreg s24  }
0xbe: {  	[dreg:$0x3] =	wrdreg $0x90000  }
0xbf: {  	[dreg:$0x4] =	wrdreg $0x9  }
0xc0: {  	_ =	task.clear_ibuf [dreg:s22], $0x5FFFF;
	_ =	strace $0x9000004F  }
0xc1: {  	s29 =	simm.s32 $0x9;
	_ =	strace $0x80000051  }
0xc2: {  	_ =	swait.ge [sflag:s29], $0x1  }
0xc3: {  	[sflag:s29] =	ssyncadd.s32 $0xFFFFFFFF  }
0xc4: {  	_ =	strace $0x90000051  }
0xc5: {  	_ =	sfence  }
0xc6: {  	s30 =	sld [smem:$0x0];
	_ =	sdelay $0x2  }
0xc7: {  	s31 =	sshll.u32 s1, $0xD;
	s1 =	sshrl.u32 s1, $0x2  }
0xc8: {  	s4 =	sand.u32 $0x4000, s31;
	s1 =	sadd.s32 s1, s30  }
0xc9: {  	s0 =	sor.u32 s4, s0;
	s1 =	sshll.u32 s1, $0x11  }
0xca: {  	s0 =	sor.u32 s1, s0  }
0xcb: {  	s0 =	sadd.s32 $0x8F2B, s0  }
0xcc: {  	[sflag:s0] =	ssyncadd.remote.s32 $0x1  }
0xcd: {  	_ =	sfence.sel $0xFFFF  }
0xce: {  	[dreg:$0x0] =	wrdreg $0xFFFFFFFF;
	(pc) =	sbr.abs _section_cstart, $3  }
0xcf: {  	[dreg:$0x1] =	wrdreg $0xFFFFFFFF  }
0xd0: {  	_ =	task.clear_ibuf [dreg:s22], $0x2FFFF;
	_ =	strace $0x9FFFFFFF  }
0xd1: {  	(tm) =	ssettm $0x7FFFFFFF  }
tec
execute0_lowered:
.L_overlay_start_1:
0x0: {  	(tag) =	ssettag $0x1  }
0x1: {  	s1 =	srdreg.scid  }
0x2: {  	s0 =	stileid.u32;
	s4 =	rddreg [dreg:$0x0]  }
0x3: {  	s2 =	rddreg [dreg:$0x1];
	s3 =	simm.s32 $0x0;
	s8 =	sand.u32 $0x1, s1  }
0x4: {  	s11 =	sshll.u32 s0, $0x1;
	s1 =	rddreg [dreg:$0x2];
	s7 =	smul.u32 $0x13C00, s0  }
0x5: {  	[smem:$0x7FF] =	sst s3;
	s13 =	sadd.s32 $0x4F0E00, s4;
	s15 =	smul.u32 $0x4F000, s0  }
0x6: {  	s25 =	sshll.u32 s0, $0x6;
	s26 =	smul.u32 $0x26, s0;
	s5 =	sor.u32 s8, s11  }
0x7: {  	s18 =	smul.u32 $0x13C000, s8;
	_ =	strace $0x80000050;
	s22 =	ssub.s32 $0x2, s8  }
0x8: {  	s6 =	smul.u32 $0x13, s5;
	s12 =	smin.u32 s5, $0x11;
	s14 =	sshrl.u32 s7, $0x3  }
0x9: {  	s16 =	sshrl.u32 s22, $0x1;
	p0 =	slt.u32 s5, $0x11;
	s23 =	sshrl.u32 s15, $0x2  }
0xa: {  	s20 =	sadd.s32 s14, s4;
	s16 =	ssub.s32 s22, s16;
	s17 =	sadd.s32 s23, s2  }
0xb: {  	s22 =	simm.s32 $0x2;
	s9 =	sadd.s32 s12, s6;
	s6 =	sadd.s32 s7, s18  }
0xc: {  	s5 =	sadd.s32 $0x9E00, s20;
	s18 =	simm.s32 $0x13;
	s20 =	smul.u32 $0x3, s8  }
0xd: {  	s10 =	sshll.u32 s9, $0x4;
	s6 =	sshrl.u32 s6, $0x3;
	s24 =	sand.u32 $0x7, s9  }
0xe: {  	s9 =	sshll.u32 s9, $0xB;
	s18 =	simm.s32 @!p0 $0x12;
	s10 =	sand.u32 $0x7F80, s10  }
0xf: {  	s21 =	sadd.s32 s6, s4;
	s6 =	sor.u32 $0x1C03, s25;
	s28 =	sadd.s32 s18, s24  }
0x10: {  	s30 =	sadd.s32 s12, s20;
	s18 =	simm.s32 $0x1000;
	s20 =	simm.s32 $0x1  }
0x11: {  	s19 =	sadd.s32 s10, s4;
	s4 =	simm.s32 $0x14;
	s10 =	sadd.s32 $0x80600, s21  }
0x12: {  	s31 =	ssub.s32 s30, s11;
	s11 =	smax.u32 s16, $0x1;
	s16 =	sshrl.u32 s17, $0x3  }
0x13: {  	s17 =	simm.s32 $0x3;
	s7 =	sadd.s32 $0x144E00, s19;
	s19 =	smul.u32 $0x13, s8  }
0x14: {  	s21 =	simm.s32 $0x80;
	s4 =	simm.s32 @!p0 $0x13;
	s8 =	sadd.s32 s13, s9  }
0x15: {  	s9 =	sshll.u32 s28, $0x7;
	s14 =	sand.u32 $0x7, s31;
	s29 =	sadd.s32 s19, s26  }
0x16: {  	s23 =	sand.u32 $0x1, s4;
	s14 =	sshll.u32 s14, $0x7;
	s12 =	sadd.s32 s12, s29  }
0x17: {  	s14 =	sadd.s32 $0x80, s14;
	s19 =	simm.s32 $0x5000;
	s15 =	sshll.u32 s12, $0xB  }
0x18: {  	p0 =	seq.s32 s23, $0x0;
	s23 =	simm.s32 $0x0;
	s15 =	sadd.s32 s15, s13  }
0x19: {  	s12 =	sand.u32 $0x16, s4;
	s13 =	sadd.s32 $0x800, s15;
	s15 =	sadd.s32 $0x1000, s15  }
.LBB2_1:
0x1a: {  	[spmem:s16], [sflag:s6] =	dma.local [hbm:s5], $0x2780  }
0x1b: {  	_ =	swait.ge [sflag:s17], $0x2780  }
0x1c: {  	[sflag:s17] =	ssyncset.done $0x0  }
0x1d: {  	[sflag:s17] =	ssyncadd.s32 $0xFFFFD880  }
0x1e: {  	[tilespmem:s3], [sflag:$0x3] =	stream.linear.gather [hbm4b:s7+s3], $0x1000, $0x38;
	[tilespmem:$0x1CC00] =	vst v63  }
0x1f: {  	_ =	swait.ge [sflag:s17], $0x1000  }
0x20: {  	[sflag:s17] =	ssyncset.done $0x0  }
0x21: {  	[sflag:s17] =	ssyncadd.s32 $0xFFFFF000  }
0x22: {  	[bflag:$0x0] =	sbarrier.arrive $0xFFFF  }
0x23: {  	[tilespmem:s18], [sflag:$0x1] =	stream.linear.gather [hbm4b:s8+s3], $0x4000, $0x38;
	[tilespmem:$0x1CC00] =	vst v63  }
0x24: {  	_ = 	snop  }
0x25: {  	[tilespmem:s19], [sflag:$0x2] =	stream.linear.gather [hbm4b:s13+s3], $0x4000, $0x38;
	[tilespmem:$0x1CC00] =	vst v63  }
0x26: {  	_ =	swait.ge [sflag:s20], $0x4000  }
0x27: {  	[sflag:s20] =	ssyncset.done $0x0  }
0x28: {  	s24 =	sadd.s32 $0xFFFFFF80, s14;
	[sflag:s20] =	ssyncadd.s32 $0xFFFFC000  }
0x29: {  	[spmem:s2] =	stream.indirect.scatter.add.f32 [tilespmem:s18], [sflag:$0x3], $0x80, s24, s21, $0xb8;
	[tilespmem:$0x1CC00] =	vst v63  }
0x2a: {  	_ =	swait.ge [sflag:s17], $0x4000  }
0x2b: {  	p1 =	sle.u32 s4, $0x2;
	[sflag:s17] =	ssyncset.done $0x0  }
0x2c: {  	s25 =	simm.s32 @!p1 $0x1000;
	s24 =	simm.s32 @!p1 $0x0;
	[sflag:s17] =	ssyncadd.s32 $0xFFFFC000  }
0x2d: {  	[tilespmem:s25], [sflag:$0x1] =	stream.linear.gather @!p1 [hbm4b:s15+s24], $0x4000, $0x38;
	[tilespmem:$0x1CC00] =	vst v63  }
0x2e: {  	p1 =	sne.s32 s12, $0x2;
	_ =	swait.ge [sflag:s22], $0x4000  }
.Ltmp0:
0x2f: {  	[sflag:s22] =	ssyncset.done $0x0;
	(pc) =	sbr.rel @!p1 .LBB2_3-.Ltmp0, $4  }
0x30: {  	[sflag:s22] =	ssyncadd.s32 $0xFFFFC000  }
0x31: {  	[spmem:s2] =	stream.indirect.scatter.add.f32 [tilespmem:s19], [sflag:$0x3], $0x80, s14, s21, $0xb8;
	[tilespmem:$0x1CC00] =	vst v63  }
0x32: {  	s26 =	sadd.s32 $0x1000, s15;
	s28 =	smov.u32 s13;
	_ =	swait.ge [sflag:s17], $0x4000  }
0x33: {  	s24 =	simm.s32 $0x2;
	s25 =	sadd.s32 $0x100, s14;
	[sflag:s17] =	ssyncset.done $0x0  }
.LBB2_2:
0x34: {  	s24 =	sadd.s32 $0x2, s24;
	[sflag:s17] =	ssyncadd.s32 $0xFFFFC000;
	s28 =	sadd.s32 $0x1000, s28  }
0x35: {  	[tilespmem:s19], [sflag:$0x2] =	stream.linear.gather [hbm4b:s28+s3], $0x4000, $0x38;
	[tilespmem:$0x1CC00] =	vst v63  }
0x36: {  	p1 =	sne.s32 s12, s24;
	_ =	swait.ge [sflag:s20], $0x4000  }
0x37: {  	[sflag:s20] =	ssyncset.done $0x0  }
0x38: {  	s29 =	sadd.s32 $0xFFFFFF80, s25;
	[sflag:s20] =	ssyncadd.s32 $0xFFFFC000  }
0x39: {  	[spmem:s2] =	stream.indirect.scatter.add.f32 [tilespmem:s18], [sflag:$0x3], $0x80, s29, s21, $0xb8;
	[tilespmem:$0x1CC00] =	vst v63  }
0x3a: {  	_ =	swait.ge [sflag:s17], $0x4000  }
0x3b: {  	p2 =	sge.u32 s24, s4;
	[sflag:s17] =	ssyncset.done $0x0  }
0x3c: {  	s30 =	simm.s32 @!p2 $0x1000;
	s29 =	simm.s32 @!p2 $0x0;
	[sflag:s17] =	ssyncadd.s32 $0xFFFFC000  }
0x3d: {  	[tilespmem:s30], [sflag:$0x1] =	stream.linear.gather @!p2 [hbm4b:s26+s29], $0x4000, $0x38;
	[tilespmem:$0x1CC00] =	vst v63  }
0x3e: {  	_ =	swait.ge [sflag:s22], $0x4000  }
.Ltmp1:
0x3f: {  	[sflag:s22] =	ssyncset.done $0x0;
	(pc) =	sbr.rel @p1 .LBB2_2-.Ltmp1, $4  }
0x40: {  	[sflag:s22] =	ssyncadd.s32 $0xFFFFC000  }
0x41: {  	[spmem:s2] =	stream.indirect.scatter.add.f32 [tilespmem:s19], [sflag:$0x3], $0x80, s25, s21, $0xb8;
	[tilespmem:$0x1CC00] =	vst v63  }
0x42: {  	_ =	swait.ge [sflag:s17], $0x4000  }
0x43: {  	s26 =	sadd.s32 $0x1000, s26;
	s25 =	sadd.s32 $0x100, s25;
	[sflag:s17] =	ssyncset.done $0x0  }
.LBB2_3:
0x44: {  	[sflag:s17] =	ssyncadd.s32 $0xFFFFC000;
	s24 =	simm.s32 @!p0 $0x1  }
0x45: {  	_ =	swait.ge @!p0 [sflag:s24], $0x4000  }
0x46: {  	[sflag:s24] =	ssyncset.done @!p0 $0x0  }
0x47: {  	s25 =	simm.s32 @!p0 $0x1000;
	[sflag:s24] =	ssyncadd.s32 @!p0 $0xFFFFC000;
	s24 =	simm.s32 @!p0 $0x80  }
0x48: {  	[spmem:s2] =	stream.indirect.scatter.add.f32 @!p0 [tilespmem:s25], [sflag:$0x3], $0x80, s9, s24, $0xb8;
	[tilespmem:$0x1CC00] =	vst v63  }
0x49: {  	s24 =	simm.s32 @!p0 $0x3  }
0x4a: {  	_ =	swait.ge @!p0 [sflag:s24], $0x4000  }
0x4b: {  	s23 =	sadd.s32 $0x1, s23;
	[sflag:s24] =	ssyncset.done @!p0 $0x0  }
0x4c: {  	p1 =	sne.s32 s23, s11;
	[sflag:s24] =	ssyncadd.s32 @!p0 $0xFFFFC000  }
.Ltmp2:
0x4d: {  	[bflag:$0x0] =	sbarrier.arrive $0xFFFF;
	(pc) =	sbr.rel @p1 .LBB2_1-.Ltmp2, $4  }
0x4e: {  	[hbm:s10], [sflag:s6] =	dma.local [spmem:s16], $0x2780  }
0x4f: {  	_ =	swait.ge [sflag:s17], $0x2780  }
0x50: {  	[sflag:s17] =	ssyncset.done $0x0  }
0x51: {  	[sflag:s17] =	ssyncadd.s32 $0xFFFFD880  }
0x52: {  	_ =	sfence.sel $0x180000  }
0x53: {  	[bflag:$0x0] =	sbarrier.arrive $0xFFFF  }
0x54: {  	p0 =	sne.s32 s0, $0x0;
	_ =	strace $0x90000050  }
0x55: {  	s0 =	sadd.s32 @!p0 $0x100000, s1;
	[bflag:$0x2] =	sbarrier.arrive $0xFFFF  }
0x56: {  	[sflag:s0] =	ssyncadd.tile.s32 @!p0 $0x1;
	_ =	shalt  }
.Lfunc_end2:
_tile_overlayer_lowered:
.L_overlay_start_2:
0x57: {  	(tag) =	ssettag $0x2  }
0x58: {  	s0 =	rddreg [dreg:$0x0];
	s2 =	stileid.u32  }
0x59: {  	s1 =	rddreg [dreg:$0x1];
	p0 =	sne.s32 s2, $0x0  }
0x5a: {  	s3 =	rddreg [dreg:$0x2];
	[bflag:$0x3] =	sbarrier.arrive $0xFFFF;
	s2 =	simm.s32 @!p0 $0x1C03  }
0x5b: {  	[timem:s3], [sflag:s2] =	dma.local @!p0 [hbm:s0], s1  }
0x5c: {  	s0 =	simm.s32 @!p0 $0x3  }
0x5d: {  	_ =	swait.ge @!p0 [sflag:s0], s1  }
0x5e: {  	s1 =	ssub.s32 @!p0 $0x0, s1;
	[sflag:s0] =	ssyncset.done @!p0 $0x0  }
0x5f: {  	[sflag:s0] =	ssyncadd.s32 @!p0 s1  }
0x60: {  	[bflag:$0x3] =	sbarrier.arrive $0xFFFF  }
0x61: {  	_ =	shalt  }

// kernel: kernel.19.cloned.1.call-start
scs
__scs_entry_jumppad:
0x0: {  	(pc) =	sbr.rel $0x88, $3  }
0x1: {  	(tag) =	ssettag $0x0;
	lr =	simm.s32 $0x1  }
0x2: {  	[smem:$0x3F8B] =	sst lr;
	_ =	strace $0xD0000000  }
0x3: {  	_ = 	snop  }
0x4: {  	_ = 	snop  }
0x5: {  	_ = 	snop  }
0x6: {  	_ = 	snop  }
0x7: {  	_ = 	snop  }
__scs_overlays_trampoline_lowered:
0x8: {  	[smem:$0x3F9A] =	sst s0  }
0x9: {  	[smem:$0x3F9B] =	sst s1  }
0xa: {  	[smem:$0x3F9C] =	sst s2  }
0xb: {  	[smem:$0x3F9D] =	sst s3  }
0xc: {  	[smem:$0x3F9E] =	sst s4  }
0xd: {  	[smem:$0x3F9F] =	sst s5  }
0xe: {  	[smem:$0x3FA0] =	sst s6  }
0xf: {  	[smem:$0x3FA1] =	sst s7  }
0x10: {  	[smem:$0x3FA2] =	sst s8  }
0x11: {  	[smem:$0x3FA3] =	sst s9;
	s0 =	simm.s32 @!p0 $0x0  }
0x12: {  	s1 =	sld [smem:$0x3F89];
	s0 =	simm.s32 @p0 $0x1  }
0x13: {  	[smem:$0x3FA4] =	sst s0;
	s0 =	simm.s32 @!p1 $0x0  }
0x14: {  	s2 =	sld [smem:$0x3F88];
	s0 =	simm.s32 @p1 $0x1  }
0x15: {  	[smem:$0x3FA5] =	sst s0;
	s0 =	simm.s32 @!p2 $0x0  }
0x16: {  	s3 =	sld [smem:$0x3FDB];
	s0 =	simm.s32 @p2 $0x1  }
0x17: {  	s4 =	simm.s32 $0x1BF5;
	[smem:$0x3FA7] =	sst s0  }
0x18: {  	s0 =	sld [smem:$0x3F8A];
	_ =	swait.ge [sflag:s4], $0x0  }
0x19: {  	s7 =	sld [smem:$0x3F8B]  }
0x1a: {  	s8 =	sadd.s32 $0xFFFFE003, lr  }
0x1b: {  	s9 =	sadd.s32 $0xFFFFFEF7, lr;
	s5 =	simm.s32 $0xFFFFFFFF;
	p2 =	slt.u32 s8, $0xFFFFF086  }
0x1c: {  	p1 =	slt.u32 s9, $0xF7A;
	s5 =	simm.s32 @!p2 $0x0  }
0x1d: {  	s5 =	simm.s32 @p1 $0x1;
	p0 =	seq.s32 s7, s2  }
0x1e: {  	s7 =	smul.u32 @!p0 $0xF7A, s2;
	p2 =	seq.s32 @!p0 s5, $0x0  }
0x1f: {  	s9 =	smul.u32 $0xF7A, s1;
	s8 =	simm.s32 @!p0 $0x1BF5;
	p2 =	por !p2, p0  }
0x20: {  	[sflag:s8] =	ssyncset.s32 @!p0 $0xFFFFF086;
	s6 =	sadd.s32 @!p0 s3, s7;
	s7 =	simm.s32 @!p0 $0x108  }
0x21: {  	s3 =	sadd.s32 s3, s9;
	s6 =	sadd.s32 @!p0 $0x88, s6;
	s7 =	simm.s32 @p2 $0x1082  }
0x22: {  	[simem:s7], [sflag:s8] =	dma.local @!p0 [hbm:s6], $0xF7A  }
0x23: {  	s9 =	sor.u32 $0xD0000000, s2;
	s6 =	simm.s32 $0x108;
	_ =	swait.ge @!p0 [sflag:s8], $0x0  }
0x24: {  	s3 =	sadd.s32 $0x88, s3;
	s6 =	simm.s32 @!p1 $0x1082;
	[sflag:s4] =	ssyncset.s32 $0xFFFFF086  }
0x25: {  	[simem:s6], [sflag:s4] =	dma.local [hbm:s3], $0xF7A  }
0x26: {  	[smem:$0x3F8B] =	sst s1;
	(tag) =	ssettag s2;
	_ =	strace s9  }
0x27: {  	s1 =	sld [smem:$0x3F9B]  }
0x28: {  	s2 =	sld [smem:$0x3F9C]  }
0x29: {  	s4 =	sld [smem:$0x3F9E]  }
0x2a: {  	p0 =	seq.s32 s5, $0x0;
	s5 =	sld [smem:$0x3F9F]  }
0x2b: {  	s6 =	sld [smem:$0x3FA0]  }
0x2c: {  	s7 =	sld [smem:$0x3FA1]  }
0x2d: {  	s3 =	simm.s32 $0x108;
	s8 =	sld [smem:$0x3FA2]  }
0x2e: {  	s3 =	simm.s32 @!p0 $0x1082;
	s9 =	sld [smem:$0x3FA3]  }
0x2f: {  	lr =	sadd.s32 s0, s3;
	s0 =	sld [smem:$0x3F9A]  }
0x30: {  	s3 =	sld [smem:$0x3F9D]  }
0x31: {  	[smem:$0x3FA6] =	sst s10  }
0x32: {  	s10 =	sld [smem:$0x3FA4];
	_ =	sdelay $0x3  }
0x33: {  	p0 =	seq.s32 s10, $0x1;
	s10 =	sld [smem:$0x3FA6];
	_ =	sdelay $0x3  }
0x34: {  	[smem:$0x3FA6] =	sst s10  }
0x35: {  	s10 =	sld [smem:$0x3FA5];
	_ =	sdelay $0x3  }
0x36: {  	p1 =	seq.s32 s10, $0x1;
	s10 =	sld [smem:$0x3FA6];
	_ =	sdelay $0x3  }
0x37: {  	[smem:$0x3FA6] =	sst s10  }
0x38: {  	s10 =	sld [smem:$0x3FA7]  }
0x39: {  	_ = 	snop;
	(pc) =	sbr.ind lr, $3  }
0x3a: {  	_ = 	snop  }
0x3b: {  	_ = 	snop  }
0x3c: {  	p2 =	seq.s32 s10, $0x1;
	s10 =	sld [smem:$0x3FA6]  }
0x3d: {  	_ =	shalt  }
0x3e: {  	_ =	shalt  }
0x3f: {  	_ =	shalt  }
0x40: {  	_ =	shalt  }
0x41: {  	_ =	shalt  }
0x42: {  	_ =	shalt  }
0x43: {  	_ =	shalt  }
0x44: {  	_ =	shalt  }
0x45: {  	_ =	shalt  }
0x46: {  	_ =	shalt  }
0x47: {  	_ =	shalt  }
0x48: {  	_ =	shalt  }
0x49: {  	_ =	shalt  }
0x4a: {  	_ =	shalt  }
0x4b: {  	_ =	shalt  }
0x4c: {  	_ =	shalt  }
0x4d: {  	_ =	shalt  }
0x4e: {  	_ =	shalt  }
0x4f: {  	_ =	shalt  }
0x50: {  	_ =	shalt  }
0x51: {  	_ =	shalt  }
0x52: {  	_ =	shalt  }
0x53: {  	_ =	shalt  }
0x54: {  	_ =	shalt  }
0x55: {  	_ =	shalt  }
0x56: {  	_ =	shalt  }
0x57: {  	_ =	shalt  }
0x58: {  	_ =	shalt  }
0x59: {  	_ =	shalt  }
0x5a: {  	_ =	shalt  }
0x5b: {  	_ =	shalt  }
0x5c: {  	_ =	shalt  }
0x5d: {  	_ =	shalt  }
0x5e: {  	_ =	shalt  }
0x5f: {  	_ =	shalt  }
0x60: {  	_ =	shalt  }
0x61: {  	_ =	shalt  }
0x62: {  	_ =	shalt  }
0x63: {  	_ =	shalt  }
0x64: {  	_ =	shalt  }
0x65: {  	_ =	shalt  }
0x66: {  	_ =	shalt  }
0x67: {  	_ =	shalt  }
0x68: {  	_ =	shalt  }
0x69: {  	_ =	shalt  }
0x6a: {  	_ =	shalt  }
0x6b: {  	_ =	shalt  }
0x6c: {  	_ =	shalt  }
0x6d: {  	_ =	shalt  }
0x6e: {  	_ =	shalt  }
0x6f: {  	_ =	shalt  }
0x70: {  	_ =	shalt  }
0x71: {  	_ =	shalt  }
0x72: {  	_ =	shalt  }
0x73: {  	_ =	shalt  }
0x74: {  	_ =	shalt  }
0x75: {  	_ =	shalt  }
0x76: {  	_ =	shalt  }
0x77: {  	_ =	shalt  }
0x78: {  	_ =	shalt  }
0x79: {  	_ =	shalt  }
0x7a: {  	_ =	shalt  }
0x7b: {  	_ =	shalt  }
0x7c: {  	_ =	shalt  }
0x7d: {  	_ =	shalt  }
0x7e: {  	_ =	shalt  }
0x7f: {  	_ =	shalt  }
0x80: {  	_ =	shalt  }
0x81: {  	_ =	shalt  }
0x82: {  	_ =	shalt  }
0x83: {  	_ =	shalt  }
0x84: {  	_ =	shalt  }
0x85: {  	_ =	shalt  }
0x86: {  	_ =	shalt  }
0x87: {  	_ =	shalt  }
.Lfunc_end0:
.L_simem_size_0:
called_computation.3_lowered:
.L_overlay_start_0:
0x88: {  	s2 =	sld [smem:$0x3FD9]  }
0x89: {  	s3 =	sld [smem:$0x3FFE];
	_ =	sdelay $0x1  }
0x8a: {  	s1 =	srdreg.scid  }
0x8b: {  	s0 =	sand.u32 $0x1, s1  }
0x8c: {  	s17 =	sshll.u32 s0, $0xA;
	s2 =	sadd.s32 s3, s2  }
0x8d: {  	s2 =	sadd.s32 s2, s17  }
0x8e: {  	[smem:$0x3FB2] =	sst s2  }
0x8f: {  	_ = 	snop  }
0x90: {  	(tm) =	ssettm $0x1  }
0x91: {  	s18 =	sld [smem:$0x3FFB];
	_ =	sdelay $0x3  }
0x92: {  	_ =	strace s18  }
0x93: {  	s2 =	sld [smem:$0x3FFC];
	_ =	sdelay $0x3  }
0x94: {  	_ =	strace s2  }
0x95: {  	s2 =	sld [smem:$0x3FFD];
	_ =	sdelay $0x3  }
0x96: {  	_ =	strace s2  }
0x97: {  	_ =	strace $0x8FFFFFFF  }
0x98: {  	s19 =	sld [smem:$0x3FDB];
	_ =	sdelay $0x1  }
0x99: {  	s20 =	simm.s32 $_scs_section_size  }
0x9a: {  	s4 =	simm.s32 $_size__tile_overlayer_lowered;
	s5 =	simm.s32 $_tile_overlayer_lowered  }
0x9b: {  	s6 =	simm.s32 $0x1BFF;
	s21 =	sshll.u32 s5, $0x1;
	s3 =	sadd.s32 s20, s19  }
0x9c: {  	s22 =	simm.s32 $0x0;
	s4 =	sshll.u32 s4, $0x1;
	s5 =	sadd.s32 s21, s3  }
0x9d: {  	[timem:s22], [sflag:s6] =	dma.local [hbm:s5], s4  }
0x9e: {  	_ =	swait.ge [sflag:s6], s4  }
0x9f: {  	s4 =	ssub.s32 $0x0, s4;
	[sflag:s6] =	ssyncset.done $0x0  }
0xa0: {  	[sflag:s6] =	ssyncadd.s32 s4;
	_ =	sdelay $0x1  }
0xa1: {  	s23 =	simm.s32 $0x1B8B  }
0xa2: {  	_ =	swait.ge [sflag:s23], $0x1  }
0xa3: {  	[sflag:s23] =	ssyncset.done $0x0  }
0xa4: {  	[sflag:s23] =	ssyncadd.s32 $0xFFFFFFFF  }
0xa5: {  	s4 =	sld [smem:$0x0]  }
0xa6: {  	s5 =	sand.u32 $0xFFFFFFFE, s1  }
0xa7: {  	p0 =	sne.s32 s1, s5  }
0xa8: {  	s5 =	sshll.u32 @p0 s5, $0xE  }
0xa9: {  	s5 =	sadd.s32 @p0 $0x11B8D, s5;
	s6 =	sshll.u32 @p0 s4, $0x11  }
0xaa: {  	s5 =	sor.u32 @p0 s6, s5  }
0xab: {  	[sflag:s5] =	ssyncadd.remote.s32 @p0 $0x1;
	_ =	sdelay $0x1  }
0xac: {  	s5 =	simm.s32 @p0 $0x1B8D  }
0xad: {  	_ =	swait.eq @p0 [sflag:s5], $0x1  }
0xae: {  	[sflag:s5] =	ssyncadd.s32 @p0 $0xFFFFFFFF  }
0xaf: {  	s6 =	sshll.u32 @!p0 s1, $0xE  }
0xb0: {  	s6 =	sor.u32 @!p0 $0x4000, s6;
	s5 =	simm.s32 @!p0 $0x1B8D  }
0xb1: {  	s4 =	sshll.u32 @!p0 s4, $0x11;
	s6 =	sadd.s32 @!p0 $0x11B8D, s6;
	_ =	swait.eq @!p0 [sflag:s5], $0x1  }
0xb2: {  	s4 =	sor.u32 @!p0 s4, s6;
	[sflag:s5] =	ssyncadd.s32 @!p0 $0xFFFFFFFF  }
0xb3: {  	s25 =	simm.s32 $0x1B8E;
	s24 =	sld [smem:$0x3FFE];
	[sflag:s4] =	ssyncadd.remote.s32 @!p0 $0x1  }
0xb4: {  	s26 =	simm.s32 $execute0_lowered;
	[smem:$0x3FD2] =	sst s25  }
0xb5: {  	s5 =	sshll.u32 s26, $0x1;
	_ =	strace $0x8000004C;
	[dreg:$0x1] =	wrdreg $0xFFFFFFFF  }
0xb6: {  	s28 =	simm.s32 $_size_execute0_lowered;
	s3 =	sadd.s32 s3, s5;
	[dreg:$0x0] =	wrdreg $0x0  }
0xb7: {  	s5 =	sshll.u32 s28, $0x1;
	[dreg:$0x2] =	wrdreg s3  }
0xb8: {  	[dreg:$0x3] =	wrdreg s5  }
0xb9: {  	[dreg:$0x4] =	wrdreg $0xC0  }
0xba: {  	_ =	task [dreg:s22], $0x5FFFF  }
0xbb: {  	[dreg:$0x1] =	wrdreg $0xFFFFFFFF  }
0xbc: {  	[dreg:$0x0] =	wrdreg $0x60  }
0xbd: {  	[dreg:$0x2] =	wrdreg s24  }
0xbe: {  	[dreg:$0x3] =	wrdreg $0x90000  }
0xbf: {  	[dreg:$0x4] =	wrdreg $0xA  }
0xc0: {  	_ =	task.clear_ibuf [dreg:s22], $0x5FFFF;
	_ =	strace $0x9000004C  }
0xc1: {  	s29 =	simm.s32 $0xA;
	_ =	strace $0x8000004E  }
0xc2: {  	_ =	swait.ge [sflag:s29], $0x1  }
0xc3: {  	[sflag:s29] =	ssyncadd.s32 $0xFFFFFFFF  }
0xc4: {  	_ =	strace $0x9000004E  }
0xc5: {  	_ =	sfence  }
0xc6: {  	s30 =	sld [smem:$0x0];
	_ =	sdelay $0x2  }
0xc7: {  	s31 =	sshll.u32 s1, $0xD;
	s1 =	sshrl.u32 s1, $0x2  }
0xc8: {  	s4 =	sand.u32 $0x4000, s31;
	s1 =	sadd.s32 s1, s30  }
0xc9: {  	s0 =	sor.u32 s4, s0;
	s1 =	sshll.u32 s1, $0x11  }
0xca: {  	s0 =	sor.u32 s1, s0  }
0xcb: {  	s0 =	sadd.s32 $0x8F2B, s0  }
0xcc: {  	[sflag:s0] =	ssyncadd.remote.s32 $0x1  }
0xcd: {  	_ =	sfence.sel $0xFFFF  }
0xce: {  	[dreg:$0x0] =	wrdreg $0xFFFFFFFF;
	(pc) =	sbr.abs _section_cstart, $3  }
0xcf: {  	[dreg:$0x1] =	wrdreg $0xFFFFFFFF  }
0xd0: {  	_ =	task.clear_ibuf [dreg:s22], $0x2FFFF;
	_ =	strace $0x9FFFFFFF  }
0xd1: {  	(tm) =	ssettm $0x7FFFFFFF  }
tec
execute0_lowered:
.L_overlay_start_1:
0x0: {  	(tag) =	ssettag $0x1  }
0x1: {  	s1 =	srdreg.scid  }
0x2: {  	s0 =	stileid.u32;
	s4 =	rddreg [dreg:$0x0]  }
0x3: {  	s2 =	rddreg [dreg:$0x1];
	s3 =	simm.s32 $0x0;
	s8 =	sand.u32 $0x1, s1  }
0x4: {  	s11 =	sshll.u32 s0, $0x1;
	s1 =	rddreg [dreg:$0x2];
	s7 =	smul.u32 $0x13C00, s0  }
0x5: {  	[smem:$0x7FF] =	sst s3;
	s13 =	sadd.s32 $0x3B8600, s4;
	s15 =	smul.u32 $0x4F000, s0  }
0x6: {  	s25 =	sshll.u32 s0, $0x6;
	s26 =	smul.u32 $0x26, s0;
	s5 =	sor.u32 s8, s11  }
0x7: {  	s18 =	smul.u32 $0x13C000, s8;
	_ =	strace $0x8000004D;
	s22 =	ssub.s32 $0x2, s8  }
0x8: {  	s6 =	smul.u32 $0x13, s5;
	s12 =	smin.u32 s5, $0x11;
	s14 =	sshrl.u32 s7, $0x3  }
0x9: {  	s16 =	sshrl.u32 s22, $0x1;
	p0 =	slt.u32 s5, $0x11;
	s23 =	sshrl.u32 s15, $0x2  }
0xa: {  	s20 =	sadd.s32 s14, s4;
	s16 =	ssub.s32 s22, s16;
	s17 =	sadd.s32 s23, s2  }
0xb: {  	s22 =	simm.s32 $0x2;
	s9 =	sadd.s32 s12, s6;
	s6 =	sadd.s32 s7, s18  }
0xc: {  	s5 =	sadd.s32 $0x9E00, s20;
	s18 =	simm.s32 $0x13;
	s20 =	smul.u32 $0x3, s8  }
0xd: {  	s10 =	sshll.u32 s9, $0x4;
	s6 =	sshrl.u32 s6, $0x3;
	s24 =	sand.u32 $0x7, s9  }
0xe: {  	s9 =	sshll.u32 s9, $0xB;
	s18 =	simm.s32 @!p0 $0x12;
	s10 =	sand.u32 $0x7F80, s10  }
0xf: {  	s21 =	sadd.s32 s6, s4;
	s6 =	sor.u32 $0x1C03, s25;
	s28 =	sadd.s32 s18, s24  }
0x10: {  	s30 =	sadd.s32 s12, s20;
	s18 =	simm.s32 $0x1000;
	s20 =	simm.s32 $0x1  }
0x11: {  	s19 =	sadd.s32 s10, s4;
	s4 =	simm.s32 $0x14;
	s10 =	sadd.s32 $0x31600, s21  }
0x12: {  	s31 =	ssub.s32 s30, s11;
	s11 =	smax.u32 s16, $0x1;
	s16 =	sshrl.u32 s17, $0x3  }
0x13: {  	s17 =	simm.s32 $0x3;
	s7 =	sadd.s32 $0x7600, s19;
	s19 =	smul.u32 $0x13, s8  }
0x14: {  	s21 =	simm.s32 $0x80;
	s4 =	simm.s32 @!p0 $0x13;
	s8 =	sadd.s32 s13, s9  }
0x15: {  	s9 =	sshll.u32 s28, $0x7;
	s14 =	sand.u32 $0x7, s31;
	s29 =	sadd.s32 s19, s26  }
0x16: {  	s23 =	sand.u32 $0x1, s4;
	s14 =	sshll.u32 s14, $0x7;
	s12 =	sadd.s32 s12, s29  }
0x17: {  	s14 =	sadd.s32 $0x80, s14;
	s19 =	simm.s32 $0x5000;
	s15 =	sshll.u32 s12, $0xB  }
0x18: {  	p0 =	seq.s32 s23, $0x0;
	s23 =	simm.s32 $0x0;
	s15 =	sadd.s32 s15, s13  }
0x19: {  	s12 =	sand.u32 $0x16, s4;
	s13 =	sadd.s32 $0x800, s15;
	s15 =	sadd.s32 $0x1000, s15  }
.LBB2_1:
0x1a: {  	[spmem:s16], [sflag:s6] =	dma.local [hbm:s5], $0x2780  }
0x1b: {  	_ =	swait.ge [sflag:s17], $0x2780  }
0x1c: {  	[sflag:s17] =	ssyncset.done $0x0  }
0x1d: {  	[sflag:s17] =	ssyncadd.s32 $0xFFFFD880  }
0x1e: {  	[tilespmem:s3], [sflag:$0x3] =	stream.linear.gather [hbm4b:s7+s3], $0x1000, $0x38;
	[tilespmem:$0x1CC00] =	vst v63  }
0x1f: {  	_ =	swait.ge [sflag:s17], $0x1000  }
0x20: {  	[sflag:s17] =	ssyncset.done $0x0  }
0x21: {  	[sflag:s17] =	ssyncadd.s32 $0xFFFFF000  }
0x22: {  	[bflag:$0x0] =	sbarrier.arrive $0xFFFF  }
0x23: {  	[tilespmem:s18], [sflag:$0x1] =	stream.linear.gather [hbm4b:s8+s3], $0x4000, $0x38;
	[tilespmem:$0x1CC00] =	vst v63  }
0x24: {  	_ = 	snop  }
0x25: {  	[tilespmem:s19], [sflag:$0x2] =	stream.linear.gather [hbm4b:s13+s3], $0x4000, $0x38;
	[tilespmem:$0x1CC00] =	vst v63  }
0x26: {  	_ =	swait.ge [sflag:s20], $0x4000  }
0x27: {  	[sflag:s20] =	ssyncset.done $0x0  }
0x28: {  	s24 =	sadd.s32 $0xFFFFFF80, s14;
	[sflag:s20] =	ssyncadd.s32 $0xFFFFC000  }
0x29: {  	[spmem:s2] =	stream.indirect.scatter.add.f32 [tilespmem:s18], [sflag:$0x3], $0x80, s24, s21, $0xb8;
	[tilespmem:$0x1CC00] =	vst v63  }
0x2a: {  	_ =	swait.ge [sflag:s17], $0x4000  }
0x2b: {  	p1 =	sle.u32 s4, $0x2;
	[sflag:s17] =	ssyncset.done $0x0  }
0x2c: {  	s25 =	simm.s32 @!p1 $0x1000;
	s24 =	simm.s32 @!p1 $0x0;
	[sflag:s17] =	ssyncadd.s32 $0xFFFFC000  }
0x2d: {  	[tilespmem:s25], [sflag:$0x1] =	stream.linear.gather @!p1 [hbm4b:s15+s24], $0x4000, $0x38;
	[tilespmem:$0x1CC00] =	vst v63  }
0x2e: {  	p1 =	sne.s32 s12, $0x2;
	_ =	swait.ge [sflag:s22], $0x4000  }
.Ltmp0:
0x2f: {  	[sflag:s22] =	ssyncset.done $0x0;
	(pc) =	sbr.rel @!p1 .LBB2_3-.Ltmp0, $4  }
0x30: {  	[sflag:s22] =	ssyncadd.s32 $0xFFFFC000  }
0x31: {  	[spmem:s2] =	stream.indirect.scatter.add.f32 [tilespmem:s19], [sflag:$0x3], $0x80, s14, s21, $0xb8;
	[tilespmem:$0x1CC00] =	vst v63  }
0x32: {  	s26 =	sadd.s32 $0x1000, s15;
	s28 =	smov.u32 s13;
	_ =	swait.ge [sflag:s17], $0x4000  }
0x33: {  	s24 =	simm.s32 $0x2;
	s25 =	sadd.s32 $0x100, s14;
	[sflag:s17] =	ssyncset.done $0x0  }
.LBB2_2:
0x34: {  	s24 =	sadd.s32 $0x2, s24;
	[sflag:s17] =	ssyncadd.s32 $0xFFFFC000;
	s28 =	sadd.s32 $0x1000, s28  }
0x35: {  	[tilespmem:s19], [sflag:$0x2] =	stream.linear.gather [hbm4b:s28+s3], $0x4000, $0x38;
	[tilespmem:$0x1CC00] =	vst v63  }
0x36: {  	p1 =	sne.s32 s12, s24;
	_ =	swait.ge [sflag:s20], $0x4000  }
0x37: {  	[sflag:s20] =	ssyncset.done $0x0  }
0x38: {  	s29 =	sadd.s32 $0xFFFFFF80, s25;
	[sflag:s20] =	ssyncadd.s32 $0xFFFFC000  }
0x39: {  	[spmem:s2] =	stream.indirect.scatter.add.f32 [tilespmem:s18], [sflag:$0x3], $0x80, s29, s21, $0xb8;
	[tilespmem:$0x1CC00] =	vst v63  }
0x3a: {  	_ =	swait.ge [sflag:s17], $0x4000  }
0x3b: {  	p2 =	sge.u32 s24, s4;
	[sflag:s17] =	ssyncset.done $0x0  }
0x3c: {  	s30 =	simm.s32 @!p2 $0x1000;
	s29 =	simm.s32 @!p2 $0x0;
	[sflag:s17] =	ssyncadd.s32 $0xFFFFC000  }
0x3d: {  	[tilespmem:s30], [sflag:$0x1] =	stream.linear.gather @!p2 [hbm4b:s26+s29], $0x4000, $0x38;
	[tilespmem:$0x1CC00] =	vst v63  }
0x3e: {  	_ =	swait.ge [sflag:s22], $0x4000  }
.Ltmp1:
0x3f: {  	[sflag:s22] =	ssyncset.done $0x0;
	(pc) =	sbr.rel @p1 .LBB2_2-.Ltmp1, $4  }
0x40: {  	[sflag:s22] =	ssyncadd.s32 $0xFFFFC000  }
0x41: {  	[spmem:s2] =	stream.indirect.scatter.add.f32 [tilespmem:s19], [sflag:$0x3], $0x80, s25, s21, $0xb8;
	[tilespmem:$0x1CC00] =	vst v63  }
0x42: {  	_ =	swait.ge [sflag:s17], $0x4000  }
0x43: {  	s26 =	sadd.s32 $0x1000, s26;
	s25 =	sadd.s32 $0x100, s25;
	[sflag:s17] =	ssyncset.done $0x0  }
.LBB2_3:
0x44: {  	[sflag:s17] =	ssyncadd.s32 $0xFFFFC000;
	s24 =	simm.s32 @!p0 $0x1  }
0x45: {  	_ =	swait.ge @!p0 [sflag:s24], $0x4000  }
0x46: {  	[sflag:s24] =	ssyncset.done @!p0 $0x0  }
0x47: {  	s25 =	simm.s32 @!p0 $0x1000;
	[sflag:s24] =	ssyncadd.s32 @!p0 $0xFFFFC000;
	s24 =	simm.s32 @!p0 $0x80  }
0x48: {  	[spmem:s2] =	stream.indirect.scatter.add.f32 @!p0 [tilespmem:s25], [sflag:$0x3], $0x80, s9, s24, $0xb8;
	[tilespmem:$0x1CC00] =	vst v63  }
0x49: {  	s24 =	simm.s32 @!p0 $0x3  }
0x4a: {  	_ =	swait.ge @!p0 [sflag:s24], $0x4000  }
0x4b: {  	s23 =	sadd.s32 $0x1, s23;
	[sflag:s24] =	ssyncset.done @!p0 $0x0  }
0x4c: {  	p1 =	sne.s32 s23, s11;
	[sflag:s24] =	ssyncadd.s32 @!p0 $0xFFFFC000  }
.Ltmp2:
0x4d: {  	[bflag:$0x0] =	sbarrier.arrive $0xFFFF;
	(pc) =	sbr.rel @p1 .LBB2_1-.Ltmp2, $4  }
0x4e: {  	[hbm:s10], [sflag:s6] =	dma.local [spmem:s16], $0x2780  }
0x4f: {  	_ =	swait.ge [sflag:s17], $0x2780  }
0x50: {  	[sflag:s17] =	ssyncset.done $0x0  }
0x51: {  	[sflag:s17] =	ssyncadd.s32 $0xFFFFD880  }
0x52: {  	_ =	sfence.sel $0x180000  }
0x53: {  	[bflag:$0x0] =	sbarrier.arrive $0xFFFF  }
0x54: {  	p0 =	sne.s32 s0, $0x0;
	_ =	strace $0x9000004D  }
0x55: {  	s0 =	sadd.s32 @!p0 $0x100000, s1;
	[bflag:$0x2] =	sbarrier.arrive $0xFFFF  }
0x56: {  	[sflag:s0] =	ssyncadd.tile.s32 @!p0 $0x1;
	_ =	shalt  }
.Lfunc_end2:
_tile_overlayer_lowered:
.L_overlay_start_2:
0x57: {  	(tag) =	ssettag $0x2  }
0x58: {  	s0 =	rddreg [dreg:$0x0];
	s2 =	stileid.u32  }
0x59: {  	s1 =	rddreg [dreg:$0x1];
	p0 =	sne.s32 s2, $0x0  }
0x5a: {  	s3 =	rddreg [dreg:$0x2];
	[bflag:$0x3] =	sbarrier.arrive $0xFFFF;
	s2 =	simm.s32 @!p0 $0x1C03  }
0x5b: {  	[timem:s3], [sflag:s2] =	dma.local @!p0 [hbm:s0], s1  }
0x5c: {  	s0 =	simm.s32 @!p0 $0x3  }
0x5d: {  	_ =	swait.ge @!p0 [sflag:s0], s1  }
0x5e: {  	s1 =	ssub.s32 @!p0 $0x0, s1;
	[sflag:s0] =	ssyncset.done @!p0 $0x0  }
0x5f: {  	[sflag:s0] =	ssyncadd.s32 @!p0 s1  }
0x60: {  	[bflag:$0x3] =	sbarrier.arrive $0xFFFF  }
0x61: {  	_ =	shalt  }

</sc_bundles>
